<compile_context>
chip_gen: v7x
topology: tpu7x:2x2x1
jax: 0.10.2.dev20260603
libtpu: 0.0.44.dev20260713+nightly
codegen_flags: <defaults>
</compile_context>

<pallas_src>
import functools

import jax
import jax.numpy as jnp
from jax import lax
from jax.experimental import pallas as pl
from jax.experimental.pallas import tpu as pltpu
from jax.experimental.pallas import tpu_sc as plsc

H = 7168
E = 256
TOPK = 8
N_GROUP = 8
TOPK_GROUP = 4
GROUP_SIZE = E // N_GROUP
SCALE = 2.5

BT = 512
NW = 32
TL = 128
L = 16
NC = N_GROUP * TOPK

NEG_INF = float("-inf")


def _mask_body(h_ref, w_ref, b_ref, v_ref, i_ref):
    logits = jax.lax.dot_general(
        w_ref[...], h_ref[...],
        (((1,), (1,)), ((), ())),
        preferred_element_type=jnp.float32)
    scores = jax.nn.sigmoid(logits)
    sc = scores + b_ref[...]
    bt = sc.shape[1]

    gs_rows = []
    for g in range(N_GROUP):
        x = sc[g * GROUP_SIZE:(g + 1) * GROUP_SIZE, :]
        it = jax.lax.broadcasted_iota(jnp.int32, x.shape, 0)
        m1 = jnp.max(x, axis=0, keepdims=True)
        first = jnp.min(jnp.where(x == m1, it, GROUP_SIZE * 2),
                        axis=0, keepdims=True)
        m2 = jnp.max(jnp.where(it == first, NEG_INF, x),
                     axis=0, keepdims=True)
        gs_rows.append(m1 + m2)
    gs = jnp.concatenate(gs_rows, axis=0)

    git = jax.lax.broadcasted_iota(jnp.int32, gs.shape, 0)
    gmask = jnp.zeros(gs.shape, dtype=jnp.float32)
    work = gs
    for _ in range(TOPK_GROUP):
        m = jnp.max(work, axis=0, keepdims=True)
        sel = jnp.min(jnp.where(work == m, git, N_GROUP * 2),
                      axis=0, keepdims=True)
        hit = git == sel
        gmask = jnp.where(hit, 1.0, gmask)
        work = jnp.where(hit, NEG_INF, work)

    val_rows, idx_rows = [], []
    for g in range(N_GROUP):
        x = sc[g * GROUP_SIZE:(g + 1) * GROUP_SIZE, :]
        it = jax.lax.broadcasted_iota(jnp.int32, x.shape, 0)
        gsel = gmask[g:g + 1, :] > 0
        for _ in range(TOPK):
            m = jnp.max(x, axis=0, keepdims=True)
            sel = jnp.min(jnp.where(x == m, it, GROUP_SIZE * 2),
                          axis=0, keepdims=True)
            x = jnp.where(it == sel, NEG_INF, x)
            val_rows.append(jnp.where(gsel, m, NEG_INF))
            idx_rows.append(sel + (g * GROUP_SIZE))
    vals = jnp.concatenate(val_rows, axis=0)
    idxs = jnp.concatenate(idx_rows, axis=0)

    for t in range(BT // TL):
        v_ref[0, t] = vals[:, t * TL:(t + 1) * TL]
        i_ref[0, t] = idxs[:, t * TL:(t + 1) * TL]


def _masked_scores(hidden_states, weight, bias_col):
    t = hidden_states.shape[0]
    grid = (t // BT,)
    return pl.pallas_call(
        _mask_body,
        grid=grid,
        in_specs=[
            pl.BlockSpec((BT, H), lambda i: (i, 0)),
            pl.BlockSpec((E, H), lambda i: (0, 0)),
            pl.BlockSpec((E, 1), lambda i: (0, 0)),
        ],
        out_specs=[
            pl.BlockSpec((1, BT // TL, NC, TL), lambda i: (i, 0, 0, 0)),
            pl.BlockSpec((1, BT // TL, NC, TL), lambda i: (i, 0, 0, 0)),
        ],
        out_shape=[
            jax.ShapeDtypeStruct((t // BT, BT // TL, NC, TL), jnp.float32),
            jax.ShapeDtypeStruct((t // BT, BT // TL, NC, TL), jnp.int32),
        ],
    )(hidden_states, weight, bias_col)


_GDN = lax.GatherDimensionNumbers(
    offset_dims=(), collapsed_slice_dims=(0,), start_index_map=(0,))


def _vreg_gather(src, lo):
    return lax.gather(src, lo.reshape(L, 1), _GDN, (1,),
                      mode=lax.GatherScatterMode.PROMISE_IN_BOUNDS)


def _sc_topk_body(tiles_per_w, v_hbm, i_hbm, b_hbm, idx_hbm, w_hbm,
                  tile_v, tile_i, bias_v, idx_stage, w_stage):
    wid = lax.axis_index("s") * 2 + lax.axis_index("c")
    pltpu.sync_copy(b_hbm, bias_v)
    bias_regs = [bias_v[g, :] for g in range(E // L)]
    base = wid * tiles_per_w

    def tile_body(t, _):
        pltpu.sync_copy(v_hbm.at[base + t], tile_v)
        pltpu.sync_copy(i_hbm.at[base + t], tile_i)

        def slice_body(j, _):
            sl = pl.ds(j * L, L)

            def insert(e, carry):
                vals = carry[:TOPK]
                idxs = carry[TOPK:]
                v = tile_v[e, sl]
                ei = tile_i[e, sl]
                new_vals, new_idxs = [], []
                c_prev = jnp.zeros((L,), dtype=jnp.bool_)
                for k in range(TOPK):
                    c = v > vals[k]
                    nv = jnp.where(c, jnp.where(c_prev, vals[k - 1], v),
                                   vals[k])
                    ni = jnp.where(c, jnp.where(c_prev, idxs[k - 1], ei),
                                   idxs[k])
                    new_vals.append(nv)
                    new_idxs.append(ni)
                    c_prev = c
                return tuple(new_vals) + tuple(new_idxs)

            init = (tuple(jnp.full((L,), NEG_INF, dtype=jnp.float32)
                          for _ in range(TOPK))
                    + tuple(jnp.zeros((L,), dtype=jnp.int32)
                            for _ in range(TOPK)))
            carry = lax.fori_loop(0, NC, insert, init, unroll=8)
            vals = carry[:TOPK]
            idxs = carry[TOPK:]

            ws = []
            for k in range(TOPK):
                lo = jnp.bitwise_and(idxs[k], L - 1)
                hi = lax.shift_right_logical(idxs[k], 4)
                bk = jnp.zeros((L,), jnp.float32)
                for g in range(E // L):
                    cand = _vreg_gather(bias_regs[g], lo)
                    bk = jnp.where(hi == g, cand, bk)
                ws.append(vals[k] - bk)
            denom = ws[0]
            for k in range(1, TOPK):
                denom = denom + ws[k]
            scale = SCALE / (denom + 1e-20)
            for k in range(TOPK):
                idx_stage[k, sl] = idxs[k]
                w_stage[k, sl] = ws[k] * scale
            return 0

        lax.fori_loop(0, TL // L, slice_body, 0)
        pltpu.sync_copy(idx_stage, idx_hbm.at[base + t])
        pltpu.sync_copy(w_stage, w_hbm.at[base + t])
        return 0

    lax.fori_loop(0, tiles_per_w, tile_body, 0)


def _sc_topk(vals4, idxs4, bias):
    nt = vals4.shape[0]
    mesh = plsc.VectorSubcoreMesh(core_axis_name="c", subcore_axis_name="s")
    f = pl.kernel(
        functools.partial(_sc_topk_body, nt // NW),
        mesh=mesh,
        out_type=[
            jax.ShapeDtypeStruct((nt, TOPK, TL), jnp.int32),
            jax.ShapeDtypeStruct((nt, TOPK, TL), jnp.float32),
        ],
        scratch_types=[
            pltpu.VMEM((NC, TL), jnp.float32),
            pltpu.VMEM((NC, TL), jnp.int32),
            pltpu.VMEM((E // L, L), jnp.float32),
            pltpu.VMEM((TOPK, TL), jnp.int32),
            pltpu.VMEM((TOPK, TL), jnp.float32),
        ],
    )
    return f(vals4, idxs4, bias)


@jax.jit
def kernel(hidden_states, weight, e_score_correction_bias):
    t = hidden_states.shape[0]
    bias_col = e_score_correction_bias.reshape(E, 1)
    bias_sq = e_score_correction_bias.reshape(E // L, L)
    vals4, idxs4 = _masked_scores(hidden_states, weight, bias_col)
    vals4 = vals4.reshape(t // TL, NC, TL)
    idxs4 = idxs4.reshape(t // TL, NC, TL)
    idx4, w4 = _sc_topk(vals4, idxs4, bias_sq)
    idx = idx4.transpose(0, 2, 1).reshape(t, TOPK)
    w = w4.transpose(0, 2, 1).reshape(t, TOPK)
    return idx, w

# --- scband reference (transcript-rebuilt; emitter-appended) ---
"""Pipeline reference for scband-deepseek-v32-gate-80848464380578 (READ-ONLY COPY).

The authoritative reference and input builder live on the scoring server;
editing this copy changes nothing except your own understanding.
"""

import jax, jax.numpy as jnp
import numpy as np

H = 7168
E = 256
TOPK = 8
N_GROUP = 8
TOPK_GROUP = 4
SCALE = 2.5
T = 16384


def setup_inputs(seed: int = 0) -> dict:
    key = jax.random.key(seed)
    k1, k2, k3 = jax.random.split(key, 3)
    hidden_states = jax.random.normal(k1, (T, H), dtype=jnp.float32)
    weight = jax.random.normal(k2, (E, H), dtype=jnp.float32) * 0.02
    e_score_correction_bias = jax.random.normal(k3, (E,), dtype=jnp.float32) * 0.01
    return {
        "hidden_states": hidden_states,
        "weight": weight,
        "e_score_correction_bias": e_score_correction_bias,
    }


def reference(hidden_states, weight, e_score_correction_bias):
    # router logits (computed in fp32 as in the original module)
    logits = hidden_states.astype(jnp.float32) @ weight.astype(jnp.float32).T
    # sigmoid scoring
    scores = jax.nn.sigmoid(logits)
    # noaux_tc: add correction bias for expert choice (but not for weights)
    scores_for_choice = scores + e_score_correction_bias[None, :]
    n_tok = scores_for_choice.shape[0]
    group_size = E // N_GROUP
    # group scores = sum of top-2 expert scores within each group
    grouped = scores_for_choice.reshape(n_tok, N_GROUP, group_size)
    top2_vals, _ = jax.lax.top_k(grouped, 2)
    group_scores = top2_vals.sum(axis=-1)  # [T, N_GROUP]
    # select topk_group groups
    _, group_idx = jax.lax.top_k(group_scores, TOPK_GROUP)  # [T, TOPK_GROUP]
    group_mask = jnp.zeros((n_tok, N_GROUP), dtype=scores.dtype)
    group_mask = group_mask.at[jnp.arange(n_tok)[:, None], group_idx].set(1.0)
    # expand group mask to experts
    expert_mask = jnp.repeat(group_mask, group_size, axis=1)  # [T, E]
    masked_scores = jnp.where(expert_mask > 0, scores_for_choice, -jnp.inf)
    # top-k experts per token
    _, topk_idx = jax.lax.top_k(masked_scores, TOPK)  # [T, TOPK]
    # gather original (uncorrected) scores as weights
    topk_weight = jnp.take_along_axis(scores, topk_idx, axis=1)
    # normalize and scale
    denom = topk_weight.sum(axis=-1, keepdims=True) + 1e-20
    topk_weight = topk_weight / denom * SCALE
    return topk_idx, topk_weight

if __name__ == "__main__":
    import jax
    _d = setup_inputs()
    print(jax.jit(kernel)(*tuple(_d.values())))

</pallas_src>

<mosaic_0001>
#map = affine_map<(d0, d1) -> (0, 0, 0)>
#map1 = affine_map<(d0, d1) -> (0, 0)>
module attributes {stable_mosaic.version = 14 : i64} {
  func.func @_sc_topk_body(%arg0: i32, %arg1: i32, %arg2: memref<128x64x128xf32, #tpu.memory_space<hbm>>, %arg3: memref<128x64x128xi32, #tpu.memory_space<hbm>>, %arg4: memref<16x16xf32, #tpu.memory_space<hbm>>, %arg5: memref<128x8x128xi32, #tpu.memory_space<hbm>>, %arg6: memref<128x8x128xf32, #tpu.memory_space<hbm>>, %arg7: memref<64x128xf32, #tpu.memory_space<vmem>>, %arg8: memref<64x128xi32, #tpu.memory_space<vmem>>, %arg9: memref<16x16xf32, #tpu.memory_space<vmem>>, %arg10: memref<8x128xi32, #tpu.memory_space<vmem>>, %arg11: memref<8x128xf32, #tpu.memory_space<vmem>>) attributes {dimension_semantics = [#tpu.dimension_semantics<core_parallel>, #tpu.dimension_semantics<subcore_parallel>], iteration_bounds = array<i64: 2, 16>, scalar_prefetch = 0 : i64, scratch_operands = 5 : i64, tpu.core_type = #tpu.core_type<sc_vector_subcore>, window_params = [{transform_indices = #map}, {transform_indices = #map}, {transform_indices = #map1}, {transform_indices = #map}, {transform_indices = #map}]} {
    %mul3A = arith.constant 2 : i32
    %mul3A_0 = arith.muli %arg1, %mul3A : i32
    %add3A = arith.addi %mul3A_0, %arg0 : i32
    "tpu.region"() ({
      %run_scoped3A = tpu.sem_alloc : memref<!tpu.dma_semaphore, #tpu.memory_space<semaphore_mem>>
      tpu.enqueue_dma source(%arg4 : memref<16x16xf32, #tpu.memory_space<hbm>>) target(%arg9 : memref<16x16xf32, #tpu.memory_space<vmem>>) target_semaphore(%run_scoped3A : memref<!tpu.dma_semaphore, #tpu.memory_space<semaphore_mem>>)
      tpu.wait_dma2 semaphore(%run_scoped3A : memref<!tpu.dma_semaphore, #tpu.memory_space<semaphore_mem>>) src(%arg4 : memref<16x16xf32, #tpu.memory_space<hbm>>) dst(%arg9 : memref<16x16xf32, #tpu.memory_space<vmem>>)
      tpu.yield
    }) : () -> ()
    %get3A = arith.constant 0 : i32
    %get3A_1 = arith.index_cast %get3A : i32 to index
    %get3A_2 = arith.constant 0 : index
    %get3A_3 = tpu.vector_load %arg9[%get3A_1, %get3A_2] {strides = array<i32>} : memref<16x16xf32, #tpu.memory_space<vmem>>, vector<1x16xf32>,
    %get3A_4 = vector.shape_cast %get3A_3 : vector<1x16xf32> to vector<16xf32>
    %get3A_5 = arith.constant 1 : i32
    %get3A_6 = arith.index_cast %get3A_5 : i32 to index
    %get3A_7 = arith.constant 0 : index
    %get3A_8 = tpu.vector_load %arg9[%get3A_6, %get3A_7] {strides = array<i32>} : memref<16x16xf32, #tpu.memory_space<vmem>>, vector<1x16xf32>,
    %get3A_9 = vector.shape_cast %get3A_8 : vector<1x16xf32> to vector<16xf32>
    %get3A_10 = arith.constant 2 : i32
    %get3A_11 = arith.index_cast %get3A_10 : i32 to index
    %get3A_12 = arith.constant 0 : index
    %get3A_13 = tpu.vector_load %arg9[%get3A_11, %get3A_12] {strides = array<i32>} : memref<16x16xf32, #tpu.memory_space<vmem>>, vector<1x16xf32>,
    %get3A_14 = vector.shape_cast %get3A_13 : vector<1x16xf32> to vector<16xf32>
    %get3A_15 = arith.constant 3 : i32
    %get3A_16 = arith.index_cast %get3A_15 : i32 to index
    %get3A_17 = arith.constant 0 : index
    %get3A_18 = tpu.vector_load %arg9[%get3A_16, %get3A_17] {strides = array<i32>} : memref<16x16xf32, #tpu.memory_space<vmem>>, vector<1x16xf32>,
    %get3A_19 = vector.shape_cast %get3A_18 : vector<1x16xf32> to vector<16xf32>
    %get3A_20 = arith.constant 4 : i32
    %get3A_21 = arith.index_cast %get3A_20 : i32 to index
    %get3A_22 = arith.constant 0 : index
    %get3A_23 = tpu.vector_load %arg9[%get3A_21, %get3A_22] {strides = array<i32>} : memref<16x16xf32, #tpu.memory_space<vmem>>, vector<1x16xf32>,
    %get3A_24 = vector.shape_cast %get3A_23 : vector<1x16xf32> to vector<16xf32>
    %get3A_25 = arith.constant 5 : i32
    %get3A_26 = arith.index_cast %get3A_25 : i32 to index
    %get3A_27 = arith.constant 0 : index
    %get3A_28 = tpu.vector_load %arg9[%get3A_26, %get3A_27] {strides = array<i32>} : memref<16x16xf32, #tpu.memory_space<vmem>>, vector<1x16xf32>,
    %get3A_29 = vector.shape_cast %get3A_28 : vector<1x16xf32> to vector<16xf32>
    %get3A_30 = arith.constant 6 : i32
    %get3A_31 = arith.index_cast %get3A_30 : i32 to index
    %get3A_32 = arith.constant 0 : index
    %get3A_33 = tpu.vector_load %arg9[%get3A_31, %get3A_32] {strides = array<i32>} : memref<16x16xf32, #tpu.memory_space<vmem>>, vector<1x16xf32>,
    %get3A_34 = vector.shape_cast %get3A_33 : vector<1x16xf32> to vector<16xf32>
    %get3A_35 = arith.constant 7 : i32
    %get3A_36 = arith.index_cast %get3A_35 : i32 to index
    %get3A_37 = arith.constant 0 : index
    %get3A_38 = tpu.vector_load %arg9[%get3A_36, %get3A_37] {strides = array<i32>} : memref<16x16xf32, #tpu.memory_space<vmem>>, vector<1x16xf32>,
    %get3A_39 = vector.shape_cast %get3A_38 : vector<1x16xf32> to vector<16xf32>
    %get3A_40 = arith.constant 8 : i32
    %get3A_41 = arith.index_cast %get3A_40 : i32 to index
    %get3A_42 = arith.constant 0 : index
    %get3A_43 = tpu.vector_load %arg9[%get3A_41, %get3A_42] {strides = array<i32>} : memref<16x16xf32, #tpu.memory_space<vmem>>, vector<1x16xf32>,
    %get3A_44 = vector.shape_cast %get3A_43 : vector<1x16xf32> to vector<16xf32>
    %get3A_45 = arith.constant 9 : i32
    %get3A_46 = arith.index_cast %get3A_45 : i32 to index
    %get3A_47 = arith.constant 0 : index
    %get3A_48 = tpu.vector_load %arg9[%get3A_46, %get3A_47] {strides = array<i32>} : memref<16x16xf32, #tpu.memory_space<vmem>>, vector<1x16xf32>,
    %get3A_49 = vector.shape_cast %get3A_48 : vector<1x16xf32> to vector<16xf32>
    %get3A_50 = arith.constant 10 : i32
    %get3A_51 = arith.index_cast %get3A_50 : i32 to index
    %get3A_52 = arith.constant 0 : index
    %get3A_53 = tpu.vector_load %arg9[%get3A_51, %get3A_52] {strides = array<i32>} : memref<16x16xf32, #tpu.memory_space<vmem>>, vector<1x16xf32>,
    %get3A_54 = vector.shape_cast %get3A_53 : vector<1x16xf32> to vector<16xf32>
    %get3A_55 = arith.constant 11 : i32
    %get3A_56 = arith.index_cast %get3A_55 : i32 to index
    %get3A_57 = arith.constant 0 : index
    %get3A_58 = tpu.vector_load %arg9[%get3A_56, %get3A_57] {strides = array<i32>} : memref<16x16xf32, #tpu.memory_space<vmem>>, vector<1x16xf32>,
    %get3A_59 = vector.shape_cast %get3A_58 : vector<1x16xf32> to vector<16xf32>
    %get3A_60 = arith.constant 12 : i32
    %get3A_61 = arith.index_cast %get3A_60 : i32 to index
    %get3A_62 = arith.constant 0 : index
    %get3A_63 = tpu.vector_load %arg9[%get3A_61, %get3A_62] {strides = array<i32>} : memref<16x16xf32, #tpu.memory_space<vmem>>, vector<1x16xf32>,
    %get3A_64 = vector.shape_cast %get3A_63 : vector<1x16xf32> to vector<16xf32>
    %get3A_65 = arith.constant 13 : i32
    %get3A_66 = arith.index_cast %get3A_65 : i32 to index
    %get3A_67 = arith.constant 0 : index
    %get3A_68 = tpu.vector_load %arg9[%get3A_66, %get3A_67] {strides = array<i32>} : memref<16x16xf32, #tpu.memory_space<vmem>>, vector<1x16xf32>,
    %get3A_69 = vector.shape_cast %get3A_68 : vector<1x16xf32> to vector<16xf32>
    %get3A_70 = arith.constant 14 : i32
    %get3A_71 = arith.index_cast %get3A_70 : i32 to index
    %get3A_72 = arith.constant 0 : index
    %get3A_73 = tpu.vector_load %arg9[%get3A_71, %get3A_72] {strides = array<i32>} : memref<16x16xf32, #tpu.memory_space<vmem>>, vector<1x16xf32>,
    %get3A_74 = vector.shape_cast %get3A_73 : vector<1x16xf32> to vector<16xf32>
    %get3A_75 = arith.constant 15 : i32
    %get3A_76 = arith.index_cast %get3A_75 : i32 to index
    %get3A_77 = arith.constant 0 : index
    %get3A_78 = tpu.vector_load %arg9[%get3A_76, %get3A_77] {strides = array<i32>} : memref<16x16xf32, #tpu.memory_space<vmem>>, vector<1x16xf32>,
    %get3A_79 = vector.shape_cast %get3A_78 : vector<1x16xf32> to vector<16xf32>
    %mul3A_80 = arith.constant 4 : i32
    %mul3A_81 = arith.muli %add3A, %mul3A_80 : i32
    %scan3A = arith.constant 0 : i32
    %scan3A_82 = arith.constant 0 : i32
    %scan3A_83 = arith.constant 4 : i32
    %scan3A_84 = arith.addi %scan3A_82, %scan3A_83 : i32
    %scan3A_85 = arith.constant 1 : i32
    %scan3A_86 = scf.for %scan3A_88 = %scan3A_82 to %scan3A_84 step %scan3A_85 iter_args(%scan3A_89 = %scan3A) -> (i32)  : i32 {
      %add3A_90 = arith.addi %mul3A_81, %scan3A_88 : i32
      "tpu.region"() ({
        %run_scoped3A = tpu.sem_alloc : memref<!tpu.dma_semaphore, #tpu.memory_space<semaphore_mem>>
        %dma_start3A = arith.constant 0 : i32
        %dma_start3A_102 = arith.constant 0 : i32
        %dma_start3A_103 = tpu.memref_slice %arg2[%add3A_90, %dma_start3A, %dma_start3A_102] : memref<128x64x128xf32, #tpu.memory_space<hbm>> -> memref<1x64x128xf32, #tpu.memory_space<hbm>>
        %dma_start3A_104 = tpu.memref_squeeze %dma_start3A_103 : memref<1x64x128xf32, #tpu.memory_space<hbm>> -> memref<64x128xf32, #tpu.memory_space<hbm>>
        %dma_start3A_105 = arith.constant 0 : i32
        %dma_start3A_106 = arith.constant 0 : i32
        %dma_start3A_107 = tpu.memref_slice %arg2[%add3A_90, %dma_start3A_105, %dma_start3A_106] : memref<128x64x128xf32, #tpu.memory_space<hbm>> -> memref<1x64x128xf32, #tpu.memory_space<hbm>>
        %dma_start3A_108 = tpu.memref_squeeze %dma_start3A_107 : memref<1x64x128xf32, #tpu.memory_space<hbm>> -> memref<64x128xf32, #tpu.memory_space<hbm>>
        tpu.enqueue_dma source(%dma_start3A_108 : memref<64x128xf32, #tpu.memory_space<hbm>>) target(%arg7 : memref<64x128xf32, #tpu.memory_space<vmem>>) target_semaphore(%run_scoped3A : memref<!tpu.dma_semaphore, #tpu.memory_space<semaphore_mem>>)
        %dma_wait3A = arith.constant 0 : i32
        %dma_wait3A_109 = arith.constant 0 : i32
        %dma_wait3A_110 = tpu.memref_slice %arg2[%add3A_90, %dma_wait3A, %dma_wait3A_109] : memref<128x64x128xf32, #tpu.memory_space<hbm>> -> memref<1x64x128xf32, #tpu.memory_space<hbm>>
        %dma_wait3A_111 = tpu.memref_squeeze %dma_wait3A_110 : memref<1x64x128xf32, #tpu.memory_space<hbm>> -> memref<64x128xf32, #tpu.memory_space<hbm>>
        %dma_wait3A_112 = arith.constant 0 : i32
        %dma_wait3A_113 = arith.constant 0 : i32
        %dma_wait3A_114 = tpu.memref_slice %arg2[%add3A_90, %dma_wait3A_112, %dma_wait3A_113] : memref<128x64x128xf32, #tpu.memory_space<hbm>> -> memref<1x64x128xf32, #tpu.memory_space<hbm>>
        %dma_wait3A_115 = tpu.memref_squeeze %dma_wait3A_114 : memref<1x64x128xf32, #tpu.memory_space<hbm>> -> memref<64x128xf32, #tpu.memory_space<hbm>>
        tpu.wait_dma2 semaphore(%run_scoped3A : memref<!tpu.dma_semaphore, #tpu.memory_space<semaphore_mem>>) src(%dma_wait3A_115 : memref<64x128xf32, #tpu.memory_space<hbm>>) dst(%arg7 : memref<64x128xf32, #tpu.memory_space<vmem>>)
        tpu.yield
      }) : () -> ()
      %add3A_91 = arith.addi %mul3A_81, %scan3A_88 : i32
      "tpu.region"() ({
        %run_scoped3A = tpu.sem_alloc : memref<!tpu.dma_semaphore, #tpu.memory_space<semaphore_mem>>
        %dma_start3A = arith.constant 0 : i32
        %dma_start3A_102 = arith.constant 0 : i32
        %dma_start3A_103 = tpu.memref_slice %arg3[%add3A_91, %dma_start3A, %dma_start3A_102] : memref<128x64x128xi32, #tpu.memory_space<hbm>> -> memref<1x64x128xi32, #tpu.memory_space<hbm>>
        %dma_start3A_104 = tpu.memref_squeeze %dma_start3A_103 : memref<1x64x128xi32, #tpu.memory_space<hbm>> -> memref<64x128xi32, #tpu.memory_space<hbm>>
        %dma_start3A_105 = arith.constant 0 : i32
        %dma_start3A_106 = arith.constant 0 : i32
        %dma_start3A_107 = tpu.memref_slice %arg3[%add3A_91, %dma_start3A_105, %dma_start3A_106] : memref<128x64x128xi32, #tpu.memory_space<hbm>> -> memref<1x64x128xi32, #tpu.memory_space<hbm>>
        %dma_start3A_108 = tpu.memref_squeeze %dma_start3A_107 : memref<1x64x128xi32, #tpu.memory_space<hbm>> -> memref<64x128xi32, #tpu.memory_space<hbm>>
        tpu.enqueue_dma source(%dma_start3A_108 : memref<64x128xi32, #tpu.memory_space<hbm>>) target(%arg8 : memref<64x128xi32, #tpu.memory_space<vmem>>) target_semaphore(%run_scoped3A : memref<!tpu.dma_semaphore, #tpu.memory_space<semaphore_mem>>)
        %dma_wait3A = arith.constant 0 : i32
        %dma_wait3A_109 = arith.constant 0 : i32
        %dma_wait3A_110 = tpu.memref_slice %arg3[%add3A_91, %dma_wait3A, %dma_wait3A_109] : memref<128x64x128xi32, #tpu.memory_space<hbm>> -> memref<1x64x128xi32, #tpu.memory_space<hbm>>
        %dma_wait3A_111 = tpu.memref_squeeze %dma_wait3A_110 : memref<1x64x128xi32, #tpu.memory_space<hbm>> -> memref<64x128xi32, #tpu.memory_space<hbm>>
        %dma_wait3A_112 = arith.constant 0 : i32
        %dma_wait3A_113 = arith.constant 0 : i32
        %dma_wait3A_114 = tpu.memref_slice %arg3[%add3A_91, %dma_wait3A_112, %dma_wait3A_113] : memref<128x64x128xi32, #tpu.memory_space<hbm>> -> memref<1x64x128xi32, #tpu.memory_space<hbm>>
        %dma_wait3A_115 = tpu.memref_squeeze %dma_wait3A_114 : memref<1x64x128xi32, #tpu.memory_space<hbm>> -> memref<64x128xi32, #tpu.memory_space<hbm>>
        tpu.wait_dma2 semaphore(%run_scoped3A : memref<!tpu.dma_semaphore, #tpu.memory_space<semaphore_mem>>) src(%dma_wait3A_115 : memref<64x128xi32, #tpu.memory_space<hbm>>) dst(%arg8 : memref<64x128xi32, #tpu.memory_space<vmem>>)
        tpu.yield
      }) : () -> ()
      %scan3A_92 = arith.constant 0 : i32
      %scan3A_93 = arith.constant 0 : i32
      %scan3A_94 = arith.constant 8 : i32
      %scan3A_95 = arith.addi %scan3A_93, %scan3A_94 : i32
      %scan3A_96 = arith.constant 1 : i32
      %scan3A_97 = scf.for %scan3A_102 = %scan3A_93 to %scan3A_95 step %scan3A_96 iter_args(%scan3A_103 = %scan3A_92) -> (i32)  : i32 {
        %mul3A_104 = arith.constant 16 : i32
        %mul3A_105 = arith.muli %scan3A_102, %mul3A_104 : i32
        %broadcast_in_dim3A = arith.constant 0xFF800000 : f32
        %broadcast_in_dim3A_106 = vector.broadcast %broadcast_in_dim3A : f32 to vector<16xf32>
        %broadcast_in_dim3A_107 = arith.constant 0xFF800000 : f32
        %broadcast_in_dim3A_108 = vector.broadcast %broadcast_in_dim3A_107 : f32 to vector<16xf32>
        %broadcast_in_dim3A_109 = arith.constant 0xFF800000 : f32
        %broadcast_in_dim3A_110 = vector.broadcast %broadcast_in_dim3A_109 : f32 to vector<16xf32>
        %broadcast_in_dim3A_111 = arith.constant 0xFF800000 : f32
        %broadcast_in_dim3A_112 = vector.broadcast %broadcast_in_dim3A_111 : f32 to vector<16xf32>
        %broadcast_in_dim3A_113 = arith.constant 0xFF800000 : f32
        %broadcast_in_dim3A_114 = vector.broadcast %broadcast_in_dim3A_113 : f32 to vector<16xf32>
        %broadcast_in_dim3A_115 = arith.constant 0xFF800000 : f32
        %broadcast_in_dim3A_116 = vector.broadcast %broadcast_in_dim3A_115 : f32 to vector<16xf32>
        %broadcast_in_dim3A_117 = arith.constant 0xFF800000 : f32
        %broadcast_in_dim3A_118 = vector.broadcast %broadcast_in_dim3A_117 : f32 to vector<16xf32>
        %broadcast_in_dim3A_119 = arith.constant 0xFF800000 : f32
        %broadcast_in_dim3A_120 = vector.broadcast %broadcast_in_dim3A_119 : f32 to vector<16xf32>
        %broadcast_in_dim3A_121 = arith.constant 0 : i32
        %broadcast_in_dim3A_122 = vector.broadcast %broadcast_in_dim3A_121 : i32 to vector<16xi32>
        %broadcast_in_dim3A_123 = arith.constant 0 : i32
        %broadcast_in_dim3A_124 = vector.broadcast %broadcast_in_dim3A_123 : i32 to vector<16xi32>
        %broadcast_in_dim3A_125 = arith.constant 0 : i32
        %broadcast_in_dim3A_126 = vector.broadcast %broadcast_in_dim3A_125 : i32 to vector<16xi32>
        %broadcast_in_dim3A_127 = arith.constant 0 : i32
        %broadcast_in_dim3A_128 = vector.broadcast %broadcast_in_dim3A_127 : i32 to vector<16xi32>
        %broadcast_in_dim3A_129 = arith.constant 0 : i32
        %broadcast_in_dim3A_130 = vector.broadcast %broadcast_in_dim3A_129 : i32 to vector<16xi32>
        %broadcast_in_dim3A_131 = arith.constant 0 : i32
        %broadcast_in_dim3A_132 = vector.broadcast %broadcast_in_dim3A_131 : i32 to vector<16xi32>
        %broadcast_in_dim3A_133 = arith.constant 0 : i32
        %broadcast_in_dim3A_134 = vector.broadcast %broadcast_in_dim3A_133 : i32 to vector<16xi32>
        %broadcast_in_dim3A_135 = arith.constant 0 : i32
        %broadcast_in_dim3A_136 = vector.broadcast %broadcast_in_dim3A_135 : i32 to vector<16xi32>
        %scan3A_137 = arith.constant 0 : i32
        %scan3A_138 = arith.constant 64 : i32
        %scan3A_139 = arith.addi %scan3A_137, %scan3A_138 : i32
        %scan3A_140 = arith.constant 8 : i32
        %scan3A_141:16 = scf.for %scan3A_1220 = %scan3A_137 to %scan3A_139 step %scan3A_140 iter_args(%scan3A_1221 = %broadcast_in_dim3A_106, %scan3A_1222 = %broadcast_in_dim3A_108, %scan3A_1223 = %broadcast_in_dim3A_110, %scan3A_1224 = %broadcast_in_dim3A_112, %scan3A_1225 = %broadcast_in_dim3A_114, %scan3A_1226 = %broadcast_in_dim3A_116, %scan3A_1227 = %broadcast_in_dim3A_118, %scan3A_1228 = %broadcast_in_dim3A_120, %scan3A_1229 = %broadcast_in_dim3A_122, %scan3A_1230 = %broadcast_in_dim3A_124, %scan3A_1231 = %broadcast_in_dim3A_126, %scan3A_1232 = %broadcast_in_dim3A_128, %scan3A_1233 = %broadcast_in_dim3A_130, %scan3A_1234 = %broadcast_in_dim3A_132, %scan3A_1235 = %broadcast_in_dim3A_134, %scan3A_1236 = %broadcast_in_dim3A_136) -> (vector<16xf32>, vector<16xf32>, vector<16xf32>, vector<16xf32>, vector<16xf32>, vector<16xf32>, vector<16xf32>, vector<16xf32>, vector<16xi32>, vector<16xi32>, vector<16xi32>, vector<16xi32>, vector<16xi32>, vector<16xi32>, vector<16xi32>, vector<16xi32>)  : i32 {
          %get3A_1237 = arith.index_cast %scan3A_1220 : i32 to index
          %get3A_1238 = arith.index_cast %mul3A_105 : i32 to index
          %get3A_1239 = tpu.vector_load %arg7[%get3A_1237, %get3A_1238] {strides = array<i32>} : memref<64x128xf32, #tpu.memory_space<vmem>>, vector<1x16xf32>,
          %get3A_1240 = vector.shape_cast %get3A_1239 : vector<1x16xf32> to vector<16xf32>
          %get3A_1241 = arith.index_cast %scan3A_1220 : i32 to index
          %get3A_1242 = arith.index_cast %mul3A_105 : i32 to index
          %get3A_1243 = tpu.vector_load %arg8[%get3A_1241, %get3A_1242] {strides = array<i32>} : memref<64x128xi32, #tpu.memory_space<vmem>>, vector<1x16xi32>,
          %get3A_1244 = vector.shape_cast %get3A_1243 : vector<1x16xi32> to vector<16xi32>
          %broadcast_in_dim3A_1245 = arith.constant false
          %broadcast_in_dim3A_1246 = vector.broadcast %broadcast_in_dim3A_1245 : i1 to vector<16xi1>
          %gt3A = arith.cmpf ogt, %get3A_1240, %scan3A_1221 : vector<16xf32>
          %select_n3A_1247 = arith.select %broadcast_in_dim3A_1246, %scan3A_1228, %get3A_1240 : vector<16xi1>, vector<16xf32>
          %select_n3A_1248 = arith.select %gt3A, %select_n3A_1247, %scan3A_1221 : vector<16xi1>, vector<16xf32>
          %select_n3A_1249 = arith.select %broadcast_in_dim3A_1246, %scan3A_1236, %get3A_1244 : vector<16xi1>, vector<16xi32>
          %select_n3A_1250 = arith.select %gt3A, %select_n3A_1249, %scan3A_1229 : vector<16xi1>, vector<16xi32>
          %gt3A_1251 = arith.cmpf ogt, %get3A_1240, %scan3A_1222 : vector<16xf32>
          %select_n3A_1252 = arith.select %gt3A, %scan3A_1221, %get3A_1240 : vector<16xi1>, vector<16xf32>
          %select_n3A_1253 = arith.select %gt3A_1251, %select_n3A_1252, %scan3A_1222 : vector<16xi1>, vector<16xf32>
          %select_n3A_1254 = arith.select %gt3A, %scan3A_1229, %get3A_1244 : vector<16xi1>, vector<16xi32>
          %select_n3A_1255 = arith.select %gt3A_1251, %select_n3A_1254, %scan3A_1230 : vector<16xi1>, vector<16xi32>
          %gt3A_1256 = arith.cmpf ogt, %get3A_1240, %scan3A_1223 : vector<16xf32>
          %select_n3A_1257 = arith.select %gt3A_1251, %scan3A_1222, %get3A_1240 : vector<16xi1>, vector<16xf32>
          %select_n3A_1258 = arith.select %gt3A_1256, %select_n3A_1257, %scan3A_1223 : vector<16xi1>, vector<16xf32>
          %select_n3A_1259 = arith.select %gt3A_1251, %scan3A_1230, %get3A_1244 : vector<16xi1>, vector<16xi32>
          %select_n3A_1260 = arith.select %gt3A_1256, %select_n3A_1259, %scan3A_1231 : vector<16xi1>, vector<16xi32>
          %gt3A_1261 = arith.cmpf ogt, %get3A_1240, %scan3A_1224 : vector<16xf32>
          %select_n3A_1262 = arith.select %gt3A_1256, %scan3A_1223, %get3A_1240 : vector<16xi1>, vector<16xf32>
          %select_n3A_1263 = arith.select %gt3A_1261, %select_n3A_1262, %scan3A_1224 : vector<16xi1>, vector<16xf32>
          %select_n3A_1264 = arith.select %gt3A_1256, %scan3A_1231, %get3A_1244 : vector<16xi1>, vector<16xi32>
          %select_n3A_1265 = arith.select %gt3A_1261, %select_n3A_1264, %scan3A_1232 : vector<16xi1>, vector<16xi32>
          %gt3A_1266 = arith.cmpf ogt, %get3A_1240, %scan3A_1225 : vector<16xf32>
          %select_n3A_1267 = arith.select %gt3A_1261, %scan3A_1224, %get3A_1240 : vector<16xi1>, vector<16xf32>
          %select_n3A_1268 = arith.select %gt3A_1266, %select_n3A_1267, %scan3A_1225 : vector<16xi1>, vector<16xf32>
          %select_n3A_1269 = arith.select %gt3A_1261, %scan3A_1232, %get3A_1244 : vector<16xi1>, vector<16xi32>
          %select_n3A_1270 = arith.select %gt3A_1266, %select_n3A_1269, %scan3A_1233 : vector<16xi1>, vector<16xi32>
          %gt3A_1271 = arith.cmpf ogt, %get3A_1240, %scan3A_1226 : vector<16xf32>
          %select_n3A_1272 = arith.select %gt3A_1266, %scan3A_1225, %get3A_1240 : vector<16xi1>, vector<16xf32>
          %select_n3A_1273 = arith.select %gt3A_1271, %select_n3A_1272, %scan3A_1226 : vector<16xi1>, vector<16xf32>
          %select_n3A_1274 = arith.select %gt3A_1266, %scan3A_1233, %get3A_1244 : vector<16xi1>, vector<16xi32>
          %select_n3A_1275 = arith.select %gt3A_1271, %select_n3A_1274, %scan3A_1234 : vector<16xi1>, vector<16xi32>
          %gt3A_1276 = arith.cmpf ogt, %get3A_1240, %scan3A_1227 : vector<16xf32>
          %select_n3A_1277 = arith.select %gt3A_1271, %scan3A_1226, %get3A_1240 : vector<16xi1>, vector<16xf32>
          %select_n3A_1278 = arith.select %gt3A_1276, %select_n3A_1277, %scan3A_1227 : vector<16xi1>, vector<16xf32>
          %select_n3A_1279 = arith.select %gt3A_1271, %scan3A_1234, %get3A_1244 : vector<16xi1>, vector<16xi32>
          %select_n3A_1280 = arith.select %gt3A_1276, %select_n3A_1279, %scan3A_1235 : vector<16xi1>, vector<16xi32>
          %gt3A_1281 = arith.cmpf ogt, %get3A_1240, %scan3A_1228 : vector<16xf32>
          %select_n3A_1282 = arith.select %gt3A_1276, %scan3A_1227, %get3A_1240 : vector<16xi1>, vector<16xf32>
          %select_n3A_1283 = arith.select %gt3A_1281, %select_n3A_1282, %scan3A_1228 : vector<16xi1>, vector<16xf32>
          %select_n3A_1284 = arith.select %gt3A_1276, %scan3A_1235, %get3A_1244 : vector<16xi1>, vector<16xi32>
          %select_n3A_1285 = arith.select %gt3A_1281, %select_n3A_1284, %scan3A_1236 : vector<16xi1>, vector<16xi32>
          %scan3A_1286 = arith.constant 1 : i32
          %scan3A_1287 = arith.addi %scan3A_1220, %scan3A_1286 : i32
          %get3A_1288 = arith.index_cast %scan3A_1287 : i32 to index
          %get3A_1289 = arith.index_cast %mul3A_105 : i32 to index
          %get3A_1290 = tpu.vector_load %arg7[%get3A_1288, %get3A_1289] {strides = array<i32>} : memref<64x128xf32, #tpu.memory_space<vmem>>, vector<1x16xf32>,
          %get3A_1291 = vector.shape_cast %get3A_1290 : vector<1x16xf32> to vector<16xf32>
          %get3A_1292 = arith.index_cast %scan3A_1287 : i32 to index
          %get3A_1293 = arith.index_cast %mul3A_105 : i32 to index
          %get3A_1294 = tpu.vector_load %arg8[%get3A_1292, %get3A_1293] {strides = array<i32>} : memref<64x128xi32, #tpu.memory_space<vmem>>, vector<1x16xi32>,
          %get3A_1295 = vector.shape_cast %get3A_1294 : vector<1x16xi32> to vector<16xi32>
          %broadcast_in_dim3A_1296 = arith.constant false
          %broadcast_in_dim3A_1297 = vector.broadcast %broadcast_in_dim3A_1296 : i1 to vector<16xi1>
          %gt3A_1298 = arith.cmpf ogt, %get3A_1291, %select_n3A_1248 : vector<16xf32>
          %select_n3A_1299 = arith.select %broadcast_in_dim3A_1297, %select_n3A_1283, %get3A_1291 : vector<16xi1>, vector<16xf32>
          %select_n3A_1300 = arith.select %gt3A_1298, %select_n3A_1299, %select_n3A_1248 : vector<16xi1>, vector<16xf32>
          %select_n3A_1301 = arith.select %broadcast_in_dim3A_1297, %select_n3A_1285, %get3A_1295 : vector<16xi1>, vector<16xi32>
          %select_n3A_1302 = arith.select %gt3A_1298, %select_n3A_1301, %select_n3A_1250 : vector<16xi1>, vector<16xi32>
          %gt3A_1303 = arith.cmpf ogt, %get3A_1291, %select_n3A_1253 : vector<16xf32>
          %select_n3A_1304 = arith.select %gt3A_1298, %select_n3A_1248, %get3A_1291 : vector<16xi1>, vector<16xf32>
          %select_n3A_1305 = arith.select %gt3A_1303, %select_n3A_1304, %select_n3A_1253 : vector<16xi1>, vector<16xf32>
          %select_n3A_1306 = arith.select %gt3A_1298, %select_n3A_1250, %get3A_1295 : vector<16xi1>, vector<16xi32>
          %select_n3A_1307 = arith.select %gt3A_1303, %select_n3A_1306, %select_n3A_1255 : vector<16xi1>, vector<16xi32>
          %gt3A_1308 = arith.cmpf ogt, %get3A_1291, %select_n3A_1258 : vector<16xf32>
          %select_n3A_1309 = arith.select %gt3A_1303, %select_n3A_1253, %get3A_1291 : vector<16xi1>, vector<16xf32>
          %select_n3A_1310 = arith.select %gt3A_1308, %select_n3A_1309, %select_n3A_1258 : vector<16xi1>, vector<16xf32>
          %select_n3A_1311 = arith.select %gt3A_1303, %select_n3A_1255, %get3A_1295 : vector<16xi1>, vector<16xi32>
          %select_n3A_1312 = arith.select %gt3A_1308, %select_n3A_1311, %select_n3A_1260 : vector<16xi1>, vector<16xi32>
          %gt3A_1313 = arith.cmpf ogt, %get3A_1291, %select_n3A_1263 : vector<16xf32>
          %select_n3A_1314 = arith.select %gt3A_1308, %select_n3A_1258, %get3A_1291 : vector<16xi1>, vector<16xf32>
          %select_n3A_1315 = arith.select %gt3A_1313, %select_n3A_1314, %select_n3A_1263 : vector<16xi1>, vector<16xf32>
          %select_n3A_1316 = arith.select %gt3A_1308, %select_n3A_1260, %get3A_1295 : vector<16xi1>, vector<16xi32>
          %select_n3A_1317 = arith.select %gt3A_1313, %select_n3A_1316, %select_n3A_1265 : vector<16xi1>, vector<16xi32>
          %gt3A_1318 = arith.cmpf ogt, %get3A_1291, %select_n3A_1268 : vector<16xf32>
          %select_n3A_1319 = arith.select %gt3A_1313, %select_n3A_1263, %get3A_1291 : vector<16xi1>, vector<16xf32>
          %select_n3A_1320 = arith.select %gt3A_1318, %select_n3A_1319, %select_n3A_1268 : vector<16xi1>, vector<16xf32>
          %select_n3A_1321 = arith.select %gt3A_1313, %select_n3A_1265, %get3A_1295 : vector<16xi1>, vector<16xi32>
          %select_n3A_1322 = arith.select %gt3A_1318, %select_n3A_1321, %select_n3A_1270 : vector<16xi1>, vector<16xi32>
          %gt3A_1323 = arith.cmpf ogt, %get3A_1291, %select_n3A_1273 : vector<16xf32>
          %select_n3A_1324 = arith.select %gt3A_1318, %select_n3A_1268, %get3A_1291 : vector<16xi1>, vector<16xf32>
          %select_n3A_1325 = arith.select %gt3A_1323, %select_n3A_1324, %select_n3A_1273 : vector<16xi1>, vector<16xf32>
          %select_n3A_1326 = arith.select %gt3A_1318, %select_n3A_1270, %get3A_1295 : vector<16xi1>, vector<16xi32>
          %select_n3A_1327 = arith.select %gt3A_1323, %select_n3A_1326, %select_n3A_1275 : vector<16xi1>, vector<16xi32>
          %gt3A_1328 = arith.cmpf ogt, %get3A_1291, %select_n3A_1278 : vector<16xf32>
          %select_n3A_1329 = arith.select %gt3A_1323, %select_n3A_1273, %get3A_1291 : vector<16xi1>, vector<16xf32>
          %select_n3A_1330 = arith.select %gt3A_1328, %select_n3A_1329, %select_n3A_1278 : vector<16xi1>, vector<16xf32>
          %select_n3A_1331 = arith.select %gt3A_1323, %select_n3A_1275, %get3A_1295 : vector<16xi1>, vector<16xi32>
          %select_n3A_1332 = arith.select %gt3A_1328, %select_n3A_1331, %select_n3A_1280 : vector<16xi1>, vector<16xi32>
          %gt3A_1333 = arith.cmpf ogt, %get3A_1291, %select_n3A_1283 : vector<16xf32>
          %select_n3A_1334 = arith.select %gt3A_1328, %select_n3A_1278, %get3A_1291 : vector<16xi1>, vector<16xf32>
          %select_n3A_1335 = arith.select %gt3A_1333, %select_n3A_1334, %select_n3A_1283 : vector<16xi1>, vector<16xf32>
          %select_n3A_1336 = arith.select %gt3A_1328, %select_n3A_1280, %get3A_1295 : vector<16xi1>, vector<16xi32>
          %select_n3A_1337 = arith.select %gt3A_1333, %select_n3A_1336, %select_n3A_1285 : vector<16xi1>, vector<16xi32>
          %scan3A_1338 = arith.constant 2 : i32
          %scan3A_1339 = arith.addi %scan3A_1220, %scan3A_1338 : i32
          %get3A_1340 = arith.index_cast %scan3A_1339 : i32 to index
          %get3A_1341 = arith.index_cast %mul3A_105 : i32 to index
          %get3A_1342 = tpu.vector_load %arg7[%get3A_1340, %get3A_1341] {strides = array<i32>} : memref<64x128xf32, #tpu.memory_space<vmem>>, vector<1x16xf32>,
          %get3A_1343 = vector.shape_cast %get3A_1342 : vector<1x16xf32> to vector<16xf32>
          %get3A_1344 = arith.index_cast %scan3A_1339 : i32 to index
          %get3A_1345 = arith.index_cast %mul3A_105 : i32 to index
          %get3A_1346 = tpu.vector_load %arg8[%get3A_1344, %get3A_1345] {strides = array<i32>} : memref<64x128xi32, #tpu.memory_space<vmem>>, vector<1x16xi32>,
          %get3A_1347 = vector.shape_cast %get3A_1346 : vector<1x16xi32> to vector<16xi32>
          %broadcast_in_dim3A_1348 = arith.constant false
          %broadcast_in_dim3A_1349 = vector.broadcast %broadcast_in_dim3A_1348 : i1 to vector<16xi1>
          %gt3A_1350 = arith.cmpf ogt, %get3A_1343, %select_n3A_1300 : vector<16xf32>
          %select_n3A_1351 = arith.select %broadcast_in_dim3A_1349, %select_n3A_1335, %get3A_1343 : vector<16xi1>, vector<16xf32>
          %select_n3A_1352 = arith.select %gt3A_1350, %select_n3A_1351, %select_n3A_1300 : vector<16xi1>, vector<16xf32>
          %select_n3A_1353 = arith.select %broadcast_in_dim3A_1349, %select_n3A_1337, %get3A_1347 : vector<16xi1>, vector<16xi32>
          %select_n3A_1354 = arith.select %gt3A_1350, %select_n3A_1353, %select_n3A_1302 : vector<16xi1>, vector<16xi32>
          %gt3A_1355 = arith.cmpf ogt, %get3A_1343, %select_n3A_1305 : vector<16xf32>
          %select_n3A_1356 = arith.select %gt3A_1350, %select_n3A_1300, %get3A_1343 : vector<16xi1>, vector<16xf32>
          %select_n3A_1357 = arith.select %gt3A_1355, %select_n3A_1356, %select_n3A_1305 : vector<16xi1>, vector<16xf32>
          %select_n3A_1358 = arith.select %gt3A_1350, %select_n3A_1302, %get3A_1347 : vector<16xi1>, vector<16xi32>
          %select_n3A_1359 = arith.select %gt3A_1355, %select_n3A_1358, %select_n3A_1307 : vector<16xi1>, vector<16xi32>
          %gt3A_1360 = arith.cmpf ogt, %get3A_1343, %select_n3A_1310 : vector<16xf32>
          %select_n3A_1361 = arith.select %gt3A_1355, %select_n3A_1305, %get3A_1343 : vector<16xi1>, vector<16xf32>
          %select_n3A_1362 = arith.select %gt3A_1360, %select_n3A_1361, %select_n3A_1310 : vector<16xi1>, vector<16xf32>
          %select_n3A_1363 = arith.select %gt3A_1355, %select_n3A_1307, %get3A_1347 : vector<16xi1>, vector<16xi32>
          %select_n3A_1364 = arith.select %gt3A_1360, %select_n3A_1363, %select_n3A_1312 : vector<16xi1>, vector<16xi32>
          %gt3A_1365 = arith.cmpf ogt, %get3A_1343, %select_n3A_1315 : vector<16xf32>
          %select_n3A_1366 = arith.select %gt3A_1360, %select_n3A_1310, %get3A_1343 : vector<16xi1>, vector<16xf32>
          %select_n3A_1367 = arith.select %gt3A_1365, %select_n3A_1366, %select_n3A_1315 : vector<16xi1>, vector<16xf32>
          %select_n3A_1368 = arith.select %gt3A_1360, %select_n3A_1312, %get3A_1347 : vector<16xi1>, vector<16xi32>
          %select_n3A_1369 = arith.select %gt3A_1365, %select_n3A_1368, %select_n3A_1317 : vector<16xi1>, vector<16xi32>
          %gt3A_1370 = arith.cmpf ogt, %get3A_1343, %select_n3A_1320 : vector<16xf32>
          %select_n3A_1371 = arith.select %gt3A_1365, %select_n3A_1315, %get3A_1343 : vector<16xi1>, vector<16xf32>
          %select_n3A_1372 = arith.select %gt3A_1370, %select_n3A_1371, %select_n3A_1320 : vector<16xi1>, vector<16xf32>
          %select_n3A_1373 = arith.select %gt3A_1365, %select_n3A_1317, %get3A_1347 : vector<16xi1>, vector<16xi32>
          %select_n3A_1374 = arith.select %gt3A_1370, %select_n3A_1373, %select_n3A_1322 : vector<16xi1>, vector<16xi32>
          %gt3A_1375 = arith.cmpf ogt, %get3A_1343, %select_n3A_1325 : vector<16xf32>
          %select_n3A_1376 = arith.select %gt3A_1370, %select_n3A_1320, %get3A_1343 : vector<16xi1>, vector<16xf32>
          %select_n3A_1377 = arith.select %gt3A_1375, %select_n3A_1376, %select_n3A_1325 : vector<16xi1>, vector<16xf32>
          %select_n3A_1378 = arith.select %gt3A_1370, %select_n3A_1322, %get3A_1347 : vector<16xi1>, vector<16xi32>
          %select_n3A_1379 = arith.select %gt3A_1375, %select_n3A_1378, %select_n3A_1327 : vector<16xi1>, vector<16xi32>
          %gt3A_1380 = arith.cmpf ogt, %get3A_1343, %select_n3A_1330 : vector<16xf32>
          %select_n3A_1381 = arith.select %gt3A_1375, %select_n3A_1325, %get3A_1343 : vector<16xi1>, vector<16xf32>
          %select_n3A_1382 = arith.select %gt3A_1380, %select_n3A_1381, %select_n3A_1330 : vector<16xi1>, vector<16xf32>
          %select_n3A_1383 = arith.select %gt3A_1375, %select_n3A_1327, %get3A_1347 : vector<16xi1>, vector<16xi32>
          %select_n3A_1384 = arith.select %gt3A_1380, %select_n3A_1383, %select_n3A_1332 : vector<16xi1>, vector<16xi32>
          %gt3A_1385 = arith.cmpf ogt, %get3A_1343, %select_n3A_1335 : vector<16xf32>
          %select_n3A_1386 = arith.select %gt3A_1380, %select_n3A_1330, %get3A_1343 : vector<16xi1>, vector<16xf32>
          %select_n3A_1387 = arith.select %gt3A_1385, %select_n3A_1386, %select_n3A_1335 : vector<16xi1>, vector<16xf32>
          %select_n3A_1388 = arith.select %gt3A_1380, %select_n3A_1332, %get3A_1347 : vector<16xi1>, vector<16xi32>
          %select_n3A_1389 = arith.select %gt3A_1385, %select_n3A_1388, %select_n3A_1337 : vector<16xi1>, vector<16xi32>
          %scan3A_1390 = arith.constant 3 : i32
          %scan3A_1391 = arith.addi %scan3A_1220, %scan3A_1390 : i32
          %get3A_1392 = arith.index_cast %scan3A_1391 : i32 to index
          %get3A_1393 = arith.index_cast %mul3A_105 : i32 to index
          %get3A_1394 = tpu.vector_load %arg7[%get3A_1392, %get3A_1393] {strides = array<i32>} : memref<64x128xf32, #tpu.memory_space<vmem>>, vector<1x16xf32>,
          %get3A_1395 = vector.shape_cast %get3A_1394 : vector<1x16xf32> to vector<16xf32>
          %get3A_1396 = arith.index_cast %scan3A_1391 : i32 to index
          %get3A_1397 = arith.index_cast %mul3A_105 : i32 to index
          %get3A_1398 = tpu.vector_load %arg8[%get3A_1396, %get3A_1397] {strides = array<i32>} : memref<64x128xi32, #tpu.memory_space<vmem>>, vector<1x16xi32>,
          %get3A_1399 = vector.shape_cast %get3A_1398 : vector<1x16xi32> to vector<16xi32>
          %broadcast_in_dim3A_1400 = arith.constant false
          %broadcast_in_dim3A_1401 = vector.broadcast %broadcast_in_dim3A_1400 : i1 to vector<16xi1>
          %gt3A_1402 = arith.cmpf ogt, %get3A_1395, %select_n3A_1352 : vector<16xf32>
          %select_n3A_1403 = arith.select %broadcast_in_dim3A_1401, %select_n3A_1387, %get3A_1395 : vector<16xi1>, vector<16xf32>
          %select_n3A_1404 = arith.select %gt3A_1402, %select_n3A_1403, %select_n3A_1352 : vector<16xi1>, vector<16xf32>
          %select_n3A_1405 = arith.select %broadcast_in_dim3A_1401, %select_n3A_1389, %get3A_1399 : vector<16xi1>, vector<16xi32>
          %select_n3A_1406 = arith.select %gt3A_1402, %select_n3A_1405, %select_n3A_1354 : vector<16xi1>, vector<16xi32>
          %gt3A_1407 = arith.cmpf ogt, %get3A_1395, %select_n3A_1357 : vector<16xf32>
          %select_n3A_1408 = arith.select %gt3A_1402, %select_n3A_1352, %get3A_1395 : vector<16xi1>, vector<16xf32>
          %select_n3A_1409 = arith.select %gt3A_1407, %select_n3A_1408, %select_n3A_1357 : vector<16xi1>, vector<16xf32>
          %select_n3A_1410 = arith.select %gt3A_1402, %select_n3A_1354, %get3A_1399 : vector<16xi1>, vector<16xi32>
          %select_n3A_1411 = arith.select %gt3A_1407, %select_n3A_1410, %select_n3A_1359 : vector<16xi1>, vector<16xi32>
          %gt3A_1412 = arith.cmpf ogt, %get3A_1395, %select_n3A_1362 : vector<16xf32>
          %select_n3A_1413 = arith.select %gt3A_1407, %select_n3A_1357, %get3A_1395 : vector<16xi1>, vector<16xf32>
          %select_n3A_1414 = arith.select %gt3A_1412, %select_n3A_1413, %select_n3A_1362 : vector<16xi1>, vector<16xf32>
          %select_n3A_1415 = arith.select %gt3A_1407, %select_n3A_1359, %get3A_1399 : vector<16xi1>, vector<16xi32>
          %select_n3A_1416 = arith.select %gt3A_1412, %select_n3A_1415, %select_n3A_1364 : vector<16xi1>, vector<16xi32>
          %gt3A_1417 = arith.cmpf ogt, %get3A_1395, %select_n3A_1367 : vector<16xf32>
          %select_n3A_1418 = arith.select %gt3A_1412, %select_n3A_1362, %get3A_1395 : vector<16xi1>, vector<16xf32>
          %select_n3A_1419 = arith.select %gt3A_1417, %select_n3A_1418, %select_n3A_1367 : vector<16xi1>, vector<16xf32>
          %select_n3A_1420 = arith.select %gt3A_1412, %select_n3A_1364, %get3A_1399 : vector<16xi1>, vector<16xi32>
          %select_n3A_1421 = arith.select %gt3A_1417, %select_n3A_1420, %select_n3A_1369 : vector<16xi1>, vector<16xi32>
          %gt3A_1422 = arith.cmpf ogt, %get3A_1395, %select_n3A_1372 : vector<16xf32>
          %select_n3A_1423 = arith.select %gt3A_1417, %select_n3A_1367, %get3A_1395 : vector<16xi1>, vector<16xf32>
          %select_n3A_1424 = arith.select %gt3A_1422, %select_n3A_1423, %select_n3A_1372 : vector<16xi1>, vector<16xf32>
          %select_n3A_1425 = arith.select %gt3A_1417, %select_n3A_1369, %get3A_1399 : vector<16xi1>, vector<16xi32>
          %select_n3A_1426 = arith.select %gt3A_1422, %select_n3A_1425, %select_n3A_1374 : vector<16xi1>, vector<16xi32>
          %gt3A_1427 = arith.cmpf ogt, %get3A_1395, %select_n3A_1377 : vector<16xf32>
          %select_n3A_1428 = arith.select %gt3A_1422, %select_n3A_1372, %get3A_1395 : vector<16xi1>, vector<16xf32>
          %select_n3A_1429 = arith.select %gt3A_1427, %select_n3A_1428, %select_n3A_1377 : vector<16xi1>, vector<16xf32>
          %select_n3A_1430 = arith.select %gt3A_1422, %select_n3A_1374, %get3A_1399 : vector<16xi1>, vector<16xi32>
          %select_n3A_1431 = arith.select %gt3A_1427, %select_n3A_1430, %select_n3A_1379 : vector<16xi1>, vector<16xi32>
          %gt3A_1432 = arith.cmpf ogt, %get3A_1395, %select_n3A_1382 : vector<16xf32>
          %select_n3A_1433 = arith.select %gt3A_1427, %select_n3A_1377, %get3A_1395 : vector<16xi1>, vector<16xf32>
          %select_n3A_1434 = arith.select %gt3A_1432, %select_n3A_1433, %select_n3A_1382 : vector<16xi1>, vector<16xf32>
          %select_n3A_1435 = arith.select %gt3A_1427, %select_n3A_1379, %get3A_1399 : vector<16xi1>, vector<16xi32>
          %select_n3A_1436 = arith.select %gt3A_1432, %select_n3A_1435, %select_n3A_1384 : vector<16xi1>, vector<16xi32>
          %gt3A_1437 = arith.cmpf ogt, %get3A_1395, %select_n3A_1387 : vector<16xf32>
          %select_n3A_1438 = arith.select %gt3A_1432, %select_n3A_1382, %get3A_1395 : vector<16xi1>, vector<16xf32>
          %select_n3A_1439 = arith.select %gt3A_1437, %select_n3A_1438, %select_n3A_1387 : vector<16xi1>, vector<16xf32>
          %select_n3A_1440 = arith.select %gt3A_1432, %select_n3A_1384, %get3A_1399 : vector<16xi1>, vector<16xi32>
          %select_n3A_1441 = arith.select %gt3A_1437, %select_n3A_1440, %select_n3A_1389 : vector<16xi1>, vector<16xi32>
          %scan3A_1442 = arith.constant 4 : i32
          %scan3A_1443 = arith.addi %scan3A_1220, %scan3A_1442 : i32
          %get3A_1444 = arith.index_cast %scan3A_1443 : i32 to index
          %get3A_1445 = arith.index_cast %mul3A_105 : i32 to index
          %get3A_1446 = tpu.vector_load %arg7[%get3A_1444, %get3A_1445] {strides = array<i32>} : memref<64x128xf32, #tpu.memory_space<vmem>>, vector<1x16xf32>,
          %get3A_1447 = vector.shape_cast %get3A_1446 : vector<1x16xf32> to vector<16xf32>
          %get3A_1448 = arith.index_cast %scan3A_1443 : i32 to index
          %get3A_1449 = arith.index_cast %mul3A_105 : i32 to index
          %get3A_1450 = tpu.vector_load %arg8[%get3A_1448, %get3A_1449] {strides = array<i32>} : memref<64x128xi32, #tpu.memory_space<vmem>>, vector<1x16xi32>,
          %get3A_1451 = vector.shape_cast %get3A_1450 : vector<1x16xi32> to vector<16xi32>
          %broadcast_in_dim3A_1452 = arith.constant false
          %broadcast_in_dim3A_1453 = vector.broadcast %broadcast_in_dim3A_1452 : i1 to vector<16xi1>
          %gt3A_1454 = arith.cmpf ogt, %get3A_1447, %select_n3A_1404 : vector<16xf32>
          %select_n3A_1455 = arith.select %broadcast_in_dim3A_1453, %select_n3A_1439, %get3A_1447 : vector<16xi1>, vector<16xf32>
          %select_n3A_1456 = arith.select %gt3A_1454, %select_n3A_1455, %select_n3A_1404 : vector<16xi1>, vector<16xf32>
          %select_n3A_1457 = arith.select %broadcast_in_dim3A_1453, %select_n3A_1441, %get3A_1451 : vector<16xi1>, vector<16xi32>
          %select_n3A_1458 = arith.select %gt3A_1454, %select_n3A_1457, %select_n3A_1406 : vector<16xi1>, vector<16xi32>
          %gt3A_1459 = arith.cmpf ogt, %get3A_1447, %select_n3A_1409 : vector<16xf32>
          %select_n3A_1460 = arith.select %gt3A_1454, %select_n3A_1404, %get3A_1447 : vector<16xi1>, vector<16xf32>
          %select_n3A_1461 = arith.select %gt3A_1459, %select_n3A_1460, %select_n3A_1409 : vector<16xi1>, vector<16xf32>
          %select_n3A_1462 = arith.select %gt3A_1454, %select_n3A_1406, %get3A_1451 : vector<16xi1>, vector<16xi32>
          %select_n3A_1463 = arith.select %gt3A_1459, %select_n3A_1462, %select_n3A_1411 : vector<16xi1>, vector<16xi32>
          %gt3A_1464 = arith.cmpf ogt, %get3A_1447, %select_n3A_1414 : vector<16xf32>
          %select_n3A_1465 = arith.select %gt3A_1459, %select_n3A_1409, %get3A_1447 : vector<16xi1>, vector<16xf32>
          %select_n3A_1466 = arith.select %gt3A_1464, %select_n3A_1465, %select_n3A_1414 : vector<16xi1>, vector<16xf32>
          %select_n3A_1467 = arith.select %gt3A_1459, %select_n3A_1411, %get3A_1451 : vector<16xi1>, vector<16xi32>
          %select_n3A_1468 = arith.select %gt3A_1464, %select_n3A_1467, %select_n3A_1416 : vector<16xi1>, vector<16xi32>
          %gt3A_1469 = arith.cmpf ogt, %get3A_1447, %select_n3A_1419 : vector<16xf32>
          %select_n3A_1470 = arith.select %gt3A_1464, %select_n3A_1414, %get3A_1447 : vector<16xi1>, vector<16xf32>
          %select_n3A_1471 = arith.select %gt3A_1469, %select_n3A_1470, %select_n3A_1419 : vector<16xi1>, vector<16xf32>
          %select_n3A_1472 = arith.select %gt3A_1464, %select_n3A_1416, %get3A_1451 : vector<16xi1>, vector<16xi32>
          %select_n3A_1473 = arith.select %gt3A_1469, %select_n3A_1472, %select_n3A_1421 : vector<16xi1>, vector<16xi32>
          %gt3A_1474 = arith.cmpf ogt, %get3A_1447, %select_n3A_1424 : vector<16xf32>
          %select_n3A_1475 = arith.select %gt3A_1469, %select_n3A_1419, %get3A_1447 : vector<16xi1>, vector<16xf32>
          %select_n3A_1476 = arith.select %gt3A_1474, %select_n3A_1475, %select_n3A_1424 : vector<16xi1>, vector<16xf32>
          %select_n3A_1477 = arith.select %gt3A_1469, %select_n3A_1421, %get3A_1451 : vector<16xi1>, vector<16xi32>
          %select_n3A_1478 = arith.select %gt3A_1474, %select_n3A_1477, %select_n3A_1426 : vector<16xi1>, vector<16xi32>
          %gt3A_1479 = arith.cmpf ogt, %get3A_1447, %select_n3A_1429 : vector<16xf32>
          %select_n3A_1480 = arith.select %gt3A_1474, %select_n3A_1424, %get3A_1447 : vector<16xi1>, vector<16xf32>
          %select_n3A_1481 = arith.select %gt3A_1479, %select_n3A_1480, %select_n3A_1429 : vector<16xi1>, vector<16xf32>
          %select_n3A_1482 = arith.select %gt3A_1474, %select_n3A_1426, %get3A_1451 : vector<16xi1>, vector<16xi32>
          %select_n3A_1483 = arith.select %gt3A_1479, %select_n3A_1482, %select_n3A_1431 : vector<16xi1>, vector<16xi32>
          %gt3A_1484 = arith.cmpf ogt, %get3A_1447, %select_n3A_1434 : vector<16xf32>
          %select_n3A_1485 = arith.select %gt3A_1479, %select_n3A_1429, %get3A_1447 : vector<16xi1>, vector<16xf32>
          %select_n3A_1486 = arith.select %gt3A_1484, %select_n3A_1485, %select_n3A_1434 : vector<16xi1>, vector<16xf32>
          %select_n3A_1487 = arith.select %gt3A_1479, %select_n3A_1431, %get3A_1451 : vector<16xi1>, vector<16xi32>
          %select_n3A_1488 = arith.select %gt3A_1484, %select_n3A_1487, %select_n3A_1436 : vector<16xi1>, vector<16xi32>
          %gt3A_1489 = arith.cmpf ogt, %get3A_1447, %select_n3A_1439 : vector<16xf32>
          %select_n3A_1490 = arith.select %gt3A_1484, %select_n3A_1434, %get3A_1447 : vector<16xi1>, vector<16xf32>
          %select_n3A_1491 = arith.select %gt3A_1489, %select_n3A_1490, %select_n3A_1439 : vector<16xi1>, vector<16xf32>
          %select_n3A_1492 = arith.select %gt3A_1484, %select_n3A_1436, %get3A_1451 : vector<16xi1>, vector<16xi32>
          %select_n3A_1493 = arith.select %gt3A_1489, %select_n3A_1492, %select_n3A_1441 : vector<16xi1>, vector<16xi32>
          %scan3A_1494 = arith.constant 5 : i32
          %scan3A_1495 = arith.addi %scan3A_1220, %scan3A_1494 : i32
          %get3A_1496 = arith.index_cast %scan3A_1495 : i32 to index
          %get3A_1497 = arith.index_cast %mul3A_105 : i32 to index
          %get3A_1498 = tpu.vector_load %arg7[%get3A_1496, %get3A_1497] {strides = array<i32>} : memref<64x128xf32, #tpu.memory_space<vmem>>, vector<1x16xf32>,
          %get3A_1499 = vector.shape_cast %get3A_1498 : vector<1x16xf32> to vector<16xf32>
          %get3A_1500 = arith.index_cast %scan3A_1495 : i32 to index
          %get3A_1501 = arith.index_cast %mul3A_105 : i32 to index
          %get3A_1502 = tpu.vector_load %arg8[%get3A_1500, %get3A_1501] {strides = array<i32>} : memref<64x128xi32, #tpu.memory_space<vmem>>, vector<1x16xi32>,
          %get3A_1503 = vector.shape_cast %get3A_1502 : vector<1x16xi32> to vector<16xi32>
          %broadcast_in_dim3A_1504 = arith.constant false
          %broadcast_in_dim3A_1505 = vector.broadcast %broadcast_in_dim3A_1504 : i1 to vector<16xi1>
          %gt3A_1506 = arith.cmpf ogt, %get3A_1499, %select_n3A_1456 : vector<16xf32>
          %select_n3A_1507 = arith.select %broadcast_in_dim3A_1505, %select_n3A_1491, %get3A_1499 : vector<16xi1>, vector<16xf32>
          %select_n3A_1508 = arith.select %gt3A_1506, %select_n3A_1507, %select_n3A_1456 : vector<16xi1>, vector<16xf32>
          %select_n3A_1509 = arith.select %broadcast_in_dim3A_1505, %select_n3A_1493, %get3A_1503 : vector<16xi1>, vector<16xi32>
          %select_n3A_1510 = arith.select %gt3A_1506, %select_n3A_1509, %select_n3A_1458 : vector<16xi1>, vector<16xi32>
          %gt3A_1511 = arith.cmpf ogt, %get3A_1499, %select_n3A_1461 : vector<16xf32>
          %select_n3A_1512 = arith.select %gt3A_1506, %select_n3A_1456, %get3A_1499 : vector<16xi1>, vector<16xf32>
          %select_n3A_1513 = arith.select %gt3A_1511, %select_n3A_1512, %select_n3A_1461 : vector<16xi1>, vector<16xf32>
          %select_n3A_1514 = arith.select %gt3A_1506, %select_n3A_1458, %get3A_1503 : vector<16xi1>, vector<16xi32>
          %select_n3A_1515 = arith.select %gt3A_1511, %select_n3A_1514, %select_n3A_1463 : vector<16xi1>, vector<16xi32>
          %gt3A_1516 = arith.cmpf ogt, %get3A_1499, %select_n3A_1466 : vector<16xf32>
          %select_n3A_1517 = arith.select %gt3A_1511, %select_n3A_1461, %get3A_1499 : vector<16xi1>, vector<16xf32>
          %select_n3A_1518 = arith.select %gt3A_1516, %select_n3A_1517, %select_n3A_1466 : vector<16xi1>, vector<16xf32>
          %select_n3A_1519 = arith.select %gt3A_1511, %select_n3A_1463, %get3A_1503 : vector<16xi1>, vector<16xi32>
          %select_n3A_1520 = arith.select %gt3A_1516, %select_n3A_1519, %select_n3A_1468 : vector<16xi1>, vector<16xi32>
          %gt3A_1521 = arith.cmpf ogt, %get3A_1499, %select_n3A_1471 : vector<16xf32>
          %select_n3A_1522 = arith.select %gt3A_1516, %select_n3A_1466, %get3A_1499 : vector<16xi1>, vector<16xf32>
          %select_n3A_1523 = arith.select %gt3A_1521, %select_n3A_1522, %select_n3A_1471 : vector<16xi1>, vector<16xf32>
          %select_n3A_1524 = arith.select %gt3A_1516, %select_n3A_1468, %get3A_1503 : vector<16xi1>, vector<16xi32>
          %select_n3A_1525 = arith.select %gt3A_1521, %select_n3A_1524, %select_n3A_1473 : vector<16xi1>, vector<16xi32>
          %gt3A_1526 = arith.cmpf ogt, %get3A_1499, %select_n3A_1476 : vector<16xf32>
          %select_n3A_1527 = arith.select %gt3A_1521, %select_n3A_1471, %get3A_1499 : vector<16xi1>, vector<16xf32>
          %select_n3A_1528 = arith.select %gt3A_1526, %select_n3A_1527, %select_n3A_1476 : vector<16xi1>, vector<16xf32>
          %select_n3A_1529 = arith.select %gt3A_1521, %select_n3A_1473, %get3A_1503 : vector<16xi1>, vector<16xi32>
          %select_n3A_1530 = arith.select %gt3A_1526, %select_n3A_1529, %select_n3A_1478 : vector<16xi1>, vector<16xi32>
          %gt3A_1531 = arith.cmpf ogt, %get3A_1499, %select_n3A_1481 : vector<16xf32>
          %select_n3A_1532 = arith.select %gt3A_1526, %select_n3A_1476, %get3A_1499 : vector<16xi1>, vector<16xf32>
          %select_n3A_1533 = arith.select %gt3A_1531, %select_n3A_1532, %select_n3A_1481 : vector<16xi1>, vector<16xf32>
          %select_n3A_1534 = arith.select %gt3A_1526, %select_n3A_1478, %get3A_1503 : vector<16xi1>, vector<16xi32>
          %select_n3A_1535 = arith.select %gt3A_1531, %select_n3A_1534, %select_n3A_1483 : vector<16xi1>, vector<16xi32>
          %gt3A_1536 = arith.cmpf ogt, %get3A_1499, %select_n3A_1486 : vector<16xf32>
          %select_n3A_1537 = arith.select %gt3A_1531, %select_n3A_1481, %get3A_1499 : vector<16xi1>, vector<16xf32>
          %select_n3A_1538 = arith.select %gt3A_1536, %select_n3A_1537, %select_n3A_1486 : vector<16xi1>, vector<16xf32>
          %select_n3A_1539 = arith.select %gt3A_1531, %select_n3A_1483, %get3A_1503 : vector<16xi1>, vector<16xi32>
          %select_n3A_1540 = arith.select %gt3A_1536, %select_n3A_1539, %select_n3A_1488 : vector<16xi1>, vector<16xi32>
          %gt3A_1541 = arith.cmpf ogt, %get3A_1499, %select_n3A_1491 : vector<16xf32>
          %select_n3A_1542 = arith.select %gt3A_1536, %select_n3A_1486, %get3A_1499 : vector<16xi1>, vector<16xf32>
          %select_n3A_1543 = arith.select %gt3A_1541, %select_n3A_1542, %select_n3A_1491 : vector<16xi1>, vector<16xf32>
          %select_n3A_1544 = arith.select %gt3A_1536, %select_n3A_1488, %get3A_1503 : vector<16xi1>, vector<16xi32>
          %select_n3A_1545 = arith.select %gt3A_1541, %select_n3A_1544, %select_n3A_1493 : vector<16xi1>, vector<16xi32>
          %scan3A_1546 = arith.constant 6 : i32
          %scan3A_1547 = arith.addi %scan3A_1220, %scan3A_1546 : i32
          %get3A_1548 = arith.index_cast %scan3A_1547 : i32 to index
          %get3A_1549 = arith.index_cast %mul3A_105 : i32 to index
          %get3A_1550 = tpu.vector_load %arg7[%get3A_1548, %get3A_1549] {strides = array<i32>} : memref<64x128xf32, #tpu.memory_space<vmem>>, vector<1x16xf32>,
          %get3A_1551 = vector.shape_cast %get3A_1550 : vector<1x16xf32> to vector<16xf32>
          %get3A_1552 = arith.index_cast %scan3A_1547 : i32 to index
          %get3A_1553 = arith.index_cast %mul3A_105 : i32 to index
          %get3A_1554 = tpu.vector_load %arg8[%get3A_1552, %get3A_1553] {strides = array<i32>} : memref<64x128xi32, #tpu.memory_space<vmem>>, vector<1x16xi32>,
          %get3A_1555 = vector.shape_cast %get3A_1554 : vector<1x16xi32> to vector<16xi32>
          %broadcast_in_dim3A_1556 = arith.constant false
          %broadcast_in_dim3A_1557 = vector.broadcast %broadcast_in_dim3A_1556 : i1 to vector<16xi1>
          %gt3A_1558 = arith.cmpf ogt, %get3A_1551, %select_n3A_1508 : vector<16xf32>
          %select_n3A_1559 = arith.select %broadcast_in_dim3A_1557, %select_n3A_1543, %get3A_1551 : vector<16xi1>, vector<16xf32>
          %select_n3A_1560 = arith.select %gt3A_1558, %select_n3A_1559, %select_n3A_1508 : vector<16xi1>, vector<16xf32>
          %select_n3A_1561 = arith.select %broadcast_in_dim3A_1557, %select_n3A_1545, %get3A_1555 : vector<16xi1>, vector<16xi32>
          %select_n3A_1562 = arith.select %gt3A_1558, %select_n3A_1561, %select_n3A_1510 : vector<16xi1>, vector<16xi32>
          %gt3A_1563 = arith.cmpf ogt, %get3A_1551, %select_n3A_1513 : vector<16xf32>
          %select_n3A_1564 = arith.select %gt3A_1558, %select_n3A_1508, %get3A_1551 : vector<16xi1>, vector<16xf32>
          %select_n3A_1565 = arith.select %gt3A_1563, %select_n3A_1564, %select_n3A_1513 : vector<16xi1>, vector<16xf32>
          %select_n3A_1566 = arith.select %gt3A_1558, %select_n3A_1510, %get3A_1555 : vector<16xi1>, vector<16xi32>
          %select_n3A_1567 = arith.select %gt3A_1563, %select_n3A_1566, %select_n3A_1515 : vector<16xi1>, vector<16xi32>
          %gt3A_1568 = arith.cmpf ogt, %get3A_1551, %select_n3A_1518 : vector<16xf32>
          %select_n3A_1569 = arith.select %gt3A_1563, %select_n3A_1513, %get3A_1551 : vector<16xi1>, vector<16xf32>
          %select_n3A_1570 = arith.select %gt3A_1568, %select_n3A_1569, %select_n3A_1518 : vector<16xi1>, vector<16xf32>
          %select_n3A_1571 = arith.select %gt3A_1563, %select_n3A_1515, %get3A_1555 : vector<16xi1>, vector<16xi32>
          %select_n3A_1572 = arith.select %gt3A_1568, %select_n3A_1571, %select_n3A_1520 : vector<16xi1>, vector<16xi32>
          %gt3A_1573 = arith.cmpf ogt, %get3A_1551, %select_n3A_1523 : vector<16xf32>
          %select_n3A_1574 = arith.select %gt3A_1568, %select_n3A_1518, %get3A_1551 : vector<16xi1>, vector<16xf32>
          %select_n3A_1575 = arith.select %gt3A_1573, %select_n3A_1574, %select_n3A_1523 : vector<16xi1>, vector<16xf32>
          %select_n3A_1576 = arith.select %gt3A_1568, %select_n3A_1520, %get3A_1555 : vector<16xi1>, vector<16xi32>
          %select_n3A_1577 = arith.select %gt3A_1573, %select_n3A_1576, %select_n3A_1525 : vector<16xi1>, vector<16xi32>
          %gt3A_1578 = arith.cmpf ogt, %get3A_1551, %select_n3A_1528 : vector<16xf32>
          %select_n3A_1579 = arith.select %gt3A_1573, %select_n3A_1523, %get3A_1551 : vector<16xi1>, vector<16xf32>
          %select_n3A_1580 = arith.select %gt3A_1578, %select_n3A_1579, %select_n3A_1528 : vector<16xi1>, vector<16xf32>
          %select_n3A_1581 = arith.select %gt3A_1573, %select_n3A_1525, %get3A_1555 : vector<16xi1>, vector<16xi32>
          %select_n3A_1582 = arith.select %gt3A_1578, %select_n3A_1581, %select_n3A_1530 : vector<16xi1>, vector<16xi32>
          %gt3A_1583 = arith.cmpf ogt, %get3A_1551, %select_n3A_1533 : vector<16xf32>
          %select_n3A_1584 = arith.select %gt3A_1578, %select_n3A_1528, %get3A_1551 : vector<16xi1>, vector<16xf32>
          %select_n3A_1585 = arith.select %gt3A_1583, %select_n3A_1584, %select_n3A_1533 : vector<16xi1>, vector<16xf32>
          %select_n3A_1586 = arith.select %gt3A_1578, %select_n3A_1530, %get3A_1555 : vector<16xi1>, vector<16xi32>
          %select_n3A_1587 = arith.select %gt3A_1583, %select_n3A_1586, %select_n3A_1535 : vector<16xi1>, vector<16xi32>
          %gt3A_1588 = arith.cmpf ogt, %get3A_1551, %select_n3A_1538 : vector<16xf32>
          %select_n3A_1589 = arith.select %gt3A_1583, %select_n3A_1533, %get3A_1551 : vector<16xi1>, vector<16xf32>
          %select_n3A_1590 = arith.select %gt3A_1588, %select_n3A_1589, %select_n3A_1538 : vector<16xi1>, vector<16xf32>
          %select_n3A_1591 = arith.select %gt3A_1583, %select_n3A_1535, %get3A_1555 : vector<16xi1>, vector<16xi32>
          %select_n3A_1592 = arith.select %gt3A_1588, %select_n3A_1591, %select_n3A_1540 : vector<16xi1>, vector<16xi32>
          %gt3A_1593 = arith.cmpf ogt, %get3A_1551, %select_n3A_1543 : vector<16xf32>
          %select_n3A_1594 = arith.select %gt3A_1588, %select_n3A_1538, %get3A_1551 : vector<16xi1>, vector<16xf32>
          %select_n3A_1595 = arith.select %gt3A_1593, %select_n3A_1594, %select_n3A_1543 : vector<16xi1>, vector<16xf32>
          %select_n3A_1596 = arith.select %gt3A_1588, %select_n3A_1540, %get3A_1555 : vector<16xi1>, vector<16xi32>
          %select_n3A_1597 = arith.select %gt3A_1593, %select_n3A_1596, %select_n3A_1545 : vector<16xi1>, vector<16xi32>
          %scan3A_1598 = arith.constant 7 : i32
          %scan3A_1599 = arith.addi %scan3A_1220, %scan3A_1598 : i32
          %get3A_1600 = arith.index_cast %scan3A_1599 : i32 to index
          %get3A_1601 = arith.index_cast %mul3A_105 : i32 to index
          %get3A_1602 = tpu.vector_load %arg7[%get3A_1600, %get3A_1601] {strides = array<i32>} : memref<64x128xf32, #tpu.memory_space<vmem>>, vector<1x16xf32>,
          %get3A_1603 = vector.shape_cast %get3A_1602 : vector<1x16xf32> to vector<16xf32>
          %get3A_1604 = arith.index_cast %scan3A_1599 : i32 to index
          %get3A_1605 = arith.index_cast %mul3A_105 : i32 to index
          %get3A_1606 = tpu.vector_load %arg8[%get3A_1604, %get3A_1605] {strides = array<i32>} : memref<64x128xi32, #tpu.memory_space<vmem>>, vector<1x16xi32>,
          %get3A_1607 = vector.shape_cast %get3A_1606 : vector<1x16xi32> to vector<16xi32>
          %broadcast_in_dim3A_1608 = arith.constant false
          %broadcast_in_dim3A_1609 = vector.broadcast %broadcast_in_dim3A_1608 : i1 to vector<16xi1>
          %gt3A_1610 = arith.cmpf ogt, %get3A_1603, %select_n3A_1560 : vector<16xf32>
          %select_n3A_1611 = arith.select %broadcast_in_dim3A_1609, %select_n3A_1595, %get3A_1603 : vector<16xi1>, vector<16xf32>
          %select_n3A_1612 = arith.select %gt3A_1610, %select_n3A_1611, %select_n3A_1560 : vector<16xi1>, vector<16xf32>
          %select_n3A_1613 = arith.select %broadcast_in_dim3A_1609, %select_n3A_1597, %get3A_1607 : vector<16xi1>, vector<16xi32>
          %select_n3A_1614 = arith.select %gt3A_1610, %select_n3A_1613, %select_n3A_1562 : vector<16xi1>, vector<16xi32>
          %gt3A_1615 = arith.cmpf ogt, %get3A_1603, %select_n3A_1565 : vector<16xf32>
          %select_n3A_1616 = arith.select %gt3A_1610, %select_n3A_1560, %get3A_1603 : vector<16xi1>, vector<16xf32>
          %select_n3A_1617 = arith.select %gt3A_1615, %select_n3A_1616, %select_n3A_1565 : vector<16xi1>, vector<16xf32>
          %select_n3A_1618 = arith.select %gt3A_1610, %select_n3A_1562, %get3A_1607 : vector<16xi1>, vector<16xi32>
          %select_n3A_1619 = arith.select %gt3A_1615, %select_n3A_1618, %select_n3A_1567 : vector<16xi1>, vector<16xi32>
          %gt3A_1620 = arith.cmpf ogt, %get3A_1603, %select_n3A_1570 : vector<16xf32>
          %select_n3A_1621 = arith.select %gt3A_1615, %select_n3A_1565, %get3A_1603 : vector<16xi1>, vector<16xf32>
          %select_n3A_1622 = arith.select %gt3A_1620, %select_n3A_1621, %select_n3A_1570 : vector<16xi1>, vector<16xf32>
          %select_n3A_1623 = arith.select %gt3A_1615, %select_n3A_1567, %get3A_1607 : vector<16xi1>, vector<16xi32>
          %select_n3A_1624 = arith.select %gt3A_1620, %select_n3A_1623, %select_n3A_1572 : vector<16xi1>, vector<16xi32>
          %gt3A_1625 = arith.cmpf ogt, %get3A_1603, %select_n3A_1575 : vector<16xf32>
          %select_n3A_1626 = arith.select %gt3A_1620, %select_n3A_1570, %get3A_1603 : vector<16xi1>, vector<16xf32>
          %select_n3A_1627 = arith.select %gt3A_1625, %select_n3A_1626, %select_n3A_1575 : vector<16xi1>, vector<16xf32>
          %select_n3A_1628 = arith.select %gt3A_1620, %select_n3A_1572, %get3A_1607 : vector<16xi1>, vector<16xi32>
          %select_n3A_1629 = arith.select %gt3A_1625, %select_n3A_1628, %select_n3A_1577 : vector<16xi1>, vector<16xi32>
          %gt3A_1630 = arith.cmpf ogt, %get3A_1603, %select_n3A_1580 : vector<16xf32>
          %select_n3A_1631 = arith.select %gt3A_1625, %select_n3A_1575, %get3A_1603 : vector<16xi1>, vector<16xf32>
          %select_n3A_1632 = arith.select %gt3A_1630, %select_n3A_1631, %select_n3A_1580 : vector<16xi1>, vector<16xf32>
          %select_n3A_1633 = arith.select %gt3A_1625, %select_n3A_1577, %get3A_1607 : vector<16xi1>, vector<16xi32>
          %select_n3A_1634 = arith.select %gt3A_1630, %select_n3A_1633, %select_n3A_1582 : vector<16xi1>, vector<16xi32>
          %gt3A_1635 = arith.cmpf ogt, %get3A_1603, %select_n3A_1585 : vector<16xf32>
          %select_n3A_1636 = arith.select %gt3A_1630, %select_n3A_1580, %get3A_1603 : vector<16xi1>, vector<16xf32>
          %select_n3A_1637 = arith.select %gt3A_1635, %select_n3A_1636, %select_n3A_1585 : vector<16xi1>, vector<16xf32>
          %select_n3A_1638 = arith.select %gt3A_1630, %select_n3A_1582, %get3A_1607 : vector<16xi1>, vector<16xi32>
          %select_n3A_1639 = arith.select %gt3A_1635, %select_n3A_1638, %select_n3A_1587 : vector<16xi1>, vector<16xi32>
          %gt3A_1640 = arith.cmpf ogt, %get3A_1603, %select_n3A_1590 : vector<16xf32>
          %select_n3A_1641 = arith.select %gt3A_1635, %select_n3A_1585, %get3A_1603 : vector<16xi1>, vector<16xf32>
          %select_n3A_1642 = arith.select %gt3A_1640, %select_n3A_1641, %select_n3A_1590 : vector<16xi1>, vector<16xf32>
          %select_n3A_1643 = arith.select %gt3A_1635, %select_n3A_1587, %get3A_1607 : vector<16xi1>, vector<16xi32>
          %select_n3A_1644 = arith.select %gt3A_1640, %select_n3A_1643, %select_n3A_1592 : vector<16xi1>, vector<16xi32>
          %gt3A_1645 = arith.cmpf ogt, %get3A_1603, %select_n3A_1595 : vector<16xf32>
          %select_n3A_1646 = arith.select %gt3A_1640, %select_n3A_1590, %get3A_1603 : vector<16xi1>, vector<16xf32>
          %select_n3A_1647 = arith.select %gt3A_1645, %select_n3A_1646, %select_n3A_1595 : vector<16xi1>, vector<16xf32>
          %select_n3A_1648 = arith.select %gt3A_1640, %select_n3A_1592, %get3A_1607 : vector<16xi1>, vector<16xi32>
          %select_n3A_1649 = arith.select %gt3A_1645, %select_n3A_1648, %select_n3A_1597 : vector<16xi1>, vector<16xi32>
          scf.yield %select_n3A_1612, %select_n3A_1617, %select_n3A_1622, %select_n3A_1627, %select_n3A_1632, %select_n3A_1637, %select_n3A_1642, %select_n3A_1647, %select_n3A_1614, %select_n3A_1619, %select_n3A_1624, %select_n3A_1629, %select_n3A_1634, %select_n3A_1639, %select_n3A_1644, %select_n3A_1649 : vector<16xf32>, vector<16xf32>, vector<16xf32>, vector<16xf32>, vector<16xf32>, vector<16xf32>, vector<16xf32>, vector<16xf32>, vector<16xi32>, vector<16xi32>, vector<16xi32>, vector<16xi32>, vector<16xi32>, vector<16xi32>, vector<16xi32>, vector<16xi32>
        }
        %scan3A_142 = arith.constant 64 : i32
        %and3A = arith.constant 15 : i32
        %and3A_143 = vector.broadcast %and3A : i32 to vector<16xi32>
        %and3A_144 = arith.andi %scan3A_141#8, %and3A_143 : vector<16xi32>
        %shift_right_logical3A = arith.constant 4 : i32
        %shift_right_logical3A_145 = vector.broadcast %shift_right_logical3A : i32 to vector<16xi32>
        %shift_right_logical3A_146 = arith.shrui %scan3A_141#8, %shift_right_logical3A_145 : vector<16xi32>
        %broadcast_in_dim3A_147 = arith.constant 0.000000e+00 : f32
        %broadcast_in_dim3A_148 = vector.broadcast %broadcast_in_dim3A_147 : f32 to vector<16xf32>
        %reshape3A = vector.shape_cast %and3A_144 : vector<16xi32> to vector<16x1xi32>
        %gather3A = vector.shape_cast %reshape3A : vector<16x1xi32> to vector<16xi32>
        %gather3A_149 = tpu.dynamic_gather %get3A_4[%gather3A] in [0] : vector<16xf32>, vector<16xi32> -> vector<16xf32>
        %eq3A = arith.constant 0 : i32
        %eq3A_150 = vector.broadcast %eq3A : i32 to vector<16xi32>
        %eq3A_151 = arith.cmpi eq, %shift_right_logical3A_146, %eq3A_150 : vector<16xi32>
        %select_n3A = arith.select %eq3A_151, %gather3A_149, %broadcast_in_dim3A_148 : vector<16xi1>, vector<16xf32>
        %reshape3A_152 = vector.shape_cast %and3A_144 : vector<16xi32> to vector<16x1xi32>
        %gather3A_153 = vector.shape_cast %reshape3A_152 : vector<16x1xi32> to vector<16xi32>
        %gather3A_154 = tpu.dynamic_gather %get3A_9[%gather3A_153] in [0] : vector<16xf32>, vector<16xi32> -> vector<16xf32>
        %eq3A_155 = arith.constant 1 : i32
        %eq3A_156 = vector.broadcast %eq3A_155 : i32 to vector<16xi32>
        %eq3A_157 = arith.cmpi eq, %shift_right_logical3A_146, %eq3A_156 : vector<16xi32>
        %select_n3A_158 = arith.select %eq3A_157, %gather3A_154, %select_n3A : vector<16xi1>, vector<16xf32>
        %reshape3A_159 = vector.shape_cast %and3A_144 : vector<16xi32> to vector<16x1xi32>
        %gather3A_160 = vector.shape_cast %reshape3A_159 : vector<16x1xi32> to vector<16xi32>
        %gather3A_161 = tpu.dynamic_gather %get3A_14[%gather3A_160] in [0] : vector<16xf32>, vector<16xi32> -> vector<16xf32>
        %eq3A_162 = arith.constant 2 : i32
        %eq3A_163 = vector.broadcast %eq3A_162 : i32 to vector<16xi32>
        %eq3A_164 = arith.cmpi eq, %shift_right_logical3A_146, %eq3A_163 : vector<16xi32>
        %select_n3A_165 = arith.select %eq3A_164, %gather3A_161, %select_n3A_158 : vector<16xi1>, vector<16xf32>
        %reshape3A_166 = vector.shape_cast %and3A_144 : vector<16xi32> to vector<16x1xi32>
        %gather3A_167 = vector.shape_cast %reshape3A_166 : vector<16x1xi32> to vector<16xi32>
        %gather3A_168 = tpu.dynamic_gather %get3A_19[%gather3A_167] in [0] : vector<16xf32>, vector<16xi32> -> vector<16xf32>
        %eq3A_169 = arith.constant 3 : i32
        %eq3A_170 = vector.broadcast %eq3A_169 : i32 to vector<16xi32>
        %eq3A_171 = arith.cmpi eq, %shift_right_logical3A_146, %eq3A_170 : vector<16xi32>
        %select_n3A_172 = arith.select %eq3A_171, %gather3A_168, %select_n3A_165 : vector<16xi1>, vector<16xf32>
        %reshape3A_173 = vector.shape_cast %and3A_144 : vector<16xi32> to vector<16x1xi32>
        %gather3A_174 = vector.shape_cast %reshape3A_173 : vector<16x1xi32> to vector<16xi32>
        %gather3A_175 = tpu.dynamic_gather %get3A_24[%gather3A_174] in [0] : vector<16xf32>, vector<16xi32> -> vector<16xf32>
        %eq3A_176 = arith.constant 4 : i32
        %eq3A_177 = vector.broadcast %eq3A_176 : i32 to vector<16xi32>
        %eq3A_178 = arith.cmpi eq, %shift_right_logical3A_146, %eq3A_177 : vector<16xi32>
        %select_n3A_179 = arith.select %eq3A_178, %gather3A_175, %select_n3A_172 : vector<16xi1>, vector<16xf32>
        %reshape3A_180 = vector.shape_cast %and3A_144 : vector<16xi32> to vector<16x1xi32>
        %gather3A_181 = vector.shape_cast %reshape3A_180 : vector<16x1xi32> to vector<16xi32>
        %gather3A_182 = tpu.dynamic_gather %get3A_29[%gather3A_181] in [0] : vector<16xf32>, vector<16xi32> -> vector<16xf32>
        %eq3A_183 = arith.constant 5 : i32
        %eq3A_184 = vector.broadcast %eq3A_183 : i32 to vector<16xi32>
        %eq3A_185 = arith.cmpi eq, %shift_right_logical3A_146, %eq3A_184 : vector<16xi32>
        %select_n3A_186 = arith.select %eq3A_185, %gather3A_182, %select_n3A_179 : vector<16xi1>, vector<16xf32>
        %reshape3A_187 = vector.shape_cast %and3A_144 : vector<16xi32> to vector<16x1xi32>
        %gather3A_188 = vector.shape_cast %reshape3A_187 : vector<16x1xi32> to vector<16xi32>
        %gather3A_189 = tpu.dynamic_gather %get3A_34[%gather3A_188] in [0] : vector<16xf32>, vector<16xi32> -> vector<16xf32>
        %eq3A_190 = arith.constant 6 : i32
        %eq3A_191 = vector.broadcast %eq3A_190 : i32 to vector<16xi32>
        %eq3A_192 = arith.cmpi eq, %shift_right_logical3A_146, %eq3A_191 : vector<16xi32>
        %select_n3A_193 = arith.select %eq3A_192, %gather3A_189, %select_n3A_186 : vector<16xi1>, vector<16xf32>
        %reshape3A_194 = vector.shape_cast %and3A_144 : vector<16xi32> to vector<16x1xi32>
        %gather3A_195 = vector.shape_cast %reshape3A_194 : vector<16x1xi32> to vector<16xi32>
        %gather3A_196 = tpu.dynamic_gather %get3A_39[%gather3A_195] in [0] : vector<16xf32>, vector<16xi32> -> vector<16xf32>
        %eq3A_197 = arith.constant 7 : i32
        %eq3A_198 = vector.broadcast %eq3A_197 : i32 to vector<16xi32>
        %eq3A_199 = arith.cmpi eq, %shift_right_logical3A_146, %eq3A_198 : vector<16xi32>
        %select_n3A_200 = arith.select %eq3A_199, %gather3A_196, %select_n3A_193 : vector<16xi1>, vector<16xf32>
        %reshape3A_201 = vector.shape_cast %and3A_144 : vector<16xi32> to vector<16x1xi32>
        %gather3A_202 = vector.shape_cast %reshape3A_201 : vector<16x1xi32> to vector<16xi32>
        %gather3A_203 = tpu.dynamic_gather %get3A_44[%gather3A_202] in [0] : vector<16xf32>, vector<16xi32> -> vector<16xf32>
        %eq3A_204 = arith.constant 8 : i32
        %eq3A_205 = vector.broadcast %eq3A_204 : i32 to vector<16xi32>
        %eq3A_206 = arith.cmpi eq, %shift_right_logical3A_146, %eq3A_205 : vector<16xi32>
        %select_n3A_207 = arith.select %eq3A_206, %gather3A_203, %select_n3A_200 : vector<16xi1>, vector<16xf32>
        %reshape3A_208 = vector.shape_cast %and3A_144 : vector<16xi32> to vector<16x1xi32>
        %gather3A_209 = vector.shape_cast %reshape3A_208 : vector<16x1xi32> to vector<16xi32>
        %gather3A_210 = tpu.dynamic_gather %get3A_49[%gather3A_209] in [0] : vector<16xf32>, vector<16xi32> -> vector<16xf32>
        %eq3A_211 = arith.constant 9 : i32
        %eq3A_212 = vector.broadcast %eq3A_211 : i32 to vector<16xi32>
        %eq3A_213 = arith.cmpi eq, %shift_right_logical3A_146, %eq3A_212 : vector<16xi32>
        %select_n3A_214 = arith.select %eq3A_213, %gather3A_210, %select_n3A_207 : vector<16xi1>, vector<16xf32>
        %reshape3A_215 = vector.shape_cast %and3A_144 : vector<16xi32> to vector<16x1xi32>
        %gather3A_216 = vector.shape_cast %reshape3A_215 : vector<16x1xi32> to vector<16xi32>
        %gather3A_217 = tpu.dynamic_gather %get3A_54[%gather3A_216] in [0] : vector<16xf32>, vector<16xi32> -> vector<16xf32>
        %eq3A_218 = arith.constant 10 : i32
        %eq3A_219 = vector.broadcast %eq3A_218 : i32 to vector<16xi32>
        %eq3A_220 = arith.cmpi eq, %shift_right_logical3A_146, %eq3A_219 : vector<16xi32>
        %select_n3A_221 = arith.select %eq3A_220, %gather3A_217, %select_n3A_214 : vector<16xi1>, vector<16xf32>
        %reshape3A_222 = vector.shape_cast %and3A_144 : vector<16xi32> to vector<16x1xi32>
        %gather3A_223 = vector.shape_cast %reshape3A_222 : vector<16x1xi32> to vector<16xi32>
        %gather3A_224 = tpu.dynamic_gather %get3A_59[%gather3A_223] in [0] : vector<16xf32>, vector<16xi32> -> vector<16xf32>
        %eq3A_225 = arith.constant 11 : i32
        %eq3A_226 = vector.broadcast %eq3A_225 : i32 to vector<16xi32>
        %eq3A_227 = arith.cmpi eq, %shift_right_logical3A_146, %eq3A_226 : vector<16xi32>
        %select_n3A_228 = arith.select %eq3A_227, %gather3A_224, %select_n3A_221 : vector<16xi1>, vector<16xf32>
        %reshape3A_229 = vector.shape_cast %and3A_144 : vector<16xi32> to vector<16x1xi32>
        %gather3A_230 = vector.shape_cast %reshape3A_229 : vector<16x1xi32> to vector<16xi32>
        %gather3A_231 = tpu.dynamic_gather %get3A_64[%gather3A_230] in [0] : vector<16xf32>, vector<16xi32> -> vector<16xf32>
        %eq3A_232 = arith.constant 12 : i32
        %eq3A_233 = vector.broadcast %eq3A_232 : i32 to vector<16xi32>
        %eq3A_234 = arith.cmpi eq, %shift_right_logical3A_146, %eq3A_233 : vector<16xi32>
        %select_n3A_235 = arith.select %eq3A_234, %gather3A_231, %select_n3A_228 : vector<16xi1>, vector<16xf32>
        %reshape3A_236 = vector.shape_cast %and3A_144 : vector<16xi32> to vector<16x1xi32>
        %gather3A_237 = vector.shape_cast %reshape3A_236 : vector<16x1xi32> to vector<16xi32>
        %gather3A_238 = tpu.dynamic_gather %get3A_69[%gather3A_237] in [0] : vector<16xf32>, vector<16xi32> -> vector<16xf32>
        %eq3A_239 = arith.constant 13 : i32
        %eq3A_240 = vector.broadcast %eq3A_239 : i32 to vector<16xi32>
        %eq3A_241 = arith.cmpi eq, %shift_right_logical3A_146, %eq3A_240 : vector<16xi32>
        %select_n3A_242 = arith.select %eq3A_241, %gather3A_238, %select_n3A_235 : vector<16xi1>, vector<16xf32>
        %reshape3A_243 = vector.shape_cast %and3A_144 : vector<16xi32> to vector<16x1xi32>
        %gather3A_244 = vector.shape_cast %reshape3A_243 : vector<16x1xi32> to vector<16xi32>
        %gather3A_245 = tpu.dynamic_gather %get3A_74[%gather3A_244] in [0] : vector<16xf32>, vector<16xi32> -> vector<16xf32>
        %eq3A_246 = arith.constant 14 : i32
        %eq3A_247 = vector.broadcast %eq3A_246 : i32 to vector<16xi32>
        %eq3A_248 = arith.cmpi eq, %shift_right_logical3A_146, %eq3A_247 : vector<16xi32>
        %select_n3A_249 = arith.select %eq3A_248, %gather3A_245, %select_n3A_242 : vector<16xi1>, vector<16xf32>
        %reshape3A_250 = vector.shape_cast %and3A_144 : vector<16xi32> to vector<16x1xi32>
        %gather3A_251 = vector.shape_cast %reshape3A_250 : vector<16x1xi32> to vector<16xi32>
        %gather3A_252 = tpu.dynamic_gather %get3A_79[%gather3A_251] in [0] : vector<16xf32>, vector<16xi32> -> vector<16xf32>
        %eq3A_253 = arith.constant 15 : i32
        %eq3A_254 = vector.broadcast %eq3A_253 : i32 to vector<16xi32>
        %eq3A_255 = arith.cmpi eq, %shift_right_logical3A_146, %eq3A_254 : vector<16xi32>
        %select_n3A_256 = arith.select %eq3A_255, %gather3A_252, %select_n3A_249 : vector<16xi1>, vector<16xf32>
        %sub3A = arith.subf %scan3A_141#0, %select_n3A_256 : vector<16xf32>
        %and3A_257 = arith.constant 15 : i32
        %and3A_258 = vector.broadcast %and3A_257 : i32 to vector<16xi32>
        %and3A_259 = arith.andi %scan3A_141#9, %and3A_258 : vector<16xi32>
        %shift_right_logical3A_260 = arith.constant 4 : i32
        %shift_right_logical3A_261 = vector.broadcast %shift_right_logical3A_260 : i32 to vector<16xi32>
        %shift_right_logical3A_262 = arith.shrui %scan3A_141#9, %shift_right_logical3A_261 : vector<16xi32>
        %broadcast_in_dim3A_263 = arith.constant 0.000000e+00 : f32
        %broadcast_in_dim3A_264 = vector.broadcast %broadcast_in_dim3A_263 : f32 to vector<16xf32>
        %reshape3A_265 = vector.shape_cast %and3A_259 : vector<16xi32> to vector<16x1xi32>
        %gather3A_266 = vector.shape_cast %reshape3A_265 : vector<16x1xi32> to vector<16xi32>
        %gather3A_267 = tpu.dynamic_gather %get3A_4[%gather3A_266] in [0] : vector<16xf32>, vector<16xi32> -> vector<16xf32>
        %eq3A_268 = arith.constant 0 : i32
        %eq3A_269 = vector.broadcast %eq3A_268 : i32 to vector<16xi32>
        %eq3A_270 = arith.cmpi eq, %shift_right_logical3A_262, %eq3A_269 : vector<16xi32>
        %select_n3A_271 = arith.select %eq3A_270, %gather3A_267, %broadcast_in_dim3A_264 : vector<16xi1>, vector<16xf32>
        %reshape3A_272 = vector.shape_cast %and3A_259 : vector<16xi32> to vector<16x1xi32>
        %gather3A_273 = vector.shape_cast %reshape3A_272 : vector<16x1xi32> to vector<16xi32>
        %gather3A_274 = tpu.dynamic_gather %get3A_9[%gather3A_273] in [0] : vector<16xf32>, vector<16xi32> -> vector<16xf32>
        %eq3A_275 = arith.constant 1 : i32
        %eq3A_276 = vector.broadcast %eq3A_275 : i32 to vector<16xi32>
        %eq3A_277 = arith.cmpi eq, %shift_right_logical3A_262, %eq3A_276 : vector<16xi32>
        %select_n3A_278 = arith.select %eq3A_277, %gather3A_274, %select_n3A_271 : vector<16xi1>, vector<16xf32>
        %reshape3A_279 = vector.shape_cast %and3A_259 : vector<16xi32> to vector<16x1xi32>
        %gather3A_280 = vector.shape_cast %reshape3A_279 : vector<16x1xi32> to vector<16xi32>
        %gather3A_281 = tpu.dynamic_gather %get3A_14[%gather3A_280] in [0] : vector<16xf32>, vector<16xi32> -> vector<16xf32>
        %eq3A_282 = arith.constant 2 : i32
        %eq3A_283 = vector.broadcast %eq3A_282 : i32 to vector<16xi32>
        %eq3A_284 = arith.cmpi eq, %shift_right_logical3A_262, %eq3A_283 : vector<16xi32>
        %select_n3A_285 = arith.select %eq3A_284, %gather3A_281, %select_n3A_278 : vector<16xi1>, vector<16xf32>
        %reshape3A_286 = vector.shape_cast %and3A_259 : vector<16xi32> to vector<16x1xi32>
        %gather3A_287 = vector.shape_cast %reshape3A_286 : vector<16x1xi32> to vector<16xi32>
        %gather3A_288 = tpu.dynamic_gather %get3A_19[%gather3A_287] in [0] : vector<16xf32>, vector<16xi32> -> vector<16xf32>
        %eq3A_289 = arith.constant 3 : i32
        %eq3A_290 = vector.broadcast %eq3A_289 : i32 to vector<16xi32>
        %eq3A_291 = arith.cmpi eq, %shift_right_logical3A_262, %eq3A_290 : vector<16xi32>
        %select_n3A_292 = arith.select %eq3A_291, %gather3A_288, %select_n3A_285 : vector<16xi1>, vector<16xf32>
        %reshape3A_293 = vector.shape_cast %and3A_259 : vector<16xi32> to vector<16x1xi32>
        %gather3A_294 = vector.shape_cast %reshape3A_293 : vector<16x1xi32> to vector<16xi32>
        %gather3A_295 = tpu.dynamic_gather %get3A_24[%gather3A_294] in [0] : vector<16xf32>, vector<16xi32> -> vector<16xf32>
        %eq3A_296 = arith.constant 4 : i32
        %eq3A_297 = vector.broadcast %eq3A_296 : i32 to vector<16xi32>
        %eq3A_298 = arith.cmpi eq, %shift_right_logical3A_262, %eq3A_297 : vector<16xi32>
        %select_n3A_299 = arith.select %eq3A_298, %gather3A_295, %select_n3A_292 : vector<16xi1>, vector<16xf32>
        %reshape3A_300 = vector.shape_cast %and3A_259 : vector<16xi32> to vector<16x1xi32>
        %gather3A_301 = vector.shape_cast %reshape3A_300 : vector<16x1xi32> to vector<16xi32>
        %gather3A_302 = tpu.dynamic_gather %get3A_29[%gather3A_301] in [0] : vector<16xf32>, vector<16xi32> -> vector<16xf32>
        %eq3A_303 = arith.constant 5 : i32
        %eq3A_304 = vector.broadcast %eq3A_303 : i32 to vector<16xi32>
        %eq3A_305 = arith.cmpi eq, %shift_right_logical3A_262, %eq3A_304 : vector<16xi32>
        %select_n3A_306 = arith.select %eq3A_305, %gather3A_302, %select_n3A_299 : vector<16xi1>, vector<16xf32>
        %reshape3A_307 = vector.shape_cast %and3A_259 : vector<16xi32> to vector<16x1xi32>
        %gather3A_308 = vector.shape_cast %reshape3A_307 : vector<16x1xi32> to vector<16xi32>
        %gather3A_309 = tpu.dynamic_gather %get3A_34[%gather3A_308] in [0] : vector<16xf32>, vector<16xi32> -> vector<16xf32>
        %eq3A_310 = arith.constant 6 : i32
        %eq3A_311 = vector.broadcast %eq3A_310 : i32 to vector<16xi32>
        %eq3A_312 = arith.cmpi eq, %shift_right_logical3A_262, %eq3A_311 : vector<16xi32>
        %select_n3A_313 = arith.select %eq3A_312, %gather3A_309, %select_n3A_306 : vector<16xi1>, vector<16xf32>
        %reshape3A_314 = vector.shape_cast %and3A_259 : vector<16xi32> to vector<16x1xi32>
        %gather3A_315 = vector.shape_cast %reshape3A_314 : vector<16x1xi32> to vector<16xi32>
        %gather3A_316 = tpu.dynamic_gather %get3A_39[%gather3A_315] in [0] : vector<16xf32>, vector<16xi32> -> vector<16xf32>
        %eq3A_317 = arith.constant 7 : i32
        %eq3A_318 = vector.broadcast %eq3A_317 : i32 to vector<16xi32>
        %eq3A_319 = arith.cmpi eq, %shift_right_logical3A_262, %eq3A_318 : vector<16xi32>
        %select_n3A_320 = arith.select %eq3A_319, %gather3A_316, %select_n3A_313 : vector<16xi1>, vector<16xf32>
        %reshape3A_321 = vector.shape_cast %and3A_259 : vector<16xi32> to vector<16x1xi32>
        %gather3A_322 = vector.shape_cast %reshape3A_321 : vector<16x1xi32> to vector<16xi32>
        %gather3A_323 = tpu.dynamic_gather %get3A_44[%gather3A_322] in [0] : vector<16xf32>, vector<16xi32> -> vector<16xf32>
        %eq3A_324 = arith.constant 8 : i32
        %eq3A_325 = vector.broadcast %eq3A_324 : i32 to vector<16xi32>
        %eq3A_326 = arith.cmpi eq, %shift_right_logical3A_262, %eq3A_325 : vector<16xi32>
        %select_n3A_327 = arith.select %eq3A_326, %gather3A_323, %select_n3A_320 : vector<16xi1>, vector<16xf32>
        %reshape3A_328 = vector.shape_cast %and3A_259 : vector<16xi32> to vector<16x1xi32>
        %gather3A_329 = vector.shape_cast %reshape3A_328 : vector<16x1xi32> to vector<16xi32>
        %gather3A_330 = tpu.dynamic_gather %get3A_49[%gather3A_329] in [0] : vector<16xf32>, vector<16xi32> -> vector<16xf32>
        %eq3A_331 = arith.constant 9 : i32
        %eq3A_332 = vector.broadcast %eq3A_331 : i32 to vector<16xi32>
        %eq3A_333 = arith.cmpi eq, %shift_right_logical3A_262, %eq3A_332 : vector<16xi32>
        %select_n3A_334 = arith.select %eq3A_333, %gather3A_330, %select_n3A_327 : vector<16xi1>, vector<16xf32>
        %reshape3A_335 = vector.shape_cast %and3A_259 : vector<16xi32> to vector<16x1xi32>
        %gather3A_336 = vector.shape_cast %reshape3A_335 : vector<16x1xi32> to vector<16xi32>
        %gather3A_337 = tpu.dynamic_gather %get3A_54[%gather3A_336] in [0] : vector<16xf32>, vector<16xi32> -> vector<16xf32>
        %eq3A_338 = arith.constant 10 : i32
        %eq3A_339 = vector.broadcast %eq3A_338 : i32 to vector<16xi32>
        %eq3A_340 = arith.cmpi eq, %shift_right_logical3A_262, %eq3A_339 : vector<16xi32>
        %select_n3A_341 = arith.select %eq3A_340, %gather3A_337, %select_n3A_334 : vector<16xi1>, vector<16xf32>
        %reshape3A_342 = vector.shape_cast %and3A_259 : vector<16xi32> to vector<16x1xi32>
        %gather3A_343 = vector.shape_cast %reshape3A_342 : vector<16x1xi32> to vector<16xi32>
        %gather3A_344 = tpu.dynamic_gather %get3A_59[%gather3A_343] in [0] : vector<16xf32>, vector<16xi32> -> vector<16xf32>
        %eq3A_345 = arith.constant 11 : i32
        %eq3A_346 = vector.broadcast %eq3A_345 : i32 to vector<16xi32>
        %eq3A_347 = arith.cmpi eq, %shift_right_logical3A_262, %eq3A_346 : vector<16xi32>
        %select_n3A_348 = arith.select %eq3A_347, %gather3A_344, %select_n3A_341 : vector<16xi1>, vector<16xf32>
        %reshape3A_349 = vector.shape_cast %and3A_259 : vector<16xi32> to vector<16x1xi32>
        %gather3A_350 = vector.shape_cast %reshape3A_349 : vector<16x1xi32> to vector<16xi32>
        %gather3A_351 = tpu.dynamic_gather %get3A_64[%gather3A_350] in [0] : vector<16xf32>, vector<16xi32> -> vector<16xf32>
        %eq3A_352 = arith.constant 12 : i32
        %eq3A_353 = vector.broadcast %eq3A_352 : i32 to vector<16xi32>
        %eq3A_354 = arith.cmpi eq, %shift_right_logical3A_262, %eq3A_353 : vector<16xi32>
        %select_n3A_355 = arith.select %eq3A_354, %gather3A_351, %select_n3A_348 : vector<16xi1>, vector<16xf32>
        %reshape3A_356 = vector.shape_cast %and3A_259 : vector<16xi32> to vector<16x1xi32>
        %gather3A_357 = vector.shape_cast %reshape3A_356 : vector<16x1xi32> to vector<16xi32>
        %gather3A_358 = tpu.dynamic_gather %get3A_69[%gather3A_357] in [0] : vector<16xf32>, vector<16xi32> -> vector<16xf32>
        %eq3A_359 = arith.constant 13 : i32
        %eq3A_360 = vector.broadcast %eq3A_359 : i32 to vector<16xi32>
        %eq3A_361 = arith.cmpi eq, %shift_right_logical3A_262, %eq3A_360 : vector<16xi32>
        %select_n3A_362 = arith.select %eq3A_361, %gather3A_358, %select_n3A_355 : vector<16xi1>, vector<16xf32>
        %reshape3A_363 = vector.shape_cast %and3A_259 : vector<16xi32> to vector<16x1xi32>
        %gather3A_364 = vector.shape_cast %reshape3A_363 : vector<16x1xi32> to vector<16xi32>
        %gather3A_365 = tpu.dynamic_gather %get3A_74[%gather3A_364] in [0] : vector<16xf32>, vector<16xi32> -> vector<16xf32>
        %eq3A_366 = arith.constant 14 : i32
        %eq3A_367 = vector.broadcast %eq3A_366 : i32 to vector<16xi32>
        %eq3A_368 = arith.cmpi eq, %shift_right_logical3A_262, %eq3A_367 : vector<16xi32>
        %select_n3A_369 = arith.select %eq3A_368, %gather3A_365, %select_n3A_362 : vector<16xi1>, vector<16xf32>
        %reshape3A_370 = vector.shape_cast %and3A_259 : vector<16xi32> to vector<16x1xi32>
        %gather3A_371 = vector.shape_cast %reshape3A_370 : vector<16x1xi32> to vector<16xi32>
        %gather3A_372 = tpu.dynamic_gather %get3A_79[%gather3A_371] in [0] : vector<16xf32>, vector<16xi32> -> vector<16xf32>
        %eq3A_373 = arith.constant 15 : i32
        %eq3A_374 = vector.broadcast %eq3A_373 : i32 to vector<16xi32>
        %eq3A_375 = arith.cmpi eq, %shift_right_logical3A_262, %eq3A_374 : vector<16xi32>
        %select_n3A_376 = arith.select %eq3A_375, %gather3A_372, %select_n3A_369 : vector<16xi1>, vector<16xf32>
        %sub3A_377 = arith.subf %scan3A_141#1, %select_n3A_376 : vector<16xf32>
        %and3A_378 = arith.constant 15 : i32
        %and3A_379 = vector.broadcast %and3A_378 : i32 to vector<16xi32>
        %and3A_380 = arith.andi %scan3A_141#10, %and3A_379 : vector<16xi32>
        %shift_right_logical3A_381 = arith.constant 4 : i32
        %shift_right_logical3A_382 = vector.broadcast %shift_right_logical3A_381 : i32 to vector<16xi32>
        %shift_right_logical3A_383 = arith.shrui %scan3A_141#10, %shift_right_logical3A_382 : vector<16xi32>
        %broadcast_in_dim3A_384 = arith.constant 0.000000e+00 : f32
        %broadcast_in_dim3A_385 = vector.broadcast %broadcast_in_dim3A_384 : f32 to vector<16xf32>
        %reshape3A_386 = vector.shape_cast %and3A_380 : vector<16xi32> to vector<16x1xi32>
        %gather3A_387 = vector.shape_cast %reshape3A_386 : vector<16x1xi32> to vector<16xi32>
        %gather3A_388 = tpu.dynamic_gather %get3A_4[%gather3A_387] in [0] : vector<16xf32>, vector<16xi32> -> vector<16xf32>
        %eq3A_389 = arith.constant 0 : i32
        %eq3A_390 = vector.broadcast %eq3A_389 : i32 to vector<16xi32>
        %eq3A_391 = arith.cmpi eq, %shift_right_logical3A_383, %eq3A_390 : vector<16xi32>
        %select_n3A_392 = arith.select %eq3A_391, %gather3A_388, %broadcast_in_dim3A_385 : vector<16xi1>, vector<16xf32>
        %reshape3A_393 = vector.shape_cast %and3A_380 : vector<16xi32> to vector<16x1xi32>
        %gather3A_394 = vector.shape_cast %reshape3A_393 : vector<16x1xi32> to vector<16xi32>
        %gather3A_395 = tpu.dynamic_gather %get3A_9[%gather3A_394] in [0] : vector<16xf32>, vector<16xi32> -> vector<16xf32>
        %eq3A_396 = arith.constant 1 : i32
        %eq3A_397 = vector.broadcast %eq3A_396 : i32 to vector<16xi32>
        %eq3A_398 = arith.cmpi eq, %shift_right_logical3A_383, %eq3A_397 : vector<16xi32>
        %select_n3A_399 = arith.select %eq3A_398, %gather3A_395, %select_n3A_392 : vector<16xi1>, vector<16xf32>
        %reshape3A_400 = vector.shape_cast %and3A_380 : vector<16xi32> to vector<16x1xi32>
        %gather3A_401 = vector.shape_cast %reshape3A_400 : vector<16x1xi32> to vector<16xi32>
        %gather3A_402 = tpu.dynamic_gather %get3A_14[%gather3A_401] in [0] : vector<16xf32>, vector<16xi32> -> vector<16xf32>
        %eq3A_403 = arith.constant 2 : i32
        %eq3A_404 = vector.broadcast %eq3A_403 : i32 to vector<16xi32>
        %eq3A_405 = arith.cmpi eq, %shift_right_logical3A_383, %eq3A_404 : vector<16xi32>
        %select_n3A_406 = arith.select %eq3A_405, %gather3A_402, %select_n3A_399 : vector<16xi1>, vector<16xf32>
        %reshape3A_407 = vector.shape_cast %and3A_380 : vector<16xi32> to vector<16x1xi32>
        %gather3A_408 = vector.shape_cast %reshape3A_407 : vector<16x1xi32> to vector<16xi32>
        %gather3A_409 = tpu.dynamic_gather %get3A_19[%gather3A_408] in [0] : vector<16xf32>, vector<16xi32> -> vector<16xf32>
        %eq3A_410 = arith.constant 3 : i32
        %eq3A_411 = vector.broadcast %eq3A_410 : i32 to vector<16xi32>
        %eq3A_412 = arith.cmpi eq, %shift_right_logical3A_383, %eq3A_411 : vector<16xi32>
        %select_n3A_413 = arith.select %eq3A_412, %gather3A_409, %select_n3A_406 : vector<16xi1>, vector<16xf32>
        %reshape3A_414 = vector.shape_cast %and3A_380 : vector<16xi32> to vector<16x1xi32>
        %gather3A_415 = vector.shape_cast %reshape3A_414 : vector<16x1xi32> to vector<16xi32>
        %gather3A_416 = tpu.dynamic_gather %get3A_24[%gather3A_415] in [0] : vector<16xf32>, vector<16xi32> -> vector<16xf32>
        %eq3A_417 = arith.constant 4 : i32
        %eq3A_418 = vector.broadcast %eq3A_417 : i32 to vector<16xi32>
        %eq3A_419 = arith.cmpi eq, %shift_right_logical3A_383, %eq3A_418 : vector<16xi32>
        %select_n3A_420 = arith.select %eq3A_419, %gather3A_416, %select_n3A_413 : vector<16xi1>, vector<16xf32>
        %reshape3A_421 = vector.shape_cast %and3A_380 : vector<16xi32> to vector<16x1xi32>
        %gather3A_422 = vector.shape_cast %reshape3A_421 : vector<16x1xi32> to vector<16xi32>
        %gather3A_423 = tpu.dynamic_gather %get3A_29[%gather3A_422] in [0] : vector<16xf32>, vector<16xi32> -> vector<16xf32>
        %eq3A_424 = arith.constant 5 : i32
        %eq3A_425 = vector.broadcast %eq3A_424 : i32 to vector<16xi32>
        %eq3A_426 = arith.cmpi eq, %shift_right_logical3A_383, %eq3A_425 : vector<16xi32>
        %select_n3A_427 = arith.select %eq3A_426, %gather3A_423, %select_n3A_420 : vector<16xi1>, vector<16xf32>
        %reshape3A_428 = vector.shape_cast %and3A_380 : vector<16xi32> to vector<16x1xi32>
        %gather3A_429 = vector.shape_cast %reshape3A_428 : vector<16x1xi32> to vector<16xi32>
        %gather3A_430 = tpu.dynamic_gather %get3A_34[%gather3A_429] in [0] : vector<16xf32>, vector<16xi32> -> vector<16xf32>
        %eq3A_431 = arith.constant 6 : i32
        %eq3A_432 = vector.broadcast %eq3A_431 : i32 to vector<16xi32>
        %eq3A_433 = arith.cmpi eq, %shift_right_logical3A_383, %eq3A_432 : vector<16xi32>
        %select_n3A_434 = arith.select %eq3A_433, %gather3A_430, %select_n3A_427 : vector<16xi1>, vector<16xf32>
        %reshape3A_435 = vector.shape_cast %and3A_380 : vector<16xi32> to vector<16x1xi32>
        %gather3A_436 = vector.shape_cast %reshape3A_435 : vector<16x1xi32> to vector<16xi32>
        %gather3A_437 = tpu.dynamic_gather %get3A_39[%gather3A_436] in [0] : vector<16xf32>, vector<16xi32> -> vector<16xf32>
        %eq3A_438 = arith.constant 7 : i32
        %eq3A_439 = vector.broadcast %eq3A_438 : i32 to vector<16xi32>
        %eq3A_440 = arith.cmpi eq, %shift_right_logical3A_383, %eq3A_439 : vector<16xi32>
        %select_n3A_441 = arith.select %eq3A_440, %gather3A_437, %select_n3A_434 : vector<16xi1>, vector<16xf32>
        %reshape3A_442 = vector.shape_cast %and3A_380 : vector<16xi32> to vector<16x1xi32>
        %gather3A_443 = vector.shape_cast %reshape3A_442 : vector<16x1xi32> to vector<16xi32>
        %gather3A_444 = tpu.dynamic_gather %get3A_44[%gather3A_443] in [0] : vector<16xf32>, vector<16xi32> -> vector<16xf32>
        %eq3A_445 = arith.constant 8 : i32
        %eq3A_446 = vector.broadcast %eq3A_445 : i32 to vector<16xi32>
        %eq3A_447 = arith.cmpi eq, %shift_right_logical3A_383, %eq3A_446 : vector<16xi32>
        %select_n3A_448 = arith.select %eq3A_447, %gather3A_444, %select_n3A_441 : vector<16xi1>, vector<16xf32>
        %reshape3A_449 = vector.shape_cast %and3A_380 : vector<16xi32> to vector<16x1xi32>
        %gather3A_450 = vector.shape_cast %reshape3A_449 : vector<16x1xi32> to vector<16xi32>
        %gather3A_451 = tpu.dynamic_gather %get3A_49[%gather3A_450] in [0] : vector<16xf32>, vector<16xi32> -> vector<16xf32>
        %eq3A_452 = arith.constant 9 : i32
        %eq3A_453 = vector.broadcast %eq3A_452 : i32 to vector<16xi32>
        %eq3A_454 = arith.cmpi eq, %shift_right_logical3A_383, %eq3A_453 : vector<16xi32>
        %select_n3A_455 = arith.select %eq3A_454, %gather3A_451, %select_n3A_448 : vector<16xi1>, vector<16xf32>
        %reshape3A_456 = vector.shape_cast %and3A_380 : vector<16xi32> to vector<16x1xi32>
        %gather3A_457 = vector.shape_cast %reshape3A_456 : vector<16x1xi32> to vector<16xi32>
        %gather3A_458 = tpu.dynamic_gather %get3A_54[%gather3A_457] in [0] : vector<16xf32>, vector<16xi32> -> vector<16xf32>
        %eq3A_459 = arith.constant 10 : i32
        %eq3A_460 = vector.broadcast %eq3A_459 : i32 to vector<16xi32>
        %eq3A_461 = arith.cmpi eq, %shift_right_logical3A_383, %eq3A_460 : vector<16xi32>
        %select_n3A_462 = arith.select %eq3A_461, %gather3A_458, %select_n3A_455 : vector<16xi1>, vector<16xf32>
        %reshape3A_463 = vector.shape_cast %and3A_380 : vector<16xi32> to vector<16x1xi32>
        %gather3A_464 = vector.shape_cast %reshape3A_463 : vector<16x1xi32> to vector<16xi32>
        %gather3A_465 = tpu.dynamic_gather %get3A_59[%gather3A_464] in [0] : vector<16xf32>, vector<16xi32> -> vector<16xf32>
        %eq3A_466 = arith.constant 11 : i32
        %eq3A_467 = vector.broadcast %eq3A_466 : i32 to vector<16xi32>
        %eq3A_468 = arith.cmpi eq, %shift_right_logical3A_383, %eq3A_467 : vector<16xi32>
        %select_n3A_469 = arith.select %eq3A_468, %gather3A_465, %select_n3A_462 : vector<16xi1>, vector<16xf32>
        %reshape3A_470 = vector.shape_cast %and3A_380 : vector<16xi32> to vector<16x1xi32>
        %gather3A_471 = vector.shape_cast %reshape3A_470 : vector<16x1xi32> to vector<16xi32>
        %gather3A_472 = tpu.dynamic_gather %get3A_64[%gather3A_471] in [0] : vector<16xf32>, vector<16xi32> -> vector<16xf32>
        %eq3A_473 = arith.constant 12 : i32
        %eq3A_474 = vector.broadcast %eq3A_473 : i32 to vector<16xi32>
        %eq3A_475 = arith.cmpi eq, %shift_right_logical3A_383, %eq3A_474 : vector<16xi32>
        %select_n3A_476 = arith.select %eq3A_475, %gather3A_472, %select_n3A_469 : vector<16xi1>, vector<16xf32>
        %reshape3A_477 = vector.shape_cast %and3A_380 : vector<16xi32> to vector<16x1xi32>
        %gather3A_478 = vector.shape_cast %reshape3A_477 : vector<16x1xi32> to vector<16xi32>
        %gather3A_479 = tpu.dynamic_gather %get3A_69[%gather3A_478] in [0] : vector<16xf32>, vector<16xi32> -> vector<16xf32>
        %eq3A_480 = arith.constant 13 : i32
        %eq3A_481 = vector.broadcast %eq3A_480 : i32 to vector<16xi32>
        %eq3A_482 = arith.cmpi eq, %shift_right_logical3A_383, %eq3A_481 : vector<16xi32>
        %select_n3A_483 = arith.select %eq3A_482, %gather3A_479, %select_n3A_476 : vector<16xi1>, vector<16xf32>
        %reshape3A_484 = vector.shape_cast %and3A_380 : vector<16xi32> to vector<16x1xi32>
        %gather3A_485 = vector.shape_cast %reshape3A_484 : vector<16x1xi32> to vector<16xi32>
        %gather3A_486 = tpu.dynamic_gather %get3A_74[%gather3A_485] in [0] : vector<16xf32>, vector<16xi32> -> vector<16xf32>
        %eq3A_487 = arith.constant 14 : i32
        %eq3A_488 = vector.broadcast %eq3A_487 : i32 to vector<16xi32>
        %eq3A_489 = arith.cmpi eq, %shift_right_logical3A_383, %eq3A_488 : vector<16xi32>
        %select_n3A_490 = arith.select %eq3A_489, %gather3A_486, %select_n3A_483 : vector<16xi1>, vector<16xf32>
        %reshape3A_491 = vector.shape_cast %and3A_380 : vector<16xi32> to vector<16x1xi32>
        %gather3A_492 = vector.shape_cast %reshape3A_491 : vector<16x1xi32> to vector<16xi32>
        %gather3A_493 = tpu.dynamic_gather %get3A_79[%gather3A_492] in [0] : vector<16xf32>, vector<16xi32> -> vector<16xf32>
        %eq3A_494 = arith.constant 15 : i32
        %eq3A_495 = vector.broadcast %eq3A_494 : i32 to vector<16xi32>
        %eq3A_496 = arith.cmpi eq, %shift_right_logical3A_383, %eq3A_495 : vector<16xi32>
        %select_n3A_497 = arith.select %eq3A_496, %gather3A_493, %select_n3A_490 : vector<16xi1>, vector<16xf32>
        %sub3A_498 = arith.subf %scan3A_141#2, %select_n3A_497 : vector<16xf32>
        %and3A_499 = arith.constant 15 : i32
        %and3A_500 = vector.broadcast %and3A_499 : i32 to vector<16xi32>
        %and3A_501 = arith.andi %scan3A_141#11, %and3A_500 : vector<16xi32>
        %shift_right_logical3A_502 = arith.constant 4 : i32
        %shift_right_logical3A_503 = vector.broadcast %shift_right_logical3A_502 : i32 to vector<16xi32>
        %shift_right_logical3A_504 = arith.shrui %scan3A_141#11, %shift_right_logical3A_503 : vector<16xi32>
        %broadcast_in_dim3A_505 = arith.constant 0.000000e+00 : f32
        %broadcast_in_dim3A_506 = vector.broadcast %broadcast_in_dim3A_505 : f32 to vector<16xf32>
        %reshape3A_507 = vector.shape_cast %and3A_501 : vector<16xi32> to vector<16x1xi32>
        %gather3A_508 = vector.shape_cast %reshape3A_507 : vector<16x1xi32> to vector<16xi32>
        %gather3A_509 = tpu.dynamic_gather %get3A_4[%gather3A_508] in [0] : vector<16xf32>, vector<16xi32> -> vector<16xf32>
        %eq3A_510 = arith.constant 0 : i32
        %eq3A_511 = vector.broadcast %eq3A_510 : i32 to vector<16xi32>
        %eq3A_512 = arith.cmpi eq, %shift_right_logical3A_504, %eq3A_511 : vector<16xi32>
        %select_n3A_513 = arith.select %eq3A_512, %gather3A_509, %broadcast_in_dim3A_506 : vector<16xi1>, vector<16xf32>
        %reshape3A_514 = vector.shape_cast %and3A_501 : vector<16xi32> to vector<16x1xi32>
        %gather3A_515 = vector.shape_cast %reshape3A_514 : vector<16x1xi32> to vector<16xi32>
        %gather3A_516 = tpu.dynamic_gather %get3A_9[%gather3A_515] in [0] : vector<16xf32>, vector<16xi32> -> vector<16xf32>
        %eq3A_517 = arith.constant 1 : i32
        %eq3A_518 = vector.broadcast %eq3A_517 : i32 to vector<16xi32>
        %eq3A_519 = arith.cmpi eq, %shift_right_logical3A_504, %eq3A_518 : vector<16xi32>
        %select_n3A_520 = arith.select %eq3A_519, %gather3A_516, %select_n3A_513 : vector<16xi1>, vector<16xf32>
        %reshape3A_521 = vector.shape_cast %and3A_501 : vector<16xi32> to vector<16x1xi32>
        %gather3A_522 = vector.shape_cast %reshape3A_521 : vector<16x1xi32> to vector<16xi32>
        %gather3A_523 = tpu.dynamic_gather %get3A_14[%gather3A_522] in [0] : vector<16xf32>, vector<16xi32> -> vector<16xf32>
        %eq3A_524 = arith.constant 2 : i32
        %eq3A_525 = vector.broadcast %eq3A_524 : i32 to vector<16xi32>
        %eq3A_526 = arith.cmpi eq, %shift_right_logical3A_504, %eq3A_525 : vector<16xi32>
        %select_n3A_527 = arith.select %eq3A_526, %gather3A_523, %select_n3A_520 : vector<16xi1>, vector<16xf32>
        %reshape3A_528 = vector.shape_cast %and3A_501 : vector<16xi32> to vector<16x1xi32>
        %gather3A_529 = vector.shape_cast %reshape3A_528 : vector<16x1xi32> to vector<16xi32>
        %gather3A_530 = tpu.dynamic_gather %get3A_19[%gather3A_529] in [0] : vector<16xf32>, vector<16xi32> -> vector<16xf32>
        %eq3A_531 = arith.constant 3 : i32
        %eq3A_532 = vector.broadcast %eq3A_531 : i32 to vector<16xi32>
        %eq3A_533 = arith.cmpi eq, %shift_right_logical3A_504, %eq3A_532 : vector<16xi32>
        %select_n3A_534 = arith.select %eq3A_533, %gather3A_530, %select_n3A_527 : vector<16xi1>, vector<16xf32>
        %reshape3A_535 = vector.shape_cast %and3A_501 : vector<16xi32> to vector<16x1xi32>
        %gather3A_536 = vector.shape_cast %reshape3A_535 : vector<16x1xi32> to vector<16xi32>
        %gather3A_537 = tpu.dynamic_gather %get3A_24[%gather3A_536] in [0] : vector<16xf32>, vector<16xi32> -> vector<16xf32>
        %eq3A_538 = arith.constant 4 : i32
        %eq3A_539 = vector.broadcast %eq3A_538 : i32 to vector<16xi32>
        %eq3A_540 = arith.cmpi eq, %shift_right_logical3A_504, %eq3A_539 : vector<16xi32>
        %select_n3A_541 = arith.select %eq3A_540, %gather3A_537, %select_n3A_534 : vector<16xi1>, vector<16xf32>
        %reshape3A_542 = vector.shape_cast %and3A_501 : vector<16xi32> to vector<16x1xi32>
        %gather3A_543 = vector.shape_cast %reshape3A_542 : vector<16x1xi32> to vector<16xi32>
        %gather3A_544 = tpu.dynamic_gather %get3A_29[%gather3A_543] in [0] : vector<16xf32>, vector<16xi32> -> vector<16xf32>
        %eq3A_545 = arith.constant 5 : i32
        %eq3A_546 = vector.broadcast %eq3A_545 : i32 to vector<16xi32>
        %eq3A_547 = arith.cmpi eq, %shift_right_logical3A_504, %eq3A_546 : vector<16xi32>
        %select_n3A_548 = arith.select %eq3A_547, %gather3A_544, %select_n3A_541 : vector<16xi1>, vector<16xf32>
        %reshape3A_549 = vector.shape_cast %and3A_501 : vector<16xi32> to vector<16x1xi32>
        %gather3A_550 = vector.shape_cast %reshape3A_549 : vector<16x1xi32> to vector<16xi32>
        %gather3A_551 = tpu.dynamic_gather %get3A_34[%gather3A_550] in [0] : vector<16xf32>, vector<16xi32> -> vector<16xf32>
        %eq3A_552 = arith.constant 6 : i32
        %eq3A_553 = vector.broadcast %eq3A_552 : i32 to vector<16xi32>
        %eq3A_554 = arith.cmpi eq, %shift_right_logical3A_504, %eq3A_553 : vector<16xi32>
        %select_n3A_555 = arith.select %eq3A_554, %gather3A_551, %select_n3A_548 : vector<16xi1>, vector<16xf32>
        %reshape3A_556 = vector.shape_cast %and3A_501 : vector<16xi32> to vector<16x1xi32>
        %gather3A_557 = vector.shape_cast %reshape3A_556 : vector<16x1xi32> to vector<16xi32>
        %gather3A_558 = tpu.dynamic_gather %get3A_39[%gather3A_557] in [0] : vector<16xf32>, vector<16xi32> -> vector<16xf32>
        %eq3A_559 = arith.constant 7 : i32
        %eq3A_560 = vector.broadcast %eq3A_559 : i32 to vector<16xi32>
        %eq3A_561 = arith.cmpi eq, %shift_right_logical3A_504, %eq3A_560 : vector<16xi32>
        %select_n3A_562 = arith.select %eq3A_561, %gather3A_558, %select_n3A_555 : vector<16xi1>, vector<16xf32>
        %reshape3A_563 = vector.shape_cast %and3A_501 : vector<16xi32> to vector<16x1xi32>
        %gather3A_564 = vector.shape_cast %reshape3A_563 : vector<16x1xi32> to vector<16xi32>
        %gather3A_565 = tpu.dynamic_gather %get3A_44[%gather3A_564] in [0] : vector<16xf32>, vector<16xi32> -> vector<16xf32>
        %eq3A_566 = arith.constant 8 : i32
        %eq3A_567 = vector.broadcast %eq3A_566 : i32 to vector<16xi32>
        %eq3A_568 = arith.cmpi eq, %shift_right_logical3A_504, %eq3A_567 : vector<16xi32>
        %select_n3A_569 = arith.select %eq3A_568, %gather3A_565, %select_n3A_562 : vector<16xi1>, vector<16xf32>
        %reshape3A_570 = vector.shape_cast %and3A_501 : vector<16xi32> to vector<16x1xi32>
        %gather3A_571 = vector.shape_cast %reshape3A_570 : vector<16x1xi32> to vector<16xi32>
        %gather3A_572 = tpu.dynamic_gather %get3A_49[%gather3A_571] in [0] : vector<16xf32>, vector<16xi32> -> vector<16xf32>
        %eq3A_573 = arith.constant 9 : i32
        %eq3A_574 = vector.broadcast %eq3A_573 : i32 to vector<16xi32>
        %eq3A_575 = arith.cmpi eq, %shift_right_logical3A_504, %eq3A_574 : vector<16xi32>
        %select_n3A_576 = arith.select %eq3A_575, %gather3A_572, %select_n3A_569 : vector<16xi1>, vector<16xf32>
        %reshape3A_577 = vector.shape_cast %and3A_501 : vector<16xi32> to vector<16x1xi32>
        %gather3A_578 = vector.shape_cast %reshape3A_577 : vector<16x1xi32> to vector<16xi32>
        %gather3A_579 = tpu.dynamic_gather %get3A_54[%gather3A_578] in [0] : vector<16xf32>, vector<16xi32> -> vector<16xf32>
        %eq3A_580 = arith.constant 10 : i32
        %eq3A_581 = vector.broadcast %eq3A_580 : i32 to vector<16xi32>
        %eq3A_582 = arith.cmpi eq, %shift_right_logical3A_504, %eq3A_581 : vector<16xi32>
        %select_n3A_583 = arith.select %eq3A_582, %gather3A_579, %select_n3A_576 : vector<16xi1>, vector<16xf32>
        %reshape3A_584 = vector.shape_cast %and3A_501 : vector<16xi32> to vector<16x1xi32>
        %gather3A_585 = vector.shape_cast %reshape3A_584 : vector<16x1xi32> to vector<16xi32>
        %gather3A_586 = tpu.dynamic_gather %get3A_59[%gather3A_585] in [0] : vector<16xf32>, vector<16xi32> -> vector<16xf32>
        %eq3A_587 = arith.constant 11 : i32
        %eq3A_588 = vector.broadcast %eq3A_587 : i32 to vector<16xi32>
        %eq3A_589 = arith.cmpi eq, %shift_right_logical3A_504, %eq3A_588 : vector<16xi32>
        %select_n3A_590 = arith.select %eq3A_589, %gather3A_586, %select_n3A_583 : vector<16xi1>, vector<16xf32>
        %reshape3A_591 = vector.shape_cast %and3A_501 : vector<16xi32> to vector<16x1xi32>
        %gather3A_592 = vector.shape_cast %reshape3A_591 : vector<16x1xi32> to vector<16xi32>
        %gather3A_593 = tpu.dynamic_gather %get3A_64[%gather3A_592] in [0] : vector<16xf32>, vector<16xi32> -> vector<16xf32>
        %eq3A_594 = arith.constant 12 : i32
        %eq3A_595 = vector.broadcast %eq3A_594 : i32 to vector<16xi32>
        %eq3A_596 = arith.cmpi eq, %shift_right_logical3A_504, %eq3A_595 : vector<16xi32>
        %select_n3A_597 = arith.select %eq3A_596, %gather3A_593, %select_n3A_590 : vector<16xi1>, vector<16xf32>
        %reshape3A_598 = vector.shape_cast %and3A_501 : vector<16xi32> to vector<16x1xi32>
        %gather3A_599 = vector.shape_cast %reshape3A_598 : vector<16x1xi32> to vector<16xi32>
        %gather3A_600 = tpu.dynamic_gather %get3A_69[%gather3A_599] in [0] : vector<16xf32>, vector<16xi32> -> vector<16xf32>
        %eq3A_601 = arith.constant 13 : i32
        %eq3A_602 = vector.broadcast %eq3A_601 : i32 to vector<16xi32>
        %eq3A_603 = arith.cmpi eq, %shift_right_logical3A_504, %eq3A_602 : vector<16xi32>
        %select_n3A_604 = arith.select %eq3A_603, %gather3A_600, %select_n3A_597 : vector<16xi1>, vector<16xf32>
        %reshape3A_605 = vector.shape_cast %and3A_501 : vector<16xi32> to vector<16x1xi32>
        %gather3A_606 = vector.shape_cast %reshape3A_605 : vector<16x1xi32> to vector<16xi32>
        %gather3A_607 = tpu.dynamic_gather %get3A_74[%gather3A_606] in [0] : vector<16xf32>, vector<16xi32> -> vector<16xf32>
        %eq3A_608 = arith.constant 14 : i32
        %eq3A_609 = vector.broadcast %eq3A_608 : i32 to vector<16xi32>
        %eq3A_610 = arith.cmpi eq, %shift_right_logical3A_504, %eq3A_609 : vector<16xi32>
        %select_n3A_611 = arith.select %eq3A_610, %gather3A_607, %select_n3A_604 : vector<16xi1>, vector<16xf32>
        %reshape3A_612 = vector.shape_cast %and3A_501 : vector<16xi32> to vector<16x1xi32>
        %gather3A_613 = vector.shape_cast %reshape3A_612 : vector<16x1xi32> to vector<16xi32>
        %gather3A_614 = tpu.dynamic_gather %get3A_79[%gather3A_613] in [0] : vector<16xf32>, vector<16xi32> -> vector<16xf32>
        %eq3A_615 = arith.constant 15 : i32
        %eq3A_616 = vector.broadcast %eq3A_615 : i32 to vector<16xi32>
        %eq3A_617 = arith.cmpi eq, %shift_right_logical3A_504, %eq3A_616 : vector<16xi32>
        %select_n3A_618 = arith.select %eq3A_617, %gather3A_614, %select_n3A_611 : vector<16xi1>, vector<16xf32>
        %sub3A_619 = arith.subf %scan3A_141#3, %select_n3A_618 : vector<16xf32>
        %and3A_620 = arith.constant 15 : i32
        %and3A_621 = vector.broadcast %and3A_620 : i32 to vector<16xi32>
        %and3A_622 = arith.andi %scan3A_141#12, %and3A_621 : vector<16xi32>
        %shift_right_logical3A_623 = arith.constant 4 : i32
        %shift_right_logical3A_624 = vector.broadcast %shift_right_logical3A_623 : i32 to vector<16xi32>
        %shift_right_logical3A_625 = arith.shrui %scan3A_141#12, %shift_right_logical3A_624 : vector<16xi32>
        %broadcast_in_dim3A_626 = arith.constant 0.000000e+00 : f32
        %broadcast_in_dim3A_627 = vector.broadcast %broadcast_in_dim3A_626 : f32 to vector<16xf32>
        %reshape3A_628 = vector.shape_cast %and3A_622 : vector<16xi32> to vector<16x1xi32>
        %gather3A_629 = vector.shape_cast %reshape3A_628 : vector<16x1xi32> to vector<16xi32>
        %gather3A_630 = tpu.dynamic_gather %get3A_4[%gather3A_629] in [0] : vector<16xf32>, vector<16xi32> -> vector<16xf32>
        %eq3A_631 = arith.constant 0 : i32
        %eq3A_632 = vector.broadcast %eq3A_631 : i32 to vector<16xi32>
        %eq3A_633 = arith.cmpi eq, %shift_right_logical3A_625, %eq3A_632 : vector<16xi32>
        %select_n3A_634 = arith.select %eq3A_633, %gather3A_630, %broadcast_in_dim3A_627 : vector<16xi1>, vector<16xf32>
        %reshape3A_635 = vector.shape_cast %and3A_622 : vector<16xi32> to vector<16x1xi32>
        %gather3A_636 = vector.shape_cast %reshape3A_635 : vector<16x1xi32> to vector<16xi32>
        %gather3A_637 = tpu.dynamic_gather %get3A_9[%gather3A_636] in [0] : vector<16xf32>, vector<16xi32> -> vector<16xf32>
        %eq3A_638 = arith.constant 1 : i32
        %eq3A_639 = vector.broadcast %eq3A_638 : i32 to vector<16xi32>
        %eq3A_640 = arith.cmpi eq, %shift_right_logical3A_625, %eq3A_639 : vector<16xi32>
        %select_n3A_641 = arith.select %eq3A_640, %gather3A_637, %select_n3A_634 : vector<16xi1>, vector<16xf32>
        %reshape3A_642 = vector.shape_cast %and3A_622 : vector<16xi32> to vector<16x1xi32>
        %gather3A_643 = vector.shape_cast %reshape3A_642 : vector<16x1xi32> to vector<16xi32>
        %gather3A_644 = tpu.dynamic_gather %get3A_14[%gather3A_643] in [0] : vector<16xf32>, vector<16xi32> -> vector<16xf32>
        %eq3A_645 = arith.constant 2 : i32
        %eq3A_646 = vector.broadcast %eq3A_645 : i32 to vector<16xi32>
        %eq3A_647 = arith.cmpi eq, %shift_right_logical3A_625, %eq3A_646 : vector<16xi32>
        %select_n3A_648 = arith.select %eq3A_647, %gather3A_644, %select_n3A_641 : vector<16xi1>, vector<16xf32>
        %reshape3A_649 = vector.shape_cast %and3A_622 : vector<16xi32> to vector<16x1xi32>
        %gather3A_650 = vector.shape_cast %reshape3A_649 : vector<16x1xi32> to vector<16xi32>
        %gather3A_651 = tpu.dynamic_gather %get3A_19[%gather3A_650] in [0] : vector<16xf32>, vector<16xi32> -> vector<16xf32>
        %eq3A_652 = arith.constant 3 : i32
        %eq3A_653 = vector.broadcast %eq3A_652 : i32 to vector<16xi32>
        %eq3A_654 = arith.cmpi eq, %shift_right_logical3A_625, %eq3A_653 : vector<16xi32>
        %select_n3A_655 = arith.select %eq3A_654, %gather3A_651, %select_n3A_648 : vector<16xi1>, vector<16xf32>
        %reshape3A_656 = vector.shape_cast %and3A_622 : vector<16xi32> to vector<16x1xi32>
        %gather3A_657 = vector.shape_cast %reshape3A_656 : vector<16x1xi32> to vector<16xi32>
        %gather3A_658 = tpu.dynamic_gather %get3A_24[%gather3A_657] in [0] : vector<16xf32>, vector<16xi32> -> vector<16xf32>
        %eq3A_659 = arith.constant 4 : i32
        %eq3A_660 = vector.broadcast %eq3A_659 : i32 to vector<16xi32>
        %eq3A_661 = arith.cmpi eq, %shift_right_logical3A_625, %eq3A_660 : vector<16xi32>
        %select_n3A_662 = arith.select %eq3A_661, %gather3A_658, %select_n3A_655 : vector<16xi1>, vector<16xf32>
        %reshape3A_663 = vector.shape_cast %and3A_622 : vector<16xi32> to vector<16x1xi32>
        %gather3A_664 = vector.shape_cast %reshape3A_663 : vector<16x1xi32> to vector<16xi32>
        %gather3A_665 = tpu.dynamic_gather %get3A_29[%gather3A_664] in [0] : vector<16xf32>, vector<16xi32> -> vector<16xf32>
        %eq3A_666 = arith.constant 5 : i32
        %eq3A_667 = vector.broadcast %eq3A_666 : i32 to vector<16xi32>
        %eq3A_668 = arith.cmpi eq, %shift_right_logical3A_625, %eq3A_667 : vector<16xi32>
        %select_n3A_669 = arith.select %eq3A_668, %gather3A_665, %select_n3A_662 : vector<16xi1>, vector<16xf32>
        %reshape3A_670 = vector.shape_cast %and3A_622 : vector<16xi32> to vector<16x1xi32>
        %gather3A_671 = vector.shape_cast %reshape3A_670 : vector<16x1xi32> to vector<16xi32>
        %gather3A_672 = tpu.dynamic_gather %get3A_34[%gather3A_671] in [0] : vector<16xf32>, vector<16xi32> -> vector<16xf32>
        %eq3A_673 = arith.constant 6 : i32
        %eq3A_674 = vector.broadcast %eq3A_673 : i32 to vector<16xi32>
        %eq3A_675 = arith.cmpi eq, %shift_right_logical3A_625, %eq3A_674 : vector<16xi32>
        %select_n3A_676 = arith.select %eq3A_675, %gather3A_672, %select_n3A_669 : vector<16xi1>, vector<16xf32>
        %reshape3A_677 = vector.shape_cast %and3A_622 : vector<16xi32> to vector<16x1xi32>
        %gather3A_678 = vector.shape_cast %reshape3A_677 : vector<16x1xi32> to vector<16xi32>
        %gather3A_679 = tpu.dynamic_gather %get3A_39[%gather3A_678] in [0] : vector<16xf32>, vector<16xi32> -> vector<16xf32>
        %eq3A_680 = arith.constant 7 : i32
        %eq3A_681 = vector.broadcast %eq3A_680 : i32 to vector<16xi32>
        %eq3A_682 = arith.cmpi eq, %shift_right_logical3A_625, %eq3A_681 : vector<16xi32>
        %select_n3A_683 = arith.select %eq3A_682, %gather3A_679, %select_n3A_676 : vector<16xi1>, vector<16xf32>
        %reshape3A_684 = vector.shape_cast %and3A_622 : vector<16xi32> to vector<16x1xi32>
        %gather3A_685 = vector.shape_cast %reshape3A_684 : vector<16x1xi32> to vector<16xi32>
        %gather3A_686 = tpu.dynamic_gather %get3A_44[%gather3A_685] in [0] : vector<16xf32>, vector<16xi32> -> vector<16xf32>
        %eq3A_687 = arith.constant 8 : i32
        %eq3A_688 = vector.broadcast %eq3A_687 : i32 to vector<16xi32>
        %eq3A_689 = arith.cmpi eq, %shift_right_logical3A_625, %eq3A_688 : vector<16xi32>
        %select_n3A_690 = arith.select %eq3A_689, %gather3A_686, %select_n3A_683 : vector<16xi1>, vector<16xf32>
        %reshape3A_691 = vector.shape_cast %and3A_622 : vector<16xi32> to vector<16x1xi32>
        %gather3A_692 = vector.shape_cast %reshape3A_691 : vector<16x1xi32> to vector<16xi32>
        %gather3A_693 = tpu.dynamic_gather %get3A_49[%gather3A_692] in [0] : vector<16xf32>, vector<16xi32> -> vector<16xf32>
        %eq3A_694 = arith.constant 9 : i32
        %eq3A_695 = vector.broadcast %eq3A_694 : i32 to vector<16xi32>
        %eq3A_696 = arith.cmpi eq, %shift_right_logical3A_625, %eq3A_695 : vector<16xi32>
        %select_n3A_697 = arith.select %eq3A_696, %gather3A_693, %select_n3A_690 : vector<16xi1>, vector<16xf32>
        %reshape3A_698 = vector.shape_cast %and3A_622 : vector<16xi32> to vector<16x1xi32>
        %gather3A_699 = vector.shape_cast %reshape3A_698 : vector<16x1xi32> to vector<16xi32>
        %gather3A_700 = tpu.dynamic_gather %get3A_54[%gather3A_699] in [0] : vector<16xf32>, vector<16xi32> -> vector<16xf32>
        %eq3A_701 = arith.constant 10 : i32
        %eq3A_702 = vector.broadcast %eq3A_701 : i32 to vector<16xi32>
        %eq3A_703 = arith.cmpi eq, %shift_right_logical3A_625, %eq3A_702 : vector<16xi32>
        %select_n3A_704 = arith.select %eq3A_703, %gather3A_700, %select_n3A_697 : vector<16xi1>, vector<16xf32>
        %reshape3A_705 = vector.shape_cast %and3A_622 : vector<16xi32> to vector<16x1xi32>
        %gather3A_706 = vector.shape_cast %reshape3A_705 : vector<16x1xi32> to vector<16xi32>
        %gather3A_707 = tpu.dynamic_gather %get3A_59[%gather3A_706] in [0] : vector<16xf32>, vector<16xi32> -> vector<16xf32>
        %eq3A_708 = arith.constant 11 : i32
        %eq3A_709 = vector.broadcast %eq3A_708 : i32 to vector<16xi32>
        %eq3A_710 = arith.cmpi eq, %shift_right_logical3A_625, %eq3A_709 : vector<16xi32>
        %select_n3A_711 = arith.select %eq3A_710, %gather3A_707, %select_n3A_704 : vector<16xi1>, vector<16xf32>
        %reshape3A_712 = vector.shape_cast %and3A_622 : vector<16xi32> to vector<16x1xi32>
        %gather3A_713 = vector.shape_cast %reshape3A_712 : vector<16x1xi32> to vector<16xi32>
        %gather3A_714 = tpu.dynamic_gather %get3A_64[%gather3A_713] in [0] : vector<16xf32>, vector<16xi32> -> vector<16xf32>
        %eq3A_715 = arith.constant 12 : i32
        %eq3A_716 = vector.broadcast %eq3A_715 : i32 to vector<16xi32>
        %eq3A_717 = arith.cmpi eq, %shift_right_logical3A_625, %eq3A_716 : vector<16xi32>
        %select_n3A_718 = arith.select %eq3A_717, %gather3A_714, %select_n3A_711 : vector<16xi1>, vector<16xf32>
        %reshape3A_719 = vector.shape_cast %and3A_622 : vector<16xi32> to vector<16x1xi32>
        %gather3A_720 = vector.shape_cast %reshape3A_719 : vector<16x1xi32> to vector<16xi32>
        %gather3A_721 = tpu.dynamic_gather %get3A_69[%gather3A_720] in [0] : vector<16xf32>, vector<16xi32> -> vector<16xf32>
        %eq3A_722 = arith.constant 13 : i32
        %eq3A_723 = vector.broadcast %eq3A_722 : i32 to vector<16xi32>
        %eq3A_724 = arith.cmpi eq, %shift_right_logical3A_625, %eq3A_723 : vector<16xi32>
        %select_n3A_725 = arith.select %eq3A_724, %gather3A_721, %select_n3A_718 : vector<16xi1>, vector<16xf32>
        %reshape3A_726 = vector.shape_cast %and3A_622 : vector<16xi32> to vector<16x1xi32>
        %gather3A_727 = vector.shape_cast %reshape3A_726 : vector<16x1xi32> to vector<16xi32>
        %gather3A_728 = tpu.dynamic_gather %get3A_74[%gather3A_727] in [0] : vector<16xf32>, vector<16xi32> -> vector<16xf32>
        %eq3A_729 = arith.constant 14 : i32
        %eq3A_730 = vector.broadcast %eq3A_729 : i32 to vector<16xi32>
        %eq3A_731 = arith.cmpi eq, %shift_right_logical3A_625, %eq3A_730 : vector<16xi32>
        %select_n3A_732 = arith.select %eq3A_731, %gather3A_728, %select_n3A_725 : vector<16xi1>, vector<16xf32>
        %reshape3A_733 = vector.shape_cast %and3A_622 : vector<16xi32> to vector<16x1xi32>
        %gather3A_734 = vector.shape_cast %reshape3A_733 : vector<16x1xi32> to vector<16xi32>
        %gather3A_735 = tpu.dynamic_gather %get3A_79[%gather3A_734] in [0] : vector<16xf32>, vector<16xi32> -> vector<16xf32>
        %eq3A_736 = arith.constant 15 : i32
        %eq3A_737 = vector.broadcast %eq3A_736 : i32 to vector<16xi32>
        %eq3A_738 = arith.cmpi eq, %shift_right_logical3A_625, %eq3A_737 : vector<16xi32>
        %select_n3A_739 = arith.select %eq3A_738, %gather3A_735, %select_n3A_732 : vector<16xi1>, vector<16xf32>
        %sub3A_740 = arith.subf %scan3A_141#4, %select_n3A_739 : vector<16xf32>
        %and3A_741 = arith.constant 15 : i32
        %and3A_742 = vector.broadcast %and3A_741 : i32 to vector<16xi32>
        %and3A_743 = arith.andi %scan3A_141#13, %and3A_742 : vector<16xi32>
        %shift_right_logical3A_744 = arith.constant 4 : i32
        %shift_right_logical3A_745 = vector.broadcast %shift_right_logical3A_744 : i32 to vector<16xi32>
        %shift_right_logical3A_746 = arith.shrui %scan3A_141#13, %shift_right_logical3A_745 : vector<16xi32>
        %broadcast_in_dim3A_747 = arith.constant 0.000000e+00 : f32
        %broadcast_in_dim3A_748 = vector.broadcast %broadcast_in_dim3A_747 : f32 to vector<16xf32>
        %reshape3A_749 = vector.shape_cast %and3A_743 : vector<16xi32> to vector<16x1xi32>
        %gather3A_750 = vector.shape_cast %reshape3A_749 : vector<16x1xi32> to vector<16xi32>
        %gather3A_751 = tpu.dynamic_gather %get3A_4[%gather3A_750] in [0] : vector<16xf32>, vector<16xi32> -> vector<16xf32>
        %eq3A_752 = arith.constant 0 : i32
        %eq3A_753 = vector.broadcast %eq3A_752 : i32 to vector<16xi32>
        %eq3A_754 = arith.cmpi eq, %shift_right_logical3A_746, %eq3A_753 : vector<16xi32>
        %select_n3A_755 = arith.select %eq3A_754, %gather3A_751, %broadcast_in_dim3A_748 : vector<16xi1>, vector<16xf32>
        %reshape3A_756 = vector.shape_cast %and3A_743 : vector<16xi32> to vector<16x1xi32>
        %gather3A_757 = vector.shape_cast %reshape3A_756 : vector<16x1xi32> to vector<16xi32>
        %gather3A_758 = tpu.dynamic_gather %get3A_9[%gather3A_757] in [0] : vector<16xf32>, vector<16xi32> -> vector<16xf32>
        %eq3A_759 = arith.constant 1 : i32
        %eq3A_760 = vector.broadcast %eq3A_759 : i32 to vector<16xi32>
        %eq3A_761 = arith.cmpi eq, %shift_right_logical3A_746, %eq3A_760 : vector<16xi32>
        %select_n3A_762 = arith.select %eq3A_761, %gather3A_758, %select_n3A_755 : vector<16xi1>, vector<16xf32>
        %reshape3A_763 = vector.shape_cast %and3A_743 : vector<16xi32> to vector<16x1xi32>
        %gather3A_764 = vector.shape_cast %reshape3A_763 : vector<16x1xi32> to vector<16xi32>
        %gather3A_765 = tpu.dynamic_gather %get3A_14[%gather3A_764] in [0] : vector<16xf32>, vector<16xi32> -> vector<16xf32>
        %eq3A_766 = arith.constant 2 : i32
        %eq3A_767 = vector.broadcast %eq3A_766 : i32 to vector<16xi32>
        %eq3A_768 = arith.cmpi eq, %shift_right_logical3A_746, %eq3A_767 : vector<16xi32>
        %select_n3A_769 = arith.select %eq3A_768, %gather3A_765, %select_n3A_762 : vector<16xi1>, vector<16xf32>
        %reshape3A_770 = vector.shape_cast %and3A_743 : vector<16xi32> to vector<16x1xi32>
        %gather3A_771 = vector.shape_cast %reshape3A_770 : vector<16x1xi32> to vector<16xi32>
        %gather3A_772 = tpu.dynamic_gather %get3A_19[%gather3A_771] in [0] : vector<16xf32>, vector<16xi32> -> vector<16xf32>
        %eq3A_773 = arith.constant 3 : i32
        %eq3A_774 = vector.broadcast %eq3A_773 : i32 to vector<16xi32>
        %eq3A_775 = arith.cmpi eq, %shift_right_logical3A_746, %eq3A_774 : vector<16xi32>
        %select_n3A_776 = arith.select %eq3A_775, %gather3A_772, %select_n3A_769 : vector<16xi1>, vector<16xf32>
        %reshape3A_777 = vector.shape_cast %and3A_743 : vector<16xi32> to vector<16x1xi32>
        %gather3A_778 = vector.shape_cast %reshape3A_777 : vector<16x1xi32> to vector<16xi32>
        %gather3A_779 = tpu.dynamic_gather %get3A_24[%gather3A_778] in [0] : vector<16xf32>, vector<16xi32> -> vector<16xf32>
        %eq3A_780 = arith.constant 4 : i32
        %eq3A_781 = vector.broadcast %eq3A_780 : i32 to vector<16xi32>
        %eq3A_782 = arith.cmpi eq, %shift_right_logical3A_746, %eq3A_781 : vector<16xi32>
        %select_n3A_783 = arith.select %eq3A_782, %gather3A_779, %select_n3A_776 : vector<16xi1>, vector<16xf32>
        %reshape3A_784 = vector.shape_cast %and3A_743 : vector<16xi32> to vector<16x1xi32>
        %gather3A_785 = vector.shape_cast %reshape3A_784 : vector<16x1xi32> to vector<16xi32>
        %gather3A_786 = tpu.dynamic_gather %get3A_29[%gather3A_785] in [0] : vector<16xf32>, vector<16xi32> -> vector<16xf32>
        %eq3A_787 = arith.constant 5 : i32
        %eq3A_788 = vector.broadcast %eq3A_787 : i32 to vector<16xi32>
        %eq3A_789 = arith.cmpi eq, %shift_right_logical3A_746, %eq3A_788 : vector<16xi32>
        %select_n3A_790 = arith.select %eq3A_789, %gather3A_786, %select_n3A_783 : vector<16xi1>, vector<16xf32>
        %reshape3A_791 = vector.shape_cast %and3A_743 : vector<16xi32> to vector<16x1xi32>
        %gather3A_792 = vector.shape_cast %reshape3A_791 : vector<16x1xi32> to vector<16xi32>
        %gather3A_793 = tpu.dynamic_gather %get3A_34[%gather3A_792] in [0] : vector<16xf32>, vector<16xi32> -> vector<16xf32>
        %eq3A_794 = arith.constant 6 : i32
        %eq3A_795 = vector.broadcast %eq3A_794 : i32 to vector<16xi32>
        %eq3A_796 = arith.cmpi eq, %shift_right_logical3A_746, %eq3A_795 : vector<16xi32>
        %select_n3A_797 = arith.select %eq3A_796, %gather3A_793, %select_n3A_790 : vector<16xi1>, vector<16xf32>
        %reshape3A_798 = vector.shape_cast %and3A_743 : vector<16xi32> to vector<16x1xi32>
        %gather3A_799 = vector.shape_cast %reshape3A_798 : vector<16x1xi32> to vector<16xi32>
        %gather3A_800 = tpu.dynamic_gather %get3A_39[%gather3A_799] in [0] : vector<16xf32>, vector<16xi32> -> vector<16xf32>
        %eq3A_801 = arith.constant 7 : i32
        %eq3A_802 = vector.broadcast %eq3A_801 : i32 to vector<16xi32>
        %eq3A_803 = arith.cmpi eq, %shift_right_logical3A_746, %eq3A_802 : vector<16xi32>
        %select_n3A_804 = arith.select %eq3A_803, %gather3A_800, %select_n3A_797 : vector<16xi1>, vector<16xf32>
        %reshape3A_805 = vector.shape_cast %and3A_743 : vector<16xi32> to vector<16x1xi32>
        %gather3A_806 = vector.shape_cast %reshape3A_805 : vector<16x1xi32> to vector<16xi32>
        %gather3A_807 = tpu.dynamic_gather %get3A_44[%gather3A_806] in [0] : vector<16xf32>, vector<16xi32> -> vector<16xf32>
        %eq3A_808 = arith.constant 8 : i32
        %eq3A_809 = vector.broadcast %eq3A_808 : i32 to vector<16xi32>
        %eq3A_810 = arith.cmpi eq, %shift_right_logical3A_746, %eq3A_809 : vector<16xi32>
        %select_n3A_811 = arith.select %eq3A_810, %gather3A_807, %select_n3A_804 : vector<16xi1>, vector<16xf32>
        %reshape3A_812 = vector.shape_cast %and3A_743 : vector<16xi32> to vector<16x1xi32>
        %gather3A_813 = vector.shape_cast %reshape3A_812 : vector<16x1xi32> to vector<16xi32>
        %gather3A_814 = tpu.dynamic_gather %get3A_49[%gather3A_813] in [0] : vector<16xf32>, vector<16xi32> -> vector<16xf32>
        %eq3A_815 = arith.constant 9 : i32
        %eq3A_816 = vector.broadcast %eq3A_815 : i32 to vector<16xi32>
        %eq3A_817 = arith.cmpi eq, %shift_right_logical3A_746, %eq3A_816 : vector<16xi32>
        %select_n3A_818 = arith.select %eq3A_817, %gather3A_814, %select_n3A_811 : vector<16xi1>, vector<16xf32>
        %reshape3A_819 = vector.shape_cast %and3A_743 : vector<16xi32> to vector<16x1xi32>
        %gather3A_820 = vector.shape_cast %reshape3A_819 : vector<16x1xi32> to vector<16xi32>
        %gather3A_821 = tpu.dynamic_gather %get3A_54[%gather3A_820] in [0] : vector<16xf32>, vector<16xi32> -> vector<16xf32>
        %eq3A_822 = arith.constant 10 : i32
        %eq3A_823 = vector.broadcast %eq3A_822 : i32 to vector<16xi32>
        %eq3A_824 = arith.cmpi eq, %shift_right_logical3A_746, %eq3A_823 : vector<16xi32>
        %select_n3A_825 = arith.select %eq3A_824, %gather3A_821, %select_n3A_818 : vector<16xi1>, vector<16xf32>
        %reshape3A_826 = vector.shape_cast %and3A_743 : vector<16xi32> to vector<16x1xi32>
        %gather3A_827 = vector.shape_cast %reshape3A_826 : vector<16x1xi32> to vector<16xi32>
        %gather3A_828 = tpu.dynamic_gather %get3A_59[%gather3A_827] in [0] : vector<16xf32>, vector<16xi32> -> vector<16xf32>
        %eq3A_829 = arith.constant 11 : i32
        %eq3A_830 = vector.broadcast %eq3A_829 : i32 to vector<16xi32>
        %eq3A_831 = arith.cmpi eq, %shift_right_logical3A_746, %eq3A_830 : vector<16xi32>
        %select_n3A_832 = arith.select %eq3A_831, %gather3A_828, %select_n3A_825 : vector<16xi1>, vector<16xf32>
        %reshape3A_833 = vector.shape_cast %and3A_743 : vector<16xi32> to vector<16x1xi32>
        %gather3A_834 = vector.shape_cast %reshape3A_833 : vector<16x1xi32> to vector<16xi32>
        %gather3A_835 = tpu.dynamic_gather %get3A_64[%gather3A_834] in [0] : vector<16xf32>, vector<16xi32> -> vector<16xf32>
        %eq3A_836 = arith.constant 12 : i32
        %eq3A_837 = vector.broadcast %eq3A_836 : i32 to vector<16xi32>
        %eq3A_838 = arith.cmpi eq, %shift_right_logical3A_746, %eq3A_837 : vector<16xi32>
        %select_n3A_839 = arith.select %eq3A_838, %gather3A_835, %select_n3A_832 : vector<16xi1>, vector<16xf32>
        %reshape3A_840 = vector.shape_cast %and3A_743 : vector<16xi32> to vector<16x1xi32>
        %gather3A_841 = vector.shape_cast %reshape3A_840 : vector<16x1xi32> to vector<16xi32>
        %gather3A_842 = tpu.dynamic_gather %get3A_69[%gather3A_841] in [0] : vector<16xf32>, vector<16xi32> -> vector<16xf32>
        %eq3A_843 = arith.constant 13 : i32
        %eq3A_844 = vector.broadcast %eq3A_843 : i32 to vector<16xi32>
        %eq3A_845 = arith.cmpi eq, %shift_right_logical3A_746, %eq3A_844 : vector<16xi32>
        %select_n3A_846 = arith.select %eq3A_845, %gather3A_842, %select_n3A_839 : vector<16xi1>, vector<16xf32>
        %reshape3A_847 = vector.shape_cast %and3A_743 : vector<16xi32> to vector<16x1xi32>
        %gather3A_848 = vector.shape_cast %reshape3A_847 : vector<16x1xi32> to vector<16xi32>
        %gather3A_849 = tpu.dynamic_gather %get3A_74[%gather3A_848] in [0] : vector<16xf32>, vector<16xi32> -> vector<16xf32>
        %eq3A_850 = arith.constant 14 : i32
        %eq3A_851 = vector.broadcast %eq3A_850 : i32 to vector<16xi32>
        %eq3A_852 = arith.cmpi eq, %shift_right_logical3A_746, %eq3A_851 : vector<16xi32>
        %select_n3A_853 = arith.select %eq3A_852, %gather3A_849, %select_n3A_846 : vector<16xi1>, vector<16xf32>
        %reshape3A_854 = vector.shape_cast %and3A_743 : vector<16xi32> to vector<16x1xi32>
        %gather3A_855 = vector.shape_cast %reshape3A_854 : vector<16x1xi32> to vector<16xi32>
        %gather3A_856 = tpu.dynamic_gather %get3A_79[%gather3A_855] in [0] : vector<16xf32>, vector<16xi32> -> vector<16xf32>
        %eq3A_857 = arith.constant 15 : i32
        %eq3A_858 = vector.broadcast %eq3A_857 : i32 to vector<16xi32>
        %eq3A_859 = arith.cmpi eq, %shift_right_logical3A_746, %eq3A_858 : vector<16xi32>
        %select_n3A_860 = arith.select %eq3A_859, %gather3A_856, %select_n3A_853 : vector<16xi1>, vector<16xf32>
        %sub3A_861 = arith.subf %scan3A_141#5, %select_n3A_860 : vector<16xf32>
        %and3A_862 = arith.constant 15 : i32
        %and3A_863 = vector.broadcast %and3A_862 : i32 to vector<16xi32>
        %and3A_864 = arith.andi %scan3A_141#14, %and3A_863 : vector<16xi32>
        %shift_right_logical3A_865 = arith.constant 4 : i32
        %shift_right_logical3A_866 = vector.broadcast %shift_right_logical3A_865 : i32 to vector<16xi32>
        %shift_right_logical3A_867 = arith.shrui %scan3A_141#14, %shift_right_logical3A_866 : vector<16xi32>
        %broadcast_in_dim3A_868 = arith.constant 0.000000e+00 : f32
        %broadcast_in_dim3A_869 = vector.broadcast %broadcast_in_dim3A_868 : f32 to vector<16xf32>
        %reshape3A_870 = vector.shape_cast %and3A_864 : vector<16xi32> to vector<16x1xi32>
        %gather3A_871 = vector.shape_cast %reshape3A_870 : vector<16x1xi32> to vector<16xi32>
        %gather3A_872 = tpu.dynamic_gather %get3A_4[%gather3A_871] in [0] : vector<16xf32>, vector<16xi32> -> vector<16xf32>
        %eq3A_873 = arith.constant 0 : i32
        %eq3A_874 = vector.broadcast %eq3A_873 : i32 to vector<16xi32>
        %eq3A_875 = arith.cmpi eq, %shift_right_logical3A_867, %eq3A_874 : vector<16xi32>
        %select_n3A_876 = arith.select %eq3A_875, %gather3A_872, %broadcast_in_dim3A_869 : vector<16xi1>, vector<16xf32>
        %reshape3A_877 = vector.shape_cast %and3A_864 : vector<16xi32> to vector<16x1xi32>
        %gather3A_878 = vector.shape_cast %reshape3A_877 : vector<16x1xi32> to vector<16xi32>
        %gather3A_879 = tpu.dynamic_gather %get3A_9[%gather3A_878] in [0] : vector<16xf32>, vector<16xi32> -> vector<16xf32>
        %eq3A_880 = arith.constant 1 : i32
        %eq3A_881 = vector.broadcast %eq3A_880 : i32 to vector<16xi32>
        %eq3A_882 = arith.cmpi eq, %shift_right_logical3A_867, %eq3A_881 : vector<16xi32>
        %select_n3A_883 = arith.select %eq3A_882, %gather3A_879, %select_n3A_876 : vector<16xi1>, vector<16xf32>
        %reshape3A_884 = vector.shape_cast %and3A_864 : vector<16xi32> to vector<16x1xi32>
        %gather3A_885 = vector.shape_cast %reshape3A_884 : vector<16x1xi32> to vector<16xi32>
        %gather3A_886 = tpu.dynamic_gather %get3A_14[%gather3A_885] in [0] : vector<16xf32>, vector<16xi32> -> vector<16xf32>
        %eq3A_887 = arith.constant 2 : i32
        %eq3A_888 = vector.broadcast %eq3A_887 : i32 to vector<16xi32>
        %eq3A_889 = arith.cmpi eq, %shift_right_logical3A_867, %eq3A_888 : vector<16xi32>
        %select_n3A_890 = arith.select %eq3A_889, %gather3A_886, %select_n3A_883 : vector<16xi1>, vector<16xf32>
        %reshape3A_891 = vector.shape_cast %and3A_864 : vector<16xi32> to vector<16x1xi32>
        %gather3A_892 = vector.shape_cast %reshape3A_891 : vector<16x1xi32> to vector<16xi32>
        %gather3A_893 = tpu.dynamic_gather %get3A_19[%gather3A_892] in [0] : vector<16xf32>, vector<16xi32> -> vector<16xf32>
        %eq3A_894 = arith.constant 3 : i32
        %eq3A_895 = vector.broadcast %eq3A_894 : i32 to vector<16xi32>
        %eq3A_896 = arith.cmpi eq, %shift_right_logical3A_867, %eq3A_895 : vector<16xi32>
        %select_n3A_897 = arith.select %eq3A_896, %gather3A_893, %select_n3A_890 : vector<16xi1>, vector<16xf32>
        %reshape3A_898 = vector.shape_cast %and3A_864 : vector<16xi32> to vector<16x1xi32>
        %gather3A_899 = vector.shape_cast %reshape3A_898 : vector<16x1xi32> to vector<16xi32>
        %gather3A_900 = tpu.dynamic_gather %get3A_24[%gather3A_899] in [0] : vector<16xf32>, vector<16xi32> -> vector<16xf32>
        %eq3A_901 = arith.constant 4 : i32
        %eq3A_902 = vector.broadcast %eq3A_901 : i32 to vector<16xi32>
        %eq3A_903 = arith.cmpi eq, %shift_right_logical3A_867, %eq3A_902 : vector<16xi32>
        %select_n3A_904 = arith.select %eq3A_903, %gather3A_900, %select_n3A_897 : vector<16xi1>, vector<16xf32>
        %reshape3A_905 = vector.shape_cast %and3A_864 : vector<16xi32> to vector<16x1xi32>
        %gather3A_906 = vector.shape_cast %reshape3A_905 : vector<16x1xi32> to vector<16xi32>
        %gather3A_907 = tpu.dynamic_gather %get3A_29[%gather3A_906] in [0] : vector<16xf32>, vector<16xi32> -> vector<16xf32>
        %eq3A_908 = arith.constant 5 : i32
        %eq3A_909 = vector.broadcast %eq3A_908 : i32 to vector<16xi32>
        %eq3A_910 = arith.cmpi eq, %shift_right_logical3A_867, %eq3A_909 : vector<16xi32>
        %select_n3A_911 = arith.select %eq3A_910, %gather3A_907, %select_n3A_904 : vector<16xi1>, vector<16xf32>
        %reshape3A_912 = vector.shape_cast %and3A_864 : vector<16xi32> to vector<16x1xi32>
        %gather3A_913 = vector.shape_cast %reshape3A_912 : vector<16x1xi32> to vector<16xi32>
        %gather3A_914 = tpu.dynamic_gather %get3A_34[%gather3A_913] in [0] : vector<16xf32>, vector<16xi32> -> vector<16xf32>
        %eq3A_915 = arith.constant 6 : i32
        %eq3A_916 = vector.broadcast %eq3A_915 : i32 to vector<16xi32>
        %eq3A_917 = arith.cmpi eq, %shift_right_logical3A_867, %eq3A_916 : vector<16xi32>
        %select_n3A_918 = arith.select %eq3A_917, %gather3A_914, %select_n3A_911 : vector<16xi1>, vector<16xf32>
        %reshape3A_919 = vector.shape_cast %and3A_864 : vector<16xi32> to vector<16x1xi32>
        %gather3A_920 = vector.shape_cast %reshape3A_919 : vector<16x1xi32> to vector<16xi32>
        %gather3A_921 = tpu.dynamic_gather %get3A_39[%gather3A_920] in [0] : vector<16xf32>, vector<16xi32> -> vector<16xf32>
        %eq3A_922 = arith.constant 7 : i32
        %eq3A_923 = vector.broadcast %eq3A_922 : i32 to vector<16xi32>
        %eq3A_924 = arith.cmpi eq, %shift_right_logical3A_867, %eq3A_923 : vector<16xi32>
        %select_n3A_925 = arith.select %eq3A_924, %gather3A_921, %select_n3A_918 : vector<16xi1>, vector<16xf32>
        %reshape3A_926 = vector.shape_cast %and3A_864 : vector<16xi32> to vector<16x1xi32>
        %gather3A_927 = vector.shape_cast %reshape3A_926 : vector<16x1xi32> to vector<16xi32>
        %gather3A_928 = tpu.dynamic_gather %get3A_44[%gather3A_927] in [0] : vector<16xf32>, vector<16xi32> -> vector<16xf32>
        %eq3A_929 = arith.constant 8 : i32
        %eq3A_930 = vector.broadcast %eq3A_929 : i32 to vector<16xi32>
        %eq3A_931 = arith.cmpi eq, %shift_right_logical3A_867, %eq3A_930 : vector<16xi32>
        %select_n3A_932 = arith.select %eq3A_931, %gather3A_928, %select_n3A_925 : vector<16xi1>, vector<16xf32>
        %reshape3A_933 = vector.shape_cast %and3A_864 : vector<16xi32> to vector<16x1xi32>
        %gather3A_934 = vector.shape_cast %reshape3A_933 : vector<16x1xi32> to vector<16xi32>
        %gather3A_935 = tpu.dynamic_gather %get3A_49[%gather3A_934] in [0] : vector<16xf32>, vector<16xi32> -> vector<16xf32>
        %eq3A_936 = arith.constant 9 : i32
        %eq3A_937 = vector.broadcast %eq3A_936 : i32 to vector<16xi32>
        %eq3A_938 = arith.cmpi eq, %shift_right_logical3A_867, %eq3A_937 : vector<16xi32>
        %select_n3A_939 = arith.select %eq3A_938, %gather3A_935, %select_n3A_932 : vector<16xi1>, vector<16xf32>
        %reshape3A_940 = vector.shape_cast %and3A_864 : vector<16xi32> to vector<16x1xi32>
        %gather3A_941 = vector.shape_cast %reshape3A_940 : vector<16x1xi32> to vector<16xi32>
        %gather3A_942 = tpu.dynamic_gather %get3A_54[%gather3A_941] in [0] : vector<16xf32>, vector<16xi32> -> vector<16xf32>
        %eq3A_943 = arith.constant 10 : i32
        %eq3A_944 = vector.broadcast %eq3A_943 : i32 to vector<16xi32>
        %eq3A_945 = arith.cmpi eq, %shift_right_logical3A_867, %eq3A_944 : vector<16xi32>
        %select_n3A_946 = arith.select %eq3A_945, %gather3A_942, %select_n3A_939 : vector<16xi1>, vector<16xf32>
        %reshape3A_947 = vector.shape_cast %and3A_864 : vector<16xi32> to vector<16x1xi32>
        %gather3A_948 = vector.shape_cast %reshape3A_947 : vector<16x1xi32> to vector<16xi32>
        %gather3A_949 = tpu.dynamic_gather %get3A_59[%gather3A_948] in [0] : vector<16xf32>, vector<16xi32> -> vector<16xf32>
        %eq3A_950 = arith.constant 11 : i32
        %eq3A_951 = vector.broadcast %eq3A_950 : i32 to vector<16xi32>
        %eq3A_952 = arith.cmpi eq, %shift_right_logical3A_867, %eq3A_951 : vector<16xi32>
        %select_n3A_953 = arith.select %eq3A_952, %gather3A_949, %select_n3A_946 : vector<16xi1>, vector<16xf32>
        %reshape3A_954 = vector.shape_cast %and3A_864 : vector<16xi32> to vector<16x1xi32>
        %gather3A_955 = vector.shape_cast %reshape3A_954 : vector<16x1xi32> to vector<16xi32>
        %gather3A_956 = tpu.dynamic_gather %get3A_64[%gather3A_955] in [0] : vector<16xf32>, vector<16xi32> -> vector<16xf32>
        %eq3A_957 = arith.constant 12 : i32
        %eq3A_958 = vector.broadcast %eq3A_957 : i32 to vector<16xi32>
        %eq3A_959 = arith.cmpi eq, %shift_right_logical3A_867, %eq3A_958 : vector<16xi32>
        %select_n3A_960 = arith.select %eq3A_959, %gather3A_956, %select_n3A_953 : vector<16xi1>, vector<16xf32>
        %reshape3A_961 = vector.shape_cast %and3A_864 : vector<16xi32> to vector<16x1xi32>
        %gather3A_962 = vector.shape_cast %reshape3A_961 : vector<16x1xi32> to vector<16xi32>
        %gather3A_963 = tpu.dynamic_gather %get3A_69[%gather3A_962] in [0] : vector<16xf32>, vector<16xi32> -> vector<16xf32>
        %eq3A_964 = arith.constant 13 : i32
        %eq3A_965 = vector.broadcast %eq3A_964 : i32 to vector<16xi32>
        %eq3A_966 = arith.cmpi eq, %shift_right_logical3A_867, %eq3A_965 : vector<16xi32>
        %select_n3A_967 = arith.select %eq3A_966, %gather3A_963, %select_n3A_960 : vector<16xi1>, vector<16xf32>
        %reshape3A_968 = vector.shape_cast %and3A_864 : vector<16xi32> to vector<16x1xi32>
        %gather3A_969 = vector.shape_cast %reshape3A_968 : vector<16x1xi32> to vector<16xi32>
        %gather3A_970 = tpu.dynamic_gather %get3A_74[%gather3A_969] in [0] : vector<16xf32>, vector<16xi32> -> vector<16xf32>
        %eq3A_971 = arith.constant 14 : i32
        %eq3A_972 = vector.broadcast %eq3A_971 : i32 to vector<16xi32>
        %eq3A_973 = arith.cmpi eq, %shift_right_logical3A_867, %eq3A_972 : vector<16xi32>
        %select_n3A_974 = arith.select %eq3A_973, %gather3A_970, %select_n3A_967 : vector<16xi1>, vector<16xf32>
        %reshape3A_975 = vector.shape_cast %and3A_864 : vector<16xi32> to vector<16x1xi32>
        %gather3A_976 = vector.shape_cast %reshape3A_975 : vector<16x1xi32> to vector<16xi32>
        %gather3A_977 = tpu.dynamic_gather %get3A_79[%gather3A_976] in [0] : vector<16xf32>, vector<16xi32> -> vector<16xf32>
        %eq3A_978 = arith.constant 15 : i32
        %eq3A_979 = vector.broadcast %eq3A_978 : i32 to vector<16xi32>
        %eq3A_980 = arith.cmpi eq, %shift_right_logical3A_867, %eq3A_979 : vector<16xi32>
        %select_n3A_981 = arith.select %eq3A_980, %gather3A_977, %select_n3A_974 : vector<16xi1>, vector<16xf32>
        %sub3A_982 = arith.subf %scan3A_141#6, %select_n3A_981 : vector<16xf32>
        %and3A_983 = arith.constant 15 : i32
        %and3A_984 = vector.broadcast %and3A_983 : i32 to vector<16xi32>
        %and3A_985 = arith.andi %scan3A_141#15, %and3A_984 : vector<16xi32>
        %shift_right_logical3A_986 = arith.constant 4 : i32
        %shift_right_logical3A_987 = vector.broadcast %shift_right_logical3A_986 : i32 to vector<16xi32>
        %shift_right_logical3A_988 = arith.shrui %scan3A_141#15, %shift_right_logical3A_987 : vector<16xi32>
        %broadcast_in_dim3A_989 = arith.constant 0.000000e+00 : f32
        %broadcast_in_dim3A_990 = vector.broadcast %broadcast_in_dim3A_989 : f32 to vector<16xf32>
        %reshape3A_991 = vector.shape_cast %and3A_985 : vector<16xi32> to vector<16x1xi32>
        %gather3A_992 = vector.shape_cast %reshape3A_991 : vector<16x1xi32> to vector<16xi32>
        %gather3A_993 = tpu.dynamic_gather %get3A_4[%gather3A_992] in [0] : vector<16xf32>, vector<16xi32> -> vector<16xf32>
        %eq3A_994 = arith.constant 0 : i32
        %eq3A_995 = vector.broadcast %eq3A_994 : i32 to vector<16xi32>
        %eq3A_996 = arith.cmpi eq, %shift_right_logical3A_988, %eq3A_995 : vector<16xi32>
        %select_n3A_997 = arith.select %eq3A_996, %gather3A_993, %broadcast_in_dim3A_990 : vector<16xi1>, vector<16xf32>
        %reshape3A_998 = vector.shape_cast %and3A_985 : vector<16xi32> to vector<16x1xi32>
        %gather3A_999 = vector.shape_cast %reshape3A_998 : vector<16x1xi32> to vector<16xi32>
        %gather3A_1000 = tpu.dynamic_gather %get3A_9[%gather3A_999] in [0] : vector<16xf32>, vector<16xi32> -> vector<16xf32>
        %eq3A_1001 = arith.constant 1 : i32
        %eq3A_1002 = vector.broadcast %eq3A_1001 : i32 to vector<16xi32>
        %eq3A_1003 = arith.cmpi eq, %shift_right_logical3A_988, %eq3A_1002 : vector<16xi32>
        %select_n3A_1004 = arith.select %eq3A_1003, %gather3A_1000, %select_n3A_997 : vector<16xi1>, vector<16xf32>
        %reshape3A_1005 = vector.shape_cast %and3A_985 : vector<16xi32> to vector<16x1xi32>
        %gather3A_1006 = vector.shape_cast %reshape3A_1005 : vector<16x1xi32> to vector<16xi32>
        %gather3A_1007 = tpu.dynamic_gather %get3A_14[%gather3A_1006] in [0] : vector<16xf32>, vector<16xi32> -> vector<16xf32>
        %eq3A_1008 = arith.constant 2 : i32
        %eq3A_1009 = vector.broadcast %eq3A_1008 : i32 to vector<16xi32>
        %eq3A_1010 = arith.cmpi eq, %shift_right_logical3A_988, %eq3A_1009 : vector<16xi32>
        %select_n3A_1011 = arith.select %eq3A_1010, %gather3A_1007, %select_n3A_1004 : vector<16xi1>, vector<16xf32>
        %reshape3A_1012 = vector.shape_cast %and3A_985 : vector<16xi32> to vector<16x1xi32>
        %gather3A_1013 = vector.shape_cast %reshape3A_1012 : vector<16x1xi32> to vector<16xi32>
        %gather3A_1014 = tpu.dynamic_gather %get3A_19[%gather3A_1013] in [0] : vector<16xf32>, vector<16xi32> -> vector<16xf32>
        %eq3A_1015 = arith.constant 3 : i32
        %eq3A_1016 = vector.broadcast %eq3A_1015 : i32 to vector<16xi32>
        %eq3A_1017 = arith.cmpi eq, %shift_right_logical3A_988, %eq3A_1016 : vector<16xi32>
        %select_n3A_1018 = arith.select %eq3A_1017, %gather3A_1014, %select_n3A_1011 : vector<16xi1>, vector<16xf32>
        %reshape3A_1019 = vector.shape_cast %and3A_985 : vector<16xi32> to vector<16x1xi32>
        %gather3A_1020 = vector.shape_cast %reshape3A_1019 : vector<16x1xi32> to vector<16xi32>
        %gather3A_1021 = tpu.dynamic_gather %get3A_24[%gather3A_1020] in [0] : vector<16xf32>, vector<16xi32> -> vector<16xf32>
        %eq3A_1022 = arith.constant 4 : i32
        %eq3A_1023 = vector.broadcast %eq3A_1022 : i32 to vector<16xi32>
        %eq3A_1024 = arith.cmpi eq, %shift_right_logical3A_988, %eq3A_1023 : vector<16xi32>
        %select_n3A_1025 = arith.select %eq3A_1024, %gather3A_1021, %select_n3A_1018 : vector<16xi1>, vector<16xf32>
        %reshape3A_1026 = vector.shape_cast %and3A_985 : vector<16xi32> to vector<16x1xi32>
        %gather3A_1027 = vector.shape_cast %reshape3A_1026 : vector<16x1xi32> to vector<16xi32>
        %gather3A_1028 = tpu.dynamic_gather %get3A_29[%gather3A_1027] in [0] : vector<16xf32>, vector<16xi32> -> vector<16xf32>
        %eq3A_1029 = arith.constant 5 : i32
        %eq3A_1030 = vector.broadcast %eq3A_1029 : i32 to vector<16xi32>
        %eq3A_1031 = arith.cmpi eq, %shift_right_logical3A_988, %eq3A_1030 : vector<16xi32>
        %select_n3A_1032 = arith.select %eq3A_1031, %gather3A_1028, %select_n3A_1025 : vector<16xi1>, vector<16xf32>
        %reshape3A_1033 = vector.shape_cast %and3A_985 : vector<16xi32> to vector<16x1xi32>
        %gather3A_1034 = vector.shape_cast %reshape3A_1033 : vector<16x1xi32> to vector<16xi32>
        %gather3A_1035 = tpu.dynamic_gather %get3A_34[%gather3A_1034] in [0] : vector<16xf32>, vector<16xi32> -> vector<16xf32>
        %eq3A_1036 = arith.constant 6 : i32
        %eq3A_1037 = vector.broadcast %eq3A_1036 : i32 to vector<16xi32>
        %eq3A_1038 = arith.cmpi eq, %shift_right_logical3A_988, %eq3A_1037 : vector<16xi32>
        %select_n3A_1039 = arith.select %eq3A_1038, %gather3A_1035, %select_n3A_1032 : vector<16xi1>, vector<16xf32>
        %reshape3A_1040 = vector.shape_cast %and3A_985 : vector<16xi32> to vector<16x1xi32>
        %gather3A_1041 = vector.shape_cast %reshape3A_1040 : vector<16x1xi32> to vector<16xi32>
        %gather3A_1042 = tpu.dynamic_gather %get3A_39[%gather3A_1041] in [0] : vector<16xf32>, vector<16xi32> -> vector<16xf32>
        %eq3A_1043 = arith.constant 7 : i32
        %eq3A_1044 = vector.broadcast %eq3A_1043 : i32 to vector<16xi32>
        %eq3A_1045 = arith.cmpi eq, %shift_right_logical3A_988, %eq3A_1044 : vector<16xi32>
        %select_n3A_1046 = arith.select %eq3A_1045, %gather3A_1042, %select_n3A_1039 : vector<16xi1>, vector<16xf32>
        %reshape3A_1047 = vector.shape_cast %and3A_985 : vector<16xi32> to vector<16x1xi32>
        %gather3A_1048 = vector.shape_cast %reshape3A_1047 : vector<16x1xi32> to vector<16xi32>
        %gather3A_1049 = tpu.dynamic_gather %get3A_44[%gather3A_1048] in [0] : vector<16xf32>, vector<16xi32> -> vector<16xf32>
        %eq3A_1050 = arith.constant 8 : i32
        %eq3A_1051 = vector.broadcast %eq3A_1050 : i32 to vector<16xi32>
        %eq3A_1052 = arith.cmpi eq, %shift_right_logical3A_988, %eq3A_1051 : vector<16xi32>
        %select_n3A_1053 = arith.select %eq3A_1052, %gather3A_1049, %select_n3A_1046 : vector<16xi1>, vector<16xf32>
        %reshape3A_1054 = vector.shape_cast %and3A_985 : vector<16xi32> to vector<16x1xi32>
        %gather3A_1055 = vector.shape_cast %reshape3A_1054 : vector<16x1xi32> to vector<16xi32>
        %gather3A_1056 = tpu.dynamic_gather %get3A_49[%gather3A_1055] in [0] : vector<16xf32>, vector<16xi32> -> vector<16xf32>
        %eq3A_1057 = arith.constant 9 : i32
        %eq3A_1058 = vector.broadcast %eq3A_1057 : i32 to vector<16xi32>
        %eq3A_1059 = arith.cmpi eq, %shift_right_logical3A_988, %eq3A_1058 : vector<16xi32>
        %select_n3A_1060 = arith.select %eq3A_1059, %gather3A_1056, %select_n3A_1053 : vector<16xi1>, vector<16xf32>
        %reshape3A_1061 = vector.shape_cast %and3A_985 : vector<16xi32> to vector<16x1xi32>
        %gather3A_1062 = vector.shape_cast %reshape3A_1061 : vector<16x1xi32> to vector<16xi32>
        %gather3A_1063 = tpu.dynamic_gather %get3A_54[%gather3A_1062] in [0] : vector<16xf32>, vector<16xi32> -> vector<16xf32>
        %eq3A_1064 = arith.constant 10 : i32
        %eq3A_1065 = vector.broadcast %eq3A_1064 : i32 to vector<16xi32>
        %eq3A_1066 = arith.cmpi eq, %shift_right_logical3A_988, %eq3A_1065 : vector<16xi32>
        %select_n3A_1067 = arith.select %eq3A_1066, %gather3A_1063, %select_n3A_1060 : vector<16xi1>, vector<16xf32>
        %reshape3A_1068 = vector.shape_cast %and3A_985 : vector<16xi32> to vector<16x1xi32>
        %gather3A_1069 = vector.shape_cast %reshape3A_1068 : vector<16x1xi32> to vector<16xi32>
        %gather3A_1070 = tpu.dynamic_gather %get3A_59[%gather3A_1069] in [0] : vector<16xf32>, vector<16xi32> -> vector<16xf32>
        %eq3A_1071 = arith.constant 11 : i32
        %eq3A_1072 = vector.broadcast %eq3A_1071 : i32 to vector<16xi32>
        %eq3A_1073 = arith.cmpi eq, %shift_right_logical3A_988, %eq3A_1072 : vector<16xi32>
        %select_n3A_1074 = arith.select %eq3A_1073, %gather3A_1070, %select_n3A_1067 : vector<16xi1>, vector<16xf32>
        %reshape3A_1075 = vector.shape_cast %and3A_985 : vector<16xi32> to vector<16x1xi32>
        %gather3A_1076 = vector.shape_cast %reshape3A_1075 : vector<16x1xi32> to vector<16xi32>
        %gather3A_1077 = tpu.dynamic_gather %get3A_64[%gather3A_1076] in [0] : vector<16xf32>, vector<16xi32> -> vector<16xf32>
        %eq3A_1078 = arith.constant 12 : i32
        %eq3A_1079 = vector.broadcast %eq3A_1078 : i32 to vector<16xi32>
        %eq3A_1080 = arith.cmpi eq, %shift_right_logical3A_988, %eq3A_1079 : vector<16xi32>
        %select_n3A_1081 = arith.select %eq3A_1080, %gather3A_1077, %select_n3A_1074 : vector<16xi1>, vector<16xf32>
        %reshape3A_1082 = vector.shape_cast %and3A_985 : vector<16xi32> to vector<16x1xi32>
        %gather3A_1083 = vector.shape_cast %reshape3A_1082 : vector<16x1xi32> to vector<16xi32>
        %gather3A_1084 = tpu.dynamic_gather %get3A_69[%gather3A_1083] in [0] : vector<16xf32>, vector<16xi32> -> vector<16xf32>
        %eq3A_1085 = arith.constant 13 : i32
        %eq3A_1086 = vector.broadcast %eq3A_1085 : i32 to vector<16xi32>
        %eq3A_1087 = arith.cmpi eq, %shift_right_logical3A_988, %eq3A_1086 : vector<16xi32>
        %select_n3A_1088 = arith.select %eq3A_1087, %gather3A_1084, %select_n3A_1081 : vector<16xi1>, vector<16xf32>
        %reshape3A_1089 = vector.shape_cast %and3A_985 : vector<16xi32> to vector<16x1xi32>
        %gather3A_1090 = vector.shape_cast %reshape3A_1089 : vector<16x1xi32> to vector<16xi32>
        %gather3A_1091 = tpu.dynamic_gather %get3A_74[%gather3A_1090] in [0] : vector<16xf32>, vector<16xi32> -> vector<16xf32>
        %eq3A_1092 = arith.constant 14 : i32
        %eq3A_1093 = vector.broadcast %eq3A_1092 : i32 to vector<16xi32>
        %eq3A_1094 = arith.cmpi eq, %shift_right_logical3A_988, %eq3A_1093 : vector<16xi32>
        %select_n3A_1095 = arith.select %eq3A_1094, %gather3A_1091, %select_n3A_1088 : vector<16xi1>, vector<16xf32>
        %reshape3A_1096 = vector.shape_cast %and3A_985 : vector<16xi32> to vector<16x1xi32>
        %gather3A_1097 = vector.shape_cast %reshape3A_1096 : vector<16x1xi32> to vector<16xi32>
        %gather3A_1098 = tpu.dynamic_gather %get3A_79[%gather3A_1097] in [0] : vector<16xf32>, vector<16xi32> -> vector<16xf32>
        %eq3A_1099 = arith.constant 15 : i32
        %eq3A_1100 = vector.broadcast %eq3A_1099 : i32 to vector<16xi32>
        %eq3A_1101 = arith.cmpi eq, %shift_right_logical3A_988, %eq3A_1100 : vector<16xi32>
        %select_n3A_1102 = arith.select %eq3A_1101, %gather3A_1098, %select_n3A_1095 : vector<16xi1>, vector<16xf32>
        %sub3A_1103 = arith.subf %scan3A_141#7, %select_n3A_1102 : vector<16xf32>
        %add3A_1104 = arith.addf %sub3A, %sub3A_377 : vector<16xf32>
        %add3A_1105 = arith.addf %add3A_1104, %sub3A_498 : vector<16xf32>
        %add3A_1106 = arith.addf %add3A_1105, %sub3A_619 : vector<16xf32>
        %add3A_1107 = arith.addf %add3A_1106, %sub3A_740 : vector<16xf32>
        %add3A_1108 = arith.addf %add3A_1107, %sub3A_861 : vector<16xf32>
        %add3A_1109 = arith.addf %add3A_1108, %sub3A_982 : vector<16xf32>
        %add3A_1110 = arith.addf %add3A_1109, %sub3A_1103 : vector<16xf32>
        %add3A_1111 = arith.constant 9.99999968E-21 : f32
        %add3A_1112 = vector.broadcast %add3A_1111 : f32 to vector<16xf32>
        %add3A_1113 = arith.addf %add3A_1110, %add3A_1112 : vector<16xf32>
        %div3A = arith.constant 2.500000e+00 : f32
        %div3A_1114 = vector.broadcast %div3A : f32 to vector<16xf32>
        %div3A_1115 = arith.divf %div3A_1114, %add3A_1113 : vector<16xf32>
        %swap3A = arith.constant 0 : i32
        %swap3A_1116 = arith.index_cast %swap3A : i32 to index
        %swap3A_1117 = arith.index_cast %mul3A_105 : i32 to index
        %swap3A_1118 = tpu.vector_load %arg10[%swap3A_1116, %swap3A_1117] {strides = array<i32>} : memref<8x128xi32, #tpu.memory_space<vmem>>, vector<1x16xi32>,
        %swap3A_1119 = vector.shape_cast %swap3A_1118 : vector<1x16xi32> to vector<16xi32>
        %swap3A_1120 = vector.shape_cast %scan3A_141#8 : vector<16xi32> to vector<1x16xi32>
        tpu.vector_store %arg10[%swap3A_1116, %swap3A_1117], %swap3A_1120 {strides = array<i32>} : memref<8x128xi32, #tpu.memory_space<vmem>>, vector<1x16xi32>,
        %mul3A_1121 = arith.mulf %sub3A, %div3A_1115 : vector<16xf32>
        %swap3A_1122 = arith.constant 0 : i32
        %swap3A_1123 = arith.index_cast %swap3A_1122 : i32 to index
        %swap3A_1124 = arith.index_cast %mul3A_105 : i32 to index
        %swap3A_1125 = tpu.vector_load %arg11[%swap3A_1123, %swap3A_1124] {strides = array<i32>} : memref<8x128xf32, #tpu.memory_space<vmem>>, vector<1x16xf32>,
        %swap3A_1126 = vector.shape_cast %swap3A_1125 : vector<1x16xf32> to vector<16xf32>
        %swap3A_1127 = vector.shape_cast %mul3A_1121 : vector<16xf32> to vector<1x16xf32>
        tpu.vector_store %arg11[%swap3A_1123, %swap3A_1124], %swap3A_1127 {strides = array<i32>} : memref<8x128xf32, #tpu.memory_space<vmem>>, vector<1x16xf32>,
        %swap3A_1128 = arith.constant 1 : i32
        %swap3A_1129 = arith.index_cast %swap3A_1128 : i32 to index
        %swap3A_1130 = arith.index_cast %mul3A_105 : i32 to index
        %swap3A_1131 = tpu.vector_load %arg10[%swap3A_1129, %swap3A_1130] {strides = array<i32>} : memref<8x128xi32, #tpu.memory_space<vmem>>, vector<1x16xi32>,
        %swap3A_1132 = vector.shape_cast %swap3A_1131 : vector<1x16xi32> to vector<16xi32>
        %swap3A_1133 = vector.shape_cast %scan3A_141#9 : vector<16xi32> to vector<1x16xi32>
        tpu.vector_store %arg10[%swap3A_1129, %swap3A_1130], %swap3A_1133 {strides = array<i32>} : memref<8x128xi32, #tpu.memory_space<vmem>>, vector<1x16xi32>,
        %mul3A_1134 = arith.mulf %sub3A_377, %div3A_1115 : vector<16xf32>
        %swap3A_1135 = arith.constant 1 : i32
        %swap3A_1136 = arith.index_cast %swap3A_1135 : i32 to index
        %swap3A_1137 = arith.index_cast %mul3A_105 : i32 to index
        %swap3A_1138 = tpu.vector_load %arg11[%swap3A_1136, %swap3A_1137] {strides = array<i32>} : memref<8x128xf32, #tpu.memory_space<vmem>>, vector<1x16xf32>,
        %swap3A_1139 = vector.shape_cast %swap3A_1138 : vector<1x16xf32> to vector<16xf32>
        %swap3A_1140 = vector.shape_cast %mul3A_1134 : vector<16xf32> to vector<1x16xf32>
        tpu.vector_store %arg11[%swap3A_1136, %swap3A_1137], %swap3A_1140 {strides = array<i32>} : memref<8x128xf32, #tpu.memory_space<vmem>>, vector<1x16xf32>,
        %swap3A_1141 = arith.constant 2 : i32
        %swap3A_1142 = arith.index_cast %swap3A_1141 : i32 to index
        %swap3A_1143 = arith.index_cast %mul3A_105 : i32 to index
        %swap3A_1144 = tpu.vector_load %arg10[%swap3A_1142, %swap3A_1143] {strides = array<i32>} : memref<8x128xi32, #tpu.memory_space<vmem>>, vector<1x16xi32>,
        %swap3A_1145 = vector.shape_cast %swap3A_1144 : vector<1x16xi32> to vector<16xi32>
        %swap3A_1146 = vector.shape_cast %scan3A_141#10 : vector<16xi32> to vector<1x16xi32>
        tpu.vector_store %arg10[%swap3A_1142, %swap3A_1143], %swap3A_1146 {strides = array<i32>} : memref<8x128xi32, #tpu.memory_space<vmem>>, vector<1x16xi32>,
        %mul3A_1147 = arith.mulf %sub3A_498, %div3A_1115 : vector<16xf32>
        %swap3A_1148 = arith.constant 2 : i32
        %swap3A_1149 = arith.index_cast %swap3A_1148 : i32 to index
        %swap3A_1150 = arith.index_cast %mul3A_105 : i32 to index
        %swap3A_1151 = tpu.vector_load %arg11[%swap3A_1149, %swap3A_1150] {strides = array<i32>} : memref<8x128xf32, #tpu.memory_space<vmem>>, vector<1x16xf32>,
        %swap3A_1152 = vector.shape_cast %swap3A_1151 : vector<1x16xf32> to vector<16xf32>
        %swap3A_1153 = vector.shape_cast %mul3A_1147 : vector<16xf32> to vector<1x16xf32>
        tpu.vector_store %arg11[%swap3A_1149, %swap3A_1150], %swap3A_1153 {strides = array<i32>} : memref<8x128xf32, #tpu.memory_space<vmem>>, vector<1x16xf32>,
        %swap3A_1154 = arith.constant 3 : i32
        %swap3A_1155 = arith.index_cast %swap3A_1154 : i32 to index
        %swap3A_1156 = arith.index_cast %mul3A_105 : i32 to index
        %swap3A_1157 = tpu.vector_load %arg10[%swap3A_1155, %swap3A_1156] {strides = array<i32>} : memref<8x128xi32, #tpu.memory_space<vmem>>, vector<1x16xi32>,
        %swap3A_1158 = vector.shape_cast %swap3A_1157 : vector<1x16xi32> to vector<16xi32>
        %swap3A_1159 = vector.shape_cast %scan3A_141#11 : vector<16xi32> to vector<1x16xi32>
        tpu.vector_store %arg10[%swap3A_1155, %swap3A_1156], %swap3A_1159 {strides = array<i32>} : memref<8x128xi32, #tpu.memory_space<vmem>>, vector<1x16xi32>,
        %mul3A_1160 = arith.mulf %sub3A_619, %div3A_1115 : vector<16xf32>
        %swap3A_1161 = arith.constant 3 : i32
        %swap3A_1162 = arith.index_cast %swap3A_1161 : i32 to index
        %swap3A_1163 = arith.index_cast %mul3A_105 : i32 to index
        %swap3A_1164 = tpu.vector_load %arg11[%swap3A_1162, %swap3A_1163] {strides = array<i32>} : memref<8x128xf32, #tpu.memory_space<vmem>>, vector<1x16xf32>,
        %swap3A_1165 = vector.shape_cast %swap3A_1164 : vector<1x16xf32> to vector<16xf32>
        %swap3A_1166 = vector.shape_cast %mul3A_1160 : vector<16xf32> to vector<1x16xf32>
        tpu.vector_store %arg11[%swap3A_1162, %swap3A_1163], %swap3A_1166 {strides = array<i32>} : memref<8x128xf32, #tpu.memory_space<vmem>>, vector<1x16xf32>,
        %swap3A_1167 = arith.constant 4 : i32
        %swap3A_1168 = arith.index_cast %swap3A_1167 : i32 to index
        %swap3A_1169 = arith.index_cast %mul3A_105 : i32 to index
        %swap3A_1170 = tpu.vector_load %arg10[%swap3A_1168, %swap3A_1169] {strides = array<i32>} : memref<8x128xi32, #tpu.memory_space<vmem>>, vector<1x16xi32>,
        %swap3A_1171 = vector.shape_cast %swap3A_1170 : vector<1x16xi32> to vector<16xi32>
        %swap3A_1172 = vector.shape_cast %scan3A_141#12 : vector<16xi32> to vector<1x16xi32>
        tpu.vector_store %arg10[%swap3A_1168, %swap3A_1169], %swap3A_1172 {strides = array<i32>} : memref<8x128xi32, #tpu.memory_space<vmem>>, vector<1x16xi32>,
        %mul3A_1173 = arith.mulf %sub3A_740, %div3A_1115 : vector<16xf32>
        %swap3A_1174 = arith.constant 4 : i32
        %swap3A_1175 = arith.index_cast %swap3A_1174 : i32 to index
        %swap3A_1176 = arith.index_cast %mul3A_105 : i32 to index
        %swap3A_1177 = tpu.vector_load %arg11[%swap3A_1175, %swap3A_1176] {strides = array<i32>} : memref<8x128xf32, #tpu.memory_space<vmem>>, vector<1x16xf32>,
        %swap3A_1178 = vector.shape_cast %swap3A_1177 : vector<1x16xf32> to vector<16xf32>
        %swap3A_1179 = vector.shape_cast %mul3A_1173 : vector<16xf32> to vector<1x16xf32>
        tpu.vector_store %arg11[%swap3A_1175, %swap3A_1176], %swap3A_1179 {strides = array<i32>} : memref<8x128xf32, #tpu.memory_space<vmem>>, vector<1x16xf32>,
        %swap3A_1180 = arith.constant 5 : i32
        %swap3A_1181 = arith.index_cast %swap3A_1180 : i32 to index
        %swap3A_1182 = arith.index_cast %mul3A_105 : i32 to index
        %swap3A_1183 = tpu.vector_load %arg10[%swap3A_1181, %swap3A_1182] {strides = array<i32>} : memref<8x128xi32, #tpu.memory_space<vmem>>, vector<1x16xi32>,
        %swap3A_1184 = vector.shape_cast %swap3A_1183 : vector<1x16xi32> to vector<16xi32>
        %swap3A_1185 = vector.shape_cast %scan3A_141#13 : vector<16xi32> to vector<1x16xi32>
        tpu.vector_store %arg10[%swap3A_1181, %swap3A_1182], %swap3A_1185 {strides = array<i32>} : memref<8x128xi32, #tpu.memory_space<vmem>>, vector<1x16xi32>,
        %mul3A_1186 = arith.mulf %sub3A_861, %div3A_1115 : vector<16xf32>
        %swap3A_1187 = arith.constant 5 : i32
        %swap3A_1188 = arith.index_cast %swap3A_1187 : i32 to index
        %swap3A_1189 = arith.index_cast %mul3A_105 : i32 to index
        %swap3A_1190 = tpu.vector_load %arg11[%swap3A_1188, %swap3A_1189] {strides = array<i32>} : memref<8x128xf32, #tpu.memory_space<vmem>>, vector<1x16xf32>,
        %swap3A_1191 = vector.shape_cast %swap3A_1190 : vector<1x16xf32> to vector<16xf32>
        %swap3A_1192 = vector.shape_cast %mul3A_1186 : vector<16xf32> to vector<1x16xf32>
        tpu.vector_store %arg11[%swap3A_1188, %swap3A_1189], %swap3A_1192 {strides = array<i32>} : memref<8x128xf32, #tpu.memory_space<vmem>>, vector<1x16xf32>,
        %swap3A_1193 = arith.constant 6 : i32
        %swap3A_1194 = arith.index_cast %swap3A_1193 : i32 to index
        %swap3A_1195 = arith.index_cast %mul3A_105 : i32 to index
        %swap3A_1196 = tpu.vector_load %arg10[%swap3A_1194, %swap3A_1195] {strides = array<i32>} : memref<8x128xi32, #tpu.memory_space<vmem>>, vector<1x16xi32>,
        %swap3A_1197 = vector.shape_cast %swap3A_1196 : vector<1x16xi32> to vector<16xi32>
        %swap3A_1198 = vector.shape_cast %scan3A_141#14 : vector<16xi32> to vector<1x16xi32>
        tpu.vector_store %arg10[%swap3A_1194, %swap3A_1195], %swap3A_1198 {strides = array<i32>} : memref<8x128xi32, #tpu.memory_space<vmem>>, vector<1x16xi32>,
        %mul3A_1199 = arith.mulf %sub3A_982, %div3A_1115 : vector<16xf32>
        %swap3A_1200 = arith.constant 6 : i32
        %swap3A_1201 = arith.index_cast %swap3A_1200 : i32 to index
        %swap3A_1202 = arith.index_cast %mul3A_105 : i32 to index
        %swap3A_1203 = tpu.vector_load %arg11[%swap3A_1201, %swap3A_1202] {strides = array<i32>} : memref<8x128xf32, #tpu.memory_space<vmem>>, vector<1x16xf32>,
        %swap3A_1204 = vector.shape_cast %swap3A_1203 : vector<1x16xf32> to vector<16xf32>
        %swap3A_1205 = vector.shape_cast %mul3A_1199 : vector<16xf32> to vector<1x16xf32>
        tpu.vector_store %arg11[%swap3A_1201, %swap3A_1202], %swap3A_1205 {strides = array<i32>} : memref<8x128xf32, #tpu.memory_space<vmem>>, vector<1x16xf32>,
        %swap3A_1206 = arith.constant 7 : i32
        %swap3A_1207 = arith.index_cast %swap3A_1206 : i32 to index
        %swap3A_1208 = arith.index_cast %mul3A_105 : i32 to index
        %swap3A_1209 = tpu.vector_load %arg10[%swap3A_1207, %swap3A_1208] {strides = array<i32>} : memref<8x128xi32, #tpu.memory_space<vmem>>, vector<1x16xi32>,
        %swap3A_1210 = vector.shape_cast %swap3A_1209 : vector<1x16xi32> to vector<16xi32>
        %swap3A_1211 = vector.shape_cast %scan3A_141#15 : vector<16xi32> to vector<1x16xi32>
        tpu.vector_store %arg10[%swap3A_1207, %swap3A_1208], %swap3A_1211 {strides = array<i32>} : memref<8x128xi32, #tpu.memory_space<vmem>>, vector<1x16xi32>,
        %mul3A_1212 = arith.mulf %sub3A_1103, %div3A_1115 : vector<16xf32>
        %swap3A_1213 = arith.constant 7 : i32
        %swap3A_1214 = arith.index_cast %swap3A_1213 : i32 to index
        %swap3A_1215 = arith.index_cast %mul3A_105 : i32 to index
        %swap3A_1216 = tpu.vector_load %arg11[%swap3A_1214, %swap3A_1215] {strides = array<i32>} : memref<8x128xf32, #tpu.memory_space<vmem>>, vector<1x16xf32>,
        %swap3A_1217 = vector.shape_cast %swap3A_1216 : vector<1x16xf32> to vector<16xf32>
        %swap3A_1218 = vector.shape_cast %mul3A_1212 : vector<16xf32> to vector<1x16xf32>
        tpu.vector_store %arg11[%swap3A_1214, %swap3A_1215], %swap3A_1218 {strides = array<i32>} : memref<8x128xf32, #tpu.memory_space<vmem>>, vector<1x16xf32>,
        %scan3A_1219 = arith.constant 0 : i32
        scf.yield %scan3A_1219 : i32
      }
      %scan3A_98 = arith.constant 8 : i32
      %add3A_99 = arith.addi %mul3A_81, %scan3A_88 : i32
      "tpu.region"() ({
        %run_scoped3A = tpu.sem_alloc : memref<!tpu.dma_semaphore, #tpu.memory_space<semaphore_mem>>
        %dma_start3A = arith.constant 0 : i32
        %dma_start3A_102 = arith.constant 0 : i32
        %dma_start3A_103 = tpu.memref_slice %arg5[%add3A_99, %dma_start3A, %dma_start3A_102] : memref<128x8x128xi32, #tpu.memory_space<hbm>> -> memref<1x8x128xi32, #tpu.memory_space<hbm>>
        %dma_start3A_104 = tpu.memref_squeeze %dma_start3A_103 : memref<1x8x128xi32, #tpu.memory_space<hbm>> -> memref<8x128xi32, #tpu.memory_space<hbm>>
        %dma_start3A_105 = arith.constant 0 : i32
        %dma_start3A_106 = arith.constant 0 : i32
        %dma_start3A_107 = tpu.memref_slice %arg5[%add3A_99, %dma_start3A_105, %dma_start3A_106] : memref<128x8x128xi32, #tpu.memory_space<hbm>> -> memref<1x8x128xi32, #tpu.memory_space<hbm>>
        %dma_start3A_108 = tpu.memref_squeeze %dma_start3A_107 : memref<1x8x128xi32, #tpu.memory_space<hbm>> -> memref<8x128xi32, #tpu.memory_space<hbm>>
        tpu.enqueue_dma source(%arg10 : memref<8x128xi32, #tpu.memory_space<vmem>>) target(%dma_start3A_108 : memref<8x128xi32, #tpu.memory_space<hbm>>) target_semaphore(%run_scoped3A : memref<!tpu.dma_semaphore, #tpu.memory_space<semaphore_mem>>)
        %dma_wait3A = arith.constant 0 : i32
        %dma_wait3A_109 = arith.constant 0 : i32
        %dma_wait3A_110 = tpu.memref_slice %arg5[%add3A_99, %dma_wait3A, %dma_wait3A_109] : memref<128x8x128xi32, #tpu.memory_space<hbm>> -> memref<1x8x128xi32, #tpu.memory_space<hbm>>
        %dma_wait3A_111 = tpu.memref_squeeze %dma_wait3A_110 : memref<1x8x128xi32, #tpu.memory_space<hbm>> -> memref<8x128xi32, #tpu.memory_space<hbm>>
        %dma_wait3A_112 = arith.constant 0 : i32
        %dma_wait3A_113 = arith.constant 0 : i32
        %dma_wait3A_114 = tpu.memref_slice %arg5[%add3A_99, %dma_wait3A_112, %dma_wait3A_113] : memref<128x8x128xi32, #tpu.memory_space<hbm>> -> memref<1x8x128xi32, #tpu.memory_space<hbm>>
        %dma_wait3A_115 = tpu.memref_squeeze %dma_wait3A_114 : memref<1x8x128xi32, #tpu.memory_space<hbm>> -> memref<8x128xi32, #tpu.memory_space<hbm>>
        tpu.wait_dma2 semaphore(%run_scoped3A : memref<!tpu.dma_semaphore, #tpu.memory_space<semaphore_mem>>) src(%arg10 : memref<8x128xi32, #tpu.memory_space<vmem>>) dst(%dma_wait3A_115 : memref<8x128xi32, #tpu.memory_space<hbm>>)
        tpu.yield
      }) : () -> ()
      %add3A_100 = arith.addi %mul3A_81, %scan3A_88 : i32
      "tpu.region"() ({
        %run_scoped3A = tpu.sem_alloc : memref<!tpu.dma_semaphore, #tpu.memory_space<semaphore_mem>>
        %dma_start3A = arith.constant 0 : i32
        %dma_start3A_102 = arith.constant 0 : i32
        %dma_start3A_103 = tpu.memref_slice %arg6[%add3A_100, %dma_start3A, %dma_start3A_102] : memref<128x8x128xf32, #tpu.memory_space<hbm>> -> memref<1x8x128xf32, #tpu.memory_space<hbm>>
        %dma_start3A_104 = tpu.memref_squeeze %dma_start3A_103 : memref<1x8x128xf32, #tpu.memory_space<hbm>> -> memref<8x128xf32, #tpu.memory_space<hbm>>
        %dma_start3A_105 = arith.constant 0 : i32
        %dma_start3A_106 = arith.constant 0 : i32
        %dma_start3A_107 = tpu.memref_slice %arg6[%add3A_100, %dma_start3A_105, %dma_start3A_106] : memref<128x8x128xf32, #tpu.memory_space<hbm>> -> memref<1x8x128xf32, #tpu.memory_space<hbm>>
        %dma_start3A_108 = tpu.memref_squeeze %dma_start3A_107 : memref<1x8x128xf32, #tpu.memory_space<hbm>> -> memref<8x128xf32, #tpu.memory_space<hbm>>
        tpu.enqueue_dma source(%arg11 : memref<8x128xf32, #tpu.memory_space<vmem>>) target(%dma_start3A_108 : memref<8x128xf32, #tpu.memory_space<hbm>>) target_semaphore(%run_scoped3A : memref<!tpu.dma_semaphore, #tpu.memory_space<semaphore_mem>>)
        %dma_wait3A = arith.constant 0 : i32
        %dma_wait3A_109 = arith.constant 0 : i32
        %dma_wait3A_110 = tpu.memref_slice %arg6[%add3A_100, %dma_wait3A, %dma_wait3A_109] : memref<128x8x128xf32, #tpu.memory_space<hbm>> -> memref<1x8x128xf32, #tpu.memory_space<hbm>>
        %dma_wait3A_111 = tpu.memref_squeeze %dma_wait3A_110 : memref<1x8x128xf32, #tpu.memory_space<hbm>> -> memref<8x128xf32, #tpu.memory_space<hbm>>
        %dma_wait3A_112 = arith.constant 0 : i32
        %dma_wait3A_113 = arith.constant 0 : i32
        %dma_wait3A_114 = tpu.memref_slice %arg6[%add3A_100, %dma_wait3A_112, %dma_wait3A_113] : memref<128x8x128xf32, #tpu.memory_space<hbm>> -> memref<1x8x128xf32, #tpu.memory_space<hbm>>
        %dma_wait3A_115 = tpu.memref_squeeze %dma_wait3A_114 : memref<1x8x128xf32, #tpu.memory_space<hbm>> -> memref<8x128xf32, #tpu.memory_space<hbm>>
        tpu.wait_dma2 semaphore(%run_scoped3A : memref<!tpu.dma_semaphore, #tpu.memory_space<semaphore_mem>>) src(%arg11 : memref<8x128xf32, #tpu.memory_space<vmem>>) dst(%dma_wait3A_115 : memref<8x128xf32, #tpu.memory_space<hbm>>)
        tpu.yield
      }) : () -> ()
      %scan3A_101 = arith.constant 0 : i32
      scf.yield %scan3A_101 : i32
    }
    %scan3A_87 = arith.constant 4 : i32
    return
  }
}

module attributes {stable_mosaic.version = 14 : i64} {
  func.func @_mask_body(%arg0: i32, %arg1: memref<512x7168xf32, #tpu.memory_space<vmem>>, %arg2: memref<256x7168xf32, #tpu.memory_space<vmem>>, %arg3: memref<256x1xf32, #tpu.memory_space<vmem>>, %arg4: memref<1x4x64x128xf32, #tpu.memory_space<vmem>>, %arg5: memref<1x4x64x128xi32, #tpu.memory_space<vmem>>) attributes {dimension_semantics = [#tpu.dimension_semantics<arbitrary>], iteration_bounds = array<i64: 32>, scalar_prefetch = 0 : i64, scratch_operands = 0 : i64, tpu.core_type = #tpu.core_type<tc>, window_params = [{transform_indices = @transform_0, window_bounds = array<i64: 512, 7168>}, {pipeline_mode = #tpu.pipeline_mode<synchronous>, transform_indices = @transform_1, window_bounds = array<i64: 256, 7168>}, {pipeline_mode = #tpu.pipeline_mode<synchronous>, transform_indices = @transform_2, window_bounds = array<i64: 256, 1>}, {transform_indices = @transform_3, window_bounds = array<i64: 1, 4, 64, 128>}, {transform_indices = @transform_4, window_bounds = array<i64: 1, 4, 64, 128>}]} {
    %get3A = arith.constant 0 : index
    %get3A_0 = arith.constant 0 : index
    %get3A_1 = vector.load %arg2[%get3A, %get3A_0] : memref<256x7168xf32, #tpu.memory_space<vmem>>, vector<256x7168xf32>
    %get3A_2 = arith.constant 0 : index
    %get3A_3 = arith.constant 0 : index
    %get3A_4 = vector.load %arg1[%get3A_2, %get3A_3] : memref<512x7168xf32, #tpu.memory_space<vmem>>, vector<512x7168xf32>
    %dot_general3A = arith.constant dense<0.000000e+00> : vector<256x512xf32>
    %dot_general3A_5 = tpu.matmul %get3A_1, %get3A_4, %dot_general3A {dimension_numbers = #tpu.dot_dimension_numbers<[1], [1], [0], [0], [0, 0, 1, 0], [], []>, transpose_lhs_hint = false} : vector<256x7168xf32>, vector<512x7168xf32>, vector<256x512xf32> -> vector<256x512xf32>
    %logistic3A = arith.negf %dot_general3A_5 : vector<256x512xf32>
    %logistic3A_6 = math.exp %logistic3A : vector<256x512xf32>
    %logistic3A_7 = arith.constant 1.000000e+00 : f32
    %logistic3A_8 = vector.broadcast %logistic3A_7 : f32 to vector<256x512xf32>
    %logistic3A_9 = arith.addf %logistic3A_8, %logistic3A_6 : vector<256x512xf32>
    %logistic3A_10 = arith.divf %logistic3A_8, %logistic3A_9 : vector<256x512xf32>
    %get3A_11 = arith.constant 0 : index
    %get3A_12 = arith.constant 0 : index
    %get3A_13 = vector.load %arg3[%get3A_11, %get3A_12] : memref<256x1xf32, #tpu.memory_space<vmem>>, vector<256x1xf32>
    %add3A = vector.broadcast %get3A_13 : vector<256x1xf32> to vector<256x512xf32>
    %add3A_14 = arith.addf %logistic3A_10, %add3A : vector<256x512xf32>
    %slice3A = vector.extract_strided_slice %add3A_14 {offsets = [0, 0], sizes = [32, 512], strides = [1, 1]} : vector<256x512xf32> to vector<32x512xf32>
    %iota3A = tpu.iota {dimensions = array<i32: 0>} : vector<32x512xi32>
    %reduce_max3A = arith.constant dense<0xFF800000> : vector<512xf32>
    %reduce_max3A_15 = vector.multi_reduction <maximumf>, %slice3A, %reduce_max3A [0] : vector<32x512xf32> to vector<512xf32>
    %broadcast_in_dim3A = vector.shape_cast %reduce_max3A_15 : vector<512xf32> to vector<1x512xf32>
    %eq3A = vector.broadcast %broadcast_in_dim3A : vector<1x512xf32> to vector<32x512xf32>
    %eq3A_16 = arith.cmpf oeq, %slice3A, %eq3A : vector<32x512xf32>
    %jit3A = arith.constant 64 : i32
    %broadcast_in_dim3A_17 = vector.broadcast %jit3A : i32 to vector<32x512xi32>
    %select_n3A = arith.select %eq3A_16, %iota3A, %broadcast_in_dim3A_17 : vector<32x512xi1>, vector<32x512xi32>
    %reduce_min3A = arith.constant dense<2147483647> : vector<512xi32>
    %reduce_min3A_18 = vector.multi_reduction <minsi>, %select_n3A, %reduce_min3A [0] : vector<32x512xi32> to vector<512xi32>
    %broadcast_in_dim3A_19 = vector.shape_cast %reduce_min3A_18 : vector<512xi32> to vector<1x512xi32>
    %eq3A_20 = vector.broadcast %broadcast_in_dim3A_19 : vector<1x512xi32> to vector<32x512xi32>
    %eq3A_21 = arith.cmpi eq, %iota3A, %eq3A_20 : vector<32x512xi32>
    %jit3A_22 = arith.constant 0xFF800000 : f32
    %broadcast_in_dim3A_23 = vector.broadcast %jit3A_22 : f32 to vector<32x512xf32>
    %select_n3A_24 = arith.select %eq3A_21, %broadcast_in_dim3A_23, %slice3A : vector<32x512xi1>, vector<32x512xf32>
    %reduce_max3A_25 = arith.constant dense<0xFF800000> : vector<512xf32>
    %reduce_max3A_26 = vector.multi_reduction <maximumf>, %select_n3A_24, %reduce_max3A_25 [0] : vector<32x512xf32> to vector<512xf32>
    %broadcast_in_dim3A_27 = vector.shape_cast %reduce_max3A_26 : vector<512xf32> to vector<1x512xf32>
    %add3A_28 = arith.addf %broadcast_in_dim3A, %broadcast_in_dim3A_27 : vector<1x512xf32>
    %slice3A_29 = vector.extract_strided_slice %add3A_14 {offsets = [32, 0], sizes = [32, 512], strides = [1, 1]} : vector<256x512xf32> to vector<32x512xf32>
    %iota3A_30 = tpu.iota {dimensions = array<i32: 0>} : vector<32x512xi32>
    %reduce_max3A_31 = arith.constant dense<0xFF800000> : vector<512xf32>
    %reduce_max3A_32 = vector.multi_reduction <maximumf>, %slice3A_29, %reduce_max3A_31 [0] : vector<32x512xf32> to vector<512xf32>
    %broadcast_in_dim3A_33 = vector.shape_cast %reduce_max3A_32 : vector<512xf32> to vector<1x512xf32>
    %eq3A_34 = vector.broadcast %broadcast_in_dim3A_33 : vector<1x512xf32> to vector<32x512xf32>
    %eq3A_35 = arith.cmpf oeq, %slice3A_29, %eq3A_34 : vector<32x512xf32>
    %jit3A_36 = arith.constant 64 : i32
    %broadcast_in_dim3A_37 = vector.broadcast %jit3A_36 : i32 to vector<32x512xi32>
    %select_n3A_38 = arith.select %eq3A_35, %iota3A_30, %broadcast_in_dim3A_37 : vector<32x512xi1>, vector<32x512xi32>
    %reduce_min3A_39 = arith.constant dense<2147483647> : vector<512xi32>
    %reduce_min3A_40 = vector.multi_reduction <minsi>, %select_n3A_38, %reduce_min3A_39 [0] : vector<32x512xi32> to vector<512xi32>
    %broadcast_in_dim3A_41 = vector.shape_cast %reduce_min3A_40 : vector<512xi32> to vector<1x512xi32>
    %eq3A_42 = vector.broadcast %broadcast_in_dim3A_41 : vector<1x512xi32> to vector<32x512xi32>
    %eq3A_43 = arith.cmpi eq, %iota3A_30, %eq3A_42 : vector<32x512xi32>
    %jit3A_44 = arith.constant 0xFF800000 : f32
    %broadcast_in_dim3A_45 = vector.broadcast %jit3A_44 : f32 to vector<32x512xf32>
    %select_n3A_46 = arith.select %eq3A_43, %broadcast_in_dim3A_45, %slice3A_29 : vector<32x512xi1>, vector<32x512xf32>
    %reduce_max3A_47 = arith.constant dense<0xFF800000> : vector<512xf32>
    %reduce_max3A_48 = vector.multi_reduction <maximumf>, %select_n3A_46, %reduce_max3A_47 [0] : vector<32x512xf32> to vector<512xf32>
    %broadcast_in_dim3A_49 = vector.shape_cast %reduce_max3A_48 : vector<512xf32> to vector<1x512xf32>
    %add3A_50 = arith.addf %broadcast_in_dim3A_33, %broadcast_in_dim3A_49 : vector<1x512xf32>
    %slice3A_51 = vector.extract_strided_slice %add3A_14 {offsets = [64, 0], sizes = [32, 512], strides = [1, 1]} : vector<256x512xf32> to vector<32x512xf32>
    %iota3A_52 = tpu.iota {dimensions = array<i32: 0>} : vector<32x512xi32>
    %reduce_max3A_53 = arith.constant dense<0xFF800000> : vector<512xf32>
    %reduce_max3A_54 = vector.multi_reduction <maximumf>, %slice3A_51, %reduce_max3A_53 [0] : vector<32x512xf32> to vector<512xf32>
    %broadcast_in_dim3A_55 = vector.shape_cast %reduce_max3A_54 : vector<512xf32> to vector<1x512xf32>
    %eq3A_56 = vector.broadcast %broadcast_in_dim3A_55 : vector<1x512xf32> to vector<32x512xf32>
    %eq3A_57 = arith.cmpf oeq, %slice3A_51, %eq3A_56 : vector<32x512xf32>
    %jit3A_58 = arith.constant 64 : i32
    %broadcast_in_dim3A_59 = vector.broadcast %jit3A_58 : i32 to vector<32x512xi32>
    %select_n3A_60 = arith.select %eq3A_57, %iota3A_52, %broadcast_in_dim3A_59 : vector<32x512xi1>, vector<32x512xi32>
    %reduce_min3A_61 = arith.constant dense<2147483647> : vector<512xi32>
    %reduce_min3A_62 = vector.multi_reduction <minsi>, %select_n3A_60, %reduce_min3A_61 [0] : vector<32x512xi32> to vector<512xi32>
    %broadcast_in_dim3A_63 = vector.shape_cast %reduce_min3A_62 : vector<512xi32> to vector<1x512xi32>
    %eq3A_64 = vector.broadcast %broadcast_in_dim3A_63 : vector<1x512xi32> to vector<32x512xi32>
    %eq3A_65 = arith.cmpi eq, %iota3A_52, %eq3A_64 : vector<32x512xi32>
    %jit3A_66 = arith.constant 0xFF800000 : f32
    %broadcast_in_dim3A_67 = vector.broadcast %jit3A_66 : f32 to vector<32x512xf32>
    %select_n3A_68 = arith.select %eq3A_65, %broadcast_in_dim3A_67, %slice3A_51 : vector<32x512xi1>, vector<32x512xf32>
    %reduce_max3A_69 = arith.constant dense<0xFF800000> : vector<512xf32>
    %reduce_max3A_70 = vector.multi_reduction <maximumf>, %select_n3A_68, %reduce_max3A_69 [0] : vector<32x512xf32> to vector<512xf32>
    %broadcast_in_dim3A_71 = vector.shape_cast %reduce_max3A_70 : vector<512xf32> to vector<1x512xf32>
    %add3A_72 = arith.addf %broadcast_in_dim3A_55, %broadcast_in_dim3A_71 : vector<1x512xf32>
    %slice3A_73 = vector.extract_strided_slice %add3A_14 {offsets = [96, 0], sizes = [32, 512], strides = [1, 1]} : vector<256x512xf32> to vector<32x512xf32>
    %iota3A_74 = tpu.iota {dimensions = array<i32: 0>} : vector<32x512xi32>
    %reduce_max3A_75 = arith.constant dense<0xFF800000> : vector<512xf32>
    %reduce_max3A_76 = vector.multi_reduction <maximumf>, %slice3A_73, %reduce_max3A_75 [0] : vector<32x512xf32> to vector<512xf32>
    %broadcast_in_dim3A_77 = vector.shape_cast %reduce_max3A_76 : vector<512xf32> to vector<1x512xf32>
    %eq3A_78 = vector.broadcast %broadcast_in_dim3A_77 : vector<1x512xf32> to vector<32x512xf32>
    %eq3A_79 = arith.cmpf oeq, %slice3A_73, %eq3A_78 : vector<32x512xf32>
    %jit3A_80 = arith.constant 64 : i32
    %broadcast_in_dim3A_81 = vector.broadcast %jit3A_80 : i32 to vector<32x512xi32>
    %select_n3A_82 = arith.select %eq3A_79, %iota3A_74, %broadcast_in_dim3A_81 : vector<32x512xi1>, vector<32x512xi32>
    %reduce_min3A_83 = arith.constant dense<2147483647> : vector<512xi32>
    %reduce_min3A_84 = vector.multi_reduction <minsi>, %select_n3A_82, %reduce_min3A_83 [0] : vector<32x512xi32> to vector<512xi32>
    %broadcast_in_dim3A_85 = vector.shape_cast %reduce_min3A_84 : vector<512xi32> to vector<1x512xi32>
    %eq3A_86 = vector.broadcast %broadcast_in_dim3A_85 : vector<1x512xi32> to vector<32x512xi32>
    %eq3A_87 = arith.cmpi eq, %iota3A_74, %eq3A_86 : vector<32x512xi32>
    %jit3A_88 = arith.constant 0xFF800000 : f32
    %broadcast_in_dim3A_89 = vector.broadcast %jit3A_88 : f32 to vector<32x512xf32>
    %select_n3A_90 = arith.select %eq3A_87, %broadcast_in_dim3A_89, %slice3A_73 : vector<32x512xi1>, vector<32x512xf32>
    %reduce_max3A_91 = arith.constant dense<0xFF800000> : vector<512xf32>
    %reduce_max3A_92 = vector.multi_reduction <maximumf>, %select_n3A_90, %reduce_max3A_91 [0] : vector<32x512xf32> to vector<512xf32>
    %broadcast_in_dim3A_93 = vector.shape_cast %reduce_max3A_92 : vector<512xf32> to vector<1x512xf32>
    %add3A_94 = arith.addf %broadcast_in_dim3A_77, %broadcast_in_dim3A_93 : vector<1x512xf32>
    %slice3A_95 = vector.extract_strided_slice %add3A_14 {offsets = [128, 0], sizes = [32, 512], strides = [1, 1]} : vector<256x512xf32> to vector<32x512xf32>
    %iota3A_96 = tpu.iota {dimensions = array<i32: 0>} : vector<32x512xi32>
    %reduce_max3A_97 = arith.constant dense<0xFF800000> : vector<512xf32>
    %reduce_max3A_98 = vector.multi_reduction <maximumf>, %slice3A_95, %reduce_max3A_97 [0] : vector<32x512xf32> to vector<512xf32>
    %broadcast_in_dim3A_99 = vector.shape_cast %reduce_max3A_98 : vector<512xf32> to vector<1x512xf32>
    %eq3A_100 = vector.broadcast %broadcast_in_dim3A_99 : vector<1x512xf32> to vector<32x512xf32>
    %eq3A_101 = arith.cmpf oeq, %slice3A_95, %eq3A_100 : vector<32x512xf32>
    %jit3A_102 = arith.constant 64 : i32
    %broadcast_in_dim3A_103 = vector.broadcast %jit3A_102 : i32 to vector<32x512xi32>
    %select_n3A_104 = arith.select %eq3A_101, %iota3A_96, %broadcast_in_dim3A_103 : vector<32x512xi1>, vector<32x512xi32>
    %reduce_min3A_105 = arith.constant dense<2147483647> : vector<512xi32>
    %reduce_min3A_106 = vector.multi_reduction <minsi>, %select_n3A_104, %reduce_min3A_105 [0] : vector<32x512xi32> to vector<512xi32>
    %broadcast_in_dim3A_107 = vector.shape_cast %reduce_min3A_106 : vector<512xi32> to vector<1x512xi32>
    %eq3A_108 = vector.broadcast %broadcast_in_dim3A_107 : vector<1x512xi32> to vector<32x512xi32>
    %eq3A_109 = arith.cmpi eq, %iota3A_96, %eq3A_108 : vector<32x512xi32>
    %jit3A_110 = arith.constant 0xFF800000 : f32
    %broadcast_in_dim3A_111 = vector.broadcast %jit3A_110 : f32 to vector<32x512xf32>
    %select_n3A_112 = arith.select %eq3A_109, %broadcast_in_dim3A_111, %slice3A_95 : vector<32x512xi1>, vector<32x512xf32>
    %reduce_max3A_113 = arith.constant dense<0xFF800000> : vector<512xf32>
    %reduce_max3A_114 = vector.multi_reduction <maximumf>, %select_n3A_112, %reduce_max3A_113 [0] : vector<32x512xf32> to vector<512xf32>
    %broadcast_in_dim3A_115 = vector.shape_cast %reduce_max3A_114 : vector<512xf32> to vector<1x512xf32>
    %add3A_116 = arith.addf %broadcast_in_dim3A_99, %broadcast_in_dim3A_115 : vector<1x512xf32>
    %slice3A_117 = vector.extract_strided_slice %add3A_14 {offsets = [160, 0], sizes = [32, 512], strides = [1, 1]} : vector<256x512xf32> to vector<32x512xf32>
    %iota3A_118 = tpu.iota {dimensions = array<i32: 0>} : vector<32x512xi32>
    %reduce_max3A_119 = arith.constant dense<0xFF800000> : vector<512xf32>
    %reduce_max3A_120 = vector.multi_reduction <maximumf>, %slice3A_117, %reduce_max3A_119 [0] : vector<32x512xf32> to vector<512xf32>
    %broadcast_in_dim3A_121 = vector.shape_cast %reduce_max3A_120 : vector<512xf32> to vector<1x512xf32>
    %eq3A_122 = vector.broadcast %broadcast_in_dim3A_121 : vector<1x512xf32> to vector<32x512xf32>
    %eq3A_123 = arith.cmpf oeq, %slice3A_117, %eq3A_122 : vector<32x512xf32>
    %jit3A_124 = arith.constant 64 : i32
    %broadcast_in_dim3A_125 = vector.broadcast %jit3A_124 : i32 to vector<32x512xi32>
    %select_n3A_126 = arith.select %eq3A_123, %iota3A_118, %broadcast_in_dim3A_125 : vector<32x512xi1>, vector<32x512xi32>
    %reduce_min3A_127 = arith.constant dense<2147483647> : vector<512xi32>
    %reduce_min3A_128 = vector.multi_reduction <minsi>, %select_n3A_126, %reduce_min3A_127 [0] : vector<32x512xi32> to vector<512xi32>
    %broadcast_in_dim3A_129 = vector.shape_cast %reduce_min3A_128 : vector<512xi32> to vector<1x512xi32>
    %eq3A_130 = vector.broadcast %broadcast_in_dim3A_129 : vector<1x512xi32> to vector<32x512xi32>
    %eq3A_131 = arith.cmpi eq, %iota3A_118, %eq3A_130 : vector<32x512xi32>
    %jit3A_132 = arith.constant 0xFF800000 : f32
    %broadcast_in_dim3A_133 = vector.broadcast %jit3A_132 : f32 to vector<32x512xf32>
    %select_n3A_134 = arith.select %eq3A_131, %broadcast_in_dim3A_133, %slice3A_117 : vector<32x512xi1>, vector<32x512xf32>
    %reduce_max3A_135 = arith.constant dense<0xFF800000> : vector<512xf32>
    %reduce_max3A_136 = vector.multi_reduction <maximumf>, %select_n3A_134, %reduce_max3A_135 [0] : vector<32x512xf32> to vector<512xf32>
    %broadcast_in_dim3A_137 = vector.shape_cast %reduce_max3A_136 : vector<512xf32> to vector<1x512xf32>
    %add3A_138 = arith.addf %broadcast_in_dim3A_121, %broadcast_in_dim3A_137 : vector<1x512xf32>
    %slice3A_139 = vector.extract_strided_slice %add3A_14 {offsets = [192, 0], sizes = [32, 512], strides = [1, 1]} : vector<256x512xf32> to vector<32x512xf32>
    %iota3A_140 = tpu.iota {dimensions = array<i32: 0>} : vector<32x512xi32>
    %reduce_max3A_141 = arith.constant dense<0xFF800000> : vector<512xf32>
    %reduce_max3A_142 = vector.multi_reduction <maximumf>, %slice3A_139, %reduce_max3A_141 [0] : vector<32x512xf32> to vector<512xf32>
    %broadcast_in_dim3A_143 = vector.shape_cast %reduce_max3A_142 : vector<512xf32> to vector<1x512xf32>
    %eq3A_144 = vector.broadcast %broadcast_in_dim3A_143 : vector<1x512xf32> to vector<32x512xf32>
    %eq3A_145 = arith.cmpf oeq, %slice3A_139, %eq3A_144 : vector<32x512xf32>
    %jit3A_146 = arith.constant 64 : i32
    %broadcast_in_dim3A_147 = vector.broadcast %jit3A_146 : i32 to vector<32x512xi32>
    %select_n3A_148 = arith.select %eq3A_145, %iota3A_140, %broadcast_in_dim3A_147 : vector<32x512xi1>, vector<32x512xi32>
    %reduce_min3A_149 = arith.constant dense<2147483647> : vector<512xi32>
    %reduce_min3A_150 = vector.multi_reduction <minsi>, %select_n3A_148, %reduce_min3A_149 [0] : vector<32x512xi32> to vector<512xi32>
    %broadcast_in_dim3A_151 = vector.shape_cast %reduce_min3A_150 : vector<512xi32> to vector<1x512xi32>
    %eq3A_152 = vector.broadcast %broadcast_in_dim3A_151 : vector<1x512xi32> to vector<32x512xi32>
    %eq3A_153 = arith.cmpi eq, %iota3A_140, %eq3A_152 : vector<32x512xi32>
    %jit3A_154 = arith.constant 0xFF800000 : f32
    %broadcast_in_dim3A_155 = vector.broadcast %jit3A_154 : f32 to vector<32x512xf32>
    %select_n3A_156 = arith.select %eq3A_153, %broadcast_in_dim3A_155, %slice3A_139 : vector<32x512xi1>, vector<32x512xf32>
    %reduce_max3A_157 = arith.constant dense<0xFF800000> : vector<512xf32>
    %reduce_max3A_158 = vector.multi_reduction <maximumf>, %select_n3A_156, %reduce_max3A_157 [0] : vector<32x512xf32> to vector<512xf32>
    %broadcast_in_dim3A_159 = vector.shape_cast %reduce_max3A_158 : vector<512xf32> to vector<1x512xf32>
    %add3A_160 = arith.addf %broadcast_in_dim3A_143, %broadcast_in_dim3A_159 : vector<1x512xf32>
    %slice3A_161 = vector.extract_strided_slice %add3A_14 {offsets = [224, 0], sizes = [32, 512], strides = [1, 1]} : vector<256x512xf32> to vector<32x512xf32>
    %iota3A_162 = tpu.iota {dimensions = array<i32: 0>} : vector<32x512xi32>
    %reduce_max3A_163 = arith.constant dense<0xFF800000> : vector<512xf32>
    %reduce_max3A_164 = vector.multi_reduction <maximumf>, %slice3A_161, %reduce_max3A_163 [0] : vector<32x512xf32> to vector<512xf32>
    %broadcast_in_dim3A_165 = vector.shape_cast %reduce_max3A_164 : vector<512xf32> to vector<1x512xf32>
    %eq3A_166 = vector.broadcast %broadcast_in_dim3A_165 : vector<1x512xf32> to vector<32x512xf32>
    %eq3A_167 = arith.cmpf oeq, %slice3A_161, %eq3A_166 : vector<32x512xf32>
    %jit3A_168 = arith.constant 64 : i32
    %broadcast_in_dim3A_169 = vector.broadcast %jit3A_168 : i32 to vector<32x512xi32>
    %select_n3A_170 = arith.select %eq3A_167, %iota3A_162, %broadcast_in_dim3A_169 : vector<32x512xi1>, vector<32x512xi32>
    %reduce_min3A_171 = arith.constant dense<2147483647> : vector<512xi32>
    %reduce_min3A_172 = vector.multi_reduction <minsi>, %select_n3A_170, %reduce_min3A_171 [0] : vector<32x512xi32> to vector<512xi32>
    %broadcast_in_dim3A_173 = vector.shape_cast %reduce_min3A_172 : vector<512xi32> to vector<1x512xi32>
    %eq3A_174 = vector.broadcast %broadcast_in_dim3A_173 : vector<1x512xi32> to vector<32x512xi32>
    %eq3A_175 = arith.cmpi eq, %iota3A_162, %eq3A_174 : vector<32x512xi32>
    %jit3A_176 = arith.constant 0xFF800000 : f32
    %broadcast_in_dim3A_177 = vector.broadcast %jit3A_176 : f32 to vector<32x512xf32>
    %select_n3A_178 = arith.select %eq3A_175, %broadcast_in_dim3A_177, %slice3A_161 : vector<32x512xi1>, vector<32x512xf32>
    %reduce_max3A_179 = arith.constant dense<0xFF800000> : vector<512xf32>
    %reduce_max3A_180 = vector.multi_reduction <maximumf>, %select_n3A_178, %reduce_max3A_179 [0] : vector<32x512xf32> to vector<512xf32>
    %broadcast_in_dim3A_181 = vector.shape_cast %reduce_max3A_180 : vector<512xf32> to vector<1x512xf32>
    %add3A_182 = arith.addf %broadcast_in_dim3A_165, %broadcast_in_dim3A_181 : vector<1x512xf32>
    %concatenate3A = tpu.concatenate %add3A_28, %add3A_50, %add3A_72, %add3A_94, %add3A_116, %add3A_138, %add3A_160, %add3A_182 in 0 : vector<1x512xf32>, vector<1x512xf32>, vector<1x512xf32>, vector<1x512xf32>, vector<1x512xf32>, vector<1x512xf32>, vector<1x512xf32>, vector<1x512xf32> -> vector<8x512xf32>
    %iota3A_183 = tpu.iota {dimensions = array<i32: 0>} : vector<8x512xi32>
    %broadcast_in_dim3A_184 = arith.constant 0.000000e+00 : f32
    %broadcast_in_dim3A_185 = vector.broadcast %broadcast_in_dim3A_184 : f32 to vector<8x512xf32>
    %reduce_max3A_186 = arith.constant dense<0xFF800000> : vector<512xf32>
    %reduce_max3A_187 = vector.multi_reduction <maximumf>, %concatenate3A, %reduce_max3A_186 [0] : vector<8x512xf32> to vector<512xf32>
    %broadcast_in_dim3A_188 = vector.shape_cast %reduce_max3A_187 : vector<512xf32> to vector<1x512xf32>
    %eq3A_189 = vector.broadcast %broadcast_in_dim3A_188 : vector<1x512xf32> to vector<8x512xf32>
    %eq3A_190 = arith.cmpf oeq, %concatenate3A, %eq3A_189 : vector<8x512xf32>
    %jit3A_191 = arith.constant 16 : i32
    %broadcast_in_dim3A_192 = vector.broadcast %jit3A_191 : i32 to vector<8x512xi32>
    %select_n3A_193 = arith.select %eq3A_190, %iota3A_183, %broadcast_in_dim3A_192 : vector<8x512xi1>, vector<8x512xi32>
    %reduce_min3A_194 = arith.constant dense<2147483647> : vector<512xi32>
    %reduce_min3A_195 = vector.multi_reduction <minsi>, %select_n3A_193, %reduce_min3A_194 [0] : vector<8x512xi32> to vector<512xi32>
    %broadcast_in_dim3A_196 = vector.shape_cast %reduce_min3A_195 : vector<512xi32> to vector<1x512xi32>
    %eq3A_197 = vector.broadcast %broadcast_in_dim3A_196 : vector<1x512xi32> to vector<8x512xi32>
    %eq3A_198 = arith.cmpi eq, %iota3A_183, %eq3A_197 : vector<8x512xi32>
    %jit3A_199 = arith.constant 1.000000e+00 : f32
    %broadcast_in_dim3A_200 = vector.broadcast %jit3A_199 : f32 to vector<8x512xf32>
    %select_n3A_201 = arith.select %eq3A_198, %broadcast_in_dim3A_200, %broadcast_in_dim3A_185 : vector<8x512xi1>, vector<8x512xf32>
    %jit3A_202 = arith.constant 0xFF800000 : f32
    %broadcast_in_dim3A_203 = vector.broadcast %jit3A_202 : f32 to vector<8x512xf32>
    %select_n3A_204 = arith.select %eq3A_198, %broadcast_in_dim3A_203, %concatenate3A : vector<8x512xi1>, vector<8x512xf32>
    %reduce_max3A_205 = arith.constant dense<0xFF800000> : vector<512xf32>
    %reduce_max3A_206 = vector.multi_reduction <maximumf>, %select_n3A_204, %reduce_max3A_205 [0] : vector<8x512xf32> to vector<512xf32>
    %broadcast_in_dim3A_207 = vector.shape_cast %reduce_max3A_206 : vector<512xf32> to vector<1x512xf32>
    %eq3A_208 = vector.broadcast %broadcast_in_dim3A_207 : vector<1x512xf32> to vector<8x512xf32>
    %eq3A_209 = arith.cmpf oeq, %select_n3A_204, %eq3A_208 : vector<8x512xf32>
    %jit3A_210 = arith.constant 16 : i32
    %broadcast_in_dim3A_211 = vector.broadcast %jit3A_210 : i32 to vector<8x512xi32>
    %select_n3A_212 = arith.select %eq3A_209, %iota3A_183, %broadcast_in_dim3A_211 : vector<8x512xi1>, vector<8x512xi32>
    %reduce_min3A_213 = arith.constant dense<2147483647> : vector<512xi32>
    %reduce_min3A_214 = vector.multi_reduction <minsi>, %select_n3A_212, %reduce_min3A_213 [0] : vector<8x512xi32> to vector<512xi32>
    %broadcast_in_dim3A_215 = vector.shape_cast %reduce_min3A_214 : vector<512xi32> to vector<1x512xi32>
    %eq3A_216 = vector.broadcast %broadcast_in_dim3A_215 : vector<1x512xi32> to vector<8x512xi32>
    %eq3A_217 = arith.cmpi eq, %iota3A_183, %eq3A_216 : vector<8x512xi32>
    %jit3A_218 = arith.constant 1.000000e+00 : f32
    %broadcast_in_dim3A_219 = vector.broadcast %jit3A_218 : f32 to vector<8x512xf32>
    %select_n3A_220 = arith.select %eq3A_217, %broadcast_in_dim3A_219, %select_n3A_201 : vector<8x512xi1>, vector<8x512xf32>
    %jit3A_221 = arith.constant 0xFF800000 : f32
    %broadcast_in_dim3A_222 = vector.broadcast %jit3A_221 : f32 to vector<8x512xf32>
    %select_n3A_223 = arith.select %eq3A_217, %broadcast_in_dim3A_222, %select_n3A_204 : vector<8x512xi1>, vector<8x512xf32>
    %reduce_max3A_224 = arith.constant dense<0xFF800000> : vector<512xf32>
    %reduce_max3A_225 = vector.multi_reduction <maximumf>, %select_n3A_223, %reduce_max3A_224 [0] : vector<8x512xf32> to vector<512xf32>
    %broadcast_in_dim3A_226 = vector.shape_cast %reduce_max3A_225 : vector<512xf32> to vector<1x512xf32>
    %eq3A_227 = vector.broadcast %broadcast_in_dim3A_226 : vector<1x512xf32> to vector<8x512xf32>
    %eq3A_228 = arith.cmpf oeq, %select_n3A_223, %eq3A_227 : vector<8x512xf32>
    %jit3A_229 = arith.constant 16 : i32
    %broadcast_in_dim3A_230 = vector.broadcast %jit3A_229 : i32 to vector<8x512xi32>
    %select_n3A_231 = arith.select %eq3A_228, %iota3A_183, %broadcast_in_dim3A_230 : vector<8x512xi1>, vector<8x512xi32>
    %reduce_min3A_232 = arith.constant dense<2147483647> : vector<512xi32>
    %reduce_min3A_233 = vector.multi_reduction <minsi>, %select_n3A_231, %reduce_min3A_232 [0] : vector<8x512xi32> to vector<512xi32>
    %broadcast_in_dim3A_234 = vector.shape_cast %reduce_min3A_233 : vector<512xi32> to vector<1x512xi32>
    %eq3A_235 = vector.broadcast %broadcast_in_dim3A_234 : vector<1x512xi32> to vector<8x512xi32>
    %eq3A_236 = arith.cmpi eq, %iota3A_183, %eq3A_235 : vector<8x512xi32>
    %jit3A_237 = arith.constant 1.000000e+00 : f32
    %broadcast_in_dim3A_238 = vector.broadcast %jit3A_237 : f32 to vector<8x512xf32>
    %select_n3A_239 = arith.select %eq3A_236, %broadcast_in_dim3A_238, %select_n3A_220 : vector<8x512xi1>, vector<8x512xf32>
    %jit3A_240 = arith.constant 0xFF800000 : f32
    %broadcast_in_dim3A_241 = vector.broadcast %jit3A_240 : f32 to vector<8x512xf32>
    %select_n3A_242 = arith.select %eq3A_236, %broadcast_in_dim3A_241, %select_n3A_223 : vector<8x512xi1>, vector<8x512xf32>
    %reduce_max3A_243 = arith.constant dense<0xFF800000> : vector<512xf32>
    %reduce_max3A_244 = vector.multi_reduction <maximumf>, %select_n3A_242, %reduce_max3A_243 [0] : vector<8x512xf32> to vector<512xf32>
    %broadcast_in_dim3A_245 = vector.shape_cast %reduce_max3A_244 : vector<512xf32> to vector<1x512xf32>
    %eq3A_246 = vector.broadcast %broadcast_in_dim3A_245 : vector<1x512xf32> to vector<8x512xf32>
    %eq3A_247 = arith.cmpf oeq, %select_n3A_242, %eq3A_246 : vector<8x512xf32>
    %jit3A_248 = arith.constant 16 : i32
    %broadcast_in_dim3A_249 = vector.broadcast %jit3A_248 : i32 to vector<8x512xi32>
    %select_n3A_250 = arith.select %eq3A_247, %iota3A_183, %broadcast_in_dim3A_249 : vector<8x512xi1>, vector<8x512xi32>
    %reduce_min3A_251 = arith.constant dense<2147483647> : vector<512xi32>
    %reduce_min3A_252 = vector.multi_reduction <minsi>, %select_n3A_250, %reduce_min3A_251 [0] : vector<8x512xi32> to vector<512xi32>
    %broadcast_in_dim3A_253 = vector.shape_cast %reduce_min3A_252 : vector<512xi32> to vector<1x512xi32>
    %eq3A_254 = vector.broadcast %broadcast_in_dim3A_253 : vector<1x512xi32> to vector<8x512xi32>
    %eq3A_255 = arith.cmpi eq, %iota3A_183, %eq3A_254 : vector<8x512xi32>
    %jit3A_256 = arith.constant 1.000000e+00 : f32
    %broadcast_in_dim3A_257 = vector.broadcast %jit3A_256 : f32 to vector<8x512xf32>
    %select_n3A_258 = arith.select %eq3A_255, %broadcast_in_dim3A_257, %select_n3A_239 : vector<8x512xi1>, vector<8x512xf32>
    %slice3A_259 = vector.extract_strided_slice %add3A_14 {offsets = [0, 0], sizes = [32, 512], strides = [1, 1]} : vector<256x512xf32> to vector<32x512xf32>
    %iota3A_260 = tpu.iota {dimensions = array<i32: 0>} : vector<32x512xi32>
    %slice3A_261 = vector.extract_strided_slice %select_n3A_258 {offsets = [0, 0], sizes = [1, 512], strides = [1, 1]} : vector<8x512xf32> to vector<1x512xf32>
    %gt3A = arith.constant 0.000000e+00 : f32
    %gt3A_262 = vector.broadcast %gt3A : f32 to vector<1x512xf32>
    %gt3A_263 = arith.cmpf ogt, %slice3A_261, %gt3A_262 : vector<1x512xf32>
    %reduce_max3A_264 = arith.constant dense<0xFF800000> : vector<512xf32>
    %reduce_max3A_265 = vector.multi_reduction <maximumf>, %slice3A_259, %reduce_max3A_264 [0] : vector<32x512xf32> to vector<512xf32>
    %broadcast_in_dim3A_266 = vector.shape_cast %reduce_max3A_265 : vector<512xf32> to vector<1x512xf32>
    %eq3A_267 = vector.broadcast %broadcast_in_dim3A_266 : vector<1x512xf32> to vector<32x512xf32>
    %eq3A_268 = arith.cmpf oeq, %slice3A_259, %eq3A_267 : vector<32x512xf32>
    %jit3A_269 = arith.constant 64 : i32
    %broadcast_in_dim3A_270 = vector.broadcast %jit3A_269 : i32 to vector<32x512xi32>
    %select_n3A_271 = arith.select %eq3A_268, %iota3A_260, %broadcast_in_dim3A_270 : vector<32x512xi1>, vector<32x512xi32>
    %reduce_min3A_272 = arith.constant dense<2147483647> : vector<512xi32>
    %reduce_min3A_273 = vector.multi_reduction <minsi>, %select_n3A_271, %reduce_min3A_272 [0] : vector<32x512xi32> to vector<512xi32>
    %broadcast_in_dim3A_274 = vector.shape_cast %reduce_min3A_273 : vector<512xi32> to vector<1x512xi32>
    %eq3A_275 = vector.broadcast %broadcast_in_dim3A_274 : vector<1x512xi32> to vector<32x512xi32>
    %eq3A_276 = arith.cmpi eq, %iota3A_260, %eq3A_275 : vector<32x512xi32>
    %jit3A_277 = arith.constant 0xFF800000 : f32
    %broadcast_in_dim3A_278 = vector.broadcast %jit3A_277 : f32 to vector<32x512xf32>
    %select_n3A_279 = arith.select %eq3A_276, %broadcast_in_dim3A_278, %slice3A_259 : vector<32x512xi1>, vector<32x512xf32>
    %jit3A_280 = arith.constant 0xFF800000 : f32
    %broadcast_in_dim3A_281 = vector.broadcast %jit3A_280 : f32 to vector<1x512xf32>
    %select_n3A_282 = arith.select %gt3A_263, %broadcast_in_dim3A_266, %broadcast_in_dim3A_281 : vector<1x512xi1>, vector<1x512xf32>
    %add3A_283 = arith.constant 0 : i32
    %add3A_284 = vector.broadcast %add3A_283 : i32 to vector<1x512xi32>
    %add3A_285 = arith.addi %broadcast_in_dim3A_274, %add3A_284 : vector<1x512xi32>
    %reduce_max3A_286 = arith.constant dense<0xFF800000> : vector<512xf32>
    %reduce_max3A_287 = vector.multi_reduction <maximumf>, %select_n3A_279, %reduce_max3A_286 [0] : vector<32x512xf32> to vector<512xf32>
    %broadcast_in_dim3A_288 = vector.shape_cast %reduce_max3A_287 : vector<512xf32> to vector<1x512xf32>
    %eq3A_289 = vector.broadcast %broadcast_in_dim3A_288 : vector<1x512xf32> to vector<32x512xf32>
    %eq3A_290 = arith.cmpf oeq, %select_n3A_279, %eq3A_289 : vector<32x512xf32>
    %jit3A_291 = arith.constant 64 : i32
    %broadcast_in_dim3A_292 = vector.broadcast %jit3A_291 : i32 to vector<32x512xi32>
    %select_n3A_293 = arith.select %eq3A_290, %iota3A_260, %broadcast_in_dim3A_292 : vector<32x512xi1>, vector<32x512xi32>
    %reduce_min3A_294 = arith.constant dense<2147483647> : vector<512xi32>
    %reduce_min3A_295 = vector.multi_reduction <minsi>, %select_n3A_293, %reduce_min3A_294 [0] : vector<32x512xi32> to vector<512xi32>
    %broadcast_in_dim3A_296 = vector.shape_cast %reduce_min3A_295 : vector<512xi32> to vector<1x512xi32>
    %eq3A_297 = vector.broadcast %broadcast_in_dim3A_296 : vector<1x512xi32> to vector<32x512xi32>
    %eq3A_298 = arith.cmpi eq, %iota3A_260, %eq3A_297 : vector<32x512xi32>
    %jit3A_299 = arith.constant 0xFF800000 : f32
    %broadcast_in_dim3A_300 = vector.broadcast %jit3A_299 : f32 to vector<32x512xf32>
    %select_n3A_301 = arith.select %eq3A_298, %broadcast_in_dim3A_300, %select_n3A_279 : vector<32x512xi1>, vector<32x512xf32>
    %jit3A_302 = arith.constant 0xFF800000 : f32
    %broadcast_in_dim3A_303 = vector.broadcast %jit3A_302 : f32 to vector<1x512xf32>
    %select_n3A_304 = arith.select %gt3A_263, %broadcast_in_dim3A_288, %broadcast_in_dim3A_303 : vector<1x512xi1>, vector<1x512xf32>
    %add3A_305 = arith.constant 0 : i32
    %add3A_306 = vector.broadcast %add3A_305 : i32 to vector<1x512xi32>
    %add3A_307 = arith.addi %broadcast_in_dim3A_296, %add3A_306 : vector<1x512xi32>
    %reduce_max3A_308 = arith.constant dense<0xFF800000> : vector<512xf32>
    %reduce_max3A_309 = vector.multi_reduction <maximumf>, %select_n3A_301, %reduce_max3A_308 [0] : vector<32x512xf32> to vector<512xf32>
    %broadcast_in_dim3A_310 = vector.shape_cast %reduce_max3A_309 : vector<512xf32> to vector<1x512xf32>
    %eq3A_311 = vector.broadcast %broadcast_in_dim3A_310 : vector<1x512xf32> to vector<32x512xf32>
    %eq3A_312 = arith.cmpf oeq, %select_n3A_301, %eq3A_311 : vector<32x512xf32>
    %jit3A_313 = arith.constant 64 : i32
    %broadcast_in_dim3A_314 = vector.broadcast %jit3A_313 : i32 to vector<32x512xi32>
    %select_n3A_315 = arith.select %eq3A_312, %iota3A_260, %broadcast_in_dim3A_314 : vector<32x512xi1>, vector<32x512xi32>
    %reduce_min3A_316 = arith.constant dense<2147483647> : vector<512xi32>
    %reduce_min3A_317 = vector.multi_reduction <minsi>, %select_n3A_315, %reduce_min3A_316 [0] : vector<32x512xi32> to vector<512xi32>
    %broadcast_in_dim3A_318 = vector.shape_cast %reduce_min3A_317 : vector<512xi32> to vector<1x512xi32>
    %eq3A_319 = vector.broadcast %broadcast_in_dim3A_318 : vector<1x512xi32> to vector<32x512xi32>
    %eq3A_320 = arith.cmpi eq, %iota3A_260, %eq3A_319 : vector<32x512xi32>
    %jit3A_321 = arith.constant 0xFF800000 : f32
    %broadcast_in_dim3A_322 = vector.broadcast %jit3A_321 : f32 to vector<32x512xf32>
    %select_n3A_323 = arith.select %eq3A_320, %broadcast_in_dim3A_322, %select_n3A_301 : vector<32x512xi1>, vector<32x512xf32>
    %jit3A_324 = arith.constant 0xFF800000 : f32
    %broadcast_in_dim3A_325 = vector.broadcast %jit3A_324 : f32 to vector<1x512xf32>
    %select_n3A_326 = arith.select %gt3A_263, %broadcast_in_dim3A_310, %broadcast_in_dim3A_325 : vector<1x512xi1>, vector<1x512xf32>
    %add3A_327 = arith.constant 0 : i32
    %add3A_328 = vector.broadcast %add3A_327 : i32 to vector<1x512xi32>
    %add3A_329 = arith.addi %broadcast_in_dim3A_318, %add3A_328 : vector<1x512xi32>
    %reduce_max3A_330 = arith.constant dense<0xFF800000> : vector<512xf32>
    %reduce_max3A_331 = vector.multi_reduction <maximumf>, %select_n3A_323, %reduce_max3A_330 [0] : vector<32x512xf32> to vector<512xf32>
    %broadcast_in_dim3A_332 = vector.shape_cast %reduce_max3A_331 : vector<512xf32> to vector<1x512xf32>
    %eq3A_333 = vector.broadcast %broadcast_in_dim3A_332 : vector<1x512xf32> to vector<32x512xf32>
    %eq3A_334 = arith.cmpf oeq, %select_n3A_323, %eq3A_333 : vector<32x512xf32>
    %jit3A_335 = arith.constant 64 : i32
    %broadcast_in_dim3A_336 = vector.broadcast %jit3A_335 : i32 to vector<32x512xi32>
    %select_n3A_337 = arith.select %eq3A_334, %iota3A_260, %broadcast_in_dim3A_336 : vector<32x512xi1>, vector<32x512xi32>
    %reduce_min3A_338 = arith.constant dense<2147483647> : vector<512xi32>
    %reduce_min3A_339 = vector.multi_reduction <minsi>, %select_n3A_337, %reduce_min3A_338 [0] : vector<32x512xi32> to vector<512xi32>
    %broadcast_in_dim3A_340 = vector.shape_cast %reduce_min3A_339 : vector<512xi32> to vector<1x512xi32>
    %eq3A_341 = vector.broadcast %broadcast_in_dim3A_340 : vector<1x512xi32> to vector<32x512xi32>
    %eq3A_342 = arith.cmpi eq, %iota3A_260, %eq3A_341 : vector<32x512xi32>
    %jit3A_343 = arith.constant 0xFF800000 : f32
    %broadcast_in_dim3A_344 = vector.broadcast %jit3A_343 : f32 to vector<32x512xf32>
    %select_n3A_345 = arith.select %eq3A_342, %broadcast_in_dim3A_344, %select_n3A_323 : vector<32x512xi1>, vector<32x512xf32>
    %jit3A_346 = arith.constant 0xFF800000 : f32
    %broadcast_in_dim3A_347 = vector.broadcast %jit3A_346 : f32 to vector<1x512xf32>
    %select_n3A_348 = arith.select %gt3A_263, %broadcast_in_dim3A_332, %broadcast_in_dim3A_347 : vector<1x512xi1>, vector<1x512xf32>
    %add3A_349 = arith.constant 0 : i32
    %add3A_350 = vector.broadcast %add3A_349 : i32 to vector<1x512xi32>
    %add3A_351 = arith.addi %broadcast_in_dim3A_340, %add3A_350 : vector<1x512xi32>
    %reduce_max3A_352 = arith.constant dense<0xFF800000> : vector<512xf32>
    %reduce_max3A_353 = vector.multi_reduction <maximumf>, %select_n3A_345, %reduce_max3A_352 [0] : vector<32x512xf32> to vector<512xf32>
    %broadcast_in_dim3A_354 = vector.shape_cast %reduce_max3A_353 : vector<512xf32> to vector<1x512xf32>
    %eq3A_355 = vector.broadcast %broadcast_in_dim3A_354 : vector<1x512xf32> to vector<32x512xf32>
    %eq3A_356 = arith.cmpf oeq, %select_n3A_345, %eq3A_355 : vector<32x512xf32>
    %jit3A_357 = arith.constant 64 : i32
    %broadcast_in_dim3A_358 = vector.broadcast %jit3A_357 : i32 to vector<32x512xi32>
    %select_n3A_359 = arith.select %eq3A_356, %iota3A_260, %broadcast_in_dim3A_358 : vector<32x512xi1>, vector<32x512xi32>
    %reduce_min3A_360 = arith.constant dense<2147483647> : vector<512xi32>
    %reduce_min3A_361 = vector.multi_reduction <minsi>, %select_n3A_359, %reduce_min3A_360 [0] : vector<32x512xi32> to vector<512xi32>
    %broadcast_in_dim3A_362 = vector.shape_cast %reduce_min3A_361 : vector<512xi32> to vector<1x512xi32>
    %eq3A_363 = vector.broadcast %broadcast_in_dim3A_362 : vector<1x512xi32> to vector<32x512xi32>
    %eq3A_364 = arith.cmpi eq, %iota3A_260, %eq3A_363 : vector<32x512xi32>
    %jit3A_365 = arith.constant 0xFF800000 : f32
    %broadcast_in_dim3A_366 = vector.broadcast %jit3A_365 : f32 to vector<32x512xf32>
    %select_n3A_367 = arith.select %eq3A_364, %broadcast_in_dim3A_366, %select_n3A_345 : vector<32x512xi1>, vector<32x512xf32>
    %jit3A_368 = arith.constant 0xFF800000 : f32
    %broadcast_in_dim3A_369 = vector.broadcast %jit3A_368 : f32 to vector<1x512xf32>
    %select_n3A_370 = arith.select %gt3A_263, %broadcast_in_dim3A_354, %broadcast_in_dim3A_369 : vector<1x512xi1>, vector<1x512xf32>
    %add3A_371 = arith.constant 0 : i32
    %add3A_372 = vector.broadcast %add3A_371 : i32 to vector<1x512xi32>
    %add3A_373 = arith.addi %broadcast_in_dim3A_362, %add3A_372 : vector<1x512xi32>
    %reduce_max3A_374 = arith.constant dense<0xFF800000> : vector<512xf32>
    %reduce_max3A_375 = vector.multi_reduction <maximumf>, %select_n3A_367, %reduce_max3A_374 [0] : vector<32x512xf32> to vector<512xf32>
    %broadcast_in_dim3A_376 = vector.shape_cast %reduce_max3A_375 : vector<512xf32> to vector<1x512xf32>
    %eq3A_377 = vector.broadcast %broadcast_in_dim3A_376 : vector<1x512xf32> to vector<32x512xf32>
    %eq3A_378 = arith.cmpf oeq, %select_n3A_367, %eq3A_377 : vector<32x512xf32>
    %jit3A_379 = arith.constant 64 : i32
    %broadcast_in_dim3A_380 = vector.broadcast %jit3A_379 : i32 to vector<32x512xi32>
    %select_n3A_381 = arith.select %eq3A_378, %iota3A_260, %broadcast_in_dim3A_380 : vector<32x512xi1>, vector<32x512xi32>
    %reduce_min3A_382 = arith.constant dense<2147483647> : vector<512xi32>
    %reduce_min3A_383 = vector.multi_reduction <minsi>, %select_n3A_381, %reduce_min3A_382 [0] : vector<32x512xi32> to vector<512xi32>
    %broadcast_in_dim3A_384 = vector.shape_cast %reduce_min3A_383 : vector<512xi32> to vector<1x512xi32>
    %eq3A_385 = vector.broadcast %broadcast_in_dim3A_384 : vector<1x512xi32> to vector<32x512xi32>
    %eq3A_386 = arith.cmpi eq, %iota3A_260, %eq3A_385 : vector<32x512xi32>
    %jit3A_387 = arith.constant 0xFF800000 : f32
    %broadcast_in_dim3A_388 = vector.broadcast %jit3A_387 : f32 to vector<32x512xf32>
    %select_n3A_389 = arith.select %eq3A_386, %broadcast_in_dim3A_388, %select_n3A_367 : vector<32x512xi1>, vector<32x512xf32>
    %jit3A_390 = arith.constant 0xFF800000 : f32
    %broadcast_in_dim3A_391 = vector.broadcast %jit3A_390 : f32 to vector<1x512xf32>
    %select_n3A_392 = arith.select %gt3A_263, %broadcast_in_dim3A_376, %broadcast_in_dim3A_391 : vector<1x512xi1>, vector<1x512xf32>
    %add3A_393 = arith.constant 0 : i32
    %add3A_394 = vector.broadcast %add3A_393 : i32 to vector<1x512xi32>
    %add3A_395 = arith.addi %broadcast_in_dim3A_384, %add3A_394 : vector<1x512xi32>
    %reduce_max3A_396 = arith.constant dense<0xFF800000> : vector<512xf32>
    %reduce_max3A_397 = vector.multi_reduction <maximumf>, %select_n3A_389, %reduce_max3A_396 [0] : vector<32x512xf32> to vector<512xf32>
    %broadcast_in_dim3A_398 = vector.shape_cast %reduce_max3A_397 : vector<512xf32> to vector<1x512xf32>
    %eq3A_399 = vector.broadcast %broadcast_in_dim3A_398 : vector<1x512xf32> to vector<32x512xf32>
    %eq3A_400 = arith.cmpf oeq, %select_n3A_389, %eq3A_399 : vector<32x512xf32>
    %jit3A_401 = arith.constant 64 : i32
    %broadcast_in_dim3A_402 = vector.broadcast %jit3A_401 : i32 to vector<32x512xi32>
    %select_n3A_403 = arith.select %eq3A_400, %iota3A_260, %broadcast_in_dim3A_402 : vector<32x512xi1>, vector<32x512xi32>
    %reduce_min3A_404 = arith.constant dense<2147483647> : vector<512xi32>
    %reduce_min3A_405 = vector.multi_reduction <minsi>, %select_n3A_403, %reduce_min3A_404 [0] : vector<32x512xi32> to vector<512xi32>
    %broadcast_in_dim3A_406 = vector.shape_cast %reduce_min3A_405 : vector<512xi32> to vector<1x512xi32>
    %eq3A_407 = vector.broadcast %broadcast_in_dim3A_406 : vector<1x512xi32> to vector<32x512xi32>
    %eq3A_408 = arith.cmpi eq, %iota3A_260, %eq3A_407 : vector<32x512xi32>
    %jit3A_409 = arith.constant 0xFF800000 : f32
    %broadcast_in_dim3A_410 = vector.broadcast %jit3A_409 : f32 to vector<32x512xf32>
    %select_n3A_411 = arith.select %eq3A_408, %broadcast_in_dim3A_410, %select_n3A_389 : vector<32x512xi1>, vector<32x512xf32>
    %jit3A_412 = arith.constant 0xFF800000 : f32
    %broadcast_in_dim3A_413 = vector.broadcast %jit3A_412 : f32 to vector<1x512xf32>
    %select_n3A_414 = arith.select %gt3A_263, %broadcast_in_dim3A_398, %broadcast_in_dim3A_413 : vector<1x512xi1>, vector<1x512xf32>
    %add3A_415 = arith.constant 0 : i32
    %add3A_416 = vector.broadcast %add3A_415 : i32 to vector<1x512xi32>
    %add3A_417 = arith.addi %broadcast_in_dim3A_406, %add3A_416 : vector<1x512xi32>
    %reduce_max3A_418 = arith.constant dense<0xFF800000> : vector<512xf32>
    %reduce_max3A_419 = vector.multi_reduction <maximumf>, %select_n3A_411, %reduce_max3A_418 [0] : vector<32x512xf32> to vector<512xf32>
    %broadcast_in_dim3A_420 = vector.shape_cast %reduce_max3A_419 : vector<512xf32> to vector<1x512xf32>
    %eq3A_421 = vector.broadcast %broadcast_in_dim3A_420 : vector<1x512xf32> to vector<32x512xf32>
    %eq3A_422 = arith.cmpf oeq, %select_n3A_411, %eq3A_421 : vector<32x512xf32>
    %jit3A_423 = arith.constant 64 : i32
    %broadcast_in_dim3A_424 = vector.broadcast %jit3A_423 : i32 to vector<32x512xi32>
    %select_n3A_425 = arith.select %eq3A_422, %iota3A_260, %broadcast_in_dim3A_424 : vector<32x512xi1>, vector<32x512xi32>
    %reduce_min3A_426 = arith.constant dense<2147483647> : vector<512xi32>
    %reduce_min3A_427 = vector.multi_reduction <minsi>, %select_n3A_425, %reduce_min3A_426 [0] : vector<32x512xi32> to vector<512xi32>
    %broadcast_in_dim3A_428 = vector.shape_cast %reduce_min3A_427 : vector<512xi32> to vector<1x512xi32>
    %jit3A_429 = arith.constant 0xFF800000 : f32
    %broadcast_in_dim3A_430 = vector.broadcast %jit3A_429 : f32 to vector<1x512xf32>
    %select_n3A_431 = arith.select %gt3A_263, %broadcast_in_dim3A_420, %broadcast_in_dim3A_430 : vector<1x512xi1>, vector<1x512xf32>
    %add3A_432 = arith.constant 0 : i32
    %add3A_433 = vector.broadcast %add3A_432 : i32 to vector<1x512xi32>
    %add3A_434 = arith.addi %broadcast_in_dim3A_428, %add3A_433 : vector<1x512xi32>
    %slice3A_435 = vector.extract_strided_slice %add3A_14 {offsets = [32, 0], sizes = [32, 512], strides = [1, 1]} : vector<256x512xf32> to vector<32x512xf32>
    %iota3A_436 = tpu.iota {dimensions = array<i32: 0>} : vector<32x512xi32>
    %slice3A_437 = vector.extract_strided_slice %select_n3A_258 {offsets = [1, 0], sizes = [1, 512], strides = [1, 1]} : vector<8x512xf32> to vector<1x512xf32>
    %gt3A_438 = arith.constant 0.000000e+00 : f32
    %gt3A_439 = vector.broadcast %gt3A_438 : f32 to vector<1x512xf32>
    %gt3A_440 = arith.cmpf ogt, %slice3A_437, %gt3A_439 : vector<1x512xf32>
    %reduce_max3A_441 = arith.constant dense<0xFF800000> : vector<512xf32>
    %reduce_max3A_442 = vector.multi_reduction <maximumf>, %slice3A_435, %reduce_max3A_441 [0] : vector<32x512xf32> to vector<512xf32>
    %broadcast_in_dim3A_443 = vector.shape_cast %reduce_max3A_442 : vector<512xf32> to vector<1x512xf32>
    %eq3A_444 = vector.broadcast %broadcast_in_dim3A_443 : vector<1x512xf32> to vector<32x512xf32>
    %eq3A_445 = arith.cmpf oeq, %slice3A_435, %eq3A_444 : vector<32x512xf32>
    %jit3A_446 = arith.constant 64 : i32
    %broadcast_in_dim3A_447 = vector.broadcast %jit3A_446 : i32 to vector<32x512xi32>
    %select_n3A_448 = arith.select %eq3A_445, %iota3A_436, %broadcast_in_dim3A_447 : vector<32x512xi1>, vector<32x512xi32>
    %reduce_min3A_449 = arith.constant dense<2147483647> : vector<512xi32>
    %reduce_min3A_450 = vector.multi_reduction <minsi>, %select_n3A_448, %reduce_min3A_449 [0] : vector<32x512xi32> to vector<512xi32>
    %broadcast_in_dim3A_451 = vector.shape_cast %reduce_min3A_450 : vector<512xi32> to vector<1x512xi32>
    %eq3A_452 = vector.broadcast %broadcast_in_dim3A_451 : vector<1x512xi32> to vector<32x512xi32>
    %eq3A_453 = arith.cmpi eq, %iota3A_436, %eq3A_452 : vector<32x512xi32>
    %jit3A_454 = arith.constant 0xFF800000 : f32
    %broadcast_in_dim3A_455 = vector.broadcast %jit3A_454 : f32 to vector<32x512xf32>
    %select_n3A_456 = arith.select %eq3A_453, %broadcast_in_dim3A_455, %slice3A_435 : vector<32x512xi1>, vector<32x512xf32>
    %jit3A_457 = arith.constant 0xFF800000 : f32
    %broadcast_in_dim3A_458 = vector.broadcast %jit3A_457 : f32 to vector<1x512xf32>
    %select_n3A_459 = arith.select %gt3A_440, %broadcast_in_dim3A_443, %broadcast_in_dim3A_458 : vector<1x512xi1>, vector<1x512xf32>
    %add3A_460 = arith.constant 32 : i32
    %add3A_461 = vector.broadcast %add3A_460 : i32 to vector<1x512xi32>
    %add3A_462 = arith.addi %broadcast_in_dim3A_451, %add3A_461 : vector<1x512xi32>
    %reduce_max3A_463 = arith.constant dense<0xFF800000> : vector<512xf32>
    %reduce_max3A_464 = vector.multi_reduction <maximumf>, %select_n3A_456, %reduce_max3A_463 [0] : vector<32x512xf32> to vector<512xf32>
    %broadcast_in_dim3A_465 = vector.shape_cast %reduce_max3A_464 : vector<512xf32> to vector<1x512xf32>
    %eq3A_466 = vector.broadcast %broadcast_in_dim3A_465 : vector<1x512xf32> to vector<32x512xf32>
    %eq3A_467 = arith.cmpf oeq, %select_n3A_456, %eq3A_466 : vector<32x512xf32>
    %jit3A_468 = arith.constant 64 : i32
    %broadcast_in_dim3A_469 = vector.broadcast %jit3A_468 : i32 to vector<32x512xi32>
    %select_n3A_470 = arith.select %eq3A_467, %iota3A_436, %broadcast_in_dim3A_469 : vector<32x512xi1>, vector<32x512xi32>
    %reduce_min3A_471 = arith.constant dense<2147483647> : vector<512xi32>
    %reduce_min3A_472 = vector.multi_reduction <minsi>, %select_n3A_470, %reduce_min3A_471 [0] : vector<32x512xi32> to vector<512xi32>
    %broadcast_in_dim3A_473 = vector.shape_cast %reduce_min3A_472 : vector<512xi32> to vector<1x512xi32>
    %eq3A_474 = vector.broadcast %broadcast_in_dim3A_473 : vector<1x512xi32> to vector<32x512xi32>
    %eq3A_475 = arith.cmpi eq, %iota3A_436, %eq3A_474 : vector<32x512xi32>
    %jit3A_476 = arith.constant 0xFF800000 : f32
    %broadcast_in_dim3A_477 = vector.broadcast %jit3A_476 : f32 to vector<32x512xf32>
    %select_n3A_478 = arith.select %eq3A_475, %broadcast_in_dim3A_477, %select_n3A_456 : vector<32x512xi1>, vector<32x512xf32>
    %jit3A_479 = arith.constant 0xFF800000 : f32
    %broadcast_in_dim3A_480 = vector.broadcast %jit3A_479 : f32 to vector<1x512xf32>
    %select_n3A_481 = arith.select %gt3A_440, %broadcast_in_dim3A_465, %broadcast_in_dim3A_480 : vector<1x512xi1>, vector<1x512xf32>
    %add3A_482 = arith.constant 32 : i32
    %add3A_483 = vector.broadcast %add3A_482 : i32 to vector<1x512xi32>
    %add3A_484 = arith.addi %broadcast_in_dim3A_473, %add3A_483 : vector<1x512xi32>
    %reduce_max3A_485 = arith.constant dense<0xFF800000> : vector<512xf32>
    %reduce_max3A_486 = vector.multi_reduction <maximumf>, %select_n3A_478, %reduce_max3A_485 [0] : vector<32x512xf32> to vector<512xf32>
    %broadcast_in_dim3A_487 = vector.shape_cast %reduce_max3A_486 : vector<512xf32> to vector<1x512xf32>
    %eq3A_488 = vector.broadcast %broadcast_in_dim3A_487 : vector<1x512xf32> to vector<32x512xf32>
    %eq3A_489 = arith.cmpf oeq, %select_n3A_478, %eq3A_488 : vector<32x512xf32>
    %jit3A_490 = arith.constant 64 : i32
    %broadcast_in_dim3A_491 = vector.broadcast %jit3A_490 : i32 to vector<32x512xi32>
    %select_n3A_492 = arith.select %eq3A_489, %iota3A_436, %broadcast_in_dim3A_491 : vector<32x512xi1>, vector<32x512xi32>
    %reduce_min3A_493 = arith.constant dense<2147483647> : vector<512xi32>
    %reduce_min3A_494 = vector.multi_reduction <minsi>, %select_n3A_492, %reduce_min3A_493 [0] : vector<32x512xi32> to vector<512xi32>
    %broadcast_in_dim3A_495 = vector.shape_cast %reduce_min3A_494 : vector<512xi32> to vector<1x512xi32>
    %eq3A_496 = vector.broadcast %broadcast_in_dim3A_495 : vector<1x512xi32> to vector<32x512xi32>
    %eq3A_497 = arith.cmpi eq, %iota3A_436, %eq3A_496 : vector<32x512xi32>
    %jit3A_498 = arith.constant 0xFF800000 : f32
    %broadcast_in_dim3A_499 = vector.broadcast %jit3A_498 : f32 to vector<32x512xf32>
    %select_n3A_500 = arith.select %eq3A_497, %broadcast_in_dim3A_499, %select_n3A_478 : vector<32x512xi1>, vector<32x512xf32>
    %jit3A_501 = arith.constant 0xFF800000 : f32
    %broadcast_in_dim3A_502 = vector.broadcast %jit3A_501 : f32 to vector<1x512xf32>
    %select_n3A_503 = arith.select %gt3A_440, %broadcast_in_dim3A_487, %broadcast_in_dim3A_502 : vector<1x512xi1>, vector<1x512xf32>
    %add3A_504 = arith.constant 32 : i32
    %add3A_505 = vector.broadcast %add3A_504 : i32 to vector<1x512xi32>
    %add3A_506 = arith.addi %broadcast_in_dim3A_495, %add3A_505 : vector<1x512xi32>
    %reduce_max3A_507 = arith.constant dense<0xFF800000> : vector<512xf32>
    %reduce_max3A_508 = vector.multi_reduction <maximumf>, %select_n3A_500, %reduce_max3A_507 [0] : vector<32x512xf32> to vector<512xf32>
    %broadcast_in_dim3A_509 = vector.shape_cast %reduce_max3A_508 : vector<512xf32> to vector<1x512xf32>
    %eq3A_510 = vector.broadcast %broadcast_in_dim3A_509 : vector<1x512xf32> to vector<32x512xf32>
    %eq3A_511 = arith.cmpf oeq, %select_n3A_500, %eq3A_510 : vector<32x512xf32>
    %jit3A_512 = arith.constant 64 : i32
    %broadcast_in_dim3A_513 = vector.broadcast %jit3A_512 : i32 to vector<32x512xi32>
    %select_n3A_514 = arith.select %eq3A_511, %iota3A_436, %broadcast_in_dim3A_513 : vector<32x512xi1>, vector<32x512xi32>
    %reduce_min3A_515 = arith.constant dense<2147483647> : vector<512xi32>
    %reduce_min3A_516 = vector.multi_reduction <minsi>, %select_n3A_514, %reduce_min3A_515 [0] : vector<32x512xi32> to vector<512xi32>
    %broadcast_in_dim3A_517 = vector.shape_cast %reduce_min3A_516 : vector<512xi32> to vector<1x512xi32>
    %eq3A_518 = vector.broadcast %broadcast_in_dim3A_517 : vector<1x512xi32> to vector<32x512xi32>
    %eq3A_519 = arith.cmpi eq, %iota3A_436, %eq3A_518 : vector<32x512xi32>
    %jit3A_520 = arith.constant 0xFF800000 : f32
    %broadcast_in_dim3A_521 = vector.broadcast %jit3A_520 : f32 to vector<32x512xf32>
    %select_n3A_522 = arith.select %eq3A_519, %broadcast_in_dim3A_521, %select_n3A_500 : vector<32x512xi1>, vector<32x512xf32>
    %jit3A_523 = arith.constant 0xFF800000 : f32
    %broadcast_in_dim3A_524 = vector.broadcast %jit3A_523 : f32 to vector<1x512xf32>
    %select_n3A_525 = arith.select %gt3A_440, %broadcast_in_dim3A_509, %broadcast_in_dim3A_524 : vector<1x512xi1>, vector<1x512xf32>
    %add3A_526 = arith.constant 32 : i32
    %add3A_527 = vector.broadcast %add3A_526 : i32 to vector<1x512xi32>
    %add3A_528 = arith.addi %broadcast_in_dim3A_517, %add3A_527 : vector<1x512xi32>
    %reduce_max3A_529 = arith.constant dense<0xFF800000> : vector<512xf32>
    %reduce_max3A_530 = vector.multi_reduction <maximumf>, %select_n3A_522, %reduce_max3A_529 [0] : vector<32x512xf32> to vector<512xf32>
    %broadcast_in_dim3A_531 = vector.shape_cast %reduce_max3A_530 : vector<512xf32> to vector<1x512xf32>
    %eq3A_532 = vector.broadcast %broadcast_in_dim3A_531 : vector<1x512xf32> to vector<32x512xf32>
    %eq3A_533 = arith.cmpf oeq, %select_n3A_522, %eq3A_532 : vector<32x512xf32>
    %jit3A_534 = arith.constant 64 : i32
    %broadcast_in_dim3A_535 = vector.broadcast %jit3A_534 : i32 to vector<32x512xi32>
    %select_n3A_536 = arith.select %eq3A_533, %iota3A_436, %broadcast_in_dim3A_535 : vector<32x512xi1>, vector<32x512xi32>
    %reduce_min3A_537 = arith.constant dense<2147483647> : vector<512xi32>
    %reduce_min3A_538 = vector.multi_reduction <minsi>, %select_n3A_536, %reduce_min3A_537 [0] : vector<32x512xi32> to vector<512xi32>
    %broadcast_in_dim3A_539 = vector.shape_cast %reduce_min3A_538 : vector<512xi32> to vector<1x512xi32>
    %eq3A_540 = vector.broadcast %broadcast_in_dim3A_539 : vector<1x512xi32> to vector<32x512xi32>
    %eq3A_541 = arith.cmpi eq, %iota3A_436, %eq3A_540 : vector<32x512xi32>
    %jit3A_542 = arith.constant 0xFF800000 : f32
    %broadcast_in_dim3A_543 = vector.broadcast %jit3A_542 : f32 to vector<32x512xf32>
    %select_n3A_544 = arith.select %eq3A_541, %broadcast_in_dim3A_543, %select_n3A_522 : vector<32x512xi1>, vector<32x512xf32>
    %jit3A_545 = arith.constant 0xFF800000 : f32
    %broadcast_in_dim3A_546 = vector.broadcast %jit3A_545 : f32 to vector<1x512xf32>
    %select_n3A_547 = arith.select %gt3A_440, %broadcast_in_dim3A_531, %broadcast_in_dim3A_546 : vector<1x512xi1>, vector<1x512xf32>
    %add3A_548 = arith.constant 32 : i32
    %add3A_549 = vector.broadcast %add3A_548 : i32 to vector<1x512xi32>
    %add3A_550 = arith.addi %broadcast_in_dim3A_539, %add3A_549 : vector<1x512xi32>
    %reduce_max3A_551 = arith.constant dense<0xFF800000> : vector<512xf32>
    %reduce_max3A_552 = vector.multi_reduction <maximumf>, %select_n3A_544, %reduce_max3A_551 [0] : vector<32x512xf32> to vector<512xf32>
    %broadcast_in_dim3A_553 = vector.shape_cast %reduce_max3A_552 : vector<512xf32> to vector<1x512xf32>
    %eq3A_554 = vector.broadcast %broadcast_in_dim3A_553 : vector<1x512xf32> to vector<32x512xf32>
    %eq3A_555 = arith.cmpf oeq, %select_n3A_544, %eq3A_554 : vector<32x512xf32>
    %jit3A_556 = arith.constant 64 : i32
    %broadcast_in_dim3A_557 = vector.broadcast %jit3A_556 : i32 to vector<32x512xi32>
    %select_n3A_558 = arith.select %eq3A_555, %iota3A_436, %broadcast_in_dim3A_557 : vector<32x512xi1>, vector<32x512xi32>
    %reduce_min3A_559 = arith.constant dense<2147483647> : vector<512xi32>
    %reduce_min3A_560 = vector.multi_reduction <minsi>, %select_n3A_558, %reduce_min3A_559 [0] : vector<32x512xi32> to vector<512xi32>
    %broadcast_in_dim3A_561 = vector.shape_cast %reduce_min3A_560 : vector<512xi32> to vector<1x512xi32>
    %eq3A_562 = vector.broadcast %broadcast_in_dim3A_561 : vector<1x512xi32> to vector<32x512xi32>
    %eq3A_563 = arith.cmpi eq, %iota3A_436, %eq3A_562 : vector<32x512xi32>
    %jit3A_564 = arith.constant 0xFF800000 : f32
    %broadcast_in_dim3A_565 = vector.broadcast %jit3A_564 : f32 to vector<32x512xf32>
    %select_n3A_566 = arith.select %eq3A_563, %broadcast_in_dim3A_565, %select_n3A_544 : vector<32x512xi1>, vector<32x512xf32>
    %jit3A_567 = arith.constant 0xFF800000 : f32
    %broadcast_in_dim3A_568 = vector.broadcast %jit3A_567 : f32 to vector<1x512xf32>
    %select_n3A_569 = arith.select %gt3A_440, %broadcast_in_dim3A_553, %broadcast_in_dim3A_568 : vector<1x512xi1>, vector<1x512xf32>
    %add3A_570 = arith.constant 32 : i32
    %add3A_571 = vector.broadcast %add3A_570 : i32 to vector<1x512xi32>
    %add3A_572 = arith.addi %broadcast_in_dim3A_561, %add3A_571 : vector<1x512xi32>
    %reduce_max3A_573 = arith.constant dense<0xFF800000> : vector<512xf32>
    %reduce_max3A_574 = vector.multi_reduction <maximumf>, %select_n3A_566, %reduce_max3A_573 [0] : vector<32x512xf32> to vector<512xf32>
    %broadcast_in_dim3A_575 = vector.shape_cast %reduce_max3A_574 : vector<512xf32> to vector<1x512xf32>
    %eq3A_576 = vector.broadcast %broadcast_in_dim3A_575 : vector<1x512xf32> to vector<32x512xf32>
    %eq3A_577 = arith.cmpf oeq, %select_n3A_566, %eq3A_576 : vector<32x512xf32>
    %jit3A_578 = arith.constant 64 : i32
    %broadcast_in_dim3A_579 = vector.broadcast %jit3A_578 : i32 to vector<32x512xi32>
    %select_n3A_580 = arith.select %eq3A_577, %iota3A_436, %broadcast_in_dim3A_579 : vector<32x512xi1>, vector<32x512xi32>
    %reduce_min3A_581 = arith.constant dense<2147483647> : vector<512xi32>
    %reduce_min3A_582 = vector.multi_reduction <minsi>, %select_n3A_580, %reduce_min3A_581 [0] : vector<32x512xi32> to vector<512xi32>
    %broadcast_in_dim3A_583 = vector.shape_cast %reduce_min3A_582 : vector<512xi32> to vector<1x512xi32>
    %eq3A_584 = vector.broadcast %broadcast_in_dim3A_583 : vector<1x512xi32> to vector<32x512xi32>
    %eq3A_585 = arith.cmpi eq, %iota3A_436, %eq3A_584 : vector<32x512xi32>
    %jit3A_586 = arith.constant 0xFF800000 : f32
    %broadcast_in_dim3A_587 = vector.broadcast %jit3A_586 : f32 to vector<32x512xf32>
    %select_n3A_588 = arith.select %eq3A_585, %broadcast_in_dim3A_587, %select_n3A_566 : vector<32x512xi1>, vector<32x512xf32>
    %jit3A_589 = arith.constant 0xFF800000 : f32
    %broadcast_in_dim3A_590 = vector.broadcast %jit3A_589 : f32 to vector<1x512xf32>
    %select_n3A_591 = arith.select %gt3A_440, %broadcast_in_dim3A_575, %broadcast_in_dim3A_590 : vector<1x512xi1>, vector<1x512xf32>
    %add3A_592 = arith.constant 32 : i32
    %add3A_593 = vector.broadcast %add3A_592 : i32 to vector<1x512xi32>
    %add3A_594 = arith.addi %broadcast_in_dim3A_583, %add3A_593 : vector<1x512xi32>
    %reduce_max3A_595 = arith.constant dense<0xFF800000> : vector<512xf32>
    %reduce_max3A_596 = vector.multi_reduction <maximumf>, %select_n3A_588, %reduce_max3A_595 [0] : vector<32x512xf32> to vector<512xf32>
    %broadcast_in_dim3A_597 = vector.shape_cast %reduce_max3A_596 : vector<512xf32> to vector<1x512xf32>
    %eq3A_598 = vector.broadcast %broadcast_in_dim3A_597 : vector<1x512xf32> to vector<32x512xf32>
    %eq3A_599 = arith.cmpf oeq, %select_n3A_588, %eq3A_598 : vector<32x512xf32>
    %jit3A_600 = arith.constant 64 : i32
    %broadcast_in_dim3A_601 = vector.broadcast %jit3A_600 : i32 to vector<32x512xi32>
    %select_n3A_602 = arith.select %eq3A_599, %iota3A_436, %broadcast_in_dim3A_601 : vector<32x512xi1>, vector<32x512xi32>
    %reduce_min3A_603 = arith.constant dense<2147483647> : vector<512xi32>
    %reduce_min3A_604 = vector.multi_reduction <minsi>, %select_n3A_602, %reduce_min3A_603 [0] : vector<32x512xi32> to vector<512xi32>
    %broadcast_in_dim3A_605 = vector.shape_cast %reduce_min3A_604 : vector<512xi32> to vector<1x512xi32>
    %jit3A_606 = arith.constant 0xFF800000 : f32
    %broadcast_in_dim3A_607 = vector.broadcast %jit3A_606 : f32 to vector<1x512xf32>
    %select_n3A_608 = arith.select %gt3A_440, %broadcast_in_dim3A_597, %broadcast_in_dim3A_607 : vector<1x512xi1>, vector<1x512xf32>
    %add3A_609 = arith.constant 32 : i32
    %add3A_610 = vector.broadcast %add3A_609 : i32 to vector<1x512xi32>
    %add3A_611 = arith.addi %broadcast_in_dim3A_605, %add3A_610 : vector<1x512xi32>
    %slice3A_612 = vector.extract_strided_slice %add3A_14 {offsets = [64, 0], sizes = [32, 512], strides = [1, 1]} : vector<256x512xf32> to vector<32x512xf32>
    %iota3A_613 = tpu.iota {dimensions = array<i32: 0>} : vector<32x512xi32>
    %slice3A_614 = vector.extract_strided_slice %select_n3A_258 {offsets = [2, 0], sizes = [1, 512], strides = [1, 1]} : vector<8x512xf32> to vector<1x512xf32>
    %gt3A_615 = arith.constant 0.000000e+00 : f32
    %gt3A_616 = vector.broadcast %gt3A_615 : f32 to vector<1x512xf32>
    %gt3A_617 = arith.cmpf ogt, %slice3A_614, %gt3A_616 : vector<1x512xf32>
    %reduce_max3A_618 = arith.constant dense<0xFF800000> : vector<512xf32>
    %reduce_max3A_619 = vector.multi_reduction <maximumf>, %slice3A_612, %reduce_max3A_618 [0] : vector<32x512xf32> to vector<512xf32>
    %broadcast_in_dim3A_620 = vector.shape_cast %reduce_max3A_619 : vector<512xf32> to vector<1x512xf32>
    %eq3A_621 = vector.broadcast %broadcast_in_dim3A_620 : vector<1x512xf32> to vector<32x512xf32>
    %eq3A_622 = arith.cmpf oeq, %slice3A_612, %eq3A_621 : vector<32x512xf32>
    %jit3A_623 = arith.constant 64 : i32
    %broadcast_in_dim3A_624 = vector.broadcast %jit3A_623 : i32 to vector<32x512xi32>
    %select_n3A_625 = arith.select %eq3A_622, %iota3A_613, %broadcast_in_dim3A_624 : vector<32x512xi1>, vector<32x512xi32>
    %reduce_min3A_626 = arith.constant dense<2147483647> : vector<512xi32>
    %reduce_min3A_627 = vector.multi_reduction <minsi>, %select_n3A_625, %reduce_min3A_626 [0] : vector<32x512xi32> to vector<512xi32>
    %broadcast_in_dim3A_628 = vector.shape_cast %reduce_min3A_627 : vector<512xi32> to vector<1x512xi32>
    %eq3A_629 = vector.broadcast %broadcast_in_dim3A_628 : vector<1x512xi32> to vector<32x512xi32>
    %eq3A_630 = arith.cmpi eq, %iota3A_613, %eq3A_629 : vector<32x512xi32>
    %jit3A_631 = arith.constant 0xFF800000 : f32
    %broadcast_in_dim3A_632 = vector.broadcast %jit3A_631 : f32 to vector<32x512xf32>
    %select_n3A_633 = arith.select %eq3A_630, %broadcast_in_dim3A_632, %slice3A_612 : vector<32x512xi1>, vector<32x512xf32>
    %jit3A_634 = arith.constant 0xFF800000 : f32
    %broadcast_in_dim3A_635 = vector.broadcast %jit3A_634 : f32 to vector<1x512xf32>
    %select_n3A_636 = arith.select %gt3A_617, %broadcast_in_dim3A_620, %broadcast_in_dim3A_635 : vector<1x512xi1>, vector<1x512xf32>
    %add3A_637 = arith.constant 64 : i32
    %add3A_638 = vector.broadcast %add3A_637 : i32 to vector<1x512xi32>
    %add3A_639 = arith.addi %broadcast_in_dim3A_628, %add3A_638 : vector<1x512xi32>
    %reduce_max3A_640 = arith.constant dense<0xFF800000> : vector<512xf32>
    %reduce_max3A_641 = vector.multi_reduction <maximumf>, %select_n3A_633, %reduce_max3A_640 [0] : vector<32x512xf32> to vector<512xf32>
    %broadcast_in_dim3A_642 = vector.shape_cast %reduce_max3A_641 : vector<512xf32> to vector<1x512xf32>
    %eq3A_643 = vector.broadcast %broadcast_in_dim3A_642 : vector<1x512xf32> to vector<32x512xf32>
    %eq3A_644 = arith.cmpf oeq, %select_n3A_633, %eq3A_643 : vector<32x512xf32>
    %jit3A_645 = arith.constant 64 : i32
    %broadcast_in_dim3A_646 = vector.broadcast %jit3A_645 : i32 to vector<32x512xi32>
    %select_n3A_647 = arith.select %eq3A_644, %iota3A_613, %broadcast_in_dim3A_646 : vector<32x512xi1>, vector<32x512xi32>
    %reduce_min3A_648 = arith.constant dense<2147483647> : vector<512xi32>
    %reduce_min3A_649 = vector.multi_reduction <minsi>, %select_n3A_647, %reduce_min3A_648 [0] : vector<32x512xi32> to vector<512xi32>
    %broadcast_in_dim3A_650 = vector.shape_cast %reduce_min3A_649 : vector<512xi32> to vector<1x512xi32>
    %eq3A_651 = vector.broadcast %broadcast_in_dim3A_650 : vector<1x512xi32> to vector<32x512xi32>
    %eq3A_652 = arith.cmpi eq, %iota3A_613, %eq3A_651 : vector<32x512xi32>
    %jit3A_653 = arith.constant 0xFF800000 : f32
    %broadcast_in_dim3A_654 = vector.broadcast %jit3A_653 : f32 to vector<32x512xf32>
    %select_n3A_655 = arith.select %eq3A_652, %broadcast_in_dim3A_654, %select_n3A_633 : vector<32x512xi1>, vector<32x512xf32>
    %jit3A_656 = arith.constant 0xFF800000 : f32
    %broadcast_in_dim3A_657 = vector.broadcast %jit3A_656 : f32 to vector<1x512xf32>
    %select_n3A_658 = arith.select %gt3A_617, %broadcast_in_dim3A_642, %broadcast_in_dim3A_657 : vector<1x512xi1>, vector<1x512xf32>
    %add3A_659 = arith.constant 64 : i32
    %add3A_660 = vector.broadcast %add3A_659 : i32 to vector<1x512xi32>
    %add3A_661 = arith.addi %broadcast_in_dim3A_650, %add3A_660 : vector<1x512xi32>
    %reduce_max3A_662 = arith.constant dense<0xFF800000> : vector<512xf32>
    %reduce_max3A_663 = vector.multi_reduction <maximumf>, %select_n3A_655, %reduce_max3A_662 [0] : vector<32x512xf32> to vector<512xf32>
    %broadcast_in_dim3A_664 = vector.shape_cast %reduce_max3A_663 : vector<512xf32> to vector<1x512xf32>
    %eq3A_665 = vector.broadcast %broadcast_in_dim3A_664 : vector<1x512xf32> to vector<32x512xf32>
    %eq3A_666 = arith.cmpf oeq, %select_n3A_655, %eq3A_665 : vector<32x512xf32>
    %jit3A_667 = arith.constant 64 : i32
    %broadcast_in_dim3A_668 = vector.broadcast %jit3A_667 : i32 to vector<32x512xi32>
    %select_n3A_669 = arith.select %eq3A_666, %iota3A_613, %broadcast_in_dim3A_668 : vector<32x512xi1>, vector<32x512xi32>
    %reduce_min3A_670 = arith.constant dense<2147483647> : vector<512xi32>
    %reduce_min3A_671 = vector.multi_reduction <minsi>, %select_n3A_669, %reduce_min3A_670 [0] : vector<32x512xi32> to vector<512xi32>
    %broadcast_in_dim3A_672 = vector.shape_cast %reduce_min3A_671 : vector<512xi32> to vector<1x512xi32>
    %eq3A_673 = vector.broadcast %broadcast_in_dim3A_672 : vector<1x512xi32> to vector<32x512xi32>
    %eq3A_674 = arith.cmpi eq, %iota3A_613, %eq3A_673 : vector<32x512xi32>
    %jit3A_675 = arith.constant 0xFF800000 : f32
    %broadcast_in_dim3A_676 = vector.broadcast %jit3A_675 : f32 to vector<32x512xf32>
    %select_n3A_677 = arith.select %eq3A_674, %broadcast_in_dim3A_676, %select_n3A_655 : vector<32x512xi1>, vector<32x512xf32>
    %jit3A_678 = arith.constant 0xFF800000 : f32
    %broadcast_in_dim3A_679 = vector.broadcast %jit3A_678 : f32 to vector<1x512xf32>
    %select_n3A_680 = arith.select %gt3A_617, %broadcast_in_dim3A_664, %broadcast_in_dim3A_679 : vector<1x512xi1>, vector<1x512xf32>
    %add3A_681 = arith.constant 64 : i32
    %add3A_682 = vector.broadcast %add3A_681 : i32 to vector<1x512xi32>
    %add3A_683 = arith.addi %broadcast_in_dim3A_672, %add3A_682 : vector<1x512xi32>
    %reduce_max3A_684 = arith.constant dense<0xFF800000> : vector<512xf32>
    %reduce_max3A_685 = vector.multi_reduction <maximumf>, %select_n3A_677, %reduce_max3A_684 [0] : vector<32x512xf32> to vector<512xf32>
    %broadcast_in_dim3A_686 = vector.shape_cast %reduce_max3A_685 : vector<512xf32> to vector<1x512xf32>
    %eq3A_687 = vector.broadcast %broadcast_in_dim3A_686 : vector<1x512xf32> to vector<32x512xf32>
    %eq3A_688 = arith.cmpf oeq, %select_n3A_677, %eq3A_687 : vector<32x512xf32>
    %jit3A_689 = arith.constant 64 : i32
    %broadcast_in_dim3A_690 = vector.broadcast %jit3A_689 : i32 to vector<32x512xi32>
    %select_n3A_691 = arith.select %eq3A_688, %iota3A_613, %broadcast_in_dim3A_690 : vector<32x512xi1>, vector<32x512xi32>
    %reduce_min3A_692 = arith.constant dense<2147483647> : vector<512xi32>
    %reduce_min3A_693 = vector.multi_reduction <minsi>, %select_n3A_691, %reduce_min3A_692 [0] : vector<32x512xi32> to vector<512xi32>
    %broadcast_in_dim3A_694 = vector.shape_cast %reduce_min3A_693 : vector<512xi32> to vector<1x512xi32>
    %eq3A_695 = vector.broadcast %broadcast_in_dim3A_694 : vector<1x512xi32> to vector<32x512xi32>
    %eq3A_696 = arith.cmpi eq, %iota3A_613, %eq3A_695 : vector<32x512xi32>
    %jit3A_697 = arith.constant 0xFF800000 : f32
    %broadcast_in_dim3A_698 = vector.broadcast %jit3A_697 : f32 to vector<32x512xf32>
    %select_n3A_699 = arith.select %eq3A_696, %broadcast_in_dim3A_698, %select_n3A_677 : vector<32x512xi1>, vector<32x512xf32>
    %jit3A_700 = arith.constant 0xFF800000 : f32
    %broadcast_in_dim3A_701 = vector.broadcast %jit3A_700 : f32 to vector<1x512xf32>
    %select_n3A_702 = arith.select %gt3A_617, %broadcast_in_dim3A_686, %broadcast_in_dim3A_701 : vector<1x512xi1>, vector<1x512xf32>
    %add3A_703 = arith.constant 64 : i32
    %add3A_704 = vector.broadcast %add3A_703 : i32 to vector<1x512xi32>
    %add3A_705 = arith.addi %broadcast_in_dim3A_694, %add3A_704 : vector<1x512xi32>
    %reduce_max3A_706 = arith.constant dense<0xFF800000> : vector<512xf32>
    %reduce_max3A_707 = vector.multi_reduction <maximumf>, %select_n3A_699, %reduce_max3A_706 [0] : vector<32x512xf32> to vector<512xf32>
    %broadcast_in_dim3A_708 = vector.shape_cast %reduce_max3A_707 : vector<512xf32> to vector<1x512xf32>
    %eq3A_709 = vector.broadcast %broadcast_in_dim3A_708 : vector<1x512xf32> to vector<32x512xf32>
    %eq3A_710 = arith.cmpf oeq, %select_n3A_699, %eq3A_709 : vector<32x512xf32>
    %jit3A_711 = arith.constant 64 : i32
    %broadcast_in_dim3A_712 = vector.broadcast %jit3A_711 : i32 to vector<32x512xi32>
    %select_n3A_713 = arith.select %eq3A_710, %iota3A_613, %broadcast_in_dim3A_712 : vector<32x512xi1>, vector<32x512xi32>
    %reduce_min3A_714 = arith.constant dense<2147483647> : vector<512xi32>
    %reduce_min3A_715 = vector.multi_reduction <minsi>, %select_n3A_713, %reduce_min3A_714 [0] : vector<32x512xi32> to vector<512xi32>
    %broadcast_in_dim3A_716 = vector.shape_cast %reduce_min3A_715 : vector<512xi32> to vector<1x512xi32>
    %eq3A_717 = vector.broadcast %broadcast_in_dim3A_716 : vector<1x512xi32> to vector<32x512xi32>
    %eq3A_718 = arith.cmpi eq, %iota3A_613, %eq3A_717 : vector<32x512xi32>
    %jit3A_719 = arith.constant 0xFF800000 : f32
    %broadcast_in_dim3A_720 = vector.broadcast %jit3A_719 : f32 to vector<32x512xf32>
    %select_n3A_721 = arith.select %eq3A_718, %broadcast_in_dim3A_720, %select_n3A_699 : vector<32x512xi1>, vector<32x512xf32>
    %jit3A_722 = arith.constant 0xFF800000 : f32
    %broadcast_in_dim3A_723 = vector.broadcast %jit3A_722 : f32 to vector<1x512xf32>
    %select_n3A_724 = arith.select %gt3A_617, %broadcast_in_dim3A_708, %broadcast_in_dim3A_723 : vector<1x512xi1>, vector<1x512xf32>
    %add3A_725 = arith.constant 64 : i32
    %add3A_726 = vector.broadcast %add3A_725 : i32 to vector<1x512xi32>
    %add3A_727 = arith.addi %broadcast_in_dim3A_716, %add3A_726 : vector<1x512xi32>
    %reduce_max3A_728 = arith.constant dense<0xFF800000> : vector<512xf32>
    %reduce_max3A_729 = vector.multi_reduction <maximumf>, %select_n3A_721, %reduce_max3A_728 [0] : vector<32x512xf32> to vector<512xf32>
    %broadcast_in_dim3A_730 = vector.shape_cast %reduce_max3A_729 : vector<512xf32> to vector<1x512xf32>
    %eq3A_731 = vector.broadcast %broadcast_in_dim3A_730 : vector<1x512xf32> to vector<32x512xf32>
    %eq3A_732 = arith.cmpf oeq, %select_n3A_721, %eq3A_731 : vector<32x512xf32>
    %jit3A_733 = arith.constant 64 : i32
    %broadcast_in_dim3A_734 = vector.broadcast %jit3A_733 : i32 to vector<32x512xi32>
    %select_n3A_735 = arith.select %eq3A_732, %iota3A_613, %broadcast_in_dim3A_734 : vector<32x512xi1>, vector<32x512xi32>
    %reduce_min3A_736 = arith.constant dense<2147483647> : vector<512xi32>
    %reduce_min3A_737 = vector.multi_reduction <minsi>, %select_n3A_735, %reduce_min3A_736 [0] : vector<32x512xi32> to vector<512xi32>
    %broadcast_in_dim3A_738 = vector.shape_cast %reduce_min3A_737 : vector<512xi32> to vector<1x512xi32>
    %eq3A_739 = vector.broadcast %broadcast_in_dim3A_738 : vector<1x512xi32> to vector<32x512xi32>
    %eq3A_740 = arith.cmpi eq, %iota3A_613, %eq3A_739 : vector<32x512xi32>
    %jit3A_741 = arith.constant 0xFF800000 : f32
    %broadcast_in_dim3A_742 = vector.broadcast %jit3A_741 : f32 to vector<32x512xf32>
    %select_n3A_743 = arith.select %eq3A_740, %broadcast_in_dim3A_742, %select_n3A_721 : vector<32x512xi1>, vector<32x512xf32>
    %jit3A_744 = arith.constant 0xFF800000 : f32
    %broadcast_in_dim3A_745 = vector.broadcast %jit3A_744 : f32 to vector<1x512xf32>
    %select_n3A_746 = arith.select %gt3A_617, %broadcast_in_dim3A_730, %broadcast_in_dim3A_745 : vector<1x512xi1>, vector<1x512xf32>
    %add3A_747 = arith.constant 64 : i32
    %add3A_748 = vector.broadcast %add3A_747 : i32 to vector<1x512xi32>
    %add3A_749 = arith.addi %broadcast_in_dim3A_738, %add3A_748 : vector<1x512xi32>
    %reduce_max3A_750 = arith.constant dense<0xFF800000> : vector<512xf32>
    %reduce_max3A_751 = vector.multi_reduction <maximumf>, %select_n3A_743, %reduce_max3A_750 [0] : vector<32x512xf32> to vector<512xf32>
    %broadcast_in_dim3A_752 = vector.shape_cast %reduce_max3A_751 : vector<512xf32> to vector<1x512xf32>
    %eq3A_753 = vector.broadcast %broadcast_in_dim3A_752 : vector<1x512xf32> to vector<32x512xf32>
    %eq3A_754 = arith.cmpf oeq, %select_n3A_743, %eq3A_753 : vector<32x512xf32>
    %jit3A_755 = arith.constant 64 : i32
    %broadcast_in_dim3A_756 = vector.broadcast %jit3A_755 : i32 to vector<32x512xi32>
    %select_n3A_757 = arith.select %eq3A_754, %iota3A_613, %broadcast_in_dim3A_756 : vector<32x512xi1>, vector<32x512xi32>
    %reduce_min3A_758 = arith.constant dense<2147483647> : vector<512xi32>
    %reduce_min3A_759 = vector.multi_reduction <minsi>, %select_n3A_757, %reduce_min3A_758 [0] : vector<32x512xi32> to vector<512xi32>
    %broadcast_in_dim3A_760 = vector.shape_cast %reduce_min3A_759 : vector<512xi32> to vector<1x512xi32>
    %eq3A_761 = vector.broadcast %broadcast_in_dim3A_760 : vector<1x512xi32> to vector<32x512xi32>
    %eq3A_762 = arith.cmpi eq, %iota3A_613, %eq3A_761 : vector<32x512xi32>
    %jit3A_763 = arith.constant 0xFF800000 : f32
    %broadcast_in_dim3A_764 = vector.broadcast %jit3A_763 : f32 to vector<32x512xf32>
    %select_n3A_765 = arith.select %eq3A_762, %broadcast_in_dim3A_764, %select_n3A_743 : vector<32x512xi1>, vector<32x512xf32>
    %jit3A_766 = arith.constant 0xFF800000 : f32
    %broadcast_in_dim3A_767 = vector.broadcast %jit3A_766 : f32 to vector<1x512xf32>
    %select_n3A_768 = arith.select %gt3A_617, %broadcast_in_dim3A_752, %broadcast_in_dim3A_767 : vector<1x512xi1>, vector<1x512xf32>
    %add3A_769 = arith.constant 64 : i32
    %add3A_770 = vector.broadcast %add3A_769 : i32 to vector<1x512xi32>
    %add3A_771 = arith.addi %broadcast_in_dim3A_760, %add3A_770 : vector<1x512xi32>
    %reduce_max3A_772 = arith.constant dense<0xFF800000> : vector<512xf32>
    %reduce_max3A_773 = vector.multi_reduction <maximumf>, %select_n3A_765, %reduce_max3A_772 [0] : vector<32x512xf32> to vector<512xf32>
    %broadcast_in_dim3A_774 = vector.shape_cast %reduce_max3A_773 : vector<512xf32> to vector<1x512xf32>
    %eq3A_775 = vector.broadcast %broadcast_in_dim3A_774 : vector<1x512xf32> to vector<32x512xf32>
    %eq3A_776 = arith.cmpf oeq, %select_n3A_765, %eq3A_775 : vector<32x512xf32>
    %jit3A_777 = arith.constant 64 : i32
    %broadcast_in_dim3A_778 = vector.broadcast %jit3A_777 : i32 to vector<32x512xi32>
    %select_n3A_779 = arith.select %eq3A_776, %iota3A_613, %broadcast_in_dim3A_778 : vector<32x512xi1>, vector<32x512xi32>
    %reduce_min3A_780 = arith.constant dense<2147483647> : vector<512xi32>
    %reduce_min3A_781 = vector.multi_reduction <minsi>, %select_n3A_779, %reduce_min3A_780 [0] : vector<32x512xi32> to vector<512xi32>
    %broadcast_in_dim3A_782 = vector.shape_cast %reduce_min3A_781 : vector<512xi32> to vector<1x512xi32>
    %jit3A_783 = arith.constant 0xFF800000 : f32
    %broadcast_in_dim3A_784 = vector.broadcast %jit3A_783 : f32 to vector<1x512xf32>
    %select_n3A_785 = arith.select %gt3A_617, %broadcast_in_dim3A_774, %broadcast_in_dim3A_784 : vector<1x512xi1>, vector<1x512xf32>
    %add3A_786 = arith.constant 64 : i32
    %add3A_787 = vector.broadcast %add3A_786 : i32 to vector<1x512xi32>
    %add3A_788 = arith.addi %broadcast_in_dim3A_782, %add3A_787 : vector<1x512xi32>
    %slice3A_789 = vector.extract_strided_slice %add3A_14 {offsets = [96, 0], sizes = [32, 512], strides = [1, 1]} : vector<256x512xf32> to vector<32x512xf32>
    %iota3A_790 = tpu.iota {dimensions = array<i32: 0>} : vector<32x512xi32>
    %slice3A_791 = vector.extract_strided_slice %select_n3A_258 {offsets = [3, 0], sizes = [1, 512], strides = [1, 1]} : vector<8x512xf32> to vector<1x512xf32>
    %gt3A_792 = arith.constant 0.000000e+00 : f32
    %gt3A_793 = vector.broadcast %gt3A_792 : f32 to vector<1x512xf32>
    %gt3A_794 = arith.cmpf ogt, %slice3A_791, %gt3A_793 : vector<1x512xf32>
    %reduce_max3A_795 = arith.constant dense<0xFF800000> : vector<512xf32>
    %reduce_max3A_796 = vector.multi_reduction <maximumf>, %slice3A_789, %reduce_max3A_795 [0] : vector<32x512xf32> to vector<512xf32>
    %broadcast_in_dim3A_797 = vector.shape_cast %reduce_max3A_796 : vector<512xf32> to vector<1x512xf32>
    %eq3A_798 = vector.broadcast %broadcast_in_dim3A_797 : vector<1x512xf32> to vector<32x512xf32>
    %eq3A_799 = arith.cmpf oeq, %slice3A_789, %eq3A_798 : vector<32x512xf32>
    %jit3A_800 = arith.constant 64 : i32
    %broadcast_in_dim3A_801 = vector.broadcast %jit3A_800 : i32 to vector<32x512xi32>
    %select_n3A_802 = arith.select %eq3A_799, %iota3A_790, %broadcast_in_dim3A_801 : vector<32x512xi1>, vector<32x512xi32>
    %reduce_min3A_803 = arith.constant dense<2147483647> : vector<512xi32>
    %reduce_min3A_804 = vector.multi_reduction <minsi>, %select_n3A_802, %reduce_min3A_803 [0] : vector<32x512xi32> to vector<512xi32>
    %broadcast_in_dim3A_805 = vector.shape_cast %reduce_min3A_804 : vector<512xi32> to vector<1x512xi32>
    %eq3A_806 = vector.broadcast %broadcast_in_dim3A_805 : vector<1x512xi32> to vector<32x512xi32>
    %eq3A_807 = arith.cmpi eq, %iota3A_790, %eq3A_806 : vector<32x512xi32>
    %jit3A_808 = arith.constant 0xFF800000 : f32
    %broadcast_in_dim3A_809 = vector.broadcast %jit3A_808 : f32 to vector<32x512xf32>
    %select_n3A_810 = arith.select %eq3A_807, %broadcast_in_dim3A_809, %slice3A_789 : vector<32x512xi1>, vector<32x512xf32>
    %jit3A_811 = arith.constant 0xFF800000 : f32
    %broadcast_in_dim3A_812 = vector.broadcast %jit3A_811 : f32 to vector<1x512xf32>
    %select_n3A_813 = arith.select %gt3A_794, %broadcast_in_dim3A_797, %broadcast_in_dim3A_812 : vector<1x512xi1>, vector<1x512xf32>
    %add3A_814 = arith.constant 96 : i32
    %add3A_815 = vector.broadcast %add3A_814 : i32 to vector<1x512xi32>
    %add3A_816 = arith.addi %broadcast_in_dim3A_805, %add3A_815 : vector<1x512xi32>
    %reduce_max3A_817 = arith.constant dense<0xFF800000> : vector<512xf32>
    %reduce_max3A_818 = vector.multi_reduction <maximumf>, %select_n3A_810, %reduce_max3A_817 [0] : vector<32x512xf32> to vector<512xf32>
    %broadcast_in_dim3A_819 = vector.shape_cast %reduce_max3A_818 : vector<512xf32> to vector<1x512xf32>
    %eq3A_820 = vector.broadcast %broadcast_in_dim3A_819 : vector<1x512xf32> to vector<32x512xf32>
    %eq3A_821 = arith.cmpf oeq, %select_n3A_810, %eq3A_820 : vector<32x512xf32>
    %jit3A_822 = arith.constant 64 : i32
    %broadcast_in_dim3A_823 = vector.broadcast %jit3A_822 : i32 to vector<32x512xi32>
    %select_n3A_824 = arith.select %eq3A_821, %iota3A_790, %broadcast_in_dim3A_823 : vector<32x512xi1>, vector<32x512xi32>
    %reduce_min3A_825 = arith.constant dense<2147483647> : vector<512xi32>
    %reduce_min3A_826 = vector.multi_reduction <minsi>, %select_n3A_824, %reduce_min3A_825 [0] : vector<32x512xi32> to vector<512xi32>
    %broadcast_in_dim3A_827 = vector.shape_cast %reduce_min3A_826 : vector<512xi32> to vector<1x512xi32>
    %eq3A_828 = vector.broadcast %broadcast_in_dim3A_827 : vector<1x512xi32> to vector<32x512xi32>
    %eq3A_829 = arith.cmpi eq, %iota3A_790, %eq3A_828 : vector<32x512xi32>
    %jit3A_830 = arith.constant 0xFF800000 : f32
    %broadcast_in_dim3A_831 = vector.broadcast %jit3A_830 : f32 to vector<32x512xf32>
    %select_n3A_832 = arith.select %eq3A_829, %broadcast_in_dim3A_831, %select_n3A_810 : vector<32x512xi1>, vector<32x512xf32>
    %jit3A_833 = arith.constant 0xFF800000 : f32
    %broadcast_in_dim3A_834 = vector.broadcast %jit3A_833 : f32 to vector<1x512xf32>
    %select_n3A_835 = arith.select %gt3A_794, %broadcast_in_dim3A_819, %broadcast_in_dim3A_834 : vector<1x512xi1>, vector<1x512xf32>
    %add3A_836 = arith.constant 96 : i32
    %add3A_837 = vector.broadcast %add3A_836 : i32 to vector<1x512xi32>
    %add3A_838 = arith.addi %broadcast_in_dim3A_827, %add3A_837 : vector<1x512xi32>
    %reduce_max3A_839 = arith.constant dense<0xFF800000> : vector<512xf32>
    %reduce_max3A_840 = vector.multi_reduction <maximumf>, %select_n3A_832, %reduce_max3A_839 [0] : vector<32x512xf32> to vector<512xf32>
    %broadcast_in_dim3A_841 = vector.shape_cast %reduce_max3A_840 : vector<512xf32> to vector<1x512xf32>
    %eq3A_842 = vector.broadcast %broadcast_in_dim3A_841 : vector<1x512xf32> to vector<32x512xf32>
    %eq3A_843 = arith.cmpf oeq, %select_n3A_832, %eq3A_842 : vector<32x512xf32>
    %jit3A_844 = arith.constant 64 : i32
    %broadcast_in_dim3A_845 = vector.broadcast %jit3A_844 : i32 to vector<32x512xi32>
    %select_n3A_846 = arith.select %eq3A_843, %iota3A_790, %broadcast_in_dim3A_845 : vector<32x512xi1>, vector<32x512xi32>
    %reduce_min3A_847 = arith.constant dense<2147483647> : vector<512xi32>
    %reduce_min3A_848 = vector.multi_reduction <minsi>, %select_n3A_846, %reduce_min3A_847 [0] : vector<32x512xi32> to vector<512xi32>
    %broadcast_in_dim3A_849 = vector.shape_cast %reduce_min3A_848 : vector<512xi32> to vector<1x512xi32>
    %eq3A_850 = vector.broadcast %broadcast_in_dim3A_849 : vector<1x512xi32> to vector<32x512xi32>
    %eq3A_851 = arith.cmpi eq, %iota3A_790, %eq3A_850 : vector<32x512xi32>
    %jit3A_852 = arith.constant 0xFF800000 : f32
    %broadcast_in_dim3A_853 = vector.broadcast %jit3A_852 : f32 to vector<32x512xf32>
    %select_n3A_854 = arith.select %eq3A_851, %broadcast_in_dim3A_853, %select_n3A_832 : vector<32x512xi1>, vector<32x512xf32>
    %jit3A_855 = arith.constant 0xFF800000 : f32
    %broadcast_in_dim3A_856 = vector.broadcast %jit3A_855 : f32 to vector<1x512xf32>
    %select_n3A_857 = arith.select %gt3A_794, %broadcast_in_dim3A_841, %broadcast_in_dim3A_856 : vector<1x512xi1>, vector<1x512xf32>
    %add3A_858 = arith.constant 96 : i32
    %add3A_859 = vector.broadcast %add3A_858 : i32 to vector<1x512xi32>
    %add3A_860 = arith.addi %broadcast_in_dim3A_849, %add3A_859 : vector<1x512xi32>
    %reduce_max3A_861 = arith.constant dense<0xFF800000> : vector<512xf32>
    %reduce_max3A_862 = vector.multi_reduction <maximumf>, %select_n3A_854, %reduce_max3A_861 [0] : vector<32x512xf32> to vector<512xf32>
    %broadcast_in_dim3A_863 = vector.shape_cast %reduce_max3A_862 : vector<512xf32> to vector<1x512xf32>
    %eq3A_864 = vector.broadcast %broadcast_in_dim3A_863 : vector<1x512xf32> to vector<32x512xf32>
    %eq3A_865 = arith.cmpf oeq, %select_n3A_854, %eq3A_864 : vector<32x512xf32>
    %jit3A_866 = arith.constant 64 : i32
    %broadcast_in_dim3A_867 = vector.broadcast %jit3A_866 : i32 to vector<32x512xi32>
    %select_n3A_868 = arith.select %eq3A_865, %iota3A_790, %broadcast_in_dim3A_867 : vector<32x512xi1>, vector<32x512xi32>
    %reduce_min3A_869 = arith.constant dense<2147483647> : vector<512xi32>
    %reduce_min3A_870 = vector.multi_reduction <minsi>, %select_n3A_868, %reduce_min3A_869 [0] : vector<32x512xi32> to vector<512xi32>
    %broadcast_in_dim3A_871 = vector.shape_cast %reduce_min3A_870 : vector<512xi32> to vector<1x512xi32>
    %eq3A_872 = vector.broadcast %broadcast_in_dim3A_871 : vector<1x512xi32> to vector<32x512xi32>
    %eq3A_873 = arith.cmpi eq, %iota3A_790, %eq3A_872 : vector<32x512xi32>
    %jit3A_874 = arith.constant 0xFF800000 : f32
    %broadcast_in_dim3A_875 = vector.broadcast %jit3A_874 : f32 to vector<32x512xf32>
    %select_n3A_876 = arith.select %eq3A_873, %broadcast_in_dim3A_875, %select_n3A_854 : vector<32x512xi1>, vector<32x512xf32>
    %jit3A_877 = arith.constant 0xFF800000 : f32
    %broadcast_in_dim3A_878 = vector.broadcast %jit3A_877 : f32 to vector<1x512xf32>
    %select_n3A_879 = arith.select %gt3A_794, %broadcast_in_dim3A_863, %broadcast_in_dim3A_878 : vector<1x512xi1>, vector<1x512xf32>
    %add3A_880 = arith.constant 96 : i32
    %add3A_881 = vector.broadcast %add3A_880 : i32 to vector<1x512xi32>
    %add3A_882 = arith.addi %broadcast_in_dim3A_871, %add3A_881 : vector<1x512xi32>
    %reduce_max3A_883 = arith.constant dense<0xFF800000> : vector<512xf32>
    %reduce_max3A_884 = vector.multi_reduction <maximumf>, %select_n3A_876, %reduce_max3A_883 [0] : vector<32x512xf32> to vector<512xf32>
    %broadcast_in_dim3A_885 = vector.shape_cast %reduce_max3A_884 : vector<512xf32> to vector<1x512xf32>
    %eq3A_886 = vector.broadcast %broadcast_in_dim3A_885 : vector<1x512xf32> to vector<32x512xf32>
    %eq3A_887 = arith.cmpf oeq, %select_n3A_876, %eq3A_886 : vector<32x512xf32>
    %jit3A_888 = arith.constant 64 : i32
    %broadcast_in_dim3A_889 = vector.broadcast %jit3A_888 : i32 to vector<32x512xi32>
    %select_n3A_890 = arith.select %eq3A_887, %iota3A_790, %broadcast_in_dim3A_889 : vector<32x512xi1>, vector<32x512xi32>
    %reduce_min3A_891 = arith.constant dense<2147483647> : vector<512xi32>
    %reduce_min3A_892 = vector.multi_reduction <minsi>, %select_n3A_890, %reduce_min3A_891 [0] : vector<32x512xi32> to vector<512xi32>
    %broadcast_in_dim3A_893 = vector.shape_cast %reduce_min3A_892 : vector<512xi32> to vector<1x512xi32>
    %eq3A_894 = vector.broadcast %broadcast_in_dim3A_893 : vector<1x512xi32> to vector<32x512xi32>
    %eq3A_895 = arith.cmpi eq, %iota3A_790, %eq3A_894 : vector<32x512xi32>
    %jit3A_896 = arith.constant 0xFF800000 : f32
    %broadcast_in_dim3A_897 = vector.broadcast %jit3A_896 : f32 to vector<32x512xf32>
    %select_n3A_898 = arith.select %eq3A_895, %broadcast_in_dim3A_897, %select_n3A_876 : vector<32x512xi1>, vector<32x512xf32>
    %jit3A_899 = arith.constant 0xFF800000 : f32
    %broadcast_in_dim3A_900 = vector.broadcast %jit3A_899 : f32 to vector<1x512xf32>
    %select_n3A_901 = arith.select %gt3A_794, %broadcast_in_dim3A_885, %broadcast_in_dim3A_900 : vector<1x512xi1>, vector<1x512xf32>
    %add3A_902 = arith.constant 96 : i32
    %add3A_903 = vector.broadcast %add3A_902 : i32 to vector<1x512xi32>
    %add3A_904 = arith.addi %broadcast_in_dim3A_893, %add3A_903 : vector<1x512xi32>
    %reduce_max3A_905 = arith.constant dense<0xFF800000> : vector<512xf32>
    %reduce_max3A_906 = vector.multi_reduction <maximumf>, %select_n3A_898, %reduce_max3A_905 [0] : vector<32x512xf32> to vector<512xf32>
    %broadcast_in_dim3A_907 = vector.shape_cast %reduce_max3A_906 : vector<512xf32> to vector<1x512xf32>
    %eq3A_908 = vector.broadcast %broadcast_in_dim3A_907 : vector<1x512xf32> to vector<32x512xf32>
    %eq3A_909 = arith.cmpf oeq, %select_n3A_898, %eq3A_908 : vector<32x512xf32>
    %jit3A_910 = arith.constant 64 : i32
    %broadcast_in_dim3A_911 = vector.broadcast %jit3A_910 : i32 to vector<32x512xi32>
    %select_n3A_912 = arith.select %eq3A_909, %iota3A_790, %broadcast_in_dim3A_911 : vector<32x512xi1>, vector<32x512xi32>
    %reduce_min3A_913 = arith.constant dense<2147483647> : vector<512xi32>
    %reduce_min3A_914 = vector.multi_reduction <minsi>, %select_n3A_912, %reduce_min3A_913 [0] : vector<32x512xi32> to vector<512xi32>
    %broadcast_in_dim3A_915 = vector.shape_cast %reduce_min3A_914 : vector<512xi32> to vector<1x512xi32>
    %eq3A_916 = vector.broadcast %broadcast_in_dim3A_915 : vector<1x512xi32> to vector<32x512xi32>
    %eq3A_917 = arith.cmpi eq, %iota3A_790, %eq3A_916 : vector<32x512xi32>
    %jit3A_918 = arith.constant 0xFF800000 : f32
    %broadcast_in_dim3A_919 = vector.broadcast %jit3A_918 : f32 to vector<32x512xf32>
    %select_n3A_920 = arith.select %eq3A_917, %broadcast_in_dim3A_919, %select_n3A_898 : vector<32x512xi1>, vector<32x512xf32>
    %jit3A_921 = arith.constant 0xFF800000 : f32
    %broadcast_in_dim3A_922 = vector.broadcast %jit3A_921 : f32 to vector<1x512xf32>
    %select_n3A_923 = arith.select %gt3A_794, %broadcast_in_dim3A_907, %broadcast_in_dim3A_922 : vector<1x512xi1>, vector<1x512xf32>
    %add3A_924 = arith.constant 96 : i32
    %add3A_925 = vector.broadcast %add3A_924 : i32 to vector<1x512xi32>
    %add3A_926 = arith.addi %broadcast_in_dim3A_915, %add3A_925 : vector<1x512xi32>
    %reduce_max3A_927 = arith.constant dense<0xFF800000> : vector<512xf32>
    %reduce_max3A_928 = vector.multi_reduction <maximumf>, %select_n3A_920, %reduce_max3A_927 [0] : vector<32x512xf32> to vector<512xf32>
    %broadcast_in_dim3A_929 = vector.shape_cast %reduce_max3A_928 : vector<512xf32> to vector<1x512xf32>
    %eq3A_930 = vector.broadcast %broadcast_in_dim3A_929 : vector<1x512xf32> to vector<32x512xf32>
    %eq3A_931 = arith.cmpf oeq, %select_n3A_920, %eq3A_930 : vector<32x512xf32>
    %jit3A_932 = arith.constant 64 : i32
    %broadcast_in_dim3A_933 = vector.broadcast %jit3A_932 : i32 to vector<32x512xi32>
    %select_n3A_934 = arith.select %eq3A_931, %iota3A_790, %broadcast_in_dim3A_933 : vector<32x512xi1>, vector<32x512xi32>
    %reduce_min3A_935 = arith.constant dense<2147483647> : vector<512xi32>
    %reduce_min3A_936 = vector.multi_reduction <minsi>, %select_n3A_934, %reduce_min3A_935 [0] : vector<32x512xi32> to vector<512xi32>
    %broadcast_in_dim3A_937 = vector.shape_cast %reduce_min3A_936 : vector<512xi32> to vector<1x512xi32>
    %eq3A_938 = vector.broadcast %broadcast_in_dim3A_937 : vector<1x512xi32> to vector<32x512xi32>
    %eq3A_939 = arith.cmpi eq, %iota3A_790, %eq3A_938 : vector<32x512xi32>
    %jit3A_940 = arith.constant 0xFF800000 : f32
    %broadcast_in_dim3A_941 = vector.broadcast %jit3A_940 : f32 to vector<32x512xf32>
    %select_n3A_942 = arith.select %eq3A_939, %broadcast_in_dim3A_941, %select_n3A_920 : vector<32x512xi1>, vector<32x512xf32>
    %jit3A_943 = arith.constant 0xFF800000 : f32
    %broadcast_in_dim3A_944 = vector.broadcast %jit3A_943 : f32 to vector<1x512xf32>
    %select_n3A_945 = arith.select %gt3A_794, %broadcast_in_dim3A_929, %broadcast_in_dim3A_944 : vector<1x512xi1>, vector<1x512xf32>
    %add3A_946 = arith.constant 96 : i32
    %add3A_947 = vector.broadcast %add3A_946 : i32 to vector<1x512xi32>
    %add3A_948 = arith.addi %broadcast_in_dim3A_937, %add3A_947 : vector<1x512xi32>
    %reduce_max3A_949 = arith.constant dense<0xFF800000> : vector<512xf32>
    %reduce_max3A_950 = vector.multi_reduction <maximumf>, %select_n3A_942, %reduce_max3A_949 [0] : vector<32x512xf32> to vector<512xf32>
    %broadcast_in_dim3A_951 = vector.shape_cast %reduce_max3A_950 : vector<512xf32> to vector<1x512xf32>
    %eq3A_952 = vector.broadcast %broadcast_in_dim3A_951 : vector<1x512xf32> to vector<32x512xf32>
    %eq3A_953 = arith.cmpf oeq, %select_n3A_942, %eq3A_952 : vector<32x512xf32>
    %jit3A_954 = arith.constant 64 : i32
    %broadcast_in_dim3A_955 = vector.broadcast %jit3A_954 : i32 to vector<32x512xi32>
    %select_n3A_956 = arith.select %eq3A_953, %iota3A_790, %broadcast_in_dim3A_955 : vector<32x512xi1>, vector<32x512xi32>
    %reduce_min3A_957 = arith.constant dense<2147483647> : vector<512xi32>
    %reduce_min3A_958 = vector.multi_reduction <minsi>, %select_n3A_956, %reduce_min3A_957 [0] : vector<32x512xi32> to vector<512xi32>
    %broadcast_in_dim3A_959 = vector.shape_cast %reduce_min3A_958 : vector<512xi32> to vector<1x512xi32>
    %jit3A_960 = arith.constant 0xFF800000 : f32
    %broadcast_in_dim3A_961 = vector.broadcast %jit3A_960 : f32 to vector<1x512xf32>
    %select_n3A_962 = arith.select %gt3A_794, %broadcast_in_dim3A_951, %broadcast_in_dim3A_961 : vector<1x512xi1>, vector<1x512xf32>
    %add3A_963 = arith.constant 96 : i32
    %add3A_964 = vector.broadcast %add3A_963 : i32 to vector<1x512xi32>
    %add3A_965 = arith.addi %broadcast_in_dim3A_959, %add3A_964 : vector<1x512xi32>
    %slice3A_966 = vector.extract_strided_slice %add3A_14 {offsets = [128, 0], sizes = [32, 512], strides = [1, 1]} : vector<256x512xf32> to vector<32x512xf32>
    %iota3A_967 = tpu.iota {dimensions = array<i32: 0>} : vector<32x512xi32>
    %slice3A_968 = vector.extract_strided_slice %select_n3A_258 {offsets = [4, 0], sizes = [1, 512], strides = [1, 1]} : vector<8x512xf32> to vector<1x512xf32>
    %gt3A_969 = arith.constant 0.000000e+00 : f32
    %gt3A_970 = vector.broadcast %gt3A_969 : f32 to vector<1x512xf32>
    %gt3A_971 = arith.cmpf ogt, %slice3A_968, %gt3A_970 : vector<1x512xf32>
    %reduce_max3A_972 = arith.constant dense<0xFF800000> : vector<512xf32>
    %reduce_max3A_973 = vector.multi_reduction <maximumf>, %slice3A_966, %reduce_max3A_972 [0] : vector<32x512xf32> to vector<512xf32>
    %broadcast_in_dim3A_974 = vector.shape_cast %reduce_max3A_973 : vector<512xf32> to vector<1x512xf32>
    %eq3A_975 = vector.broadcast %broadcast_in_dim3A_974 : vector<1x512xf32> to vector<32x512xf32>
    %eq3A_976 = arith.cmpf oeq, %slice3A_966, %eq3A_975 : vector<32x512xf32>
    %jit3A_977 = arith.constant 64 : i32
    %broadcast_in_dim3A_978 = vector.broadcast %jit3A_977 : i32 to vector<32x512xi32>
    %select_n3A_979 = arith.select %eq3A_976, %iota3A_967, %broadcast_in_dim3A_978 : vector<32x512xi1>, vector<32x512xi32>
    %reduce_min3A_980 = arith.constant dense<2147483647> : vector<512xi32>
    %reduce_min3A_981 = vector.multi_reduction <minsi>, %select_n3A_979, %reduce_min3A_980 [0] : vector<32x512xi32> to vector<512xi32>
    %broadcast_in_dim3A_982 = vector.shape_cast %reduce_min3A_981 : vector<512xi32> to vector<1x512xi32>
    %eq3A_983 = vector.broadcast %broadcast_in_dim3A_982 : vector<1x512xi32> to vector<32x512xi32>
    %eq3A_984 = arith.cmpi eq, %iota3A_967, %eq3A_983 : vector<32x512xi32>
    %jit3A_985 = arith.constant 0xFF800000 : f32
    %broadcast_in_dim3A_986 = vector.broadcast %jit3A_985 : f32 to vector<32x512xf32>
    %select_n3A_987 = arith.select %eq3A_984, %broadcast_in_dim3A_986, %slice3A_966 : vector<32x512xi1>, vector<32x512xf32>
    %jit3A_988 = arith.constant 0xFF800000 : f32
    %broadcast_in_dim3A_989 = vector.broadcast %jit3A_988 : f32 to vector<1x512xf32>
    %select_n3A_990 = arith.select %gt3A_971, %broadcast_in_dim3A_974, %broadcast_in_dim3A_989 : vector<1x512xi1>, vector<1x512xf32>
    %add3A_991 = arith.constant 128 : i32
    %add3A_992 = vector.broadcast %add3A_991 : i32 to vector<1x512xi32>
    %add3A_993 = arith.addi %broadcast_in_dim3A_982, %add3A_992 : vector<1x512xi32>
    %reduce_max3A_994 = arith.constant dense<0xFF800000> : vector<512xf32>
    %reduce_max3A_995 = vector.multi_reduction <maximumf>, %select_n3A_987, %reduce_max3A_994 [0] : vector<32x512xf32> to vector<512xf32>
    %broadcast_in_dim3A_996 = vector.shape_cast %reduce_max3A_995 : vector<512xf32> to vector<1x512xf32>
    %eq3A_997 = vector.broadcast %broadcast_in_dim3A_996 : vector<1x512xf32> to vector<32x512xf32>
    %eq3A_998 = arith.cmpf oeq, %select_n3A_987, %eq3A_997 : vector<32x512xf32>
    %jit3A_999 = arith.constant 64 : i32
    %broadcast_in_dim3A_1000 = vector.broadcast %jit3A_999 : i32 to vector<32x512xi32>
    %select_n3A_1001 = arith.select %eq3A_998, %iota3A_967, %broadcast_in_dim3A_1000 : vector<32x512xi1>, vector<32x512xi32>
    %reduce_min3A_1002 = arith.constant dense<2147483647> : vector<512xi32>
    %reduce_min3A_1003 = vector.multi_reduction <minsi>, %select_n3A_1001, %reduce_min3A_1002 [0] : vector<32x512xi32> to vector<512xi32>
    %broadcast_in_dim3A_1004 = vector.shape_cast %reduce_min3A_1003 : vector<512xi32> to vector<1x512xi32>
    %eq3A_1005 = vector.broadcast %broadcast_in_dim3A_1004 : vector<1x512xi32> to vector<32x512xi32>
    %eq3A_1006 = arith.cmpi eq, %iota3A_967, %eq3A_1005 : vector<32x512xi32>
    %jit3A_1007 = arith.constant 0xFF800000 : f32
    %broadcast_in_dim3A_1008 = vector.broadcast %jit3A_1007 : f32 to vector<32x512xf32>
    %select_n3A_1009 = arith.select %eq3A_1006, %broadcast_in_dim3A_1008, %select_n3A_987 : vector<32x512xi1>, vector<32x512xf32>
    %jit3A_1010 = arith.constant 0xFF800000 : f32
    %broadcast_in_dim3A_1011 = vector.broadcast %jit3A_1010 : f32 to vector<1x512xf32>
    %select_n3A_1012 = arith.select %gt3A_971, %broadcast_in_dim3A_996, %broadcast_in_dim3A_1011 : vector<1x512xi1>, vector<1x512xf32>
    %add3A_1013 = arith.constant 128 : i32
    %add3A_1014 = vector.broadcast %add3A_1013 : i32 to vector<1x512xi32>
    %add3A_1015 = arith.addi %broadcast_in_dim3A_1004, %add3A_1014 : vector<1x512xi32>
    %reduce_max3A_1016 = arith.constant dense<0xFF800000> : vector<512xf32>
    %reduce_max3A_1017 = vector.multi_reduction <maximumf>, %select_n3A_1009, %reduce_max3A_1016 [0] : vector<32x512xf32> to vector<512xf32>
    %broadcast_in_dim3A_1018 = vector.shape_cast %reduce_max3A_1017 : vector<512xf32> to vector<1x512xf32>
    %eq3A_1019 = vector.broadcast %broadcast_in_dim3A_1018 : vector<1x512xf32> to vector<32x512xf32>
    %eq3A_1020 = arith.cmpf oeq, %select_n3A_1009, %eq3A_1019 : vector<32x512xf32>
    %jit3A_1021 = arith.constant 64 : i32
    %broadcast_in_dim3A_1022 = vector.broadcast %jit3A_1021 : i32 to vector<32x512xi32>
    %select_n3A_1023 = arith.select %eq3A_1020, %iota3A_967, %broadcast_in_dim3A_1022 : vector<32x512xi1>, vector<32x512xi32>
    %reduce_min3A_1024 = arith.constant dense<2147483647> : vector<512xi32>
    %reduce_min3A_1025 = vector.multi_reduction <minsi>, %select_n3A_1023, %reduce_min3A_1024 [0] : vector<32x512xi32> to vector<512xi32>
    %broadcast_in_dim3A_1026 = vector.shape_cast %reduce_min3A_1025 : vector<512xi32> to vector<1x512xi32>
    %eq3A_1027 = vector.broadcast %broadcast_in_dim3A_1026 : vector<1x512xi32> to vector<32x512xi32>
    %eq3A_1028 = arith.cmpi eq, %iota3A_967, %eq3A_1027 : vector<32x512xi32>
    %jit3A_1029 = arith.constant 0xFF800000 : f32
    %broadcast_in_dim3A_1030 = vector.broadcast %jit3A_1029 : f32 to vector<32x512xf32>
    %select_n3A_1031 = arith.select %eq3A_1028, %broadcast_in_dim3A_1030, %select_n3A_1009 : vector<32x512xi1>, vector<32x512xf32>
    %jit3A_1032 = arith.constant 0xFF800000 : f32
    %broadcast_in_dim3A_1033 = vector.broadcast %jit3A_1032 : f32 to vector<1x512xf32>
    %select_n3A_1034 = arith.select %gt3A_971, %broadcast_in_dim3A_1018, %broadcast_in_dim3A_1033 : vector<1x512xi1>, vector<1x512xf32>
    %add3A_1035 = arith.constant 128 : i32
    %add3A_1036 = vector.broadcast %add3A_1035 : i32 to vector<1x512xi32>
    %add3A_1037 = arith.addi %broadcast_in_dim3A_1026, %add3A_1036 : vector<1x512xi32>
    %reduce_max3A_1038 = arith.constant dense<0xFF800000> : vector<512xf32>
    %reduce_max3A_1039 = vector.multi_reduction <maximumf>, %select_n3A_1031, %reduce_max3A_1038 [0] : vector<32x512xf32> to vector<512xf32>
    %broadcast_in_dim3A_1040 = vector.shape_cast %reduce_max3A_1039 : vector<512xf32> to vector<1x512xf32>
    %eq3A_1041 = vector.broadcast %broadcast_in_dim3A_1040 : vector<1x512xf32> to vector<32x512xf32>
    %eq3A_1042 = arith.cmpf oeq, %select_n3A_1031, %eq3A_1041 : vector<32x512xf32>
    %jit3A_1043 = arith.constant 64 : i32
    %broadcast_in_dim3A_1044 = vector.broadcast %jit3A_1043 : i32 to vector<32x512xi32>
    %select_n3A_1045 = arith.select %eq3A_1042, %iota3A_967, %broadcast_in_dim3A_1044 : vector<32x512xi1>, vector<32x512xi32>
    %reduce_min3A_1046 = arith.constant dense<2147483647> : vector<512xi32>
    %reduce_min3A_1047 = vector.multi_reduction <minsi>, %select_n3A_1045, %reduce_min3A_1046 [0] : vector<32x512xi32> to vector<512xi32>
    %broadcast_in_dim3A_1048 = vector.shape_cast %reduce_min3A_1047 : vector<512xi32> to vector<1x512xi32>
    %eq3A_1049 = vector.broadcast %broadcast_in_dim3A_1048 : vector<1x512xi32> to vector<32x512xi32>
    %eq3A_1050 = arith.cmpi eq, %iota3A_967, %eq3A_1049 : vector<32x512xi32>
    %jit3A_1051 = arith.constant 0xFF800000 : f32
    %broadcast_in_dim3A_1052 = vector.broadcast %jit3A_1051 : f32 to vector<32x512xf32>
    %select_n3A_1053 = arith.select %eq3A_1050, %broadcast_in_dim3A_1052, %select_n3A_1031 : vector<32x512xi1>, vector<32x512xf32>
    %jit3A_1054 = arith.constant 0xFF800000 : f32
    %broadcast_in_dim3A_1055 = vector.broadcast %jit3A_1054 : f32 to vector<1x512xf32>
    %select_n3A_1056 = arith.select %gt3A_971, %broadcast_in_dim3A_1040, %broadcast_in_dim3A_1055 : vector<1x512xi1>, vector<1x512xf32>
    %add3A_1057 = arith.constant 128 : i32
    %add3A_1058 = vector.broadcast %add3A_1057 : i32 to vector<1x512xi32>
    %add3A_1059 = arith.addi %broadcast_in_dim3A_1048, %add3A_1058 : vector<1x512xi32>
    %reduce_max3A_1060 = arith.constant dense<0xFF800000> : vector<512xf32>
    %reduce_max3A_1061 = vector.multi_reduction <maximumf>, %select_n3A_1053, %reduce_max3A_1060 [0] : vector<32x512xf32> to vector<512xf32>
    %broadcast_in_dim3A_1062 = vector.shape_cast %reduce_max3A_1061 : vector<512xf32> to vector<1x512xf32>
    %eq3A_1063 = vector.broadcast %broadcast_in_dim3A_1062 : vector<1x512xf32> to vector<32x512xf32>
    %eq3A_1064 = arith.cmpf oeq, %select_n3A_1053, %eq3A_1063 : vector<32x512xf32>
    %jit3A_1065 = arith.constant 64 : i32
    %broadcast_in_dim3A_1066 = vector.broadcast %jit3A_1065 : i32 to vector<32x512xi32>
    %select_n3A_1067 = arith.select %eq3A_1064, %iota3A_967, %broadcast_in_dim3A_1066 : vector<32x512xi1>, vector<32x512xi32>
    %reduce_min3A_1068 = arith.constant dense<2147483647> : vector<512xi32>
    %reduce_min3A_1069 = vector.multi_reduction <minsi>, %select_n3A_1067, %reduce_min3A_1068 [0] : vector<32x512xi32> to vector<512xi32>
    %broadcast_in_dim3A_1070 = vector.shape_cast %reduce_min3A_1069 : vector<512xi32> to vector<1x512xi32>
    %eq3A_1071 = vector.broadcast %broadcast_in_dim3A_1070 : vector<1x512xi32> to vector<32x512xi32>
    %eq3A_1072 = arith.cmpi eq, %iota3A_967, %eq3A_1071 : vector<32x512xi32>
    %jit3A_1073 = arith.constant 0xFF800000 : f32
    %broadcast_in_dim3A_1074 = vector.broadcast %jit3A_1073 : f32 to vector<32x512xf32>
    %select_n3A_1075 = arith.select %eq3A_1072, %broadcast_in_dim3A_1074, %select_n3A_1053 : vector<32x512xi1>, vector<32x512xf32>
    %jit3A_1076 = arith.constant 0xFF800000 : f32
    %broadcast_in_dim3A_1077 = vector.broadcast %jit3A_1076 : f32 to vector<1x512xf32>
    %select_n3A_1078 = arith.select %gt3A_971, %broadcast_in_dim3A_1062, %broadcast_in_dim3A_1077 : vector<1x512xi1>, vector<1x512xf32>
    %add3A_1079 = arith.constant 128 : i32
    %add3A_1080 = vector.broadcast %add3A_1079 : i32 to vector<1x512xi32>
    %add3A_1081 = arith.addi %broadcast_in_dim3A_1070, %add3A_1080 : vector<1x512xi32>
    %reduce_max3A_1082 = arith.constant dense<0xFF800000> : vector<512xf32>
    %reduce_max3A_1083 = vector.multi_reduction <maximumf>, %select_n3A_1075, %reduce_max3A_1082 [0] : vector<32x512xf32> to vector<512xf32>
    %broadcast_in_dim3A_1084 = vector.shape_cast %reduce_max3A_1083 : vector<512xf32> to vector<1x512xf32>
    %eq3A_1085 = vector.broadcast %broadcast_in_dim3A_1084 : vector<1x512xf32> to vector<32x512xf32>
    %eq3A_1086 = arith.cmpf oeq, %select_n3A_1075, %eq3A_1085 : vector<32x512xf32>
    %jit3A_1087 = arith.constant 64 : i32
    %broadcast_in_dim3A_1088 = vector.broadcast %jit3A_1087 : i32 to vector<32x512xi32>
    %select_n3A_1089 = arith.select %eq3A_1086, %iota3A_967, %broadcast_in_dim3A_1088 : vector<32x512xi1>, vector<32x512xi32>
    %reduce_min3A_1090 = arith.constant dense<2147483647> : vector<512xi32>
    %reduce_min3A_1091 = vector.multi_reduction <minsi>, %select_n3A_1089, %reduce_min3A_1090 [0] : vector<32x512xi32> to vector<512xi32>
    %broadcast_in_dim3A_1092 = vector.shape_cast %reduce_min3A_1091 : vector<512xi32> to vector<1x512xi32>
    %eq3A_1093 = vector.broadcast %broadcast_in_dim3A_1092 : vector<1x512xi32> to vector<32x512xi32>
    %eq3A_1094 = arith.cmpi eq, %iota3A_967, %eq3A_1093 : vector<32x512xi32>
    %jit3A_1095 = arith.constant 0xFF800000 : f32
    %broadcast_in_dim3A_1096 = vector.broadcast %jit3A_1095 : f32 to vector<32x512xf32>
    %select_n3A_1097 = arith.select %eq3A_1094, %broadcast_in_dim3A_1096, %select_n3A_1075 : vector<32x512xi1>, vector<32x512xf32>
    %jit3A_1098 = arith.constant 0xFF800000 : f32
    %broadcast_in_dim3A_1099 = vector.broadcast %jit3A_1098 : f32 to vector<1x512xf32>
    %select_n3A_1100 = arith.select %gt3A_971, %broadcast_in_dim3A_1084, %broadcast_in_dim3A_1099 : vector<1x512xi1>, vector<1x512xf32>
    %add3A_1101 = arith.constant 128 : i32
    %add3A_1102 = vector.broadcast %add3A_1101 : i32 to vector<1x512xi32>
    %add3A_1103 = arith.addi %broadcast_in_dim3A_1092, %add3A_1102 : vector<1x512xi32>
    %reduce_max3A_1104 = arith.constant dense<0xFF800000> : vector<512xf32>
    %reduce_max3A_1105 = vector.multi_reduction <maximumf>, %select_n3A_1097, %reduce_max3A_1104 [0] : vector<32x512xf32> to vector<512xf32>
    %broadcast_in_dim3A_1106 = vector.shape_cast %reduce_max3A_1105 : vector<512xf32> to vector<1x512xf32>
    %eq3A_1107 = vector.broadcast %broadcast_in_dim3A_1106 : vector<1x512xf32> to vector<32x512xf32>
    %eq3A_1108 = arith.cmpf oeq, %select_n3A_1097, %eq3A_1107 : vector<32x512xf32>
    %jit3A_1109 = arith.constant 64 : i32
    %broadcast_in_dim3A_1110 = vector.broadcast %jit3A_1109 : i32 to vector<32x512xi32>
    %select_n3A_1111 = arith.select %eq3A_1108, %iota3A_967, %broadcast_in_dim3A_1110 : vector<32x512xi1>, vector<32x512xi32>
    %reduce_min3A_1112 = arith.constant dense<2147483647> : vector<512xi32>
    %reduce_min3A_1113 = vector.multi_reduction <minsi>, %select_n3A_1111, %reduce_min3A_1112 [0] : vector<32x512xi32> to vector<512xi32>
    %broadcast_in_dim3A_1114 = vector.shape_cast %reduce_min3A_1113 : vector<512xi32> to vector<1x512xi32>
    %eq3A_1115 = vector.broadcast %broadcast_in_dim3A_1114 : vector<1x512xi32> to vector<32x512xi32>
    %eq3A_1116 = arith.cmpi eq, %iota3A_967, %eq3A_1115 : vector<32x512xi32>
    %jit3A_1117 = arith.constant 0xFF800000 : f32
    %broadcast_in_dim3A_1118 = vector.broadcast %jit3A_1117 : f32 to vector<32x512xf32>
    %select_n3A_1119 = arith.select %eq3A_1116, %broadcast_in_dim3A_1118, %select_n3A_1097 : vector<32x512xi1>, vector<32x512xf32>
    %jit3A_1120 = arith.constant 0xFF800000 : f32
    %broadcast_in_dim3A_1121 = vector.broadcast %jit3A_1120 : f32 to vector<1x512xf32>
    %select_n3A_1122 = arith.select %gt3A_971, %broadcast_in_dim3A_1106, %broadcast_in_dim3A_1121 : vector<1x512xi1>, vector<1x512xf32>
    %add3A_1123 = arith.constant 128 : i32
    %add3A_1124 = vector.broadcast %add3A_1123 : i32 to vector<1x512xi32>
    %add3A_1125 = arith.addi %broadcast_in_dim3A_1114, %add3A_1124 : vector<1x512xi32>
    %reduce_max3A_1126 = arith.constant dense<0xFF800000> : vector<512xf32>
    %reduce_max3A_1127 = vector.multi_reduction <maximumf>, %select_n3A_1119, %reduce_max3A_1126 [0] : vector<32x512xf32> to vector<512xf32>
    %broadcast_in_dim3A_1128 = vector.shape_cast %reduce_max3A_1127 : vector<512xf32> to vector<1x512xf32>
    %eq3A_1129 = vector.broadcast %broadcast_in_dim3A_1128 : vector<1x512xf32> to vector<32x512xf32>
    %eq3A_1130 = arith.cmpf oeq, %select_n3A_1119, %eq3A_1129 : vector<32x512xf32>
    %jit3A_1131 = arith.constant 64 : i32
    %broadcast_in_dim3A_1132 = vector.broadcast %jit3A_1131 : i32 to vector<32x512xi32>
    %select_n3A_1133 = arith.select %eq3A_1130, %iota3A_967, %broadcast_in_dim3A_1132 : vector<32x512xi1>, vector<32x512xi32>
    %reduce_min3A_1134 = arith.constant dense<2147483647> : vector<512xi32>
    %reduce_min3A_1135 = vector.multi_reduction <minsi>, %select_n3A_1133, %reduce_min3A_1134 [0] : vector<32x512xi32> to vector<512xi32>
    %broadcast_in_dim3A_1136 = vector.shape_cast %reduce_min3A_1135 : vector<512xi32> to vector<1x512xi32>
    %jit3A_1137 = arith.constant 0xFF800000 : f32
    %broadcast_in_dim3A_1138 = vector.broadcast %jit3A_1137 : f32 to vector<1x512xf32>
    %select_n3A_1139 = arith.select %gt3A_971, %broadcast_in_dim3A_1128, %broadcast_in_dim3A_1138 : vector<1x512xi1>, vector<1x512xf32>
    %add3A_1140 = arith.constant 128 : i32
    %add3A_1141 = vector.broadcast %add3A_1140 : i32 to vector<1x512xi32>
    %add3A_1142 = arith.addi %broadcast_in_dim3A_1136, %add3A_1141 : vector<1x512xi32>
    %slice3A_1143 = vector.extract_strided_slice %add3A_14 {offsets = [160, 0], sizes = [32, 512], strides = [1, 1]} : vector<256x512xf32> to vector<32x512xf32>
    %iota3A_1144 = tpu.iota {dimensions = array<i32: 0>} : vector<32x512xi32>
    %slice3A_1145 = vector.extract_strided_slice %select_n3A_258 {offsets = [5, 0], sizes = [1, 512], strides = [1, 1]} : vector<8x512xf32> to vector<1x512xf32>
    %gt3A_1146 = arith.constant 0.000000e+00 : f32
    %gt3A_1147 = vector.broadcast %gt3A_1146 : f32 to vector<1x512xf32>
    %gt3A_1148 = arith.cmpf ogt, %slice3A_1145, %gt3A_1147 : vector<1x512xf32>
    %reduce_max3A_1149 = arith.constant dense<0xFF800000> : vector<512xf32>
    %reduce_max3A_1150 = vector.multi_reduction <maximumf>, %slice3A_1143, %reduce_max3A_1149 [0] : vector<32x512xf32> to vector<512xf32>
    %broadcast_in_dim3A_1151 = vector.shape_cast %reduce_max3A_1150 : vector<512xf32> to vector<1x512xf32>
    %eq3A_1152 = vector.broadcast %broadcast_in_dim3A_1151 : vector<1x512xf32> to vector<32x512xf32>
    %eq3A_1153 = arith.cmpf oeq, %slice3A_1143, %eq3A_1152 : vector<32x512xf32>
    %jit3A_1154 = arith.constant 64 : i32
    %broadcast_in_dim3A_1155 = vector.broadcast %jit3A_1154 : i32 to vector<32x512xi32>
    %select_n3A_1156 = arith.select %eq3A_1153, %iota3A_1144, %broadcast_in_dim3A_1155 : vector<32x512xi1>, vector<32x512xi32>
    %reduce_min3A_1157 = arith.constant dense<2147483647> : vector<512xi32>
    %reduce_min3A_1158 = vector.multi_reduction <minsi>, %select_n3A_1156, %reduce_min3A_1157 [0] : vector<32x512xi32> to vector<512xi32>
    %broadcast_in_dim3A_1159 = vector.shape_cast %reduce_min3A_1158 : vector<512xi32> to vector<1x512xi32>
    %eq3A_1160 = vector.broadcast %broadcast_in_dim3A_1159 : vector<1x512xi32> to vector<32x512xi32>
    %eq3A_1161 = arith.cmpi eq, %iota3A_1144, %eq3A_1160 : vector<32x512xi32>
    %jit3A_1162 = arith.constant 0xFF800000 : f32
    %broadcast_in_dim3A_1163 = vector.broadcast %jit3A_1162 : f32 to vector<32x512xf32>
    %select_n3A_1164 = arith.select %eq3A_1161, %broadcast_in_dim3A_1163, %slice3A_1143 : vector<32x512xi1>, vector<32x512xf32>
    %jit3A_1165 = arith.constant 0xFF800000 : f32
    %broadcast_in_dim3A_1166 = vector.broadcast %jit3A_1165 : f32 to vector<1x512xf32>
    %select_n3A_1167 = arith.select %gt3A_1148, %broadcast_in_dim3A_1151, %broadcast_in_dim3A_1166 : vector<1x512xi1>, vector<1x512xf32>
    %add3A_1168 = arith.constant 160 : i32
    %add3A_1169 = vector.broadcast %add3A_1168 : i32 to vector<1x512xi32>
    %add3A_1170 = arith.addi %broadcast_in_dim3A_1159, %add3A_1169 : vector<1x512xi32>
    %reduce_max3A_1171 = arith.constant dense<0xFF800000> : vector<512xf32>
    %reduce_max3A_1172 = vector.multi_reduction <maximumf>, %select_n3A_1164, %reduce_max3A_1171 [0] : vector<32x512xf32> to vector<512xf32>
    %broadcast_in_dim3A_1173 = vector.shape_cast %reduce_max3A_1172 : vector<512xf32> to vector<1x512xf32>
    %eq3A_1174 = vector.broadcast %broadcast_in_dim3A_1173 : vector<1x512xf32> to vector<32x512xf32>
    %eq3A_1175 = arith.cmpf oeq, %select_n3A_1164, %eq3A_1174 : vector<32x512xf32>
    %jit3A_1176 = arith.constant 64 : i32
    %broadcast_in_dim3A_1177 = vector.broadcast %jit3A_1176 : i32 to vector<32x512xi32>
    %select_n3A_1178 = arith.select %eq3A_1175, %iota3A_1144, %broadcast_in_dim3A_1177 : vector<32x512xi1>, vector<32x512xi32>
    %reduce_min3A_1179 = arith.constant dense<2147483647> : vector<512xi32>
    %reduce_min3A_1180 = vector.multi_reduction <minsi>, %select_n3A_1178, %reduce_min3A_1179 [0] : vector<32x512xi32> to vector<512xi32>
    %broadcast_in_dim3A_1181 = vector.shape_cast %reduce_min3A_1180 : vector<512xi32> to vector<1x512xi32>
    %eq3A_1182 = vector.broadcast %broadcast_in_dim3A_1181 : vector<1x512xi32> to vector<32x512xi32>
    %eq3A_1183 = arith.cmpi eq, %iota3A_1144, %eq3A_1182 : vector<32x512xi32>
    %jit3A_1184 = arith.constant 0xFF800000 : f32
    %broadcast_in_dim3A_1185 = vector.broadcast %jit3A_1184 : f32 to vector<32x512xf32>
    %select_n3A_1186 = arith.select %eq3A_1183, %broadcast_in_dim3A_1185, %select_n3A_1164 : vector<32x512xi1>, vector<32x512xf32>
    %jit3A_1187 = arith.constant 0xFF800000 : f32
    %broadcast_in_dim3A_1188 = vector.broadcast %jit3A_1187 : f32 to vector<1x512xf32>
    %select_n3A_1189 = arith.select %gt3A_1148, %broadcast_in_dim3A_1173, %broadcast_in_dim3A_1188 : vector<1x512xi1>, vector<1x512xf32>
    %add3A_1190 = arith.constant 160 : i32
    %add3A_1191 = vector.broadcast %add3A_1190 : i32 to vector<1x512xi32>
    %add3A_1192 = arith.addi %broadcast_in_dim3A_1181, %add3A_1191 : vector<1x512xi32>
    %reduce_max3A_1193 = arith.constant dense<0xFF800000> : vector<512xf32>
    %reduce_max3A_1194 = vector.multi_reduction <maximumf>, %select_n3A_1186, %reduce_max3A_1193 [0] : vector<32x512xf32> to vector<512xf32>
    %broadcast_in_dim3A_1195 = vector.shape_cast %reduce_max3A_1194 : vector<512xf32> to vector<1x512xf32>
    %eq3A_1196 = vector.broadcast %broadcast_in_dim3A_1195 : vector<1x512xf32> to vector<32x512xf32>
    %eq3A_1197 = arith.cmpf oeq, %select_n3A_1186, %eq3A_1196 : vector<32x512xf32>
    %jit3A_1198 = arith.constant 64 : i32
    %broadcast_in_dim3A_1199 = vector.broadcast %jit3A_1198 : i32 to vector<32x512xi32>
    %select_n3A_1200 = arith.select %eq3A_1197, %iota3A_1144, %broadcast_in_dim3A_1199 : vector<32x512xi1>, vector<32x512xi32>
    %reduce_min3A_1201 = arith.constant dense<2147483647> : vector<512xi32>
    %reduce_min3A_1202 = vector.multi_reduction <minsi>, %select_n3A_1200, %reduce_min3A_1201 [0] : vector<32x512xi32> to vector<512xi32>
    %broadcast_in_dim3A_1203 = vector.shape_cast %reduce_min3A_1202 : vector<512xi32> to vector<1x512xi32>
    %eq3A_1204 = vector.broadcast %broadcast_in_dim3A_1203 : vector<1x512xi32> to vector<32x512xi32>
    %eq3A_1205 = arith.cmpi eq, %iota3A_1144, %eq3A_1204 : vector<32x512xi32>
    %jit3A_1206 = arith.constant 0xFF800000 : f32
    %broadcast_in_dim3A_1207 = vector.broadcast %jit3A_1206 : f32 to vector<32x512xf32>
    %select_n3A_1208 = arith.select %eq3A_1205, %broadcast_in_dim3A_1207, %select_n3A_1186 : vector<32x512xi1>, vector<32x512xf32>
    %jit3A_1209 = arith.constant 0xFF800000 : f32
    %broadcast_in_dim3A_1210 = vector.broadcast %jit3A_1209 : f32 to vector<1x512xf32>
    %select_n3A_1211 = arith.select %gt3A_1148, %broadcast_in_dim3A_1195, %broadcast_in_dim3A_1210 : vector<1x512xi1>, vector<1x512xf32>
    %add3A_1212 = arith.constant 160 : i32
    %add3A_1213 = vector.broadcast %add3A_1212 : i32 to vector<1x512xi32>
    %add3A_1214 = arith.addi %broadcast_in_dim3A_1203, %add3A_1213 : vector<1x512xi32>
    %reduce_max3A_1215 = arith.constant dense<0xFF800000> : vector<512xf32>
    %reduce_max3A_1216 = vector.multi_reduction <maximumf>, %select_n3A_1208, %reduce_max3A_1215 [0] : vector<32x512xf32> to vector<512xf32>
    %broadcast_in_dim3A_1217 = vector.shape_cast %reduce_max3A_1216 : vector<512xf32> to vector<1x512xf32>
    %eq3A_1218 = vector.broadcast %broadcast_in_dim3A_1217 : vector<1x512xf32> to vector<32x512xf32>
    %eq3A_1219 = arith.cmpf oeq, %select_n3A_1208, %eq3A_1218 : vector<32x512xf32>
    %jit3A_1220 = arith.constant 64 : i32
    %broadcast_in_dim3A_1221 = vector.broadcast %jit3A_1220 : i32 to vector<32x512xi32>
    %select_n3A_1222 = arith.select %eq3A_1219, %iota3A_1144, %broadcast_in_dim3A_1221 : vector<32x512xi1>, vector<32x512xi32>
    %reduce_min3A_1223 = arith.constant dense<2147483647> : vector<512xi32>
    %reduce_min3A_1224 = vector.multi_reduction <minsi>, %select_n3A_1222, %reduce_min3A_1223 [0] : vector<32x512xi32> to vector<512xi32>
    %broadcast_in_dim3A_1225 = vector.shape_cast %reduce_min3A_1224 : vector<512xi32> to vector<1x512xi32>
    %eq3A_1226 = vector.broadcast %broadcast_in_dim3A_1225 : vector<1x512xi32> to vector<32x512xi32>
    %eq3A_1227 = arith.cmpi eq, %iota3A_1144, %eq3A_1226 : vector<32x512xi32>
    %jit3A_1228 = arith.constant 0xFF800000 : f32
    %broadcast_in_dim3A_1229 = vector.broadcast %jit3A_1228 : f32 to vector<32x512xf32>
    %select_n3A_1230 = arith.select %eq3A_1227, %broadcast_in_dim3A_1229, %select_n3A_1208 : vector<32x512xi1>, vector<32x512xf32>
    %jit3A_1231 = arith.constant 0xFF800000 : f32
    %broadcast_in_dim3A_1232 = vector.broadcast %jit3A_1231 : f32 to vector<1x512xf32>
    %select_n3A_1233 = arith.select %gt3A_1148, %broadcast_in_dim3A_1217, %broadcast_in_dim3A_1232 : vector<1x512xi1>, vector<1x512xf32>
    %add3A_1234 = arith.constant 160 : i32
    %add3A_1235 = vector.broadcast %add3A_1234 : i32 to vector<1x512xi32>
    %add3A_1236 = arith.addi %broadcast_in_dim3A_1225, %add3A_1235 : vector<1x512xi32>
    %reduce_max3A_1237 = arith.constant dense<0xFF800000> : vector<512xf32>
    %reduce_max3A_1238 = vector.multi_reduction <maximumf>, %select_n3A_1230, %reduce_max3A_1237 [0] : vector<32x512xf32> to vector<512xf32>
    %broadcast_in_dim3A_1239 = vector.shape_cast %reduce_max3A_1238 : vector<512xf32> to vector<1x512xf32>
    %eq3A_1240 = vector.broadcast %broadcast_in_dim3A_1239 : vector<1x512xf32> to vector<32x512xf32>
    %eq3A_1241 = arith.cmpf oeq, %select_n3A_1230, %eq3A_1240 : vector<32x512xf32>
    %jit3A_1242 = arith.constant 64 : i32
    %broadcast_in_dim3A_1243 = vector.broadcast %jit3A_1242 : i32 to vector<32x512xi32>
    %select_n3A_1244 = arith.select %eq3A_1241, %iota3A_1144, %broadcast_in_dim3A_1243 : vector<32x512xi1>, vector<32x512xi32>
    %reduce_min3A_1245 = arith.constant dense<2147483647> : vector<512xi32>
    %reduce_min3A_1246 = vector.multi_reduction <minsi>, %select_n3A_1244, %reduce_min3A_1245 [0] : vector<32x512xi32> to vector<512xi32>
    %broadcast_in_dim3A_1247 = vector.shape_cast %reduce_min3A_1246 : vector<512xi32> to vector<1x512xi32>
    %eq3A_1248 = vector.broadcast %broadcast_in_dim3A_1247 : vector<1x512xi32> to vector<32x512xi32>
    %eq3A_1249 = arith.cmpi eq, %iota3A_1144, %eq3A_1248 : vector<32x512xi32>
    %jit3A_1250 = arith.constant 0xFF800000 : f32
    %broadcast_in_dim3A_1251 = vector.broadcast %jit3A_1250 : f32 to vector<32x512xf32>
    %select_n3A_1252 = arith.select %eq3A_1249, %broadcast_in_dim3A_1251, %select_n3A_1230 : vector<32x512xi1>, vector<32x512xf32>
    %jit3A_1253 = arith.constant 0xFF800000 : f32
    %broadcast_in_dim3A_1254 = vector.broadcast %jit3A_1253 : f32 to vector<1x512xf32>
    %select_n3A_1255 = arith.select %gt3A_1148, %broadcast_in_dim3A_1239, %broadcast_in_dim3A_1254 : vector<1x512xi1>, vector<1x512xf32>
    %add3A_1256 = arith.constant 160 : i32
    %add3A_1257 = vector.broadcast %add3A_1256 : i32 to vector<1x512xi32>
    %add3A_1258 = arith.addi %broadcast_in_dim3A_1247, %add3A_1257 : vector<1x512xi32>
    %reduce_max3A_1259 = arith.constant dense<0xFF800000> : vector<512xf32>
    %reduce_max3A_1260 = vector.multi_reduction <maximumf>, %select_n3A_1252, %reduce_max3A_1259 [0] : vector<32x512xf32> to vector<512xf32>
    %broadcast_in_dim3A_1261 = vector.shape_cast %reduce_max3A_1260 : vector<512xf32> to vector<1x512xf32>
    %eq3A_1262 = vector.broadcast %broadcast_in_dim3A_1261 : vector<1x512xf32> to vector<32x512xf32>
    %eq3A_1263 = arith.cmpf oeq, %select_n3A_1252, %eq3A_1262 : vector<32x512xf32>
    %jit3A_1264 = arith.constant 64 : i32
    %broadcast_in_dim3A_1265 = vector.broadcast %jit3A_1264 : i32 to vector<32x512xi32>
    %select_n3A_1266 = arith.select %eq3A_1263, %iota3A_1144, %broadcast_in_dim3A_1265 : vector<32x512xi1>, vector<32x512xi32>
    %reduce_min3A_1267 = arith.constant dense<2147483647> : vector<512xi32>
    %reduce_min3A_1268 = vector.multi_reduction <minsi>, %select_n3A_1266, %reduce_min3A_1267 [0] : vector<32x512xi32> to vector<512xi32>
    %broadcast_in_dim3A_1269 = vector.shape_cast %reduce_min3A_1268 : vector<512xi32> to vector<1x512xi32>
    %eq3A_1270 = vector.broadcast %broadcast_in_dim3A_1269 : vector<1x512xi32> to vector<32x512xi32>
    %eq3A_1271 = arith.cmpi eq, %iota3A_1144, %eq3A_1270 : vector<32x512xi32>
    %jit3A_1272 = arith.constant 0xFF800000 : f32
    %broadcast_in_dim3A_1273 = vector.broadcast %jit3A_1272 : f32 to vector<32x512xf32>
    %select_n3A_1274 = arith.select %eq3A_1271, %broadcast_in_dim3A_1273, %select_n3A_1252 : vector<32x512xi1>, vector<32x512xf32>
    %jit3A_1275 = arith.constant 0xFF800000 : f32
    %broadcast_in_dim3A_1276 = vector.broadcast %jit3A_1275 : f32 to vector<1x512xf32>
    %select_n3A_1277 = arith.select %gt3A_1148, %broadcast_in_dim3A_1261, %broadcast_in_dim3A_1276 : vector<1x512xi1>, vector<1x512xf32>
    %add3A_1278 = arith.constant 160 : i32
    %add3A_1279 = vector.broadcast %add3A_1278 : i32 to vector<1x512xi32>
    %add3A_1280 = arith.addi %broadcast_in_dim3A_1269, %add3A_1279 : vector<1x512xi32>
    %reduce_max3A_1281 = arith.constant dense<0xFF800000> : vector<512xf32>
    %reduce_max3A_1282 = vector.multi_reduction <maximumf>, %select_n3A_1274, %reduce_max3A_1281 [0] : vector<32x512xf32> to vector<512xf32>
    %broadcast_in_dim3A_1283 = vector.shape_cast %reduce_max3A_1282 : vector<512xf32> to vector<1x512xf32>
    %eq3A_1284 = vector.broadcast %broadcast_in_dim3A_1283 : vector<1x512xf32> to vector<32x512xf32>
    %eq3A_1285 = arith.cmpf oeq, %select_n3A_1274, %eq3A_1284 : vector<32x512xf32>
    %jit3A_1286 = arith.constant 64 : i32
    %broadcast_in_dim3A_1287 = vector.broadcast %jit3A_1286 : i32 to vector<32x512xi32>
    %select_n3A_1288 = arith.select %eq3A_1285, %iota3A_1144, %broadcast_in_dim3A_1287 : vector<32x512xi1>, vector<32x512xi32>
    %reduce_min3A_1289 = arith.constant dense<2147483647> : vector<512xi32>
    %reduce_min3A_1290 = vector.multi_reduction <minsi>, %select_n3A_1288, %reduce_min3A_1289 [0] : vector<32x512xi32> to vector<512xi32>
    %broadcast_in_dim3A_1291 = vector.shape_cast %reduce_min3A_1290 : vector<512xi32> to vector<1x512xi32>
    %eq3A_1292 = vector.broadcast %broadcast_in_dim3A_1291 : vector<1x512xi32> to vector<32x512xi32>
    %eq3A_1293 = arith.cmpi eq, %iota3A_1144, %eq3A_1292 : vector<32x512xi32>
    %jit3A_1294 = arith.constant 0xFF800000 : f32
    %broadcast_in_dim3A_1295 = vector.broadcast %jit3A_1294 : f32 to vector<32x512xf32>
    %select_n3A_1296 = arith.select %eq3A_1293, %broadcast_in_dim3A_1295, %select_n3A_1274 : vector<32x512xi1>, vector<32x512xf32>
    %jit3A_1297 = arith.constant 0xFF800000 : f32
    %broadcast_in_dim3A_1298 = vector.broadcast %jit3A_1297 : f32 to vector<1x512xf32>
    %select_n3A_1299 = arith.select %gt3A_1148, %broadcast_in_dim3A_1283, %broadcast_in_dim3A_1298 : vector<1x512xi1>, vector<1x512xf32>
    %add3A_1300 = arith.constant 160 : i32
    %add3A_1301 = vector.broadcast %add3A_1300 : i32 to vector<1x512xi32>
    %add3A_1302 = arith.addi %broadcast_in_dim3A_1291, %add3A_1301 : vector<1x512xi32>
    %reduce_max3A_1303 = arith.constant dense<0xFF800000> : vector<512xf32>
    %reduce_max3A_1304 = vector.multi_reduction <maximumf>, %select_n3A_1296, %reduce_max3A_1303 [0] : vector<32x512xf32> to vector<512xf32>
    %broadcast_in_dim3A_1305 = vector.shape_cast %reduce_max3A_1304 : vector<512xf32> to vector<1x512xf32>
    %eq3A_1306 = vector.broadcast %broadcast_in_dim3A_1305 : vector<1x512xf32> to vector<32x512xf32>
    %eq3A_1307 = arith.cmpf oeq, %select_n3A_1296, %eq3A_1306 : vector<32x512xf32>
    %jit3A_1308 = arith.constant 64 : i32
    %broadcast_in_dim3A_1309 = vector.broadcast %jit3A_1308 : i32 to vector<32x512xi32>
    %select_n3A_1310 = arith.select %eq3A_1307, %iota3A_1144, %broadcast_in_dim3A_1309 : vector<32x512xi1>, vector<32x512xi32>
    %reduce_min3A_1311 = arith.constant dense<2147483647> : vector<512xi32>
    %reduce_min3A_1312 = vector.multi_reduction <minsi>, %select_n3A_1310, %reduce_min3A_1311 [0] : vector<32x512xi32> to vector<512xi32>
    %broadcast_in_dim3A_1313 = vector.shape_cast %reduce_min3A_1312 : vector<512xi32> to vector<1x512xi32>
    %jit3A_1314 = arith.constant 0xFF800000 : f32
    %broadcast_in_dim3A_1315 = vector.broadcast %jit3A_1314 : f32 to vector<1x512xf32>
    %select_n3A_1316 = arith.select %gt3A_1148, %broadcast_in_dim3A_1305, %broadcast_in_dim3A_1315 : vector<1x512xi1>, vector<1x512xf32>
    %add3A_1317 = arith.constant 160 : i32
    %add3A_1318 = vector.broadcast %add3A_1317 : i32 to vector<1x512xi32>
    %add3A_1319 = arith.addi %broadcast_in_dim3A_1313, %add3A_1318 : vector<1x512xi32>
    %slice3A_1320 = vector.extract_strided_slice %add3A_14 {offsets = [192, 0], sizes = [32, 512], strides = [1, 1]} : vector<256x512xf32> to vector<32x512xf32>
    %iota3A_1321 = tpu.iota {dimensions = array<i32: 0>} : vector<32x512xi32>
    %slice3A_1322 = vector.extract_strided_slice %select_n3A_258 {offsets = [6, 0], sizes = [1, 512], strides = [1, 1]} : vector<8x512xf32> to vector<1x512xf32>
    %gt3A_1323 = arith.constant 0.000000e+00 : f32
    %gt3A_1324 = vector.broadcast %gt3A_1323 : f32 to vector<1x512xf32>
    %gt3A_1325 = arith.cmpf ogt, %slice3A_1322, %gt3A_1324 : vector<1x512xf32>
    %reduce_max3A_1326 = arith.constant dense<0xFF800000> : vector<512xf32>
    %reduce_max3A_1327 = vector.multi_reduction <maximumf>, %slice3A_1320, %reduce_max3A_1326 [0] : vector<32x512xf32> to vector<512xf32>
    %broadcast_in_dim3A_1328 = vector.shape_cast %reduce_max3A_1327 : vector<512xf32> to vector<1x512xf32>
    %eq3A_1329 = vector.broadcast %broadcast_in_dim3A_1328 : vector<1x512xf32> to vector<32x512xf32>
    %eq3A_1330 = arith.cmpf oeq, %slice3A_1320, %eq3A_1329 : vector<32x512xf32>
    %jit3A_1331 = arith.constant 64 : i32
    %broadcast_in_dim3A_1332 = vector.broadcast %jit3A_1331 : i32 to vector<32x512xi32>
    %select_n3A_1333 = arith.select %eq3A_1330, %iota3A_1321, %broadcast_in_dim3A_1332 : vector<32x512xi1>, vector<32x512xi32>
    %reduce_min3A_1334 = arith.constant dense<2147483647> : vector<512xi32>
    %reduce_min3A_1335 = vector.multi_reduction <minsi>, %select_n3A_1333, %reduce_min3A_1334 [0] : vector<32x512xi32> to vector<512xi32>
    %broadcast_in_dim3A_1336 = vector.shape_cast %reduce_min3A_1335 : vector<512xi32> to vector<1x512xi32>
    %eq3A_1337 = vector.broadcast %broadcast_in_dim3A_1336 : vector<1x512xi32> to vector<32x512xi32>
    %eq3A_1338 = arith.cmpi eq, %iota3A_1321, %eq3A_1337 : vector<32x512xi32>
    %jit3A_1339 = arith.constant 0xFF800000 : f32
    %broadcast_in_dim3A_1340 = vector.broadcast %jit3A_1339 : f32 to vector<32x512xf32>
    %select_n3A_1341 = arith.select %eq3A_1338, %broadcast_in_dim3A_1340, %slice3A_1320 : vector<32x512xi1>, vector<32x512xf32>
    %jit3A_1342 = arith.constant 0xFF800000 : f32
    %broadcast_in_dim3A_1343 = vector.broadcast %jit3A_1342 : f32 to vector<1x512xf32>
    %select_n3A_1344 = arith.select %gt3A_1325, %broadcast_in_dim3A_1328, %broadcast_in_dim3A_1343 : vector<1x512xi1>, vector<1x512xf32>
    %add3A_1345 = arith.constant 192 : i32
    %add3A_1346 = vector.broadcast %add3A_1345 : i32 to vector<1x512xi32>
    %add3A_1347 = arith.addi %broadcast_in_dim3A_1336, %add3A_1346 : vector<1x512xi32>
    %reduce_max3A_1348 = arith.constant dense<0xFF800000> : vector<512xf32>
    %reduce_max3A_1349 = vector.multi_reduction <maximumf>, %select_n3A_1341, %reduce_max3A_1348 [0] : vector<32x512xf32> to vector<512xf32>
    %broadcast_in_dim3A_1350 = vector.shape_cast %reduce_max3A_1349 : vector<512xf32> to vector<1x512xf32>
    %eq3A_1351 = vector.broadcast %broadcast_in_dim3A_1350 : vector<1x512xf32> to vector<32x512xf32>
    %eq3A_1352 = arith.cmpf oeq, %select_n3A_1341, %eq3A_1351 : vector<32x512xf32>
    %jit3A_1353 = arith.constant 64 : i32
    %broadcast_in_dim3A_1354 = vector.broadcast %jit3A_1353 : i32 to vector<32x512xi32>
    %select_n3A_1355 = arith.select %eq3A_1352, %iota3A_1321, %broadcast_in_dim3A_1354 : vector<32x512xi1>, vector<32x512xi32>
    %reduce_min3A_1356 = arith.constant dense<2147483647> : vector<512xi32>
    %reduce_min3A_1357 = vector.multi_reduction <minsi>, %select_n3A_1355, %reduce_min3A_1356 [0] : vector<32x512xi32> to vector<512xi32>
    %broadcast_in_dim3A_1358 = vector.shape_cast %reduce_min3A_1357 : vector<512xi32> to vector<1x512xi32>
    %eq3A_1359 = vector.broadcast %broadcast_in_dim3A_1358 : vector<1x512xi32> to vector<32x512xi32>
    %eq3A_1360 = arith.cmpi eq, %iota3A_1321, %eq3A_1359 : vector<32x512xi32>
    %jit3A_1361 = arith.constant 0xFF800000 : f32
    %broadcast_in_dim3A_1362 = vector.broadcast %jit3A_1361 : f32 to vector<32x512xf32>
    %select_n3A_1363 = arith.select %eq3A_1360, %broadcast_in_dim3A_1362, %select_n3A_1341 : vector<32x512xi1>, vector<32x512xf32>
    %jit3A_1364 = arith.constant 0xFF800000 : f32
    %broadcast_in_dim3A_1365 = vector.broadcast %jit3A_1364 : f32 to vector<1x512xf32>
    %select_n3A_1366 = arith.select %gt3A_1325, %broadcast_in_dim3A_1350, %broadcast_in_dim3A_1365 : vector<1x512xi1>, vector<1x512xf32>
    %add3A_1367 = arith.constant 192 : i32
    %add3A_1368 = vector.broadcast %add3A_1367 : i32 to vector<1x512xi32>
    %add3A_1369 = arith.addi %broadcast_in_dim3A_1358, %add3A_1368 : vector<1x512xi32>
    %reduce_max3A_1370 = arith.constant dense<0xFF800000> : vector<512xf32>
    %reduce_max3A_1371 = vector.multi_reduction <maximumf>, %select_n3A_1363, %reduce_max3A_1370 [0] : vector<32x512xf32> to vector<512xf32>
    %broadcast_in_dim3A_1372 = vector.shape_cast %reduce_max3A_1371 : vector<512xf32> to vector<1x512xf32>
    %eq3A_1373 = vector.broadcast %broadcast_in_dim3A_1372 : vector<1x512xf32> to vector<32x512xf32>
    %eq3A_1374 = arith.cmpf oeq, %select_n3A_1363, %eq3A_1373 : vector<32x512xf32>
    %jit3A_1375 = arith.constant 64 : i32
    %broadcast_in_dim3A_1376 = vector.broadcast %jit3A_1375 : i32 to vector<32x512xi32>
    %select_n3A_1377 = arith.select %eq3A_1374, %iota3A_1321, %broadcast_in_dim3A_1376 : vector<32x512xi1>, vector<32x512xi32>
    %reduce_min3A_1378 = arith.constant dense<2147483647> : vector<512xi32>
    %reduce_min3A_1379 = vector.multi_reduction <minsi>, %select_n3A_1377, %reduce_min3A_1378 [0] : vector<32x512xi32> to vector<512xi32>
    %broadcast_in_dim3A_1380 = vector.shape_cast %reduce_min3A_1379 : vector<512xi32> to vector<1x512xi32>
    %eq3A_1381 = vector.broadcast %broadcast_in_dim3A_1380 : vector<1x512xi32> to vector<32x512xi32>
    %eq3A_1382 = arith.cmpi eq, %iota3A_1321, %eq3A_1381 : vector<32x512xi32>
    %jit3A_1383 = arith.constant 0xFF800000 : f32
    %broadcast_in_dim3A_1384 = vector.broadcast %jit3A_1383 : f32 to vector<32x512xf32>
    %select_n3A_1385 = arith.select %eq3A_1382, %broadcast_in_dim3A_1384, %select_n3A_1363 : vector<32x512xi1>, vector<32x512xf32>
    %jit3A_1386 = arith.constant 0xFF800000 : f32
    %broadcast_in_dim3A_1387 = vector.broadcast %jit3A_1386 : f32 to vector<1x512xf32>
    %select_n3A_1388 = arith.select %gt3A_1325, %broadcast_in_dim3A_1372, %broadcast_in_dim3A_1387 : vector<1x512xi1>, vector<1x512xf32>
    %add3A_1389 = arith.constant 192 : i32
    %add3A_1390 = vector.broadcast %add3A_1389 : i32 to vector<1x512xi32>
    %add3A_1391 = arith.addi %broadcast_in_dim3A_1380, %add3A_1390 : vector<1x512xi32>
    %reduce_max3A_1392 = arith.constant dense<0xFF800000> : vector<512xf32>
    %reduce_max3A_1393 = vector.multi_reduction <maximumf>, %select_n3A_1385, %reduce_max3A_1392 [0] : vector<32x512xf32> to vector<512xf32>
    %broadcast_in_dim3A_1394 = vector.shape_cast %reduce_max3A_1393 : vector<512xf32> to vector<1x512xf32>
    %eq3A_1395 = vector.broadcast %broadcast_in_dim3A_1394 : vector<1x512xf32> to vector<32x512xf32>
    %eq3A_1396 = arith.cmpf oeq, %select_n3A_1385, %eq3A_1395 : vector<32x512xf32>
    %jit3A_1397 = arith.constant 64 : i32
    %broadcast_in_dim3A_1398 = vector.broadcast %jit3A_1397 : i32 to vector<32x512xi32>
    %select_n3A_1399 = arith.select %eq3A_1396, %iota3A_1321, %broadcast_in_dim3A_1398 : vector<32x512xi1>, vector<32x512xi32>
    %reduce_min3A_1400 = arith.constant dense<2147483647> : vector<512xi32>
    %reduce_min3A_1401 = vector.multi_reduction <minsi>, %select_n3A_1399, %reduce_min3A_1400 [0] : vector<32x512xi32> to vector<512xi32>
    %broadcast_in_dim3A_1402 = vector.shape_cast %reduce_min3A_1401 : vector<512xi32> to vector<1x512xi32>
    %eq3A_1403 = vector.broadcast %broadcast_in_dim3A_1402 : vector<1x512xi32> to vector<32x512xi32>
    %eq3A_1404 = arith.cmpi eq, %iota3A_1321, %eq3A_1403 : vector<32x512xi32>
    %jit3A_1405 = arith.constant 0xFF800000 : f32
    %broadcast_in_dim3A_1406 = vector.broadcast %jit3A_1405 : f32 to vector<32x512xf32>
    %select_n3A_1407 = arith.select %eq3A_1404, %broadcast_in_dim3A_1406, %select_n3A_1385 : vector<32x512xi1>, vector<32x512xf32>
    %jit3A_1408 = arith.constant 0xFF800000 : f32
    %broadcast_in_dim3A_1409 = vector.broadcast %jit3A_1408 : f32 to vector<1x512xf32>
    %select_n3A_1410 = arith.select %gt3A_1325, %broadcast_in_dim3A_1394, %broadcast_in_dim3A_1409 : vector<1x512xi1>, vector<1x512xf32>
    %add3A_1411 = arith.constant 192 : i32
    %add3A_1412 = vector.broadcast %add3A_1411 : i32 to vector<1x512xi32>
    %add3A_1413 = arith.addi %broadcast_in_dim3A_1402, %add3A_1412 : vector<1x512xi32>
    %reduce_max3A_1414 = arith.constant dense<0xFF800000> : vector<512xf32>
    %reduce_max3A_1415 = vector.multi_reduction <maximumf>, %select_n3A_1407, %reduce_max3A_1414 [0] : vector<32x512xf32> to vector<512xf32>
    %broadcast_in_dim3A_1416 = vector.shape_cast %reduce_max3A_1415 : vector<512xf32> to vector<1x512xf32>
    %eq3A_1417 = vector.broadcast %broadcast_in_dim3A_1416 : vector<1x512xf32> to vector<32x512xf32>
    %eq3A_1418 = arith.cmpf oeq, %select_n3A_1407, %eq3A_1417 : vector<32x512xf32>
    %jit3A_1419 = arith.constant 64 : i32
    %broadcast_in_dim3A_1420 = vector.broadcast %jit3A_1419 : i32 to vector<32x512xi32>
    %select_n3A_1421 = arith.select %eq3A_1418, %iota3A_1321, %broadcast_in_dim3A_1420 : vector<32x512xi1>, vector<32x512xi32>
    %reduce_min3A_1422 = arith.constant dense<2147483647> : vector<512xi32>
    %reduce_min3A_1423 = vector.multi_reduction <minsi>, %select_n3A_1421, %reduce_min3A_1422 [0] : vector<32x512xi32> to vector<512xi32>
    %broadcast_in_dim3A_1424 = vector.shape_cast %reduce_min3A_1423 : vector<512xi32> to vector<1x512xi32>
    %eq3A_1425 = vector.broadcast %broadcast_in_dim3A_1424 : vector<1x512xi32> to vector<32x512xi32>
    %eq3A_1426 = arith.cmpi eq, %iota3A_1321, %eq3A_1425 : vector<32x512xi32>
    %jit3A_1427 = arith.constant 0xFF800000 : f32
    %broadcast_in_dim3A_1428 = vector.broadcast %jit3A_1427 : f32 to vector<32x512xf32>
    %select_n3A_1429 = arith.select %eq3A_1426, %broadcast_in_dim3A_1428, %select_n3A_1407 : vector<32x512xi1>, vector<32x512xf32>
    %jit3A_1430 = arith.constant 0xFF800000 : f32
    %broadcast_in_dim3A_1431 = vector.broadcast %jit3A_1430 : f32 to vector<1x512xf32>
    %select_n3A_1432 = arith.select %gt3A_1325, %broadcast_in_dim3A_1416, %broadcast_in_dim3A_1431 : vector<1x512xi1>, vector<1x512xf32>
    %add3A_1433 = arith.constant 192 : i32
    %add3A_1434 = vector.broadcast %add3A_1433 : i32 to vector<1x512xi32>
    %add3A_1435 = arith.addi %broadcast_in_dim3A_1424, %add3A_1434 : vector<1x512xi32>
    %reduce_max3A_1436 = arith.constant dense<0xFF800000> : vector<512xf32>
    %reduce_max3A_1437 = vector.multi_reduction <maximumf>, %select_n3A_1429, %reduce_max3A_1436 [0] : vector<32x512xf32> to vector<512xf32>
    %broadcast_in_dim3A_1438 = vector.shape_cast %reduce_max3A_1437 : vector<512xf32> to vector<1x512xf32>
    %eq3A_1439 = vector.broadcast %broadcast_in_dim3A_1438 : vector<1x512xf32> to vector<32x512xf32>
    %eq3A_1440 = arith.cmpf oeq, %select_n3A_1429, %eq3A_1439 : vector<32x512xf32>
    %jit3A_1441 = arith.constant 64 : i32
    %broadcast_in_dim3A_1442 = vector.broadcast %jit3A_1441 : i32 to vector<32x512xi32>
    %select_n3A_1443 = arith.select %eq3A_1440, %iota3A_1321, %broadcast_in_dim3A_1442 : vector<32x512xi1>, vector<32x512xi32>
    %reduce_min3A_1444 = arith.constant dense<2147483647> : vector<512xi32>
    %reduce_min3A_1445 = vector.multi_reduction <minsi>, %select_n3A_1443, %reduce_min3A_1444 [0] : vector<32x512xi32> to vector<512xi32>
    %broadcast_in_dim3A_1446 = vector.shape_cast %reduce_min3A_1445 : vector<512xi32> to vector<1x512xi32>
    %eq3A_1447 = vector.broadcast %broadcast_in_dim3A_1446 : vector<1x512xi32> to vector<32x512xi32>
    %eq3A_1448 = arith.cmpi eq, %iota3A_1321, %eq3A_1447 : vector<32x512xi32>
    %jit3A_1449 = arith.constant 0xFF800000 : f32
    %broadcast_in_dim3A_1450 = vector.broadcast %jit3A_1449 : f32 to vector<32x512xf32>
    %select_n3A_1451 = arith.select %eq3A_1448, %broadcast_in_dim3A_1450, %select_n3A_1429 : vector<32x512xi1>, vector<32x512xf32>
    %jit3A_1452 = arith.constant 0xFF800000 : f32
    %broadcast_in_dim3A_1453 = vector.broadcast %jit3A_1452 : f32 to vector<1x512xf32>
    %select_n3A_1454 = arith.select %gt3A_1325, %broadcast_in_dim3A_1438, %broadcast_in_dim3A_1453 : vector<1x512xi1>, vector<1x512xf32>
    %add3A_1455 = arith.constant 192 : i32
    %add3A_1456 = vector.broadcast %add3A_1455 : i32 to vector<1x512xi32>
    %add3A_1457 = arith.addi %broadcast_in_dim3A_1446, %add3A_1456 : vector<1x512xi32>
    %reduce_max3A_1458 = arith.constant dense<0xFF800000> : vector<512xf32>
    %reduce_max3A_1459 = vector.multi_reduction <maximumf>, %select_n3A_1451, %reduce_max3A_1458 [0] : vector<32x512xf32> to vector<512xf32>
    %broadcast_in_dim3A_1460 = vector.shape_cast %reduce_max3A_1459 : vector<512xf32> to vector<1x512xf32>
    %eq3A_1461 = vector.broadcast %broadcast_in_dim3A_1460 : vector<1x512xf32> to vector<32x512xf32>
    %eq3A_1462 = arith.cmpf oeq, %select_n3A_1451, %eq3A_1461 : vector<32x512xf32>
    %jit3A_1463 = arith.constant 64 : i32
    %broadcast_in_dim3A_1464 = vector.broadcast %jit3A_1463 : i32 to vector<32x512xi32>
    %select_n3A_1465 = arith.select %eq3A_1462, %iota3A_1321, %broadcast_in_dim3A_1464 : vector<32x512xi1>, vector<32x512xi32>
    %reduce_min3A_1466 = arith.constant dense<2147483647> : vector<512xi32>
    %reduce_min3A_1467 = vector.multi_reduction <minsi>, %select_n3A_1465, %reduce_min3A_1466 [0] : vector<32x512xi32> to vector<512xi32>
    %broadcast_in_dim3A_1468 = vector.shape_cast %reduce_min3A_1467 : vector<512xi32> to vector<1x512xi32>
    %eq3A_1469 = vector.broadcast %broadcast_in_dim3A_1468 : vector<1x512xi32> to vector<32x512xi32>
    %eq3A_1470 = arith.cmpi eq, %iota3A_1321, %eq3A_1469 : vector<32x512xi32>
    %jit3A_1471 = arith.constant 0xFF800000 : f32
    %broadcast_in_dim3A_1472 = vector.broadcast %jit3A_1471 : f32 to vector<32x512xf32>
    %select_n3A_1473 = arith.select %eq3A_1470, %broadcast_in_dim3A_1472, %select_n3A_1451 : vector<32x512xi1>, vector<32x512xf32>
    %jit3A_1474 = arith.constant 0xFF800000 : f32
    %broadcast_in_dim3A_1475 = vector.broadcast %jit3A_1474 : f32 to vector<1x512xf32>
    %select_n3A_1476 = arith.select %gt3A_1325, %broadcast_in_dim3A_1460, %broadcast_in_dim3A_1475 : vector<1x512xi1>, vector<1x512xf32>
    %add3A_1477 = arith.constant 192 : i32
    %add3A_1478 = vector.broadcast %add3A_1477 : i32 to vector<1x512xi32>
    %add3A_1479 = arith.addi %broadcast_in_dim3A_1468, %add3A_1478 : vector<1x512xi32>
    %reduce_max3A_1480 = arith.constant dense<0xFF800000> : vector<512xf32>
    %reduce_max3A_1481 = vector.multi_reduction <maximumf>, %select_n3A_1473, %reduce_max3A_1480 [0] : vector<32x512xf32> to vector<512xf32>
    %broadcast_in_dim3A_1482 = vector.shape_cast %reduce_max3A_1481 : vector<512xf32> to vector<1x512xf32>
    %eq3A_1483 = vector.broadcast %broadcast_in_dim3A_1482 : vector<1x512xf32> to vector<32x512xf32>
    %eq3A_1484 = arith.cmpf oeq, %select_n3A_1473, %eq3A_1483 : vector<32x512xf32>
    %jit3A_1485 = arith.constant 64 : i32
    %broadcast_in_dim3A_1486 = vector.broadcast %jit3A_1485 : i32 to vector<32x512xi32>
    %select_n3A_1487 = arith.select %eq3A_1484, %iota3A_1321, %broadcast_in_dim3A_1486 : vector<32x512xi1>, vector<32x512xi32>
    %reduce_min3A_1488 = arith.constant dense<2147483647> : vector<512xi32>
    %reduce_min3A_1489 = vector.multi_reduction <minsi>, %select_n3A_1487, %reduce_min3A_1488 [0] : vector<32x512xi32> to vector<512xi32>
    %broadcast_in_dim3A_1490 = vector.shape_cast %reduce_min3A_1489 : vector<512xi32> to vector<1x512xi32>
    %jit3A_1491 = arith.constant 0xFF800000 : f32
    %broadcast_in_dim3A_1492 = vector.broadcast %jit3A_1491 : f32 to vector<1x512xf32>
    %select_n3A_1493 = arith.select %gt3A_1325, %broadcast_in_dim3A_1482, %broadcast_in_dim3A_1492 : vector<1x512xi1>, vector<1x512xf32>
    %add3A_1494 = arith.constant 192 : i32
    %add3A_1495 = vector.broadcast %add3A_1494 : i32 to vector<1x512xi32>
    %add3A_1496 = arith.addi %broadcast_in_dim3A_1490, %add3A_1495 : vector<1x512xi32>
    %slice3A_1497 = vector.extract_strided_slice %add3A_14 {offsets = [224, 0], sizes = [32, 512], strides = [1, 1]} : vector<256x512xf32> to vector<32x512xf32>
    %iota3A_1498 = tpu.iota {dimensions = array<i32: 0>} : vector<32x512xi32>
    %slice3A_1499 = vector.extract_strided_slice %select_n3A_258 {offsets = [7, 0], sizes = [1, 512], strides = [1, 1]} : vector<8x512xf32> to vector<1x512xf32>
    %gt3A_1500 = arith.constant 0.000000e+00 : f32
    %gt3A_1501 = vector.broadcast %gt3A_1500 : f32 to vector<1x512xf32>
    %gt3A_1502 = arith.cmpf ogt, %slice3A_1499, %gt3A_1501 : vector<1x512xf32>
    %reduce_max3A_1503 = arith.constant dense<0xFF800000> : vector<512xf32>
    %reduce_max3A_1504 = vector.multi_reduction <maximumf>, %slice3A_1497, %reduce_max3A_1503 [0] : vector<32x512xf32> to vector<512xf32>
    %broadcast_in_dim3A_1505 = vector.shape_cast %reduce_max3A_1504 : vector<512xf32> to vector<1x512xf32>
    %eq3A_1506 = vector.broadcast %broadcast_in_dim3A_1505 : vector<1x512xf32> to vector<32x512xf32>
    %eq3A_1507 = arith.cmpf oeq, %slice3A_1497, %eq3A_1506 : vector<32x512xf32>
    %jit3A_1508 = arith.constant 64 : i32
    %broadcast_in_dim3A_1509 = vector.broadcast %jit3A_1508 : i32 to vector<32x512xi32>
    %select_n3A_1510 = arith.select %eq3A_1507, %iota3A_1498, %broadcast_in_dim3A_1509 : vector<32x512xi1>, vector<32x512xi32>
    %reduce_min3A_1511 = arith.constant dense<2147483647> : vector<512xi32>
    %reduce_min3A_1512 = vector.multi_reduction <minsi>, %select_n3A_1510, %reduce_min3A_1511 [0] : vector<32x512xi32> to vector<512xi32>
    %broadcast_in_dim3A_1513 = vector.shape_cast %reduce_min3A_1512 : vector<512xi32> to vector<1x512xi32>
    %eq3A_1514 = vector.broadcast %broadcast_in_dim3A_1513 : vector<1x512xi32> to vector<32x512xi32>
    %eq3A_1515 = arith.cmpi eq, %iota3A_1498, %eq3A_1514 : vector<32x512xi32>
    %jit3A_1516 = arith.constant 0xFF800000 : f32
    %broadcast_in_dim3A_1517 = vector.broadcast %jit3A_1516 : f32 to vector<32x512xf32>
    %select_n3A_1518 = arith.select %eq3A_1515, %broadcast_in_dim3A_1517, %slice3A_1497 : vector<32x512xi1>, vector<32x512xf32>
    %jit3A_1519 = arith.constant 0xFF800000 : f32
    %broadcast_in_dim3A_1520 = vector.broadcast %jit3A_1519 : f32 to vector<1x512xf32>
    %select_n3A_1521 = arith.select %gt3A_1502, %broadcast_in_dim3A_1505, %broadcast_in_dim3A_1520 : vector<1x512xi1>, vector<1x512xf32>
    %add3A_1522 = arith.constant 224 : i32
    %add3A_1523 = vector.broadcast %add3A_1522 : i32 to vector<1x512xi32>
    %add3A_1524 = arith.addi %broadcast_in_dim3A_1513, %add3A_1523 : vector<1x512xi32>
    %reduce_max3A_1525 = arith.constant dense<0xFF800000> : vector<512xf32>
    %reduce_max3A_1526 = vector.multi_reduction <maximumf>, %select_n3A_1518, %reduce_max3A_1525 [0] : vector<32x512xf32> to vector<512xf32>
    %broadcast_in_dim3A_1527 = vector.shape_cast %reduce_max3A_1526 : vector<512xf32> to vector<1x512xf32>
    %eq3A_1528 = vector.broadcast %broadcast_in_dim3A_1527 : vector<1x512xf32> to vector<32x512xf32>
    %eq3A_1529 = arith.cmpf oeq, %select_n3A_1518, %eq3A_1528 : vector<32x512xf32>
    %jit3A_1530 = arith.constant 64 : i32
    %broadcast_in_dim3A_1531 = vector.broadcast %jit3A_1530 : i32 to vector<32x512xi32>
    %select_n3A_1532 = arith.select %eq3A_1529, %iota3A_1498, %broadcast_in_dim3A_1531 : vector<32x512xi1>, vector<32x512xi32>
    %reduce_min3A_1533 = arith.constant dense<2147483647> : vector<512xi32>
    %reduce_min3A_1534 = vector.multi_reduction <minsi>, %select_n3A_1532, %reduce_min3A_1533 [0] : vector<32x512xi32> to vector<512xi32>
    %broadcast_in_dim3A_1535 = vector.shape_cast %reduce_min3A_1534 : vector<512xi32> to vector<1x512xi32>
    %eq3A_1536 = vector.broadcast %broadcast_in_dim3A_1535 : vector<1x512xi32> to vector<32x512xi32>
    %eq3A_1537 = arith.cmpi eq, %iota3A_1498, %eq3A_1536 : vector<32x512xi32>
    %jit3A_1538 = arith.constant 0xFF800000 : f32
    %broadcast_in_dim3A_1539 = vector.broadcast %jit3A_1538 : f32 to vector<32x512xf32>
    %select_n3A_1540 = arith.select %eq3A_1537, %broadcast_in_dim3A_1539, %select_n3A_1518 : vector<32x512xi1>, vector<32x512xf32>
    %jit3A_1541 = arith.constant 0xFF800000 : f32
    %broadcast_in_dim3A_1542 = vector.broadcast %jit3A_1541 : f32 to vector<1x512xf32>
    %select_n3A_1543 = arith.select %gt3A_1502, %broadcast_in_dim3A_1527, %broadcast_in_dim3A_1542 : vector<1x512xi1>, vector<1x512xf32>
    %add3A_1544 = arith.constant 224 : i32
    %add3A_1545 = vector.broadcast %add3A_1544 : i32 to vector<1x512xi32>
    %add3A_1546 = arith.addi %broadcast_in_dim3A_1535, %add3A_1545 : vector<1x512xi32>
    %reduce_max3A_1547 = arith.constant dense<0xFF800000> : vector<512xf32>
    %reduce_max3A_1548 = vector.multi_reduction <maximumf>, %select_n3A_1540, %reduce_max3A_1547 [0] : vector<32x512xf32> to vector<512xf32>
    %broadcast_in_dim3A_1549 = vector.shape_cast %reduce_max3A_1548 : vector<512xf32> to vector<1x512xf32>
    %eq3A_1550 = vector.broadcast %broadcast_in_dim3A_1549 : vector<1x512xf32> to vector<32x512xf32>
    %eq3A_1551 = arith.cmpf oeq, %select_n3A_1540, %eq3A_1550 : vector<32x512xf32>
    %jit3A_1552 = arith.constant 64 : i32
    %broadcast_in_dim3A_1553 = vector.broadcast %jit3A_1552 : i32 to vector<32x512xi32>
    %select_n3A_1554 = arith.select %eq3A_1551, %iota3A_1498, %broadcast_in_dim3A_1553 : vector<32x512xi1>, vector<32x512xi32>
    %reduce_min3A_1555 = arith.constant dense<2147483647> : vector<512xi32>
    %reduce_min3A_1556 = vector.multi_reduction <minsi>, %select_n3A_1554, %reduce_min3A_1555 [0] : vector<32x512xi32> to vector<512xi32>
    %broadcast_in_dim3A_1557 = vector.shape_cast %reduce_min3A_1556 : vector<512xi32> to vector<1x512xi32>
    %eq3A_1558 = vector.broadcast %broadcast_in_dim3A_1557 : vector<1x512xi32> to vector<32x512xi32>
    %eq3A_1559 = arith.cmpi eq, %iota3A_1498, %eq3A_1558 : vector<32x512xi32>
    %jit3A_1560 = arith.constant 0xFF800000 : f32
    %broadcast_in_dim3A_1561 = vector.broadcast %jit3A_1560 : f32 to vector<32x512xf32>
    %select_n3A_1562 = arith.select %eq3A_1559, %broadcast_in_dim3A_1561, %select_n3A_1540 : vector<32x512xi1>, vector<32x512xf32>
    %jit3A_1563 = arith.constant 0xFF800000 : f32
    %broadcast_in_dim3A_1564 = vector.broadcast %jit3A_1563 : f32 to vector<1x512xf32>
    %select_n3A_1565 = arith.select %gt3A_1502, %broadcast_in_dim3A_1549, %broadcast_in_dim3A_1564 : vector<1x512xi1>, vector<1x512xf32>
    %add3A_1566 = arith.constant 224 : i32
    %add3A_1567 = vector.broadcast %add3A_1566 : i32 to vector<1x512xi32>
    %add3A_1568 = arith.addi %broadcast_in_dim3A_1557, %add3A_1567 : vector<1x512xi32>
    %reduce_max3A_1569 = arith.constant dense<0xFF800000> : vector<512xf32>
    %reduce_max3A_1570 = vector.multi_reduction <maximumf>, %select_n3A_1562, %reduce_max3A_1569 [0] : vector<32x512xf32> to vector<512xf32>
    %broadcast_in_dim3A_1571 = vector.shape_cast %reduce_max3A_1570 : vector<512xf32> to vector<1x512xf32>
    %eq3A_1572 = vector.broadcast %broadcast_in_dim3A_1571 : vector<1x512xf32> to vector<32x512xf32>
    %eq3A_1573 = arith.cmpf oeq, %select_n3A_1562, %eq3A_1572 : vector<32x512xf32>
    %jit3A_1574 = arith.constant 64 : i32
    %broadcast_in_dim3A_1575 = vector.broadcast %jit3A_1574 : i32 to vector<32x512xi32>
    %select_n3A_1576 = arith.select %eq3A_1573, %iota3A_1498, %broadcast_in_dim3A_1575 : vector<32x512xi1>, vector<32x512xi32>
    %reduce_min3A_1577 = arith.constant dense<2147483647> : vector<512xi32>
    %reduce_min3A_1578 = vector.multi_reduction <minsi>, %select_n3A_1576, %reduce_min3A_1577 [0] : vector<32x512xi32> to vector<512xi32>
    %broadcast_in_dim3A_1579 = vector.shape_cast %reduce_min3A_1578 : vector<512xi32> to vector<1x512xi32>
    %eq3A_1580 = vector.broadcast %broadcast_in_dim3A_1579 : vector<1x512xi32> to vector<32x512xi32>
    %eq3A_1581 = arith.cmpi eq, %iota3A_1498, %eq3A_1580 : vector<32x512xi32>
    %jit3A_1582 = arith.constant 0xFF800000 : f32
    %broadcast_in_dim3A_1583 = vector.broadcast %jit3A_1582 : f32 to vector<32x512xf32>
    %select_n3A_1584 = arith.select %eq3A_1581, %broadcast_in_dim3A_1583, %select_n3A_1562 : vector<32x512xi1>, vector<32x512xf32>
    %jit3A_1585 = arith.constant 0xFF800000 : f32
    %broadcast_in_dim3A_1586 = vector.broadcast %jit3A_1585 : f32 to vector<1x512xf32>
    %select_n3A_1587 = arith.select %gt3A_1502, %broadcast_in_dim3A_1571, %broadcast_in_dim3A_1586 : vector<1x512xi1>, vector<1x512xf32>
    %add3A_1588 = arith.constant 224 : i32
    %add3A_1589 = vector.broadcast %add3A_1588 : i32 to vector<1x512xi32>
    %add3A_1590 = arith.addi %broadcast_in_dim3A_1579, %add3A_1589 : vector<1x512xi32>
    %reduce_max3A_1591 = arith.constant dense<0xFF800000> : vector<512xf32>
    %reduce_max3A_1592 = vector.multi_reduction <maximumf>, %select_n3A_1584, %reduce_max3A_1591 [0] : vector<32x512xf32> to vector<512xf32>
    %broadcast_in_dim3A_1593 = vector.shape_cast %reduce_max3A_1592 : vector<512xf32> to vector<1x512xf32>
    %eq3A_1594 = vector.broadcast %broadcast_in_dim3A_1593 : vector<1x512xf32> to vector<32x512xf32>
    %eq3A_1595 = arith.cmpf oeq, %select_n3A_1584, %eq3A_1594 : vector<32x512xf32>
    %jit3A_1596 = arith.constant 64 : i32
    %broadcast_in_dim3A_1597 = vector.broadcast %jit3A_1596 : i32 to vector<32x512xi32>
    %select_n3A_1598 = arith.select %eq3A_1595, %iota3A_1498, %broadcast_in_dim3A_1597 : vector<32x512xi1>, vector<32x512xi32>
    %reduce_min3A_1599 = arith.constant dense<2147483647> : vector<512xi32>
    %reduce_min3A_1600 = vector.multi_reduction <minsi>, %select_n3A_1598, %reduce_min3A_1599 [0] : vector<32x512xi32> to vector<512xi32>
    %broadcast_in_dim3A_1601 = vector.shape_cast %reduce_min3A_1600 : vector<512xi32> to vector<1x512xi32>
    %eq3A_1602 = vector.broadcast %broadcast_in_dim3A_1601 : vector<1x512xi32> to vector<32x512xi32>
    %eq3A_1603 = arith.cmpi eq, %iota3A_1498, %eq3A_1602 : vector<32x512xi32>
    %jit3A_1604 = arith.constant 0xFF800000 : f32
    %broadcast_in_dim3A_1605 = vector.broadcast %jit3A_1604 : f32 to vector<32x512xf32>
    %select_n3A_1606 = arith.select %eq3A_1603, %broadcast_in_dim3A_1605, %select_n3A_1584 : vector<32x512xi1>, vector<32x512xf32>
    %jit3A_1607 = arith.constant 0xFF800000 : f32
    %broadcast_in_dim3A_1608 = vector.broadcast %jit3A_1607 : f32 to vector<1x512xf32>
    %select_n3A_1609 = arith.select %gt3A_1502, %broadcast_in_dim3A_1593, %broadcast_in_dim3A_1608 : vector<1x512xi1>, vector<1x512xf32>
    %add3A_1610 = arith.constant 224 : i32
    %add3A_1611 = vector.broadcast %add3A_1610 : i32 to vector<1x512xi32>
    %add3A_1612 = arith.addi %broadcast_in_dim3A_1601, %add3A_1611 : vector<1x512xi32>
    %reduce_max3A_1613 = arith.constant dense<0xFF800000> : vector<512xf32>
    %reduce_max3A_1614 = vector.multi_reduction <maximumf>, %select_n3A_1606, %reduce_max3A_1613 [0] : vector<32x512xf32> to vector<512xf32>
    %broadcast_in_dim3A_1615 = vector.shape_cast %reduce_max3A_1614 : vector<512xf32> to vector<1x512xf32>
    %eq3A_1616 = vector.broadcast %broadcast_in_dim3A_1615 : vector<1x512xf32> to vector<32x512xf32>
    %eq3A_1617 = arith.cmpf oeq, %select_n3A_1606, %eq3A_1616 : vector<32x512xf32>
    %jit3A_1618 = arith.constant 64 : i32
    %broadcast_in_dim3A_1619 = vector.broadcast %jit3A_1618 : i32 to vector<32x512xi32>
    %select_n3A_1620 = arith.select %eq3A_1617, %iota3A_1498, %broadcast_in_dim3A_1619 : vector<32x512xi1>, vector<32x512xi32>
    %reduce_min3A_1621 = arith.constant dense<2147483647> : vector<512xi32>
    %reduce_min3A_1622 = vector.multi_reduction <minsi>, %select_n3A_1620, %reduce_min3A_1621 [0] : vector<32x512xi32> to vector<512xi32>
    %broadcast_in_dim3A_1623 = vector.shape_cast %reduce_min3A_1622 : vector<512xi32> to vector<1x512xi32>
    %eq3A_1624 = vector.broadcast %broadcast_in_dim3A_1623 : vector<1x512xi32> to vector<32x512xi32>
    %eq3A_1625 = arith.cmpi eq, %iota3A_1498, %eq3A_1624 : vector<32x512xi32>
    %jit3A_1626 = arith.constant 0xFF800000 : f32
    %broadcast_in_dim3A_1627 = vector.broadcast %jit3A_1626 : f32 to vector<32x512xf32>
    %select_n3A_1628 = arith.select %eq3A_1625, %broadcast_in_dim3A_1627, %select_n3A_1606 : vector<32x512xi1>, vector<32x512xf32>
    %jit3A_1629 = arith.constant 0xFF800000 : f32
    %broadcast_in_dim3A_1630 = vector.broadcast %jit3A_1629 : f32 to vector<1x512xf32>
    %select_n3A_1631 = arith.select %gt3A_1502, %broadcast_in_dim3A_1615, %broadcast_in_dim3A_1630 : vector<1x512xi1>, vector<1x512xf32>
    %add3A_1632 = arith.constant 224 : i32
    %add3A_1633 = vector.broadcast %add3A_1632 : i32 to vector<1x512xi32>
    %add3A_1634 = arith.addi %broadcast_in_dim3A_1623, %add3A_1633 : vector<1x512xi32>
    %reduce_max3A_1635 = arith.constant dense<0xFF800000> : vector<512xf32>
    %reduce_max3A_1636 = vector.multi_reduction <maximumf>, %select_n3A_1628, %reduce_max3A_1635 [0] : vector<32x512xf32> to vector<512xf32>
    %broadcast_in_dim3A_1637 = vector.shape_cast %reduce_max3A_1636 : vector<512xf32> to vector<1x512xf32>
    %eq3A_1638 = vector.broadcast %broadcast_in_dim3A_1637 : vector<1x512xf32> to vector<32x512xf32>
    %eq3A_1639 = arith.cmpf oeq, %select_n3A_1628, %eq3A_1638 : vector<32x512xf32>
    %jit3A_1640 = arith.constant 64 : i32
    %broadcast_in_dim3A_1641 = vector.broadcast %jit3A_1640 : i32 to vector<32x512xi32>
    %select_n3A_1642 = arith.select %eq3A_1639, %iota3A_1498, %broadcast_in_dim3A_1641 : vector<32x512xi1>, vector<32x512xi32>
    %reduce_min3A_1643 = arith.constant dense<2147483647> : vector<512xi32>
    %reduce_min3A_1644 = vector.multi_reduction <minsi>, %select_n3A_1642, %reduce_min3A_1643 [0] : vector<32x512xi32> to vector<512xi32>
    %broadcast_in_dim3A_1645 = vector.shape_cast %reduce_min3A_1644 : vector<512xi32> to vector<1x512xi32>
    %eq3A_1646 = vector.broadcast %broadcast_in_dim3A_1645 : vector<1x512xi32> to vector<32x512xi32>
    %eq3A_1647 = arith.cmpi eq, %iota3A_1498, %eq3A_1646 : vector<32x512xi32>
    %jit3A_1648 = arith.constant 0xFF800000 : f32
    %broadcast_in_dim3A_1649 = vector.broadcast %jit3A_1648 : f32 to vector<32x512xf32>
    %select_n3A_1650 = arith.select %eq3A_1647, %broadcast_in_dim3A_1649, %select_n3A_1628 : vector<32x512xi1>, vector<32x512xf32>
    %jit3A_1651 = arith.constant 0xFF800000 : f32
    %broadcast_in_dim3A_1652 = vector.broadcast %jit3A_1651 : f32 to vector<1x512xf32>
    %select_n3A_1653 = arith.select %gt3A_1502, %broadcast_in_dim3A_1637, %broadcast_in_dim3A_1652 : vector<1x512xi1>, vector<1x512xf32>
    %add3A_1654 = arith.constant 224 : i32
    %add3A_1655 = vector.broadcast %add3A_1654 : i32 to vector<1x512xi32>
    %add3A_1656 = arith.addi %broadcast_in_dim3A_1645, %add3A_1655 : vector<1x512xi32>
    %reduce_max3A_1657 = arith.constant dense<0xFF800000> : vector<512xf32>
    %reduce_max3A_1658 = vector.multi_reduction <maximumf>, %select_n3A_1650, %reduce_max3A_1657 [0] : vector<32x512xf32> to vector<512xf32>
    %broadcast_in_dim3A_1659 = vector.shape_cast %reduce_max3A_1658 : vector<512xf32> to vector<1x512xf32>
    %eq3A_1660 = vector.broadcast %broadcast_in_dim3A_1659 : vector<1x512xf32> to vector<32x512xf32>
    %eq3A_1661 = arith.cmpf oeq, %select_n3A_1650, %eq3A_1660 : vector<32x512xf32>
    %jit3A_1662 = arith.constant 64 : i32
    %broadcast_in_dim3A_1663 = vector.broadcast %jit3A_1662 : i32 to vector<32x512xi32>
    %select_n3A_1664 = arith.select %eq3A_1661, %iota3A_1498, %broadcast_in_dim3A_1663 : vector<32x512xi1>, vector<32x512xi32>
    %reduce_min3A_1665 = arith.constant dense<2147483647> : vector<512xi32>
    %reduce_min3A_1666 = vector.multi_reduction <minsi>, %select_n3A_1664, %reduce_min3A_1665 [0] : vector<32x512xi32> to vector<512xi32>
    %broadcast_in_dim3A_1667 = vector.shape_cast %reduce_min3A_1666 : vector<512xi32> to vector<1x512xi32>
    %jit3A_1668 = arith.constant 0xFF800000 : f32
    %broadcast_in_dim3A_1669 = vector.broadcast %jit3A_1668 : f32 to vector<1x512xf32>
    %select_n3A_1670 = arith.select %gt3A_1502, %broadcast_in_dim3A_1659, %broadcast_in_dim3A_1669 : vector<1x512xi1>, vector<1x512xf32>
    %add3A_1671 = arith.constant 224 : i32
    %add3A_1672 = vector.broadcast %add3A_1671 : i32 to vector<1x512xi32>
    %add3A_1673 = arith.addi %broadcast_in_dim3A_1667, %add3A_1672 : vector<1x512xi32>
    %concatenate3A_1674 = tpu.concatenate %select_n3A_282, %select_n3A_304, %select_n3A_326, %select_n3A_348, %select_n3A_370, %select_n3A_392, %select_n3A_414, %select_n3A_431, %select_n3A_459, %select_n3A_481, %select_n3A_503, %select_n3A_525, %select_n3A_547, %select_n3A_569, %select_n3A_591, %select_n3A_608, %select_n3A_636, %select_n3A_658, %select_n3A_680, %select_n3A_702, %select_n3A_724, %select_n3A_746, %select_n3A_768, %select_n3A_785, %select_n3A_813, %select_n3A_835, %select_n3A_857, %select_n3A_879, %select_n3A_901, %select_n3A_923, %select_n3A_945, %select_n3A_962, %select_n3A_990, %select_n3A_1012, %select_n3A_1034, %select_n3A_1056, %select_n3A_1078, %select_n3A_1100, %select_n3A_1122, %select_n3A_1139, %select_n3A_1167, %select_n3A_1189, %select_n3A_1211, %select_n3A_1233, %select_n3A_1255, %select_n3A_1277, %select_n3A_1299, %select_n3A_1316, %select_n3A_1344, %select_n3A_1366, %select_n3A_1388, %select_n3A_1410, %select_n3A_1432, %select_n3A_1454, %select_n3A_1476, %select_n3A_1493, %select_n3A_1521, %select_n3A_1543, %select_n3A_1565, %select_n3A_1587, %select_n3A_1609, %select_n3A_1631, %select_n3A_1653, %select_n3A_1670 in 0 : vector<1x512xf32>, vector<1x512xf32>, vector<1x512xf32>, vector<1x512xf32>, vector<1x512xf32>, vector<1x512xf32>, vector<1x512xf32>, vector<1x512xf32>, vector<1x512xf32>, vector<1x512xf32>, vector<1x512xf32>, vector<1x512xf32>, vector<1x512xf32>, vector<1x512xf32>, vector<1x512xf32>, vector<1x512xf32>, vector<1x512xf32>, vector<1x512xf32>, vector<1x512xf32>, vector<1x512xf32>, vector<1x512xf32>, vector<1x512xf32>, vector<1x512xf32>, vector<1x512xf32>, vector<1x512xf32>, vector<1x512xf32>, vector<1x512xf32>, vector<1x512xf32>, vector<1x512xf32>, vector<1x512xf32>, vector<1x512xf32>, vector<1x512xf32>, vector<1x512xf32>, vector<1x512xf32>, vector<1x512xf32>, vector<1x512xf32>, vector<1x512xf32>, vector<1x512xf32>, vector<1x512xf32>, vector<1x512xf32>, vector<1x512xf32>, vector<1x512xf32>, vector<1x512xf32>, vector<1x512xf32>, vector<1x512xf32>, vector<1x512xf32>, vector<1x512xf32>, vector<1x512xf32>, vector<1x512xf32>, vector<1x512xf32>, vector<1x512xf32>, vector<1x512xf32>, vector<1x512xf32>, vector<1x512xf32>, vector<1x512xf32>, vector<1x512xf32>, vector<1x512xf32>, vector<1x512xf32>, vector<1x512xf32>, vector<1x512xf32>, vector<1x512xf32>, vector<1x512xf32>, vector<1x512xf32>, vector<1x512xf32> -> vector<64x512xf32>
    %concatenate3A_1675 = tpu.concatenate %add3A_285, %add3A_307, %add3A_329, %add3A_351, %add3A_373, %add3A_395, %add3A_417, %add3A_434, %add3A_462, %add3A_484, %add3A_506, %add3A_528, %add3A_550, %add3A_572, %add3A_594, %add3A_611, %add3A_639, %add3A_661, %add3A_683, %add3A_705, %add3A_727, %add3A_749, %add3A_771, %add3A_788, %add3A_816, %add3A_838, %add3A_860, %add3A_882, %add3A_904, %add3A_926, %add3A_948, %add3A_965, %add3A_993, %add3A_1015, %add3A_1037, %add3A_1059, %add3A_1081, %add3A_1103, %add3A_1125, %add3A_1142, %add3A_1170, %add3A_1192, %add3A_1214, %add3A_1236, %add3A_1258, %add3A_1280, %add3A_1302, %add3A_1319, %add3A_1347, %add3A_1369, %add3A_1391, %add3A_1413, %add3A_1435, %add3A_1457, %add3A_1479, %add3A_1496, %add3A_1524, %add3A_1546, %add3A_1568, %add3A_1590, %add3A_1612, %add3A_1634, %add3A_1656, %add3A_1673 in 0 : vector<1x512xi32>, vector<1x512xi32>, vector<1x512xi32>, vector<1x512xi32>, vector<1x512xi32>, vector<1x512xi32>, vector<1x512xi32>, vector<1x512xi32>, vector<1x512xi32>, vector<1x512xi32>, vector<1x512xi32>, vector<1x512xi32>, vector<1x512xi32>, vector<1x512xi32>, vector<1x512xi32>, vector<1x512xi32>, vector<1x512xi32>, vector<1x512xi32>, vector<1x512xi32>, vector<1x512xi32>, vector<1x512xi32>, vector<1x512xi32>, vector<1x512xi32>, vector<1x512xi32>, vector<1x512xi32>, vector<1x512xi32>, vector<1x512xi32>, vector<1x512xi32>, vector<1x512xi32>, vector<1x512xi32>, vector<1x512xi32>, vector<1x512xi32>, vector<1x512xi32>, vector<1x512xi32>, vector<1x512xi32>, vector<1x512xi32>, vector<1x512xi32>, vector<1x512xi32>, vector<1x512xi32>, vector<1x512xi32>, vector<1x512xi32>, vector<1x512xi32>, vector<1x512xi32>, vector<1x512xi32>, vector<1x512xi32>, vector<1x512xi32>, vector<1x512xi32>, vector<1x512xi32>, vector<1x512xi32>, vector<1x512xi32>, vector<1x512xi32>, vector<1x512xi32>, vector<1x512xi32>, vector<1x512xi32>, vector<1x512xi32>, vector<1x512xi32>, vector<1x512xi32>, vector<1x512xi32>, vector<1x512xi32>, vector<1x512xi32>, vector<1x512xi32>, vector<1x512xi32>, vector<1x512xi32>, vector<1x512xi32> -> vector<64x512xi32>
    %slice3A_1676 = vector.extract_strided_slice %concatenate3A_1674 {offsets = [0, 0], sizes = [64, 128], strides = [1, 1]} : vector<64x512xf32> to vector<64x128xf32>
    %swap3A = arith.constant 0 : index
    %swap3A_1677 = arith.constant 0 : index
    %swap3A_1678 = arith.constant 0 : index
    %swap3A_1679 = arith.constant 0 : index
    %swap3A_1680 = vector.load %arg4[%swap3A, %swap3A_1677, %swap3A_1678, %swap3A_1679] : memref<1x4x64x128xf32, #tpu.memory_space<vmem>>, vector<1x1x64x128xf32>
    %swap3A_1681 = vector.shape_cast %swap3A_1680 : vector<1x1x64x128xf32> to vector<64x128xf32>
    %swap3A_1682 = vector.shape_cast %slice3A_1676 : vector<64x128xf32> to vector<1x1x64x128xf32>
    tpu.vector_store %arg4[%swap3A, %swap3A_1677, %swap3A_1678, %swap3A_1679], %swap3A_1682 {strides = array<i32>} : memref<1x4x64x128xf32, #tpu.memory_space<vmem>>, vector<1x1x64x128xf32>,
    %slice3A_1683 = vector.extract_strided_slice %concatenate3A_1675 {offsets = [0, 0], sizes = [64, 128], strides = [1, 1]} : vector<64x512xi32> to vector<64x128xi32>
    %swap3A_1684 = arith.constant 0 : index
    %swap3A_1685 = arith.constant 0 : index
    %swap3A_1686 = arith.constant 0 : index
    %swap3A_1687 = arith.constant 0 : index
    %swap3A_1688 = vector.load %arg5[%swap3A_1684, %swap3A_1685, %swap3A_1686, %swap3A_1687] : memref<1x4x64x128xi32, #tpu.memory_space<vmem>>, vector<1x1x64x128xi32>
    %swap3A_1689 = vector.shape_cast %swap3A_1688 : vector<1x1x64x128xi32> to vector<64x128xi32>
    %swap3A_1690 = vector.shape_cast %slice3A_1683 : vector<64x128xi32> to vector<1x1x64x128xi32>
    tpu.vector_store %arg5[%swap3A_1684, %swap3A_1685, %swap3A_1686, %swap3A_1687], %swap3A_1690 {strides = array<i32>} : memref<1x4x64x128xi32, #tpu.memory_space<vmem>>, vector<1x1x64x128xi32>,
    %slice3A_1691 = vector.extract_strided_slice %concatenate3A_1674 {offsets = [0, 128], sizes = [64, 128], strides = [1, 1]} : vector<64x512xf32> to vector<64x128xf32>
    %swap3A_1692 = arith.constant 0 : index
    %swap3A_1693 = arith.constant 1 : index
    %swap3A_1694 = arith.constant 0 : index
    %swap3A_1695 = arith.constant 0 : index
    %swap3A_1696 = vector.load %arg4[%swap3A_1692, %swap3A_1693, %swap3A_1694, %swap3A_1695] : memref<1x4x64x128xf32, #tpu.memory_space<vmem>>, vector<1x1x64x128xf32>
    %swap3A_1697 = vector.shape_cast %swap3A_1696 : vector<1x1x64x128xf32> to vector<64x128xf32>
    %swap3A_1698 = vector.shape_cast %slice3A_1691 : vector<64x128xf32> to vector<1x1x64x128xf32>
    tpu.vector_store %arg4[%swap3A_1692, %swap3A_1693, %swap3A_1694, %swap3A_1695], %swap3A_1698 {strides = array<i32>} : memref<1x4x64x128xf32, #tpu.memory_space<vmem>>, vector<1x1x64x128xf32>,
    %slice3A_1699 = vector.extract_strided_slice %concatenate3A_1675 {offsets = [0, 128], sizes = [64, 128], strides = [1, 1]} : vector<64x512xi32> to vector<64x128xi32>
    %swap3A_1700 = arith.constant 0 : index
    %swap3A_1701 = arith.constant 1 : index
    %swap3A_1702 = arith.constant 0 : index
    %swap3A_1703 = arith.constant 0 : index
    %swap3A_1704 = vector.load %arg5[%swap3A_1700, %swap3A_1701, %swap3A_1702, %swap3A_1703] : memref<1x4x64x128xi32, #tpu.memory_space<vmem>>, vector<1x1x64x128xi32>
    %swap3A_1705 = vector.shape_cast %swap3A_1704 : vector<1x1x64x128xi32> to vector<64x128xi32>
    %swap3A_1706 = vector.shape_cast %slice3A_1699 : vector<64x128xi32> to vector<1x1x64x128xi32>
    tpu.vector_store %arg5[%swap3A_1700, %swap3A_1701, %swap3A_1702, %swap3A_1703], %swap3A_1706 {strides = array<i32>} : memref<1x4x64x128xi32, #tpu.memory_space<vmem>>, vector<1x1x64x128xi32>,
    %slice3A_1707 = vector.extract_strided_slice %concatenate3A_1674 {offsets = [0, 256], sizes = [64, 128], strides = [1, 1]} : vector<64x512xf32> to vector<64x128xf32>
    %swap3A_1708 = arith.constant 0 : index
    %swap3A_1709 = arith.constant 2 : index
    %swap3A_1710 = arith.constant 0 : index
    %swap3A_1711 = arith.constant 0 : index
    %swap3A_1712 = vector.load %arg4[%swap3A_1708, %swap3A_1709, %swap3A_1710, %swap3A_1711] : memref<1x4x64x128xf32, #tpu.memory_space<vmem>>, vector<1x1x64x128xf32>
    %swap3A_1713 = vector.shape_cast %swap3A_1712 : vector<1x1x64x128xf32> to vector<64x128xf32>
    %swap3A_1714 = vector.shape_cast %slice3A_1707 : vector<64x128xf32> to vector<1x1x64x128xf32>
    tpu.vector_store %arg4[%swap3A_1708, %swap3A_1709, %swap3A_1710, %swap3A_1711], %swap3A_1714 {strides = array<i32>} : memref<1x4x64x128xf32, #tpu.memory_space<vmem>>, vector<1x1x64x128xf32>,
    %slice3A_1715 = vector.extract_strided_slice %concatenate3A_1675 {offsets = [0, 256], sizes = [64, 128], strides = [1, 1]} : vector<64x512xi32> to vector<64x128xi32>
    %swap3A_1716 = arith.constant 0 : index
    %swap3A_1717 = arith.constant 2 : index
    %swap3A_1718 = arith.constant 0 : index
    %swap3A_1719 = arith.constant 0 : index
    %swap3A_1720 = vector.load %arg5[%swap3A_1716, %swap3A_1717, %swap3A_1718, %swap3A_1719] : memref<1x4x64x128xi32, #tpu.memory_space<vmem>>, vector<1x1x64x128xi32>
    %swap3A_1721 = vector.shape_cast %swap3A_1720 : vector<1x1x64x128xi32> to vector<64x128xi32>
    %swap3A_1722 = vector.shape_cast %slice3A_1715 : vector<64x128xi32> to vector<1x1x64x128xi32>
    tpu.vector_store %arg5[%swap3A_1716, %swap3A_1717, %swap3A_1718, %swap3A_1719], %swap3A_1722 {strides = array<i32>} : memref<1x4x64x128xi32, #tpu.memory_space<vmem>>, vector<1x1x64x128xi32>,
    %slice3A_1723 = vector.extract_strided_slice %concatenate3A_1674 {offsets = [0, 384], sizes = [64, 128], strides = [1, 1]} : vector<64x512xf32> to vector<64x128xf32>
    %swap3A_1724 = arith.constant 0 : index
    %swap3A_1725 = arith.constant 3 : index
    %swap3A_1726 = arith.constant 0 : index
    %swap3A_1727 = arith.constant 0 : index
    %swap3A_1728 = vector.load %arg4[%swap3A_1724, %swap3A_1725, %swap3A_1726, %swap3A_1727] : memref<1x4x64x128xf32, #tpu.memory_space<vmem>>, vector<1x1x64x128xf32>
    %swap3A_1729 = vector.shape_cast %swap3A_1728 : vector<1x1x64x128xf32> to vector<64x128xf32>
    %swap3A_1730 = vector.shape_cast %slice3A_1723 : vector<64x128xf32> to vector<1x1x64x128xf32>
    tpu.vector_store %arg4[%swap3A_1724, %swap3A_1725, %swap3A_1726, %swap3A_1727], %swap3A_1730 {strides = array<i32>} : memref<1x4x64x128xf32, #tpu.memory_space<vmem>>, vector<1x1x64x128xf32>,
    %slice3A_1731 = vector.extract_strided_slice %concatenate3A_1675 {offsets = [0, 384], sizes = [64, 128], strides = [1, 1]} : vector<64x512xi32> to vector<64x128xi32>
    %swap3A_1732 = arith.constant 0 : index
    %swap3A_1733 = arith.constant 3 : index
    %swap3A_1734 = arith.constant 0 : index
    %swap3A_1735 = arith.constant 0 : index
    %swap3A_1736 = vector.load %arg5[%swap3A_1732, %swap3A_1733, %swap3A_1734, %swap3A_1735] : memref<1x4x64x128xi32, #tpu.memory_space<vmem>>, vector<1x1x64x128xi32>
    %swap3A_1737 = vector.shape_cast %swap3A_1736 : vector<1x1x64x128xi32> to vector<64x128xi32>
    %swap3A_1738 = vector.shape_cast %slice3A_1731 : vector<64x128xi32> to vector<1x1x64x128xi32>
    tpu.vector_store %arg5[%swap3A_1732, %swap3A_1733, %swap3A_1734, %swap3A_1735], %swap3A_1738 {strides = array<i32>} : memref<1x4x64x128xi32, #tpu.memory_space<vmem>>, vector<1x1x64x128xi32>,
    return
  }
  func.func @transform_0(%arg0: i32) -> (i32, i32) {
    %c0_i32 = arith.constant 0 : i32
    %c0_i32_0 = arith.constant 0 : i32
    return %arg0, %c0_i32 : i32, i32
  }
  func.func @transform_1(%arg0: i32) -> (i32, i32) {
    %c0_i32 = arith.constant 0 : i32
    %c0_i32_0 = arith.constant 0 : i32
    %c0_i32_1 = arith.constant 0 : i32
    return %c0_i32, %c0_i32_0 : i32, i32
  }
  func.func @transform_2(%arg0: i32) -> (i32, i32) {
    %c0_i32 = arith.constant 0 : i32
    %c0_i32_0 = arith.constant 0 : i32
    %c0_i32_1 = arith.constant 0 : i32
    return %c0_i32, %c0_i32_0 : i32, i32
  }
  func.func @transform_3(%arg0: i32) -> (i32, i32, i32, i32) {
    %c0_i32 = arith.constant 0 : i32
    %c0_i32_0 = arith.constant 0 : i32
    %c0_i32_1 = arith.constant 0 : i32
    %c0_i32_2 = arith.constant 0 : i32
    return %arg0, %c0_i32, %c0_i32_0, %c0_i32_1 : i32, i32, i32, i32
  }
  func.func @transform_4(%arg0: i32) -> (i32, i32, i32, i32) {
    %c0_i32 = arith.constant 0 : i32
    %c0_i32_0 = arith.constant 0 : i32
    %c0_i32_1 = arith.constant 0 : i32
    %c0_i32_2 = arith.constant 0 : i32
    return %arg0, %c0_i32, %c0_i32_0, %c0_i32_1 : i32, i32, i32, i32
  }
}

</mosaic_0001>

<sc_bundles>
// kernel: kernel.4.cloned.1.call-start
scs
__scs_entry_jumppad:
0x0: {  	(pc) =	sbr.rel $0x88, $3  }
0x1: {  	(tag) =	ssettag $0x0;
	lr =	simm.s32 $0x1  }
0x2: {  	[smem:$0x3F9E] =	sst lr;
	_ =	strace $0xD0000000  }
0x3: {  	_ = 	snop  }
0x4: {  	_ = 	snop  }
0x5: {  	_ = 	snop  }
0x6: {  	_ = 	snop  }
0x7: {  	_ = 	snop  }
__scs_overlays_trampoline_lowered:
0x8: {  	[smem:$0x3FAD] =	sst s0  }
0x9: {  	[smem:$0x3FAE] =	sst s1  }
0xa: {  	[smem:$0x3FAF] =	sst s2  }
0xb: {  	[smem:$0x3FB0] =	sst s3  }
0xc: {  	[smem:$0x3FB1] =	sst s4  }
0xd: {  	[smem:$0x3FB2] =	sst s5  }
0xe: {  	[smem:$0x3FB3] =	sst s6  }
0xf: {  	[smem:$0x3FB4] =	sst s7  }
0x10: {  	[smem:$0x3FB5] =	sst s8  }
0x11: {  	[smem:$0x3FB6] =	sst s9;
	s0 =	simm.s32 @!p0 $0x0  }
0x12: {  	s1 =	sld [smem:$0x3F9C];
	s0 =	simm.s32 @p0 $0x1  }
0x13: {  	[smem:$0x3FB7] =	sst s0;
	s0 =	simm.s32 @!p1 $0x0  }
0x14: {  	s2 =	sld [smem:$0x3F9B];
	s0 =	simm.s32 @p1 $0x1  }
0x15: {  	[smem:$0x3FB8] =	sst s0;
	s0 =	simm.s32 @!p2 $0x0  }
0x16: {  	s3 =	sld [smem:$0x3FDB];
	s0 =	simm.s32 @p2 $0x1  }
0x17: {  	s4 =	simm.s32 $0x1BF5;
	[smem:$0x3FBA] =	sst s0  }
0x18: {  	s0 =	sld [smem:$0x3F9D];
	_ =	swait.ge [sflag:s4], $0x0  }
0x19: {  	s7 =	sld [smem:$0x3F9E]  }
0x1a: {  	s8 =	sadd.s32 $0xFFFFE003, lr  }
0x1b: {  	s9 =	sadd.s32 $0xFFFFFEF7, lr;
	s5 =	simm.s32 $0xFFFFFFFF;
	p2 =	slt.u32 s8, $0xFFFFF086  }
0x1c: {  	p1 =	slt.u32 s9, $0xF7A;
	s5 =	simm.s32 @!p2 $0x0  }
0x1d: {  	s5 =	simm.s32 @p1 $0x1;
	p0 =	seq.s32 s7, s2  }
0x1e: {  	s7 =	smul.u32 @!p0 $0xF7A, s2;
	p2 =	seq.s32 @!p0 s5, $0x0  }
0x1f: {  	s9 =	smul.u32 $0xF7A, s1;
	s8 =	simm.s32 @!p0 $0x1BF5;
	p2 =	por !p2, p0  }
0x20: {  	[sflag:s8] =	ssyncset.s32 @!p0 $0xFFFFF086;
	s6 =	sadd.s32 @!p0 s3, s7;
	s7 =	simm.s32 @!p0 $0x108  }
0x21: {  	s3 =	sadd.s32 s3, s9;
	s6 =	sadd.s32 @!p0 $0x88, s6;
	s7 =	simm.s32 @p2 $0x1082  }
0x22: {  	[simem:s7], [sflag:s8] =	dma.local @!p0 [hbm:s6], $0xF7A  }
0x23: {  	s9 =	sor.u32 $0xD0000000, s2;
	s6 =	simm.s32 $0x108;
	_ =	swait.ge @!p0 [sflag:s8], $0x0  }
0x24: {  	s3 =	sadd.s32 $0x88, s3;
	s6 =	simm.s32 @!p1 $0x1082;
	[sflag:s4] =	ssyncset.s32 $0xFFFFF086  }
0x25: {  	[simem:s6], [sflag:s4] =	dma.local [hbm:s3], $0xF7A  }
0x26: {  	[smem:$0x3F9E] =	sst s1;
	(tag) =	ssettag s2;
	_ =	strace s9  }
0x27: {  	s1 =	sld [smem:$0x3FAE]  }
0x28: {  	s2 =	sld [smem:$0x3FAF]  }
0x29: {  	s4 =	sld [smem:$0x3FB1]  }
0x2a: {  	p0 =	seq.s32 s5, $0x0;
	s5 =	sld [smem:$0x3FB2]  }
0x2b: {  	s6 =	sld [smem:$0x3FB3]  }
0x2c: {  	s7 =	sld [smem:$0x3FB4]  }
0x2d: {  	s3 =	simm.s32 $0x108;
	s8 =	sld [smem:$0x3FB5]  }
0x2e: {  	s3 =	simm.s32 @!p0 $0x1082;
	s9 =	sld [smem:$0x3FB6]  }
0x2f: {  	lr =	sadd.s32 s0, s3;
	s0 =	sld [smem:$0x3FAD]  }
0x30: {  	s3 =	sld [smem:$0x3FB0]  }
0x31: {  	[smem:$0x3FB9] =	sst s10  }
0x32: {  	s10 =	sld [smem:$0x3FB7];
	_ =	sdelay $0x3  }
0x33: {  	p0 =	seq.s32 s10, $0x1;
	s10 =	sld [smem:$0x3FB9];
	_ =	sdelay $0x3  }
0x34: {  	[smem:$0x3FB9] =	sst s10  }
0x35: {  	s10 =	sld [smem:$0x3FB8];
	_ =	sdelay $0x3  }
0x36: {  	p1 =	seq.s32 s10, $0x1;
	s10 =	sld [smem:$0x3FB9];
	_ =	sdelay $0x3  }
0x37: {  	[smem:$0x3FB9] =	sst s10  }
0x38: {  	s10 =	sld [smem:$0x3FBA]  }
0x39: {  	_ = 	snop;
	(pc) =	sbr.ind lr, $3  }
0x3a: {  	_ = 	snop  }
0x3b: {  	_ = 	snop  }
0x3c: {  	p2 =	seq.s32 s10, $0x1;
	s10 =	sld [smem:$0x3FB9]  }
0x3d: {  	_ =	shalt  }
0x3e: {  	_ =	shalt  }
0x3f: {  	_ =	shalt  }
0x40: {  	_ =	shalt  }
0x41: {  	_ =	shalt  }
0x42: {  	_ =	shalt  }
0x43: {  	_ =	shalt  }
0x44: {  	_ =	shalt  }
0x45: {  	_ =	shalt  }
0x46: {  	_ =	shalt  }
0x47: {  	_ =	shalt  }
0x48: {  	_ =	shalt  }
0x49: {  	_ =	shalt  }
0x4a: {  	_ =	shalt  }
0x4b: {  	_ =	shalt  }
0x4c: {  	_ =	shalt  }
0x4d: {  	_ =	shalt  }
0x4e: {  	_ =	shalt  }
0x4f: {  	_ =	shalt  }
0x50: {  	_ =	shalt  }
0x51: {  	_ =	shalt  }
0x52: {  	_ =	shalt  }
0x53: {  	_ =	shalt  }
0x54: {  	_ =	shalt  }
0x55: {  	_ =	shalt  }
0x56: {  	_ =	shalt  }
0x57: {  	_ =	shalt  }
0x58: {  	_ =	shalt  }
0x59: {  	_ =	shalt  }
0x5a: {  	_ =	shalt  }
0x5b: {  	_ =	shalt  }
0x5c: {  	_ =	shalt  }
0x5d: {  	_ =	shalt  }
0x5e: {  	_ =	shalt  }
0x5f: {  	_ =	shalt  }
0x60: {  	_ =	shalt  }
0x61: {  	_ =	shalt  }
0x62: {  	_ =	shalt  }
0x63: {  	_ =	shalt  }
0x64: {  	_ =	shalt  }
0x65: {  	_ =	shalt  }
0x66: {  	_ =	shalt  }
0x67: {  	_ =	shalt  }
0x68: {  	_ =	shalt  }
0x69: {  	_ =	shalt  }
0x6a: {  	_ =	shalt  }
0x6b: {  	_ =	shalt  }
0x6c: {  	_ =	shalt  }
0x6d: {  	_ =	shalt  }
0x6e: {  	_ =	shalt  }
0x6f: {  	_ =	shalt  }
0x70: {  	_ =	shalt  }
0x71: {  	_ =	shalt  }
0x72: {  	_ =	shalt  }
0x73: {  	_ =	shalt  }
0x74: {  	_ =	shalt  }
0x75: {  	_ =	shalt  }
0x76: {  	_ =	shalt  }
0x77: {  	_ =	shalt  }
0x78: {  	_ =	shalt  }
0x79: {  	_ =	shalt  }
0x7a: {  	_ =	shalt  }
0x7b: {  	_ =	shalt  }
0x7c: {  	_ =	shalt  }
0x7d: {  	_ =	shalt  }
0x7e: {  	_ =	shalt  }
0x7f: {  	_ =	shalt  }
0x80: {  	_ =	shalt  }
0x81: {  	_ =	shalt  }
0x82: {  	_ =	shalt  }
0x83: {  	_ =	shalt  }
0x84: {  	_ =	shalt  }
0x85: {  	_ =	shalt  }
0x86: {  	_ =	shalt  }
0x87: {  	_ =	shalt  }
.Lfunc_end0:
.L_simem_size_0:
called_computation_lowered:
.L_overlay_start_0:
0x88: {  	s2 =	sld [smem:$0x3FD9]  }
0x89: {  	s3 =	sld [smem:$0x3FFE];
	_ =	sdelay $0x1  }
0x8a: {  	s1 =	srdreg.scid  }
0x8b: {  	s0 =	sand.u32 $0x1, s1  }
0x8c: {  	s14 =	sshll.u32 s0, $0xA;
	s2 =	sadd.s32 s3, s2  }
0x8d: {  	s2 =	sadd.s32 s2, s14  }
0x8e: {  	[smem:$0x3FC5] =	sst s2  }
0x8f: {  	_ = 	snop  }
0x90: {  	s2 =	sld [smem:$0x3FD0];
	_ =	sdelay $0x2  }
0x91: {  	s15 =	simm.s32 $0xA;
	s4 =	simm.s32 $0x10  }
0x92: {  	[smem:s4], [sflag:s15] =	dma.local [hbm:s2], $0x1  }
0x93: {  	_ =	swait.eq [sflag:s15], $0x1  }
0x94: {  	[sflag:s15] =	ssyncset.done $0x0  }
0x95: {  	s16 =	sld [smem:$0x10];
	[sflag:s15] =	ssyncadd.s32 $0xFFFFFFFF  }
0x96: {  	s17 =	sld [smem:$0x11];
	(tm) =	ssettm $0x1  }
0x97: {  	s18 =	sld [smem:$0x3FFB];
	_ =	sdelay $0x3  }
0x98: {  	_ =	strace s18  }
0x99: {  	s4 =	sld [smem:$0x3FFC];
	_ =	sdelay $0x3  }
0x9a: {  	_ =	strace s4  }
0x9b: {  	s4 =	sld [smem:$0x3FFD];
	_ =	sdelay $0x3  }
0x9c: {  	_ =	strace s4  }
0x9d: {  	_ =	strace $0x8FFFFFFF  }
0x9e: {  	s19 =	sld [smem:$0x3FDB];
	_ =	sdelay $0x1  }
0x9f: {  	s5 =	simm.s32 $_scs_section_size  }
0xa0: {  	s6 =	simm.s32 $_size__tile_overlayer_lowered;
	s7 =	simm.s32 $_tile_overlayer_lowered  }
0xa1: {  	s22 =	simm.s32 $0x1BFF;
	s21 =	sshll.u32 s7, $0x1;
	s4 =	sadd.s32 s5, s19  }
0xa2: {  	s8 =	simm.s32 $0x0;
	s20 =	sshll.u32 s6, $0x1;
	s6 =	sadd.s32 s21, s4  }
0xa3: {  	[timem:s8], [sflag:s22] =	dma.local [hbm:s6], s20  }
0xa4: {  	_ =	swait.ge [sflag:s22], s20  }
0xa5: {  	s5 =	ssub.s32 $0x0, s20;
	[sflag:s22] =	ssyncset.done $0x0  }
0xa6: {  	[sflag:s22] =	ssyncadd.s32 s5;
	_ =	sdelay $0x1  }
0xa7: {  	s23 =	simm.s32 $0x1B8B  }
0xa8: {  	_ =	swait.ge [sflag:s23], $0x1  }
0xa9: {  	[sflag:s23] =	ssyncset.done $0x0  }
0xaa: {  	s25 =	simm.s32 $0x1B8E;
	s24 =	sld [smem:$0x3FFE];
	[sflag:s23] =	ssyncadd.s32 $0xFFFFFFFF  }
0xab: {  	s26 =	simm.s32 $execute0_lowered;
	[smem:$0x3FD2] =	sst s25  }
0xac: {  	s6 =	sshll.u32 s26, $0x1;
	_ =	strace $0x80000046;
	[dreg:$0x1] =	wrdreg $0xFFFFFFFF  }
0xad: {  	s28 =	simm.s32 $_size_execute0_lowered;
	s4 =	sadd.s32 s4, s6;
	[dreg:$0x0] =	wrdreg $0x0  }
0xae: {  	s6 =	sshll.u32 s28, $0x1;
	[dreg:$0x2] =	wrdreg s4  }
0xaf: {  	[dreg:$0x3] =	wrdreg s6  }
0xb0: {  	[dreg:$0x4] =	wrdreg $0xC0  }
0xb1: {  	_ =	task [dreg:s8], $0x5FFFF  }
0xb2: {  	[dreg:$0x1] =	wrdreg $0xFFFFFFFF  }
0xb3: {  	[dreg:$0x0] =	wrdreg $0x60  }
0xb4: {  	[dreg:$0x2] =	wrdreg s24  }
0xb5: {  	[dreg:$0x3] =	wrdreg s16  }
0xb6: {  	[dreg:$0x4] =	wrdreg s17  }
0xb7: {  	[dreg:$0x5] =	wrdreg $0x9  }
0xb8: {  	_ =	task.clear_ibuf [dreg:s8], $0x6FFFF;
	_ =	strace $0x90000046  }
0xb9: {  	s29 =	simm.s32 $0x9;
	_ =	strace $0x80000048  }
0xba: {  	_ =	swait.ge [sflag:s29], $0x1  }
0xbb: {  	[sflag:s29] =	ssyncadd.s32 $0xFFFFFFFF  }
0xbc: {  	_ =	strace $0x90000048  }
0xbd: {  	_ =	sfence  }
0xbe: {  	s30 =	sld [smem:$0x0];
	_ =	sdelay $0x2  }
0xbf: {  	s31 =	sshll.u32 s1, $0xD;
	s1 =	sshrl.u32 s1, $0x2  }
0xc0: {  	s3 =	sand.u32 $0x4000, s31;
	s1 =	sadd.s32 s1, s30  }
0xc1: {  	s0 =	sor.u32 s3, s0;
	s1 =	sshll.u32 s1, $0x11  }
0xc2: {  	s0 =	sor.u32 s1, s0  }
0xc3: {  	s0 =	sadd.s32 $0x8F2B, s0  }
0xc4: {  	[sflag:s0] =	ssyncadd.remote.s32 $0x1  }
0xc5: {  	_ =	sfence.sel $0xFFFF  }
0xc6: {  	[dreg:$0x0] =	wrdreg $0xFFFFFFFF;
	(pc) =	sbr.abs _section_cstart, $3  }
0xc7: {  	[dreg:$0x1] =	wrdreg $0xFFFFFFFF  }
0xc8: {  	_ =	task.clear_ibuf [dreg:s8], $0x2FFFF;
	_ =	strace $0x9FFFFFFF  }
0xc9: {  	(tm) =	ssettm $0x7FFFFFFF  }
tec
execute0_lowered:
.L_overlay_start_1:
0x0: {  	(tag) =	ssettag $0x1  }
0x1: {  	s7 =	rddreg [dreg:$0x0]  }
0x2: {  	s1 =	rddreg [dreg:$0x1]  }
0x3: {  	s2 =	rddreg [dreg:$0x2]  }
0x4: {  	s0 =	rddreg [dreg:$0x3];
	s3 =	simm.s32 $0x0  }
0x5: {  	s4 =	srdreg.scid;
	s11 =	simm.s32 $0x1;
	s12 =	simm.s32 $0x2000  }
0x6: {  	s13 =	simm.s32 $0x4800;
	s14 =	simm.s32 $0x4C00;
	s15 =	simm.s32 $0x0  }
0x7: {  	[smem:$0x7FF] =	sst s3;
	s8 =	sand.u32 $0x1, s4;
	s5 =	sadd.s32 $0x1200, s7  }
0x8: {  	s6 =	sadd.s32 $0x21200, s7;
	s4 =	stileid.u32;
	s9 =	ssub.s32 $0x2, s8  }
0x9: {  	s7 =	sadd.s32 $0x1000, s7;
	_ =	strace $0x80000047;
	s10 =	sshrl.u32 s9, $0x1  }
0xa: {  	s31 =	sshll.u32 s4, $0x3;
	s8 =	sshll.u32 s8, $0x2;
	s9 =	ssub.s32 s9, s10  }
0xb: {  	s8 =	sor.u32 s8, s31;
	s10 =	simm.s32 $0x4000;
	s9 =	smax.u32 s9, $0x1  }
.LBB2_1:
0xc: {  	[tilespmem:s10], [sflag:$0x1] =	stream.linear.gather [hbm4b:s7+s3], $0x800, $0x38;
	[tilespmem:$0x5000] =	vst v63  }
0xd: {  	_ =	swait.ge [sflag:s11], $0x800  }
0xe: {  	[sflag:s11] =	ssyncset.done $0x0  }
0xf: {  	[sflag:s11] =	ssyncadd.s32 $0xFFFFF800  }
0x10: {  	v0 =	vld [tilespmem:$0x4000]  }
0x11: {  	v1 =	vld [tilespmem:$0x4080]  }
0x12: {  	v2 =	vld [tilespmem:$0x4100]  }
0x13: {  	v3 =	vld [tilespmem:$0x4180]  }
0x14: {  	v4 =	vld [tilespmem:$0x4200]  }
0x15: {  	v5 =	vld [tilespmem:$0x4280]  }
0x16: {  	v6 =	vld [tilespmem:$0x4300]  }
0x17: {  	v7 =	vld [tilespmem:$0x4380]  }
0x18: {  	v8 =	vld [tilespmem:$0x4400]  }
0x19: {  	v9 =	vld [tilespmem:$0x4480]  }
0x1a: {  	v10 =	vld [tilespmem:$0x4500]  }
0x1b: {  	v11 =	vld [tilespmem:$0x4580]  }
0x1c: {  	v12 =	vld [tilespmem:$0x4600]  }
0x1d: {  	v13 =	vld [tilespmem:$0x4680]  }
0x1e: {  	v14 =	vld [tilespmem:$0x4700]  }
0x1f: {  	s16 =	simm.s32 $0x0;
	v15 =	vld [tilespmem:$0x4780]  }
.LBB2_2:
0x20: {  	s17 =	sadd.s32 s8, s16  }
0x21: {  	s19 =	sshll.u32 s17, $0xA  }
0x22: {  	s18 =	simm.s32 $0x0;
	s20 =	sadd.s32 s5, s19  }
0x23: {  	[tilespmem:s18], [sflag:$0x1] =	stream.linear.gather [hbm4b:s20+s18], $0x2000, $0x38;
	[tilespmem:$0x5000] =	vst v63  }
0x24: {  	_ =	swait.ge [sflag:s11], $0x2000  }
0x25: {  	[sflag:s11] =	ssyncset.done $0x0  }
0x26: {  	s19 =	sadd.s32 s6, s19;
	[sflag:s11] =	ssyncadd.s32 $0xFFFFE000  }
0x27: {  	[tilespmem:s12], [sflag:$0x1] =	stream.linear.gather [hbm4b:s19+s18], $0x2000, $0x38;
	[tilespmem:$0x5000] =	vst v63  }
0x28: {  	_ =	swait.ge [sflag:s11], $0x2000  }
0x29: {  	[sflag:s11] =	ssyncset.done $0x0  }
0x2a: {  	s20 =	simm.s32 $0x200;
	s19 =	simm.s32 $0x2200;
	[sflag:s11] =	ssyncadd.s32 $0xFFFFE000  }
.LBB2_3:
0x2b: {  	v24 =	vimm.f32 $-Inf  }
0x2c: {  	v16 =	vimm.s32 $0x0;
	v17 =	vimm.s32 $0x0;
	v18 =	vimm.s32 $0x0  }
0x2d: {  	v19 =	vimm.s32 $0x0;
	v20 =	vimm.s32 $0x0;
	v21 =	vimm.s32 $0x0  }
0x2e: {  	v22 =	vimm.s32 $0x0;
	v23 =	vimm.s32 $0x0;
	v25 =	vimm.f32 $-Inf  }
0x2f: {  	v26 =	vimm.f32 $-Inf;
	v27 =	vimm.f32 $-Inf;
	v28 =	vimm.f32 $-Inf;
	s21 =	sshll.u32 s18, $0x4  }
0x30: {  	s22 =	simm.s32 $0xFFFFFFF8;
	s23 =	smov.u32 s20;
	s24 =	smov.u32 s19;
	v29 =	vimm.f32 $-Inf;
	v31 =	vimm.f32 $-Inf;
	v30 =	vimm.f32 $-Inf  }
.LBB2_4:
0x31: {  	v32 =	vld [tilespmem:s23+$0xFFFFFE00];
	_ =	sdelay $0x3  }
0x32: {  	v33 =	vld [tilespmem:s24+$0xFFFFFE00]  }
0x33: {  	vm0 =	vgt.f32 v32, v30  }
0x34: {  	v52 =	vld [tilespmem:s23+$0xFFFFFE80];
	vm1 =	vgt.f32 v32, v31;
	vm14 =	vgt.f32 v32, v29;
	vm15 =	vgt.f32 v32, v28  }
0x35: {  	vm4 =	vgt.f32 v32, v27;
	vm5 =	vgt.f32 v32, v26;
	vm6 =	vgt.f32 v32, v25  }
0x36: {  	vm7 =	vgt.f32 v32, v24;
	v34 =	vsel vm0, v32, v30;
	v30 =	vsel vm0, v30, v32  }
0x37: {  	v53 =	vld [tilespmem:s24+$0xFFFFFE80];
	v35 =	vsel vm0, v33, v23;
	v23 =	vsel vm0, v23, v33;
	v36 =	vsel vm14, v29, v32  }
0x38: {  	v37 =	vsel vm4, v19, v33;
	v30 =	vsel vm1, v30, v31;
	v23 =	vsel vm1, v23, v22  }
0x39: {  	v31 =	vsel vm1, v31, v32;
	v22 =	vsel vm1, v22, v33;
	vm8 =	vgt.f32 v52, v34  }
0x3a: {  	v29 =	vsel vm14, v31, v29;
	v22 =	vsel vm14, v22, v21;
	v31 =	vsel vm15, v36, v28  }
0x3b: {  	v21 =	vsel vm14, v21, v33;
	v28 =	vsel vm15, v28, v32;
	vm9 =	vgt.f32 v52, v30  }
0x3c: {  	v54 =	vsel vm8, v34, v52;
	v55 =	vsel vm8, v35, v53;
	v21 =	vsel vm15, v21, v20  }
0x3d: {  	v28 =	vsel vm4, v28, v27;
	v20 =	vsel vm15, v20, v33;
	v27 =	vsel vm4, v27, v32  }
0x3e: {  	v60 =	vld [tilespmem:s23+$0xFFFFFF00];
	vm10 =	vgt.f32 v52, v29;
	v56 =	vsel vm9, v30, v52;
	v30 =	vsel vm9, v54, v30  }
0x3f: {  	v57 =	vsel vm9, v55, v23;
	v23 =	vsel vm9, v23, v53;
	vm11 =	vgt.f32 v52, v31  }
0x40: {  	v19 =	vsel vm4, v20, v19;
	v20 =	vsel vm5, v27, v26;
	v27 =	vsel vm5, v37, v18  }
0x41: {  	v26 =	vsel vm5, v26, v32;
	v18 =	vsel vm5, v18, v33;
	v58 =	vsel vm10, v56, v29  }
0x42: {  	v61 =	vld [tilespmem:s24+$0xFFFFFF00];
	v29 =	vsel vm10, v29, v52;
	v23 =	vsel vm10, v23, v22;
	v22 =	vsel vm10, v22, v53  }
0x43: {  	vm12 =	vgt.f32 v52, v28;
	vm5 =	vgt.f32 v60, v30;
	v26 =	vsel vm6, v26, v25  }
0x44: {  	v18 =	vsel vm6, v18, v17;
	v25 =	vsel vm6, v25, v32;
	v17 =	vsel vm6, v17, v33  }
0x45: {  	v29 =	vsel vm11, v29, v31;
	v22 =	vsel vm11, v22, v21;
	v31 =	vsel vm11, v31, v52  }
0x46: {  	v21 =	vsel vm11, v21, v53;
	vm13 =	vgt.f32 v52, v20;
	v59 =	vsel vm12, v28, v52  }
0x47: {  	vm6 =	vgt.f32 v60, v58;
	v32 =	vsel vm5, v57, v61;
	v24 =	vsel vm7, v25, v24  }
0x48: {  	v16 =	vsel vm7, v17, v16;
	v17 =	vsel vm8, v52, v34;
	v25 =	vsel vm8, v53, v35  }
0x49: {  	v28 =	vsel vm12, v31, v28;
	v21 =	vsel vm12, v21, v19;
	v31 =	vsel vm13, v59, v20  }
0x4a: {  	v19 =	vsel vm12, v19, v53;
	vm14 =	vgt.f32 v52, v26;
	v20 =	vsel vm13, v20, v52  }
0x4b: {  	v32 =	vsel vm6, v32, v23;
	vm7 =	vgt.f32 v60, v29;
	v33 =	vsel vm6, v58, v60  }
0x4c: {  	v23 =	vsel vm6, v23, v61;
	v19 =	vsel vm13, v19, v27;
	v20 =	vsel vm14, v20, v26  }
0x4d: {  	v27 =	vsel vm13, v27, v53;
	vm15 =	vgt.f32 v52, v24;
	v26 =	vsel vm14, v26, v52  }
0x4e: {  	vm4 =	vgt.f32 v60, v17;
	vm8 =	vgt.f32 v60, v28;
	v62 =	vsel vm7, v29, v60  }
0x4f: {  	v29 =	vsel vm7, v33, v29;
	v23 =	vsel vm7, v23, v22;
	v22 =	vsel vm7, v22, v61  }
0x50: {  	vm9 =	vgt.f32 v60, v31;
	v27 =	vsel vm14, v27, v18;
	v24 =	vsel vm15, v26, v24  }
0x51: {  	v40 =	vld [tilespmem:s23+$0xFFFFFF80];
	v18 =	vsel vm14, v18, v53;
	v26 =	vsel vm4, v61, v25;
	v25 =	vsel vm4, v25, v61  }
0x52: {  	v63 =	vsel vm8, v62, v28;
	v28 =	vsel vm8, v28, v60;
	v22 =	vsel vm8, v22, v21  }
0x53: {  	v21 =	vsel vm8, v21, v61;
	vm10 =	vgt.f32 v60, v20;
	v41 =	vsel vm9, v19, v61  }
0x54: {  	v16 =	vsel vm15, v18, v16;
	v18 =	vsel vm4, v17, v60;
	v17 =	vsel vm4, v60, v17  }
0x55: {  	v38 =	vld [tilespmem:s24+$0xFFFFFF80];
	v25 =	vsel vm5, v25, v57;
	v28 =	vsel vm9, v28, v31;
	v31 =	vsel vm9, v31, v60  }
0x56: {  	v19 =	vsel vm9, v21, v19;
	vm11 =	vgt.f32 v60, v24;
	vm15 =	vgt.f32 v40, v29  }
0x57: {  	vm4 =	vgt.f32 v40, v63;
	v18 =	vsel vm5, v18, v30;
	v30 =	vsel vm5, v30, v60  }
0x58: {  	v21 =	vsel vm10, v31, v20;
	v31 =	vsel vm10, v41, v27;
	v20 =	vsel vm10, v20, v60  }
0x59: {  	v27 =	vsel vm10, v27, v61;
	vm12 =	vgt.f32 v40, v17;
	vm5 =	vgt.f32 v40, v28  }
0x5a: {  	v33 =	vsel vm4, v63, v40;
	v44 =	vsel vm4, v22, v38;
	v30 =	vsel vm6, v30, v58  }
0x5b: {  	v20 =	vsel vm11, v20, v24;
	v16 =	vsel vm11, v27, v16;
	v24 =	vsel vm12, v40, v17  }
0x5c: {  	v43 =	vld [tilespmem:s23+$0x0];
	vm13 =	vgt.f32 v40, v18;
	v17 =	vsel vm12, v17, v40;
	v27 =	vsel vm12, v38, v26  }
0x5d: {  	v26 =	vsel vm12, v26, v38;
	v45 =	vsel vm5, v44, v19;
	vm6 =	vgt.f32 v40, v21  }
0x5e: {  	v46 =	vld [tilespmem:s24+$0x0];
	v19 =	vsel vm5, v19, v38;
	v17 =	vsel vm13, v17, v18;
	v26 =	vsel vm13, v26, v25  }
0x5f: {  	vm14 =	vgt.f32 v40, v30;
	v18 =	vsel vm13, v18, v40;
	v25 =	vsel vm13, v25, v38  }
0x60: {  	v19 =	vsel vm6, v19, v31;
	vm7 =	vgt.f32 v40, v20;
	v31 =	vsel vm6, v31, v38  }
0x61: {  	vm8 =	vgt.f32 v43, v24;
	v42 =	vsel vm14, v30, v40;
	v18 =	vsel vm14, v18, v30  }
0x62: {  	v25 =	vsel vm14, v25, v32;
	v32 =	vsel vm14, v32, v38;
	v16 =	vsel vm7, v31, v16  }
0x63: {  	v31 =	vsel vm8, v46, v27;
	vm9 =	vgt.f32 v43, v17;
	v27 =	vsel vm8, v27, v46  }
0x64: {  	v30 =	vsel vm15, v42, v29;
	v29 =	vsel vm15, v29, v40;
	v32 =	vsel vm15, v32, v23  }
0x65: {  	v23 =	vsel vm15, v23, v38;
	vm10 =	vgt.f32 v43, v18;
	v47 =	vsel vm9, v17, v43  }
0x66: {  	v22 =	vsel vm4, v23, v22;
	v23 =	vsel vm5, v33, v28;
	v28 =	vsel vm5, v28, v40  }
0x67: {  	v29 =	vsel vm4, v29, v63;
	vm11 =	vgt.f32 v43, v30;
	v28 =	vsel vm6, v28, v21  }
0x68: {  	v21 =	vsel vm6, v21, v40;
	vm12 =	vgt.f32 v43, v29;
	vm13 =	vgt.f32 v43, v23  }
0x69: {  	v49 =	vld [tilespmem:s23+$0x80];
	v20 =	vsel vm7, v21, v20;
	v21 =	vsel vm8, v43, v24;
	v24 =	vsel vm8, v24, v43  }
0x6a: {  	v48 =	vsel vm12, v29, v43;
	vm14 =	vgt.f32 v43, v28;
	v33 =	vsel vm13, v45, v46  }
0x6b: {  	v17 =	vsel vm9, v24, v17;
	v24 =	vsel vm9, v27, v26;
	v27 =	vsel vm10, v47, v18  }
0x6c: {  	v26 =	vsel vm9, v26, v46;
	v18 =	vsel vm10, v18, v43;
	v50 =	vsel vm13, v48, v23  }
0x6d: {  	v23 =	vsel vm13, v23, v43;
	v33 =	vsel vm14, v33, v19;
	vm15 =	vgt.f32 v43, v20  }
0x6e: {  	v19 =	vsel vm14, v19, v46;
	vm4 =	vgt.f32 v49, v21;
	v26 =	vsel vm10, v26, v25  }
0x6f: {  	v51 =	vld [tilespmem:s24+$0x80];
	v18 =	vsel vm11, v18, v30;
	v25 =	vsel vm10, v25, v46;
	v30 =	vsel vm11, v30, v43  }
0x70: {  	v23 =	vsel vm14, v23, v28;
	v28 =	vsel vm14, v28, v43;
	v16 =	vsel vm15, v19, v16  }
0x71: {  	vm5 =	vgt.f32 v49, v17;
	v19 =	vsel vm4, v21, v49;
	v21 =	vsel vm4, v49, v21  }
0x72: {  	vm6 =	vgt.f32 v49, v27;
	vm9 =	vgt.f32 v49, v50;
	v25 =	vsel vm11, v25, v32  }
0x73: {  	v32 =	vsel vm11, v32, v46;
	v29 =	vsel vm12, v30, v29;
	v20 =	vsel vm15, v28, v20  }
0x74: {  	v53 =	vld [tilespmem:s23+$0x100];
	v28 =	vsel vm4, v51, v31;
	v19 =	vsel vm5, v19, v17;
	v31 =	vsel vm4, v31, v51  }
0x75: {  	v17 =	vsel vm5, v17, v49;
	vm7 =	vgt.f32 v49, v18;
	vm10 =	vgt.f32 v49, v23  }
0x76: {  	v30 =	vsel vm12, v32, v22;
	v22 =	vsel vm12, v22, v46;
	v31 =	vsel vm5, v31, v24  }
0x77: {  	v55 =	vld [tilespmem:s24+$0x100];
	v17 =	vsel vm6, v17, v27;
	v24 =	vsel vm5, v24, v51;
	v27 =	vsel vm6, v27, v49  }
0x78: {  	vm8 =	vgt.f32 v49, v29;
	v52 =	vsel vm7, v18, v49;
	v32 =	vsel vm9, v50, v49  }
0x79: {  	vm11 =	vgt.f32 v49, v20;
	vm12 =	vgt.f32 v53, v21;
	v22 =	vsel vm13, v22, v45  }
0x7a: {  	v24 =	vsel vm6, v24, v26;
	v26 =	vsel vm6, v26, v51;
	v18 =	vsel vm7, v27, v18  }
0x7b: {  	v27 =	vsel vm8, v52, v29;
	v29 =	vsel vm8, v29, v49;
	v57 =	vsel vm12, v53, v21  }
0x7c: {  	v60 =	vld [tilespmem:s23+$0x180];
	vm13 =	vgt.f32 v53, v19;
	v21 =	vsel vm12, v21, v53;
	v58 =	vsel vm12, v55, v28  }
0x7d: {  	vm14 =	vgt.f32 v53, v17;
	v26 =	vsel vm7, v26, v25;
	v25 =	vsel vm7, v25, v51  }
0x7e: {  	v29 =	vsel vm9, v29, v50;
	v54 =	vsel vm9, v22, v51;
	v21 =	vsel vm13, v21, v19  }
0x7f: {  	v19 =	vsel vm13, v19, v53;
	vm15 =	vgt.f32 v53, v18;
	vm4 =	vgt.f32 v53, v27  }
0x80: {  	v25 =	vsel vm8, v25, v30;
	v30 =	vsel vm8, v30, v51;
	v56 =	vsel vm10, v54, v33  }
0x81: {  	v33 =	vsel vm10, v33, v51;
	vm5 =	vgt.f32 v53, v29;
	vm8 =	vgt.f32 v60, v57  }
0x82: {  	v22 =	vsel vm9, v30, v22;
	v30 =	vsel vm10, v32, v23;
	v23 =	vsel vm10, v23, v49  }
0x83: {  	v16 =	vsel vm11, v33, v16;
	v20 =	vsel vm11, v23, v20;
	v23 =	vsel vm12, v28, v55  }
0x84: {  	vm9 =	vgt.f32 v60, v21;
	vm6 =	vgt.f32 v53, v30;
	v28 =	vsel vm13, v23, v31  }
0x85: {  	v23 =	vsel vm13, v31, v55;
	v31 =	vsel vm14, v17, v53;
	v17 =	vsel vm14, v19, v17  }
0x86: {  	vm7 =	vgt.f32 v53, v20;
	v19 =	vsel vm14, v23, v24;
	v59 =	vsel vm15, v31, v18  }
0x87: {  	v23 =	vsel vm14, v24, v55;
	v18 =	vsel vm15, v18, v53;
	vm10 =	vgt.f32 v60, v17  }
0x88: {  	v24 =	vsel vm15, v23, v26;
	v18 =	vsel vm4, v18, v27;
	v23 =	vsel vm15, v26, v55  }
0x89: {  	v40 =	vld [tilespmem:s24+$0x180];
	v26 =	vsel vm5, v29, v53;
	vm11 =	vgt.f32 v60, v59;
	v39 =	vsel vm4, v23, v25  }
0x8a: {  	v23 =	vsel vm4, v27, v53;
	v25 =	vsel vm4, v25, v55;
	v43 =	vsel vm6, v26, v30  }
0x8b: {  	vm12 =	vgt.f32 v60, v18;
	v41 =	vsel vm5, v23, v29;
	v42 =	vsel vm5, v25, v22  }
0x8c: {  	v22 =	vsel vm5, v22, v55;
	v23 =	vsel vm6, v30, v53;
	v30 =	vsel vm8, v60, v57  }
0x8d: {  	v25 =	vsel vm9, v21, v60;
	vm14 =	vgt.f32 v60, v43;
	v61 =	vsel vm6, v22, v56  }
0x8e: {  	v22 =	vsel vm6, v56, v55;
	v62 =	vsel vm7, v23, v20;
	v23 =	vsel vm8, v40, v58  }
0x8f: {  	v20 =	vsel vm8, v57, v60;
	v29 =	vsel vm10, v25, v17;
	v17 =	vsel vm10, v17, v60  }
0x90: {  	vm13 =	vgt.f32 v60, v41;
	v16 =	vsel vm7, v22, v16;
	v22 =	vsel vm8, v58, v40  }
0x91: {  	v31 =	vsel vm9, v20, v21;
	v20 =	vsel vm9, v28, v40;
	vm15 =	vgt.f32 v60, v62  }
0x92: {  	s22 =	sadd.s32 $0x8, s22;
	v63 =	vsel vm14, v61, v40;
	v22 =	vsel vm9, v22, v28;
	v21 =	vsel vm10, v20, v19  }
0x93: {  	p0 =	slt.u32 s22, $0x38;
	v28 =	vsel vm11, v17, v59;
	v17 =	vsel vm10, v19, v40;
	v19 =	vsel vm11, v24, v40  }
.Ltmp0:
0x94: {  	v16 =	vsel vm15, v63, v16;
	v20 =	vsel vm11, v17, v24;
	v17 =	vsel vm11, v59, v60;
	(pc) =	sbr.rel @p0 .LBB2_4-.Ltmp0, $4  }
0x95: {  	v24 =	vsel vm12, v18, v60;
	v27 =	vsel vm12, v17, v18;
	v17 =	vsel vm12, v39, v40  }
0x96: {  	v26 =	vsel vm13, v24, v41;
	v24 =	vsel vm13, v41, v60;
	v18 =	vsel vm13, v17, v42  }
0x97: {  	v25 =	vsel vm14, v24, v43;
	v17 =	vsel vm13, v42, v40;
	v24 =	vsel vm14, v43, v60  }
0x98: {  	s23 =	sadd.s32 $0x400, s23;
	s24 =	sadd.s32 $0x400, s24;
	v19 =	vsel vm12, v19, v39;
	v17 =	vsel vm14, v17, v61;
	v24 =	vsel vm15, v24, v62  }
0x99: {  	v32 =	vand.u32 $0xF, v23;
	v33 =	vshrl.u32 v23, $0x4;
	v43 =	vand.u32 $0xF, v22  }
0x9a: {  	v44 =	vshrl.u32 v22, $0x4;
	v34 =	vperm.xlane v0, v32;
	vm0 =	veq.s32 v33, $0x0  }
0x9b: {  	v35 =	vperm.xlane v1, v32;
	vm11 =	veq.s32 v33, $0x1;
	v36 =	vperm.xlane v2, v32  }
0x9c: {  	vm12 =	veq.s32 v33, $0x2;
	v55 =	vperm.xlane v3, v32;
	vm13 =	veq.s32 v33, $0x3  }
0x9d: {  	v56 =	vperm.xlane v4, v32;
	vm14 =	veq.s32 v33, $0x4;
	v57 =	vperm.xlane v5, v32  }
0x9e: {  	vm15 =	veq.s32 v33, $0x5;
	v58 =	vperm.xlane v6, v32;
	v59 =	vperm.xlane v7, v32  }
0x9f: {  	vm4 =	veq.s32 v33, $0x6;
	v60 =	vperm.xlane v8, v32;
	v61 =	vperm.xlane v9, v32  }
0xa0: {  	vm5 =	veq.s32 v33, $0x7;
	v62 =	vperm.xlane v10, v32;
	v63 =	vperm.xlane v11, v32  }
0xa1: {  	vm6 =	veq.s32 v33, $0x8;
	v40 =	vperm.xlane v12, v32;
	v41 =	vperm.xlane v13, v32  }
0xa2: {  	vm7 =	veq.s32 v33, $0x9;
	v42 =	vperm.xlane v14, v32;
	v32 =	vperm.xlane v15, v32  }
0xa3: {  	vm8 =	veq.s32 v33, $0xA;
	v37 =	vperm.xlane v0, v43;
	v45 =	vperm.xlane v1, v43  }
0xa4: {  	vm9 =	veq.s32 v33, $0xB;
	v38 =	vperm.xlane v2, v43;
	v46 =	vperm.xlane v3, v43  }
0xa5: {  	vm10 =	veq.s32 v33, $0xC;
	v47 =	vperm.xlane v4, v43;
	v48 =	vperm.xlane v5, v43  }
0xa6: {  	vm1 =	veq.s32 v44, $0x0;
	v49 =	vperm.xlane v6, v43;
	v50 =	vperm.xlane v7, v43  }
0xa7: {  	v51 =	vperm.xlane v8, v43;
	v52 =	vperm.xlane v9, v43;
	v34 =	vnsel vm0, $0x0, v34  }
0xa8: {  	v53 =	vperm.xlane v10, v43;
	v54 =	vperm.xlane v11, v43;
	v34 =	vsel vm11, v35, v34  }
0xa9: {  	vm0 =	veq.s32 v33, $0xF;
	v37 =	vnsel vm1, $0x0, v37;
	v34 =	vsel vm12, v36, v34  }
0xaa: {  	vm11 =	veq.s32 v33, $0xD;
	vm12 =	veq.s32 v33, $0xE;
	v34 =	vsel vm13, v55, v34  }
0xab: {  	vm13 =	veq.s32 v44, $0x1;
	v55 =	vperm.xlane v12, v43;
	v34 =	vsel vm14, v56, v34  }
0xac: {  	v33 =	vsel vm13, v45, v37;
	vm14 =	veq.s32 v44, $0x2;
	v56 =	vperm.xlane v13, v43  }
0xad: {  	vm13 =	veq.s32 v44, $0xD;
	v34 =	vsel vm15, v57, v34;
	v33 =	vsel vm14, v38, v33  }
0xae: {  	vm15 =	veq.s32 v44, $0x3;
	v57 =	vperm.xlane v14, v43;
	vm14 =	veq.s32 v44, $0xE  }
0xaf: {  	v34 =	vsel vm4, v58, v34;
	v33 =	vsel vm15, v46, v33;
	vm4 =	veq.s32 v44, $0x4  }
0xb0: {  	v58 =	vperm.xlane v15, v43;
	vm15 =	veq.s32 v44, $0xF;
	v34 =	vsel vm5, v59, v34  }
0xb1: {  	v33 =	vsel vm4, v47, v33;
	vm5 =	veq.s32 v44, $0x5;
	v59 =	vand.u32 $0xF, v21  }
0xb2: {  	v34 =	vsel vm6, v60, v34;
	v33 =	vsel vm5, v48, v33;
	v43 =	vperm.xlane v6, v59  }
0xb3: {  	vm6 =	veq.s32 v44, $0x6;
	v45 =	vperm.xlane v8, v59;
	v46 =	vperm.xlane v9, v59  }
0xb4: {  	v60 =	vshrl.u32 v21, $0x4;
	v47 =	vperm.xlane v10, v59;
	v48 =	vperm.xlane v11, v59  }
0xb5: {  	v34 =	vsel vm7, v61, v34;
	v33 =	vsel vm6, v49, v33;
	vm7 =	veq.s32 v44, $0x7  }
0xb6: {  	v61 =	vperm.xlane v0, v59;
	vm4 =	veq.s32 v60, $0x0;
	vm5 =	veq.s32 v60, $0x1  }
0xb7: {  	vm6 =	veq.s32 v60, $0x2;
	v49 =	vperm.xlane v12, v59;
	v34 =	vsel vm8, v62, v34  }
0xb8: {  	v33 =	vsel vm7, v50, v33;
	vm8 =	veq.s32 v44, $0x8;
	v62 =	vperm.xlane v1, v59  }
0xb9: {  	vm7 =	veq.s32 v60, $0x3;
	v50 =	vperm.xlane v13, v59;
	v34 =	vsel vm9, v63, v34  }
0xba: {  	v33 =	vsel vm8, v51, v33;
	vm9 =	veq.s32 v44, $0x9;
	v37 =	vnsel vm4, $0x0, v61  }
0xbb: {  	v63 =	vperm.xlane v2, v59;
	vm8 =	veq.s32 v60, $0x4;
	vm4 =	veq.s32 v60, $0xC  }
0xbc: {  	v51 =	vperm.xlane v14, v59;
	v34 =	vsel vm10, v40, v34;
	v33 =	vsel vm9, v52, v33  }
0xbd: {  	vm10 =	veq.s32 v44, $0xA;
	v40 =	vperm.xlane v3, v59;
	vm9 =	veq.s32 v60, $0x5  }
0xbe: {  	v34 =	vsel vm11, v41, v34;
	v33 =	vsel vm10, v53, v33;
	vm11 =	veq.s32 v44, $0xB  }
0xbf: {  	v41 =	vperm.xlane v4, v59;
	vm10 =	veq.s32 v60, $0x6;
	v53 =	vperm.xlane v15, v59  }
0xc0: {  	v34 =	vsel vm12, v42, v34;
	v33 =	vsel vm11, v54, v33;
	vm12 =	veq.s32 v44, $0xC  }
0xc1: {  	v42 =	vperm.xlane v5, v59;
	v44 =	vperm.xlane v7, v59;
	vm11 =	veq.s32 v60, $0x7  }
0xc2: {  	v54 =	vand.u32 $0xF, v20;
	v33 =	vsel vm12, v55, v33;
	v32 =	vsel vm0, v32, v34  }
0xc3: {  	v34 =	vsel vm5, v62, v37;
	vm12 =	veq.s32 v60, $0x8;
	vm5 =	veq.s32 v60, $0xD  }
0xc4: {  	v55 =	vshrl.u32 v20, $0x4;
	v59 =	vperm.xlane v3, v54;
	v61 =	vperm.xlane v5, v54  }
0xc5: {  	v62 =	vperm.xlane v6, v54;
	v33 =	vsel vm13, v56, v33;
	v34 =	vsel vm6, v63, v34  }
0xc6: {  	vm13 =	veq.s32 v60, $0x9;
	v30 =	vsub.f32 v30, v32;
	vm6 =	veq.s32 v60, $0xE  }
0xc7: {  	v56 =	vperm.xlane v0, v54;
	v63 =	vperm.xlane v7, v54;
	v33 =	vsel vm14, v57, v33  }
0xc8: {  	v34 =	vsel vm7, v40, v34;
	vm14 =	veq.s32 v60, $0xA;
	vm7 =	veq.s32 v60, $0xF  }
0xc9: {  	v57 =	vperm.xlane v1, v54;
	v40 =	vperm.xlane v8, v54;
	v33 =	vsel vm15, v58, v33  }
0xca: {  	v34 =	vsel vm8, v41, v34;
	vm15 =	veq.s32 v60, $0xB;
	v58 =	vperm.xlane v2, v54  }
0xcb: {  	vm8 =	veq.s32 v55, $0x0;
	v60 =	vperm.xlane v4, v54;
	v41 =	vperm.xlane v9, v54  }
0xcc: {  	v34 =	vsel vm9, v42, v34;
	v37 =	vnsel vm8, $0x0, v56;
	vm9 =	veq.s32 v55, $0x1  }
0xcd: {  	v42 =	vperm.xlane v10, v54;
	vm8 =	veq.s32 v55, $0xC;
	v34 =	vsel vm10, v43, v34  }
0xce: {  	v31 =	vsub.f32 v31, v33;
	vm10 =	veq.s32 v55, $0x2;
	v34 =	vsel vm11, v44, v34  }
0xcf: {  	v43 =	vperm.xlane v11, v54;
	vm11 =	veq.s32 v55, $0x3;
	v34 =	vsel vm12, v45, v34  }
0xd0: {  	v44 =	vperm.xlane v12, v54;
	vm12 =	veq.s32 v55, $0x4;
	v34 =	vsel vm13, v46, v34  }
0xd1: {  	v45 =	vperm.xlane v13, v54;
	vm13 =	veq.s32 v55, $0x5;
	v34 =	vsel vm14, v47, v34  }
0xd2: {  	v46 =	vperm.xlane v14, v54;
	vm14 =	veq.s32 v55, $0x6;
	v34 =	vsel vm15, v48, v34  }
0xd3: {  	vm15 =	veq.s32 v55, $0x7;
	v48 =	vperm.xlane v15, v54;
	v34 =	vsel vm4, v49, v34  }
0xd4: {  	vm4 =	veq.s32 v55, $0x8;
	v49 =	vand.u32 $0xF, v19;
	v52 =	vsel vm5, v50, v34  }
0xd5: {  	v34 =	vsel vm9, v57, v37;
	vm5 =	veq.s32 v55, $0x9;
	vm9 =	veq.s32 v55, $0xD  }
0xd6: {  	v50 =	vshrl.u32 v19, $0x4;
	v54 =	vperm.xlane v3, v49;
	v56 =	vperm.xlane v5, v49  }
0xd7: {  	v57 =	vperm.xlane v6, v49;
	v32 =	vsel vm6, v51, v52;
	v34 =	vsel vm10, v58, v34  }
0xd8: {  	vm6 =	veq.s32 v55, $0xA;
	vm10 =	veq.s32 v55, $0xE;
	v51 =	vperm.xlane v0, v49  }
0xd9: {  	v52 =	vperm.xlane v1, v49;
	v58 =	vperm.xlane v7, v49;
	v32 =	vsel vm7, v53, v32  }
0xda: {  	v34 =	vsel vm11, v59, v34;
	vm7 =	veq.s32 v55, $0xB;
	v53 =	vperm.xlane v2, v49  }
0xdb: {  	vm11 =	veq.s32 v55, $0xF;
	v55 =	vperm.xlane v4, v49;
	v59 =	vperm.xlane v8, v49  }
0xdc: {  	v34 =	vsel vm12, v60, v34;
	vm12 =	veq.s32 v50, $0x0;
	v60 =	vperm.xlane v9, v49  }
0xdd: {  	v29 =	vsub.f32 v29, v32;
	v34 =	vsel vm13, v61, v34;
	v37 =	vnsel vm12, $0x0, v51  }
0xde: {  	vm13 =	veq.s32 v50, $0x1;
	v61 =	vperm.xlane v10, v49;
	v34 =	vsel vm14, v62, v34  }
0xdf: {  	vm12 =	veq.s32 v50, $0xC;
	vm14 =	veq.s32 v50, $0x2;
	v34 =	vsel vm15, v63, v34  }
0xe0: {  	v62 =	vperm.xlane v11, v49;
	vm15 =	veq.s32 v50, $0x3;
	v34 =	vsel vm4, v40, v34  }
0xe1: {  	v63 =	vperm.xlane v12, v49;
	vm4 =	veq.s32 v50, $0x4;
	v34 =	vsel vm5, v41, v34  }
0xe2: {  	v40 =	vperm.xlane v13, v49;
	vm5 =	veq.s32 v50, $0x5;
	v34 =	vsel vm6, v42, v34  }
0xe3: {  	v41 =	vperm.xlane v14, v49;
	vm6 =	veq.s32 v50, $0x6;
	v34 =	vsel vm7, v43, v34  }
0xe4: {  	vm7 =	veq.s32 v50, $0x7;
	v43 =	vperm.xlane v15, v49;
	v34 =	vsel vm8, v44, v34  }
0xe5: {  	vm8 =	veq.s32 v50, $0x8;
	v44 =	vand.u32 $0xF, v18;
	v47 =	vsel vm9, v45, v34  }
0xe6: {  	v34 =	vsel vm13, v52, v37;
	vm9 =	veq.s32 v50, $0x9;
	vm13 =	veq.s32 v50, $0xD  }
0xe7: {  	v45 =	vshrl.u32 v18, $0x4;
	v49 =	vperm.xlane v3, v44;
	v51 =	vperm.xlane v5, v44  }
0xe8: {  	v52 =	vperm.xlane v6, v44;
	v33 =	vsel vm10, v46, v47;
	v34 =	vsel vm14, v53, v34  }
0xe9: {  	vm10 =	veq.s32 v50, $0xA;
	vm14 =	veq.s32 v50, $0xE;
	v46 =	vperm.xlane v0, v44  }
0xea: {  	v47 =	vperm.xlane v1, v44;
	v53 =	vperm.xlane v7, v44;
	v33 =	vsel vm11, v48, v33  }
0xeb: {  	v34 =	vsel vm15, v54, v34;
	vm11 =	veq.s32 v50, $0xB;
	v48 =	vperm.xlane v2, v44  }
0xec: {  	vm15 =	veq.s32 v50, $0xF;
	v50 =	vperm.xlane v4, v44;
	v54 =	vperm.xlane v8, v44  }
0xed: {  	v34 =	vsel vm4, v55, v34;
	vm4 =	veq.s32 v45, $0x0;
	v55 =	vperm.xlane v9, v44  }
0xee: {  	v28 =	vsub.f32 v28, v33;
	v34 =	vsel vm5, v56, v34;
	v37 =	vnsel vm4, $0x0, v46  }
0xef: {  	vm5 =	veq.s32 v45, $0x1;
	v56 =	vperm.xlane v10, v44;
	v34 =	vsel vm6, v57, v34  }
0xf0: {  	vm4 =	veq.s32 v45, $0xC;
	vm6 =	veq.s32 v45, $0x2;
	v34 =	vsel vm7, v58, v34  }
0xf1: {  	v57 =	vperm.xlane v11, v44;
	vm7 =	veq.s32 v45, $0x3;
	v34 =	vsel vm8, v59, v34  }
0xf2: {  	v58 =	vperm.xlane v12, v44;
	vm8 =	veq.s32 v45, $0x4;
	v34 =	vsel vm9, v60, v34  }
0xf3: {  	v59 =	vperm.xlane v13, v44;
	vm9 =	veq.s32 v45, $0x5;
	v34 =	vsel vm10, v61, v34  }
0xf4: {  	v60 =	vperm.xlane v14, v44;
	vm10 =	veq.s32 v45, $0x6;
	v34 =	vsel vm11, v62, v34  }
0xf5: {  	vm11 =	veq.s32 v45, $0x7;
	v62 =	vperm.xlane v15, v44;
	v34 =	vsel vm12, v63, v34  }
0xf6: {  	vm12 =	veq.s32 v45, $0x8;
	v63 =	vand.u32 $0xF, v17;
	v42 =	vsel vm13, v40, v34  }
0xf7: {  	v34 =	vsel vm5, v47, v37;
	vm13 =	veq.s32 v45, $0x9;
	vm5 =	veq.s32 v45, $0xD  }
0xf8: {  	v40 =	vshrl.u32 v17, $0x4;
	v44 =	vperm.xlane v3, v63;
	v46 =	vperm.xlane v5, v63  }
0xf9: {  	v47 =	vperm.xlane v6, v63;
	v32 =	vsel vm14, v41, v42;
	v34 =	vsel vm6, v48, v34  }
0xfa: {  	vm14 =	veq.s32 v45, $0xA;
	vm6 =	veq.s32 v45, $0xE;
	v41 =	vperm.xlane v0, v63  }
0xfb: {  	v42 =	vperm.xlane v1, v63;
	v48 =	vperm.xlane v7, v63;
	v32 =	vsel vm15, v43, v32  }
0xfc: {  	v34 =	vsel vm7, v49, v34;
	vm15 =	veq.s32 v45, $0xB;
	v43 =	vperm.xlane v2, v63  }
0xfd: {  	vm7 =	veq.s32 v45, $0xF;
	v45 =	vperm.xlane v4, v63;
	v49 =	vperm.xlane v8, v63  }
0xfe: {  	v34 =	vsel vm8, v50, v34;
	vm8 =	veq.s32 v40, $0x0;
	v50 =	vperm.xlane v9, v63  }
0xff: {  	v27 =	vsub.f32 v27, v32;
	v34 =	vsel vm9, v51, v34;
	v37 =	vnsel vm8, $0x0, v41  }
0x100: {  	vm9 =	veq.s32 v40, $0x1;
	v51 =	vperm.xlane v10, v63;
	v34 =	vsel vm10, v52, v34  }
0x101: {  	vm8 =	veq.s32 v40, $0xC;
	vm10 =	veq.s32 v40, $0x2;
	v34 =	vsel vm11, v53, v34  }
0x102: {  	v52 =	vperm.xlane v11, v63;
	vm11 =	veq.s32 v40, $0x3;
	v34 =	vsel vm12, v54, v34  }
0x103: {  	v53 =	vperm.xlane v12, v63;
	vm12 =	veq.s32 v40, $0x4;
	v34 =	vsel vm13, v55, v34  }
0x104: {  	v54 =	vperm.xlane v13, v63;
	vm13 =	veq.s32 v40, $0x5;
	v34 =	vsel vm14, v56, v34  }
0x105: {  	v55 =	vperm.xlane v14, v63;
	vm14 =	veq.s32 v40, $0x6;
	v34 =	vsel vm15, v57, v34  }
0x106: {  	vm15 =	veq.s32 v40, $0x7;
	v57 =	vperm.xlane v15, v63;
	v34 =	vsel vm4, v58, v34  }
0x107: {  	vm4 =	veq.s32 v40, $0x8;
	v58 =	vand.u32 $0xF, v16;
	v61 =	vsel vm5, v59, v34  }
0x108: {  	v34 =	vsel vm9, v42, v37;
	vm5 =	veq.s32 v40, $0x9;
	vm9 =	veq.s32 v40, $0xD  }
0x109: {  	v59 =	vshrl.u32 v16, $0x4;
	v63 =	vperm.xlane v3, v58;
	v34 =	vsel vm10, v43, v34  }
0x10a: {  	v41 =	vperm.xlane v5, v58;
	v42 =	vperm.xlane v6, v58;
	v34 =	vsel vm11, v44, v34  }
0x10b: {  	v33 =	vsel vm6, v60, v61;
	vm6 =	veq.s32 v40, $0xA;
	v34 =	vsel vm12, v45, v34  }
0x10c: {  	vm10 =	veq.s32 v40, $0xE;
	v60 =	vperm.xlane v0, v58;
	v34 =	vsel vm13, v46, v34  }
0x10d: {  	v61 =	vperm.xlane v1, v58;
	v43 =	vperm.xlane v7, v58;
	v34 =	vsel vm14, v47, v34  }
0x10e: {  	v33 =	vsel vm7, v62, v33;
	vm7 =	veq.s32 v40, $0xB;
	v34 =	vsel vm15, v48, v34  }
0x10f: {  	vm11 =	veq.s32 v40, $0xF;
	v62 =	vperm.xlane v2, v58;
	v34 =	vsel vm4, v49, v34  }
0x110: {  	v40 =	vperm.xlane v4, v58;
	v44 =	vperm.xlane v8, v58;
	v34 =	vsel vm5, v50, v34  }
0x111: {  	vm12 =	veq.s32 v59, $0x0;
	v45 =	vperm.xlane v9, v58;
	v34 =	vsel vm6, v51, v34  }
0x112: {  	v26 =	vsub.f32 v26, v33;
	v37 =	vnsel vm12, $0x0, v60;
	v34 =	vsel vm7, v52, v34  }
0x113: {  	vm13 =	veq.s32 v59, $0x1;
	v46 =	vadd.f32 v31, v30;
	v34 =	vsel vm8, v53, v34  }
0x114: {  	vm14 =	veq.s32 v59, $0x2;
	v56 =	vsel vm9, v54, v34;
	v34 =	vsel vm13, v61, v37  }
0x115: {  	vm12 =	veq.s32 v59, $0xC;
	vm15 =	veq.s32 v59, $0x3;
	v34 =	vsel vm14, v62, v34  }
0x116: {  	v48 =	vperm.xlane v10, v58;
	vm4 =	veq.s32 v59, $0x4;
	v34 =	vsel vm15, v63, v34  }
0x117: {  	v38 =	vadd.f32 v29, v46;
	vm5 =	veq.s32 v59, $0x5;
	v34 =	vsel vm4, v40, v34  }
0x118: {  	v49 =	vperm.xlane v11, v58;
	vm6 =	veq.s32 v59, $0x6;
	v34 =	vsel vm5, v41, v34  }
0x119: {  	v50 =	vperm.xlane v12, v58;
	vm7 =	veq.s32 v59, $0x7;
	v34 =	vsel vm6, v42, v34  }
0x11a: {  	v51 =	vadd.f32 v28, v38;
	vm8 =	veq.s32 v59, $0x8;
	v34 =	vsel vm7, v43, v34  }
0x11b: {  	v53 =	vperm.xlane v13, v58;
	vm9 =	veq.s32 v59, $0x9;
	v34 =	vsel vm8, v44, v34  }
0x11c: {  	v32 =	vsel vm10, v55, v56;
	vm10 =	veq.s32 v59, $0xA;
	v47 =	vsel vm9, v45, v34  }
0x11d: {  	v32 =	vsel vm11, v57, v32;
	vm11 =	veq.s32 v59, $0xB;
	v33 =	vsel vm10, v48, v47  }
0x11e: {  	vm13 =	veq.s32 v59, $0xD;
	v54 =	vperm.xlane v14, v58;
	v33 =	vsel vm11, v49, v33  }
0x11f: {  	v37 =	vadd.f32 v27, v51;
	vm14 =	veq.s32 v59, $0xE;
	v52 =	vsel vm12, v50, v33  }
0x120: {  	v55 =	vperm.xlane v15, v58;
	v25 =	vsub.f32 v25, v32;
	v32 =	vsel vm13, v53, v52  }
0x121: {  	vm15 =	veq.s32 v59, $0xF;
	v56 =	vadd.f32 v26, v37;
	v32 =	vsel vm14, v54, v32  }
0x122: {  	v32 =	vsel vm15, v55, v32  }
0x123: {  	v57 =	vadd.f32 v25, v56;
	v24 =	vsub.f32 v24, v32;
	_ =	sdelay $0x1  }
0x124: {  	v32 =	vadd.f32 v24, v57;
	_ =	sdelay $0x1  }
0x125: {  	v32 =	vadd.f32 $9.999999680e-21, v32;
	_ =	sdelay $0x1  }
0x126: {  	(erf) = vrcp.f32 v32;
	_ =	sdelay $0x5  }
0x127: {  	[tilespmem:s21+$0x4800] =	vst v23  }
0x128: {  	[tilespmem:s21+$0x4880] =	vst v22  }
0x129: {  	[tilespmem:s21+$0x4900] =	vst v21  }
0x12a: {  	[tilespmem:s21+$0x4980] =	vst v20;
	v32 =	vpop (erf)  }
0x12b: {  	[tilespmem:s21+$0x4A00] =	vst v19;
	v32 =	vmul.f32 $2.500000000e+00, v32  }
0x12c: {  	[tilespmem:s21+$0x4A80] =	vst v18  }
0x12d: {  	[tilespmem:s21+$0x4B00] =	vst v17;
	v30 =	vmul.f32 v32, v30  }
0x12e: {  	[tilespmem:s21+$0x4B80] =	vst v16;
	v58 =	vmul.f32 v32, v31  }
0x12f: {  	v59 =	vmul.f32 v32, v29;
	[tilespmem:s21+$0x4C00] =	vst v30  }
0x130: {  	s18 =	sadd.s32 $0x1, s18;
	v60 =	vmul.f32 v32, v28;
	[tilespmem:s21+$0x4C80] =	vst v58  }
0x131: {  	p0 =	sne.s32 s18, $0x8;
	v61 =	vmul.f32 v32, v27;
	[tilespmem:s21+$0x4D00] =	vst v59  }
.Ltmp1:
0x132: {  	v62 =	vmul.f32 v32, v26;
	[tilespmem:s21+$0x4D80] =	vst v60;
	(pc) =	sbr.rel @p0 .LBB2_3-.Ltmp1, $4  }
0x133: {  	v63 =	vmul.f32 v32, v25;
	[tilespmem:s21+$0x4E00] =	vst v61  }
0x134: {  	v17 =	vmul.f32 v32, v24;
	[tilespmem:s21+$0x4E80] =	vst v62  }
0x135: {  	[tilespmem:s21+$0x4F00] =	vst v63  }
0x136: {  	s19 =	sadd.s32 $0x10, s19;
	s20 =	sadd.s32 $0x10, s20;
	[tilespmem:s21+$0x4F80] =	vst v17  }
0x137: {  	s17 =	sshll.u32 s17, $0x7  }
0x138: {  	s18 =	sadd.s32 s1, s17  }
0x139: {  	[hbm4b:s18+s3] =	stream.linear.scatter [tilespmem:s13], [sflag:$0x1], $0x400, $0x38;
	[tilespmem:$0x5000] =	vst v63  }
0x13a: {  	s16 =	sadd.s32 $0x1, s16;
	_ =	swait.ge [sflag:s11], $0x400  }
0x13b: {  	p0 =	sne.s32 s16, $0x4;
	[sflag:s11] =	ssyncset.done $0x0  }
.Ltmp2:
0x13c: {  	s17 =	sadd.s32 s2, s17;
	[sflag:s11] =	ssyncadd.s32 $0xFFFFFC00;
	(pc) =	sbr.rel @p0 .LBB2_2-.Ltmp2, $4  }
0x13d: {  	[hbm4b:s17+s3] =	stream.linear.scatter [tilespmem:s14], [sflag:$0x1], $0x400, $0x38;
	[tilespmem:$0x5000] =	vst v63  }
0x13e: {  	_ =	swait.ge [sflag:s11], $0x400  }
0x13f: {  	[sflag:s11] =	ssyncset.done $0x0  }
0x140: {  	[sflag:s11] =	ssyncadd.s32 $0xFFFFFC00  }
0x141: {  	s15 =	sadd.s32 $0x1, s15  }
0x142: {  	p0 =	sne.s32 s15, s9  }
.Ltmp3:
0x143: {  	_ = 	snop;
	(pc) =	sbr.rel @p0 .LBB2_1-.Ltmp3, $1  }
0x144: {  	_ =	sdelay $0x3  }
0x145: {  	_ =	sfence.sel $0x180000  }
0x146: {  	[bflag:$0x0] =	sbarrier.arrive $0xFFFF  }
0x147: {  	p0 =	sne.s32 s4, $0x0;
	_ =	strace $0x90000047  }
0x148: {  	s0 =	sadd.s32 @!p0 $0x100000, s0;
	[bflag:$0x2] =	sbarrier.arrive $0xFFFF  }
0x149: {  	[sflag:s0] =	ssyncadd.tile.s32 @!p0 $0x1;
	_ =	shalt  }
.Lfunc_end2:
_tile_overlayer_lowered:
.L_overlay_start_2:
0x14a: {  	(tag) =	ssettag $0x2  }
0x14b: {  	s0 =	rddreg [dreg:$0x0];
	s2 =	stileid.u32  }
0x14c: {  	s1 =	rddreg [dreg:$0x1];
	p0 =	sne.s32 s2, $0x0  }
0x14d: {  	s3 =	rddreg [dreg:$0x2];
	[bflag:$0x3] =	sbarrier.arrive $0xFFFF;
	s2 =	simm.s32 @!p0 $0x1C01  }
0x14e: {  	[timem:s3], [sflag:s2] =	dma.local @!p0 [hbm:s0], s1  }
0x14f: {  	s0 =	simm.s32 @!p0 $0x1  }
0x150: {  	_ =	swait.ge @!p0 [sflag:s0], s1  }
0x151: {  	s1 =	ssub.s32 @!p0 $0x0, s1;
	[sflag:s0] =	ssyncset.done @!p0 $0x0  }
0x152: {  	[sflag:s0] =	ssyncadd.s32 @!p0 s1  }
0x153: {  	[bflag:$0x3] =	sbarrier.arrive $0xFFFF  }
0x154: {  	_ =	shalt  }

</sc_bundles>
